<compile_context>
chip_gen: v7x
topology: tpu7x:2x2x1
jax: 0.10.2.dev20260603
libtpu: 0.0.44.dev20260713+nightly
codegen_flags: <defaults>
</compile_context>

<pallas_src>
import jax
import jax.numpy as jnp
from jax import lax
from jax.experimental import pallas as pl
from jax.experimental.pallas import tpu as pltpu
from jax.experimental.pallas import tpu_sc as plsc

N = 10000
E = 320000
IN = 128
OUT = 16
H = 8
TD = 64
ED = 16

NC = 2
NS = 16
EPT = E // NS
BE = 80
NBLK = EPT // BE
ZR = N // NS
AW = 128


def _proj_body(x_ref, wa_ref, wb_ref, w2_ref, qv_ref, k_ref):
    x = x_ref[...]
    da = jnp.dot(x, wa_ref[...], preferred_element_type=jnp.float32)
    db = jnp.dot(x, wb_ref[...], preferred_element_type=jnp.float32)
    qv_ref[...] = jnp.concatenate([da[None], db[None]], axis=0)
    k_ref[...] = jnp.dot(x, w2_ref[...], preferred_element_type=jnp.float32)


def _qkv(x, wa, wb, w2):
    blk = 2000
    return pl.pallas_call(
        _proj_body,
        grid=(N // blk,),
        in_specs=[
            pl.BlockSpec((blk, IN), lambda i: (i, 0)),
            pl.BlockSpec((IN, IN), lambda i: (0, 0)),
            pl.BlockSpec((IN, IN), lambda i: (0, 0)),
            pl.BlockSpec((IN, IN), lambda i: (0, 0)),
        ],
        out_specs=[
            pl.BlockSpec((NC, blk, IN), lambda i: (0, i, 0)),
            pl.BlockSpec((blk, IN), lambda i: (i, 0)),
        ],
        out_shape=[
            jax.ShapeDtypeStruct((NC, N, IN), jnp.float32),
            jax.ShapeDtypeStruct((N, IN), jnp.float32),
        ],
    )(x, wa, wb, w2)


def _minmax_body(ts_ref, out_ref):
    ts = ts_ref[...]
    out_ref[...] = jnp.concatenate(
        [jnp.min(ts).reshape(1, 1), jnp.max(ts).reshape(1, 1)], axis=1)


def _ts_minmax(ts_lm):
    return pl.pallas_call(
        _minmax_body,
        out_shape=jax.ShapeDtypeStruct((1, 2), jnp.float32),
    )(ts_lm)


_PIO2_HI = 1.5707963705062866
_PIO2_LO = -4.371139000186241e-08
_INV_PIO2 = 0.6366197723675814


def _sincos(x):
    kf = jnp.round(x * _INV_PIO2)
    ki = kf.astype(jnp.int32)
    r = x - kf * _PIO2_HI - kf * _PIO2_LO
    r2 = r * r
    sp = r * (1.0 + r2 * (-1.0 / 6.0 + r2 * (1.0 / 120.0
                                             + r2 * (-1.0 / 5040.0))))
    cp = 1.0 + r2 * (-0.5 + r2 * (1.0 / 24.0 + r2 * (-1.0 / 720.0)))
    swap = (ki & 1) == 1
    sneg = (ki & 2) != 0
    cneg = ((ki + 1) & 2) != 0
    sinx = jnp.where(swap, cp, sp) * jnp.where(sneg, -1.0, 1.0)
    cosx = jnp.where(swap, sp, cp) * jnp.where(cneg, -1.0, 1.0)
    return sinx, cosx


def _bias_body(ea_ref, ts_ref, mm_ref, freq_ref, w80_ref, add8_ref,
               tb8_ref, out_ref):
    mn = mm_ref[0, 0]
    mx = mm_ref[0, 1]
    ts = ts_ref[...]
    ts_n = jnp.log1p(ts + 1e-06)
    ang = freq_ref[...] * ts_n
    sinx, cosx = _sincos(ang)
    feat = jnp.concatenate([ea_ref[...], sinx, cosx], axis=0)
    b8 = jnp.dot(w80_ref[...], feat, preferred_element_type=jnp.float32)
    tnorm = jnp.where(mx > mn, (ts - mn) / (mx - mn + 1e-06),
                      jnp.ones_like(ts))
    out_ref[...] = b8 + add8_ref[...] + tb8_ref[...] * tnorm


def _edge_bias(eaT, ts_row, mnmx, freq_col, w80T, add8, tb8):
    blk = 16000
    return pl.pallas_call(
        _bias_body,
        grid=(E // blk,),
        in_specs=[
            pl.BlockSpec((ED, blk), lambda i: (0, i)),
            pl.BlockSpec((1, blk), lambda i: (0, i)),
            pl.BlockSpec((1, 2), lambda i: (0, 0)),
            pl.BlockSpec((TD // 2, 1), lambda i: (0, 0)),
            pl.BlockSpec((8, ED + TD), lambda i: (0, 0)),
            pl.BlockSpec((8, 1), lambda i: (0, 0)),
            pl.BlockSpec((8, 1), lambda i: (0, 0)),
        ],
        out_specs=pl.BlockSpec((8, blk), lambda i: (0, i)),
        out_shape=jax.ShapeDtypeStruct((8, E), jnp.float32),
    )(eaT, ts_row, mnmx, freq_col, w80T, add8, tb8)


def _sc_body(qv_hbm, k_hbm, b_hbm, src_hbm, dst_hbm, acc_hbm,
             src_idx, dst_idx, src2_idx, qv_rows, k_rows,
             b_buf, wv_buf, acc_sh, sem, sem2):
    c = lax.axis_index("c")
    s = lax.axis_index("s")
    c64 = c * 64

    lane = lax.iota(jnp.int32, 16)
    zero16 = jnp.zeros((16,), jnp.float32)

    def _zero_rows(r, _):
        for u in range(AW // 16):
            wv_buf[r, pl.ds(u * 16, 16)] = zero16
        return 0

    lax.fori_loop(0, BE, _zero_rows, 0)
    for i in range(7):
        pltpu.sync_copy(wv_buf, acc_sh.at[pl.ds(s * ZR + i * BE, BE), :])
    pltpu.sync_copy(wv_buf.at[pl.ds(0, ZR - 7 * BE), :],
                    acc_sh.at[pl.ds(s * ZR + 7 * BE, ZR - 7 * BE), :])
    plsc.subcore_barrier()

    def _block(blk, _):
        base = s * EPT + blk * BE
        pltpu.sync_copy(src_hbm.at[pl.ds(base, BE)], src_idx)
        pltpu.sync_copy(dst_hbm.at[pl.ds(base, BE)], dst_idx)
        def _i2(i, _):
            s16 = src_idx[pl.ds(i * 16, 16)]
            src2_idx[pl.ds(i * 16, 16)] = s16 + c * N
            return 0

        lax.fori_loop(0, BE // 16, _i2, 0)
        hb = BE // 2
        cps = []
        for p, sm in ((0, sem), (1, sem2)):
            cps.append(pltpu.async_copy(
                qv_hbm.at[src2_idx.at[pl.ds(p * hb, hb)]],
                qv_rows.at[pl.ds(p * hb, hb), :], sm))
            cps.append(pltpu.async_copy(
                k_hbm.at[dst_idx.at[pl.ds(p * hb, hb)]],
                k_rows.at[pl.ds(p * hb, hb), :], sm))

        brow = base // 8
        bstart = (brow // 8) * 8
        bshift = brow - bstart
        pltpu.sync_copy(b_hbm.at[c, pl.ds(bstart, 24), :], b_buf)

        def _half(p):
            def _row(r, _):
                brow = bshift + p * (hb // 8) + r
                for i in range(8):
                    e = p * hb + r * 8 + i
                    acc = zero16
                    for j in range(4):
                        qj = qv_rows[e, pl.ds(j * 16, 16)]
                        kj = k_rows[e, pl.ds(c64 + j * 16, 16)]
                        acc = jnp.where(lane == j, jnp.sum(qj * kj), acc)
                    z = acc * 0.25 + b_buf[brow, pl.ds(i * 16, 16)]
                    z = jnp.where(z >= 0.0, z, 0.2 * z)
                    av = jnp.exp(z)
                    wv_buf[e, pl.ds(64, 16)] = av
                    for j in range(4):
                        wv = qv_rows[e, pl.ds(64 + j * 16, 16)] * av[j]
                        wv_buf[e, pl.ds(j * 16, 16)] = wv
                return 0

            lax.fori_loop(0, hb // 8, _row, 0)

        cps[0].wait()
        cps[1].wait()
        _half(0)
        cps[2].wait()
        cps[3].wait()
        _half(1)
        pltpu.sync_copy(wv_buf, acc_sh.at[dst_idx], add=True)
        return 0

    lax.fori_loop(0, NBLK, _block, 0)
    plsc.subcore_barrier()

    @pl.when(s == 0)
    def _():
        pltpu.sync_copy(acc_sh, acc_hbm.at[c])


def _sc_aggregate(qv2, k, b2, src, dst):
    mesh = plsc.VectorSubcoreMesh(core_axis_name="c", subcore_axis_name="s")
    f = pl.kernel(
        _sc_body,
        out_type=jax.ShapeDtypeStruct((NC, N, AW), jnp.float32),
        mesh=mesh,
        compiler_params=pltpu.CompilerParams(needs_layout_passes=False),
        scratch_types=[
            pltpu.VMEM((BE,), jnp.int32),
            pltpu.VMEM((BE,), jnp.int32),
            pltpu.VMEM((BE,), jnp.int32),
            pltpu.VMEM((BE, 128), jnp.float32),
            pltpu.VMEM((BE, 128), jnp.float32),
            pltpu.VMEM((24, 128), jnp.float32),
            pltpu.VMEM((BE, AW), jnp.float32),
            pltpu.VMEM_SHARED((N, AW), jnp.float32),
            pltpu.SemaphoreType.DMA,
            pltpu.SemaphoreType.DMA,
        ],
    )
    return f(qv2, k, b2, src, dst)


def _combine_body(acc_ref, out_ref):
    a0 = acc_ref[0]
    a1 = acc_ref[1]
    row = lax.broadcasted_iota(jnp.int32, (16, 64), 0)
    col = lax.broadcasted_iota(jnp.int32, (16, 64), 1)
    rep = (col // 16 == row).astype(jnp.float32)
    r0 = 1.0 / (a0[:, 64:80] + 1e-08)
    r1 = 1.0 / (a1[:, 64:80] + 1e-08)
    o0 = a0[:, 0:64] * jnp.dot(r0, rep, preferred_element_type=jnp.float32)
    o1 = a1[:, 0:64] * jnp.dot(r1, rep, preferred_element_type=jnp.float32)
    out_ref[...] = jnp.concatenate([o0, o1], axis=1)


def _combine(acc):
    blk = 2000
    return pl.pallas_call(
        _combine_body,
        grid=(N // blk,),
        in_specs=[pl.BlockSpec((NC, blk, AW), lambda i: (0, i, 0))],
        out_specs=pl.BlockSpec((blk, 128), lambda i: (i, 0)),
        out_shape=jax.ShapeDtypeStruct((N, 128), jnp.float32),
    )(acc)


def kernel(x, edge_index, edge_attr, timestamps, Wq, Wk, Wv, freq,
           temporal_bias, edge_proj_W, edge_proj_b):
    wqt, wvt, wkt = Wq.T, Wv.T, Wk.T
    wa = jnp.concatenate([wqt[:, :64], wvt[:, :64]], axis=1)
    wb = jnp.concatenate([wqt[:, 64:], wvt[:, 64:]], axis=1)
    qv, k = _qkv(x, wa, wb, wkt)
    qv2 = qv.reshape(2 * N, 128)

    mnmx = _ts_minmax(timestamps.reshape(E // 128, 128))

    w_ea = edge_proj_W[:, :ED]
    w_sin = edge_proj_W[:, ED::2]
    w_cos = edge_proj_W[:, ED + 1::2]
    w80T = jnp.concatenate([w_ea, w_sin, w_cos], axis=1)
    add8 = edge_proj_b.reshape(8, 1)
    tb8 = temporal_bias.reshape(8, 1)
    ts_row = timestamps.reshape(1, E)
    freq_col = freq.reshape(TD // 2, 1)
    eaT = edge_attr.T
    b8T = _edge_bias(eaT, ts_row, mnmx, freq_col, w80T, add8, tb8)

    bb0 = jnp.pad(b8T[0:4], ((0, 12), (0, 0)))
    bb1 = jnp.pad(b8T[4:8], ((0, 12), (0, 0)))
    bb = jnp.stack([bb0, bb1], axis=0)
    bb = bb.reshape(NC, 16, E // 8, 8).transpose(0, 2, 3, 1)
    bb = bb.reshape(NC, E // 8, 128)
    bb = jnp.pad(bb, ((0, 0), (0, 8), (0, 0)))

    src = edge_index[0]
    dst = edge_index[1]
    acc = _sc_aggregate(qv2, k, bb, src, dst)

    return _combine(acc)

# --- scband reference (transcript-rebuilt; emitter-appended) ---
"""Pipeline reference for scband-temporal-gatlayer-19567871001360 (READ-ONLY COPY).

The authoritative reference and input builder live on the scoring server;
editing this copy changes nothing except your own understanding.
"""

import jax, jax.numpy as jnp
import numpy as np
import math

N = 10000
E = 320000
IN = 128
OUT = 16
H = 8
TD = 64
ED = 16


def setup_inputs(seed: int = 0) -> dict:
    key = jax.random.key(seed)
    ks = jax.random.split(key, 12)
    x = jax.random.normal(ks[0], (N, IN), dtype=jnp.float32)
    edge_index = jax.random.randint(ks[1], (2, E), 0, N, dtype=jnp.int32)
    edge_attr = jax.random.uniform(ks[2], (E, ED), dtype=jnp.float32)
    timestamps = jax.random.uniform(ks[3], (E,), dtype=jnp.float32)
    # learned parameters (torch nn.Linear weight layout: [out_features, in_features])
    s_qkv = math.sqrt(2.0 / (IN + OUT * H))
    Wq = jax.random.normal(ks[4], (OUT * H, IN), dtype=jnp.float32) * s_qkv
    Wk = jax.random.normal(ks[5], (OUT * H, IN), dtype=jnp.float32) * s_qkv
    Wv = jax.random.normal(ks[6], (OUT * H, IN), dtype=jnp.float32) * s_qkv
    freq = jax.random.normal(ks[7], (TD // 2,), dtype=jnp.float32)
    temporal_bias = jax.random.normal(ks[8], (H,), dtype=jnp.float32) * 0.1
    s_ep = math.sqrt(2.0 / (ED + TD + H))
    edge_proj_W = jax.random.normal(ks[9], (H, ED + TD), dtype=jnp.float32) * s_ep
    edge_proj_b = jnp.zeros((H,), dtype=jnp.float32)
    return {
        "x": x,
        "edge_index": edge_index,
        "edge_attr": edge_attr,
        "timestamps": timestamps,
        "Wq": Wq,
        "Wk": Wk,
        "Wv": Wv,
        "freq": freq,
        "temporal_bias": temporal_bias,
        "edge_proj_W": edge_proj_W,
        "edge_proj_b": edge_proj_b,
    }


def _time_encode(ts, freq):
    # ts: [E, 1]
    ts_norm = jnp.log1p(ts + 1e-06)
    angles = ts_norm * freq[None, :]  # [E, TD//2]
    te = jnp.zeros((ts.shape[0], TD), dtype=jnp.float32)
    te = te.at[:, 0::2].set(jnp.sin(angles))
    te = te.at[:, 1::2].set(jnp.cos(angles))
    return te


def reference(x, edge_index, edge_attr, timestamps, Wq, Wk, Wv, freq, temporal_bias, edge_proj_W, edge_proj_b):
    num_nodes = x.shape[0]
    q = (x @ Wq.T).reshape(num_nodes, H, OUT)
    k = (x @ Wk.T).reshape(num_nodes, H, OUT)
    v = (x @ Wv.T).reshape(num_nodes, H, OUT)
    src = edge_index[0]
    dst = edge_index[1]
    q_src = q[src]
    k_dst = k[dst]
    attn = (q_src * k_dst).sum(axis=-1) / math.sqrt(OUT)  # [E, H]
    ts = timestamps.reshape(-1, 1)
    time_enc = _time_encode(ts, freq)
    mx = ts.max()
    mn = ts.min()
    time_norm = jnp.where(mx > mn, (ts - mn) / (mx - mn + 1e-06), jnp.ones_like(ts))
    temporal_boost = temporal_bias[None, :] * time_norm  # [E, H]
    attn = attn + temporal_boost
    edge_time = jnp.concatenate([edge_attr, time_enc], axis=-1)  # [E, ED+TD]
    edge_bias = edge_time @ edge_proj_W.T + edge_proj_b  # [E, H]
    attn = attn + edge_bias
    attn = jnp.where(attn >= 0, attn, 0.2 * attn)  # leaky_relu(0.2)
    attn_exp = jnp.exp(attn)
    attn_sum = jax.ops.segment_sum(attn_exp, dst, num_segments=num_nodes)  # [N, H]
    attn_normalized = attn_exp / (attn_sum[dst] + 1e-08)
    v_src = v[src]
    weighted_v = attn_normalized[..., None] * v_src  # [E, H, OUT]
    out = jax.ops.segment_sum(weighted_v, dst, num_segments=num_nodes)  # [N, H, OUT]
    out = out.reshape(num_nodes, -1)
    # dropout p=0.0 -> identity
    return out

if __name__ == "__main__":
    import jax
    _d = setup_inputs()
    print(jax.jit(kernel)(*tuple(_d.values())))

</pallas_src>

<mosaic_0001>
#map = affine_map<(d0, d1) -> (0, 0)>
#map1 = affine_map<(d0, d1) -> (0, 0, 0)>
#map2 = affine_map<(d0, d1) -> (0)>
module attributes {stable_mosaic.version = 14 : i64} {
  func.func @_sc_body(%arg0: i32, %arg1: i32, %arg2: memref<20000x128xf32, #tpu.memory_space<hbm>>, %arg3: memref<10000x128xf32, #tpu.memory_space<hbm>>, %arg4: memref<2x40008x128xf32, #tpu.memory_space<hbm>>, %arg5: memref<320000xi32, #tpu.memory_space<hbm>>, %arg6: memref<320000xi32, #tpu.memory_space<hbm>>, %arg7: memref<2x10000x128xf32, #tpu.memory_space<hbm>>, %arg8: memref<80xi32, #tpu.memory_space<vmem>>, %arg9: memref<80xi32, #tpu.memory_space<vmem>>, %arg10: memref<80xi32, #tpu.memory_space<vmem>>, %arg11: memref<80x128xf32, #tpu.memory_space<vmem>>, %arg12: memref<80x128xf32, #tpu.memory_space<vmem>>, %arg13: memref<24x128xf32, #tpu.memory_space<vmem>>, %arg14: memref<80x128xf32, #tpu.memory_space<vmem>>, %arg15: memref<10000x128xf32, #tpu.memory_space<vmem_shared>>, %arg16: memref<!tpu.dma_semaphore, #tpu.memory_space<semaphore_mem>>, %arg17: memref<!tpu.dma_semaphore, #tpu.memory_space<semaphore_mem>>) attributes {dimension_semantics = [#tpu.dimension_semantics<core_parallel>, #tpu.dimension_semantics<subcore_parallel>], iteration_bounds = array<i64: 2, 16>, scalar_prefetch = 0 : i64, scratch_operands = 10 : i64, tpu.core_type = #tpu.core_type<sc_vector_subcore>, window_params = [{transform_indices = #map}, {transform_indices = #map}, {transform_indices = #map1}, {transform_indices = #map2}, {transform_indices = #map2}, {transform_indices = #map1}]} {
    %mul3A = arith.constant 64 : i32
    %mul3A_0 = arith.muli %arg0, %mul3A : i32
    %iota3A = tpu.iota {dimensions = array<i32: 0>} : vector<16xi32>
    %broadcast_in_dim3A = arith.constant 0.000000e+00 : f32
    %broadcast_in_dim3A_1 = vector.broadcast %broadcast_in_dim3A : f32 to vector<16xf32>
    %scan3A = arith.constant 0 : i32
    %scan3A_2 = arith.constant 0 : i32
    %scan3A_3 = arith.constant 80 : i32
    %scan3A_4 = arith.addi %scan3A_2, %scan3A_3 : i32
    %scan3A_5 = arith.constant 1 : i32
    %scan3A_6 = scf.for %scan3A_49 = %scan3A_2 to %scan3A_4 step %scan3A_5 iter_args(%scan3A_50 = %scan3A) -> (i32)  : i32 {
      %swap3A = arith.index_cast %scan3A_49 : i32 to index
      %swap3A_51 = arith.constant 0 : index
      %swap3A_52 = tpu.vector_load %arg14[%swap3A, %swap3A_51] {strides = array<i32>} : memref<80x128xf32, #tpu.memory_space<vmem>>, vector<16xf32>,
      tpu.vector_store %arg14[%swap3A, %swap3A_51], %broadcast_in_dim3A_1 {strides = array<i32>} : memref<80x128xf32, #tpu.memory_space<vmem>>, vector<16xf32>,
      %swap3A_53 = arith.index_cast %scan3A_49 : i32 to index
      %swap3A_54 = arith.constant 16 : index
      %swap3A_55 = tpu.vector_load %arg14[%swap3A_53, %swap3A_54] {strides = array<i32>} : memref<80x128xf32, #tpu.memory_space<vmem>>, vector<16xf32>,
      tpu.vector_store %arg14[%swap3A_53, %swap3A_54], %broadcast_in_dim3A_1 {strides = array<i32>} : memref<80x128xf32, #tpu.memory_space<vmem>>, vector<16xf32>,
      %swap3A_56 = arith.index_cast %scan3A_49 : i32 to index
      %swap3A_57 = arith.constant 32 : index
      %swap3A_58 = tpu.vector_load %arg14[%swap3A_56, %swap3A_57] {strides = array<i32>} : memref<80x128xf32, #tpu.memory_space<vmem>>, vector<16xf32>,
      tpu.vector_store %arg14[%swap3A_56, %swap3A_57], %broadcast_in_dim3A_1 {strides = array<i32>} : memref<80x128xf32, #tpu.memory_space<vmem>>, vector<16xf32>,
      %swap3A_59 = arith.index_cast %scan3A_49 : i32 to index
      %swap3A_60 = arith.constant 48 : index
      %swap3A_61 = tpu.vector_load %arg14[%swap3A_59, %swap3A_60] {strides = array<i32>} : memref<80x128xf32, #tpu.memory_space<vmem>>, vector<16xf32>,
      tpu.vector_store %arg14[%swap3A_59, %swap3A_60], %broadcast_in_dim3A_1 {strides = array<i32>} : memref<80x128xf32, #tpu.memory_space<vmem>>, vector<16xf32>,
      %swap3A_62 = arith.index_cast %scan3A_49 : i32 to index
      %swap3A_63 = arith.constant 64 : index
      %swap3A_64 = tpu.vector_load %arg14[%swap3A_62, %swap3A_63] {strides = array<i32>} : memref<80x128xf32, #tpu.memory_space<vmem>>, vector<16xf32>,
      tpu.vector_store %arg14[%swap3A_62, %swap3A_63], %broadcast_in_dim3A_1 {strides = array<i32>} : memref<80x128xf32, #tpu.memory_space<vmem>>, vector<16xf32>,
      %swap3A_65 = arith.index_cast %scan3A_49 : i32 to index
      %swap3A_66 = arith.constant 80 : index
      %swap3A_67 = tpu.vector_load %arg14[%swap3A_65, %swap3A_66] {strides = array<i32>} : memref<80x128xf32, #tpu.memory_space<vmem>>, vector<16xf32>,
      tpu.vector_store %arg14[%swap3A_65, %swap3A_66], %broadcast_in_dim3A_1 {strides = array<i32>} : memref<80x128xf32, #tpu.memory_space<vmem>>, vector<16xf32>,
      %swap3A_68 = arith.index_cast %scan3A_49 : i32 to index
      %swap3A_69 = arith.constant 96 : index
      %swap3A_70 = tpu.vector_load %arg14[%swap3A_68, %swap3A_69] {strides = array<i32>} : memref<80x128xf32, #tpu.memory_space<vmem>>, vector<16xf32>,
      tpu.vector_store %arg14[%swap3A_68, %swap3A_69], %broadcast_in_dim3A_1 {strides = array<i32>} : memref<80x128xf32, #tpu.memory_space<vmem>>, vector<16xf32>,
      %swap3A_71 = arith.index_cast %scan3A_49 : i32 to index
      %swap3A_72 = arith.constant 112 : index
      %swap3A_73 = tpu.vector_load %arg14[%swap3A_71, %swap3A_72] {strides = array<i32>} : memref<80x128xf32, #tpu.memory_space<vmem>>, vector<16xf32>,
      tpu.vector_store %arg14[%swap3A_71, %swap3A_72], %broadcast_in_dim3A_1 {strides = array<i32>} : memref<80x128xf32, #tpu.memory_space<vmem>>, vector<16xf32>,
      %scan3A_74 = arith.constant 0 : i32
      scf.yield %scan3A_74 : i32
    }
    %scan3A_7 = arith.constant 80 : i32
    %mul3A_8 = arith.constant 625 : i32
    %mul3A_9 = arith.muli %arg1, %mul3A_8 : i32
    %add3A = arith.constant 0 : i32
    %add3A_10 = arith.addi %mul3A_9, %add3A : i32
    "tpu.region"() ({
      %run_scoped3A = tpu.sem_alloc : memref<!tpu.dma_semaphore, #tpu.memory_space<semaphore_mem>>
      %dma_start3A = arith.constant 0 : i32
      %dma_start3A_49 = tpu.memref_slice %arg15[%add3A_10, %dma_start3A] : memref<10000x128xf32, #tpu.memory_space<vmem_shared>> -> memref<80x128xf32, #tpu.memory_space<vmem_shared>>
      %dma_start3A_50 = arith.constant 0 : i32
      %dma_start3A_51 = tpu.memref_slice %arg15[%add3A_10, %dma_start3A_50] : memref<10000x128xf32, #tpu.memory_space<vmem_shared>> -> memref<80x128xf32, #tpu.memory_space<vmem_shared>>
      tpu.enqueue_dma source(%arg14 : memref<80x128xf32, #tpu.memory_space<vmem>>) target(%dma_start3A_51 : memref<80x128xf32, #tpu.memory_space<vmem_shared>>) target_semaphore(%run_scoped3A : memref<!tpu.dma_semaphore, #tpu.memory_space<semaphore_mem>>)
      %dma_wait3A = arith.constant 0 : i32
      %dma_wait3A_52 = tpu.memref_slice %arg15[%add3A_10, %dma_wait3A] : memref<10000x128xf32, #tpu.memory_space<vmem_shared>> -> memref<80x128xf32, #tpu.memory_space<vmem_shared>>
      %dma_wait3A_53 = arith.constant 0 : i32
      %dma_wait3A_54 = tpu.memref_slice %arg15[%add3A_10, %dma_wait3A_53] : memref<10000x128xf32, #tpu.memory_space<vmem_shared>> -> memref<80x128xf32, #tpu.memory_space<vmem_shared>>
      tpu.wait_dma2 semaphore(%run_scoped3A : memref<!tpu.dma_semaphore, #tpu.memory_space<semaphore_mem>>) src(%arg14 : memref<80x128xf32, #tpu.memory_space<vmem>>) dst(%dma_wait3A_54 : memref<80x128xf32, #tpu.memory_space<vmem_shared>>)
      tpu.yield
    }) : () -> ()
    %mul3A_11 = arith.constant 625 : i32
    %mul3A_12 = arith.muli %arg1, %mul3A_11 : i32
    %add3A_13 = arith.constant 80 : i32
    %add3A_14 = arith.addi %mul3A_12, %add3A_13 : i32
    "tpu.region"() ({
      %run_scoped3A = tpu.sem_alloc : memref<!tpu.dma_semaphore, #tpu.memory_space<semaphore_mem>>
      %dma_start3A = arith.constant 0 : i32
      %dma_start3A_49 = tpu.memref_slice %arg15[%add3A_14, %dma_start3A] : memref<10000x128xf32, #tpu.memory_space<vmem_shared>> -> memref<80x128xf32, #tpu.memory_space<vmem_shared>>
      %dma_start3A_50 = arith.constant 0 : i32
      %dma_start3A_51 = tpu.memref_slice %arg15[%add3A_14, %dma_start3A_50] : memref<10000x128xf32, #tpu.memory_space<vmem_shared>> -> memref<80x128xf32, #tpu.memory_space<vmem_shared>>
      tpu.enqueue_dma source(%arg14 : memref<80x128xf32, #tpu.memory_space<vmem>>) target(%dma_start3A_51 : memref<80x128xf32, #tpu.memory_space<vmem_shared>>) target_semaphore(%run_scoped3A : memref<!tpu.dma_semaphore, #tpu.memory_space<semaphore_mem>>)
      %dma_wait3A = arith.constant 0 : i32
      %dma_wait3A_52 = tpu.memref_slice %arg15[%add3A_14, %dma_wait3A] : memref<10000x128xf32, #tpu.memory_space<vmem_shared>> -> memref<80x128xf32, #tpu.memory_space<vmem_shared>>
      %dma_wait3A_53 = arith.constant 0 : i32
      %dma_wait3A_54 = tpu.memref_slice %arg15[%add3A_14, %dma_wait3A_53] : memref<10000x128xf32, #tpu.memory_space<vmem_shared>> -> memref<80x128xf32, #tpu.memory_space<vmem_shared>>
      tpu.wait_dma2 semaphore(%run_scoped3A : memref<!tpu.dma_semaphore, #tpu.memory_space<semaphore_mem>>) src(%arg14 : memref<80x128xf32, #tpu.memory_space<vmem>>) dst(%dma_wait3A_54 : memref<80x128xf32, #tpu.memory_space<vmem_shared>>)
      tpu.yield
    }) : () -> ()
    %mul3A_15 = arith.constant 625 : i32
    %mul3A_16 = arith.muli %arg1, %mul3A_15 : i32
    %add3A_17 = arith.constant 160 : i32
    %add3A_18 = arith.addi %mul3A_16, %add3A_17 : i32
    "tpu.region"() ({
      %run_scoped3A = tpu.sem_alloc : memref<!tpu.dma_semaphore, #tpu.memory_space<semaphore_mem>>
      %dma_start3A = arith.constant 0 : i32
      %dma_start3A_49 = tpu.memref_slice %arg15[%add3A_18, %dma_start3A] : memref<10000x128xf32, #tpu.memory_space<vmem_shared>> -> memref<80x128xf32, #tpu.memory_space<vmem_shared>>
      %dma_start3A_50 = arith.constant 0 : i32
      %dma_start3A_51 = tpu.memref_slice %arg15[%add3A_18, %dma_start3A_50] : memref<10000x128xf32, #tpu.memory_space<vmem_shared>> -> memref<80x128xf32, #tpu.memory_space<vmem_shared>>
      tpu.enqueue_dma source(%arg14 : memref<80x128xf32, #tpu.memory_space<vmem>>) target(%dma_start3A_51 : memref<80x128xf32, #tpu.memory_space<vmem_shared>>) target_semaphore(%run_scoped3A : memref<!tpu.dma_semaphore, #tpu.memory_space<semaphore_mem>>)
      %dma_wait3A = arith.constant 0 : i32
      %dma_wait3A_52 = tpu.memref_slice %arg15[%add3A_18, %dma_wait3A] : memref<10000x128xf32, #tpu.memory_space<vmem_shared>> -> memref<80x128xf32, #tpu.memory_space<vmem_shared>>
      %dma_wait3A_53 = arith.constant 0 : i32
      %dma_wait3A_54 = tpu.memref_slice %arg15[%add3A_18, %dma_wait3A_53] : memref<10000x128xf32, #tpu.memory_space<vmem_shared>> -> memref<80x128xf32, #tpu.memory_space<vmem_shared>>
      tpu.wait_dma2 semaphore(%run_scoped3A : memref<!tpu.dma_semaphore, #tpu.memory_space<semaphore_mem>>) src(%arg14 : memref<80x128xf32, #tpu.memory_space<vmem>>) dst(%dma_wait3A_54 : memref<80x128xf32, #tpu.memory_space<vmem_shared>>)
      tpu.yield
    }) : () -> ()
    %mul3A_19 = arith.constant 625 : i32
    %mul3A_20 = arith.muli %arg1, %mul3A_19 : i32
    %add3A_21 = arith.constant 240 : i32
    %add3A_22 = arith.addi %mul3A_20, %add3A_21 : i32
    "tpu.region"() ({
      %run_scoped3A = tpu.sem_alloc : memref<!tpu.dma_semaphore, #tpu.memory_space<semaphore_mem>>
      %dma_start3A = arith.constant 0 : i32
      %dma_start3A_49 = tpu.memref_slice %arg15[%add3A_22, %dma_start3A] : memref<10000x128xf32, #tpu.memory_space<vmem_shared>> -> memref<80x128xf32, #tpu.memory_space<vmem_shared>>
      %dma_start3A_50 = arith.constant 0 : i32
      %dma_start3A_51 = tpu.memref_slice %arg15[%add3A_22, %dma_start3A_50] : memref<10000x128xf32, #tpu.memory_space<vmem_shared>> -> memref<80x128xf32, #tpu.memory_space<vmem_shared>>
      tpu.enqueue_dma source(%arg14 : memref<80x128xf32, #tpu.memory_space<vmem>>) target(%dma_start3A_51 : memref<80x128xf32, #tpu.memory_space<vmem_shared>>) target_semaphore(%run_scoped3A : memref<!tpu.dma_semaphore, #tpu.memory_space<semaphore_mem>>)
      %dma_wait3A = arith.constant 0 : i32
      %dma_wait3A_52 = tpu.memref_slice %arg15[%add3A_22, %dma_wait3A] : memref<10000x128xf32, #tpu.memory_space<vmem_shared>> -> memref<80x128xf32, #tpu.memory_space<vmem_shared>>
      %dma_wait3A_53 = arith.constant 0 : i32
      %dma_wait3A_54 = tpu.memref_slice %arg15[%add3A_22, %dma_wait3A_53] : memref<10000x128xf32, #tpu.memory_space<vmem_shared>> -> memref<80x128xf32, #tpu.memory_space<vmem_shared>>
      tpu.wait_dma2 semaphore(%run_scoped3A : memref<!tpu.dma_semaphore, #tpu.memory_space<semaphore_mem>>) src(%arg14 : memref<80x128xf32, #tpu.memory_space<vmem>>) dst(%dma_wait3A_54 : memref<80x128xf32, #tpu.memory_space<vmem_shared>>)
      tpu.yield
    }) : () -> ()
    %mul3A_23 = arith.constant 625 : i32
    %mul3A_24 = arith.muli %arg1, %mul3A_23 : i32
    %add3A_25 = arith.constant 320 : i32
    %add3A_26 = arith.addi %mul3A_24, %add3A_25 : i32
    "tpu.region"() ({
      %run_scoped3A = tpu.sem_alloc : memref<!tpu.dma_semaphore, #tpu.memory_space<semaphore_mem>>
      %dma_start3A = arith.constant 0 : i32
      %dma_start3A_49 = tpu.memref_slice %arg15[%add3A_26, %dma_start3A] : memref<10000x128xf32, #tpu.memory_space<vmem_shared>> -> memref<80x128xf32, #tpu.memory_space<vmem_shared>>
      %dma_start3A_50 = arith.constant 0 : i32
      %dma_start3A_51 = tpu.memref_slice %arg15[%add3A_26, %dma_start3A_50] : memref<10000x128xf32, #tpu.memory_space<vmem_shared>> -> memref<80x128xf32, #tpu.memory_space<vmem_shared>>
      tpu.enqueue_dma source(%arg14 : memref<80x128xf32, #tpu.memory_space<vmem>>) target(%dma_start3A_51 : memref<80x128xf32, #tpu.memory_space<vmem_shared>>) target_semaphore(%run_scoped3A : memref<!tpu.dma_semaphore, #tpu.memory_space<semaphore_mem>>)
      %dma_wait3A = arith.constant 0 : i32
      %dma_wait3A_52 = tpu.memref_slice %arg15[%add3A_26, %dma_wait3A] : memref<10000x128xf32, #tpu.memory_space<vmem_shared>> -> memref<80x128xf32, #tpu.memory_space<vmem_shared>>
      %dma_wait3A_53 = arith.constant 0 : i32
      %dma_wait3A_54 = tpu.memref_slice %arg15[%add3A_26, %dma_wait3A_53] : memref<10000x128xf32, #tpu.memory_space<vmem_shared>> -> memref<80x128xf32, #tpu.memory_space<vmem_shared>>
      tpu.wait_dma2 semaphore(%run_scoped3A : memref<!tpu.dma_semaphore, #tpu.memory_space<semaphore_mem>>) src(%arg14 : memref<80x128xf32, #tpu.memory_space<vmem>>) dst(%dma_wait3A_54 : memref<80x128xf32, #tpu.memory_space<vmem_shared>>)
      tpu.yield
    }) : () -> ()
    %mul3A_27 = arith.constant 625 : i32
    %mul3A_28 = arith.muli %arg1, %mul3A_27 : i32
    %add3A_29 = arith.constant 400 : i32
    %add3A_30 = arith.addi %mul3A_28, %add3A_29 : i32
    "tpu.region"() ({
      %run_scoped3A = tpu.sem_alloc : memref<!tpu.dma_semaphore, #tpu.memory_space<semaphore_mem>>
      %dma_start3A = arith.constant 0 : i32
      %dma_start3A_49 = tpu.memref_slice %arg15[%add3A_30, %dma_start3A] : memref<10000x128xf32, #tpu.memory_space<vmem_shared>> -> memref<80x128xf32, #tpu.memory_space<vmem_shared>>
      %dma_start3A_50 = arith.constant 0 : i32
      %dma_start3A_51 = tpu.memref_slice %arg15[%add3A_30, %dma_start3A_50] : memref<10000x128xf32, #tpu.memory_space<vmem_shared>> -> memref<80x128xf32, #tpu.memory_space<vmem_shared>>
      tpu.enqueue_dma source(%arg14 : memref<80x128xf32, #tpu.memory_space<vmem>>) target(%dma_start3A_51 : memref<80x128xf32, #tpu.memory_space<vmem_shared>>) target_semaphore(%run_scoped3A : memref<!tpu.dma_semaphore, #tpu.memory_space<semaphore_mem>>)
      %dma_wait3A = arith.constant 0 : i32
      %dma_wait3A_52 = tpu.memref_slice %arg15[%add3A_30, %dma_wait3A] : memref<10000x128xf32, #tpu.memory_space<vmem_shared>> -> memref<80x128xf32, #tpu.memory_space<vmem_shared>>
      %dma_wait3A_53 = arith.constant 0 : i32
      %dma_wait3A_54 = tpu.memref_slice %arg15[%add3A_30, %dma_wait3A_53] : memref<10000x128xf32, #tpu.memory_space<vmem_shared>> -> memref<80x128xf32, #tpu.memory_space<vmem_shared>>
      tpu.wait_dma2 semaphore(%run_scoped3A : memref<!tpu.dma_semaphore, #tpu.memory_space<semaphore_mem>>) src(%arg14 : memref<80x128xf32, #tpu.memory_space<vmem>>) dst(%dma_wait3A_54 : memref<80x128xf32, #tpu.memory_space<vmem_shared>>)
      tpu.yield
    }) : () -> ()
    %mul3A_31 = arith.constant 625 : i32
    %mul3A_32 = arith.muli %arg1, %mul3A_31 : i32
    %add3A_33 = arith.constant 480 : i32
    %add3A_34 = arith.addi %mul3A_32, %add3A_33 : i32
    "tpu.region"() ({
      %run_scoped3A = tpu.sem_alloc : memref<!tpu.dma_semaphore, #tpu.memory_space<semaphore_mem>>
      %dma_start3A = arith.constant 0 : i32
      %dma_start3A_49 = tpu.memref_slice %arg15[%add3A_34, %dma_start3A] : memref<10000x128xf32, #tpu.memory_space<vmem_shared>> -> memref<80x128xf32, #tpu.memory_space<vmem_shared>>
      %dma_start3A_50 = arith.constant 0 : i32
      %dma_start3A_51 = tpu.memref_slice %arg15[%add3A_34, %dma_start3A_50] : memref<10000x128xf32, #tpu.memory_space<vmem_shared>> -> memref<80x128xf32, #tpu.memory_space<vmem_shared>>
      tpu.enqueue_dma source(%arg14 : memref<80x128xf32, #tpu.memory_space<vmem>>) target(%dma_start3A_51 : memref<80x128xf32, #tpu.memory_space<vmem_shared>>) target_semaphore(%run_scoped3A : memref<!tpu.dma_semaphore, #tpu.memory_space<semaphore_mem>>)
      %dma_wait3A = arith.constant 0 : i32
      %dma_wait3A_52 = tpu.memref_slice %arg15[%add3A_34, %dma_wait3A] : memref<10000x128xf32, #tpu.memory_space<vmem_shared>> -> memref<80x128xf32, #tpu.memory_space<vmem_shared>>
      %dma_wait3A_53 = arith.constant 0 : i32
      %dma_wait3A_54 = tpu.memref_slice %arg15[%add3A_34, %dma_wait3A_53] : memref<10000x128xf32, #tpu.memory_space<vmem_shared>> -> memref<80x128xf32, #tpu.memory_space<vmem_shared>>
      tpu.wait_dma2 semaphore(%run_scoped3A : memref<!tpu.dma_semaphore, #tpu.memory_space<semaphore_mem>>) src(%arg14 : memref<80x128xf32, #tpu.memory_space<vmem>>) dst(%dma_wait3A_54 : memref<80x128xf32, #tpu.memory_space<vmem_shared>>)
      tpu.yield
    }) : () -> ()
    %mul3A_35 = arith.constant 625 : i32
    %mul3A_36 = arith.muli %arg1, %mul3A_35 : i32
    %add3A_37 = arith.constant 560 : i32
    %add3A_38 = arith.addi %mul3A_36, %add3A_37 : i32
    "tpu.region"() ({
      %run_scoped3A = tpu.sem_alloc : memref<!tpu.dma_semaphore, #tpu.memory_space<semaphore_mem>>
      %dma_start3A = arith.constant 0 : i32
      %dma_start3A_49 = arith.constant 0 : i32
      %dma_start3A_50 = tpu.memref_slice %arg14[%dma_start3A, %dma_start3A_49] : memref<80x128xf32, #tpu.memory_space<vmem>> -> memref<65x128xf32, #tpu.memory_space<vmem>>
      %dma_start3A_51 = arith.constant 0 : i32
      %dma_start3A_52 = tpu.memref_slice %arg15[%add3A_38, %dma_start3A_51] : memref<10000x128xf32, #tpu.memory_space<vmem_shared>> -> memref<65x128xf32, #tpu.memory_space<vmem_shared>>
      %dma_start3A_53 = arith.constant 0 : i32
      %dma_start3A_54 = tpu.memref_slice %arg15[%add3A_38, %dma_start3A_53] : memref<10000x128xf32, #tpu.memory_space<vmem_shared>> -> memref<65x128xf32, #tpu.memory_space<vmem_shared>>
      %dma_start3A_55 = arith.constant 0 : i32
      %dma_start3A_56 = arith.constant 0 : i32
      %dma_start3A_57 = tpu.memref_slice %arg14[%dma_start3A_55, %dma_start3A_56] : memref<80x128xf32, #tpu.memory_space<vmem>> -> memref<65x128xf32, #tpu.memory_space<vmem>>
      tpu.enqueue_dma source(%dma_start3A_57 : memref<65x128xf32, #tpu.memory_space<vmem>>) target(%dma_start3A_54 : memref<65x128xf32, #tpu.memory_space<vmem_shared>>) target_semaphore(%run_scoped3A : memref<!tpu.dma_semaphore, #tpu.memory_space<semaphore_mem>>)
      %dma_wait3A = arith.constant 0 : i32
      %dma_wait3A_58 = arith.constant 0 : i32
      %dma_wait3A_59 = tpu.memref_slice %arg14[%dma_wait3A, %dma_wait3A_58] : memref<80x128xf32, #tpu.memory_space<vmem>> -> memref<65x128xf32, #tpu.memory_space<vmem>>
      %dma_wait3A_60 = arith.constant 0 : i32
      %dma_wait3A_61 = tpu.memref_slice %arg15[%add3A_38, %dma_wait3A_60] : memref<10000x128xf32, #tpu.memory_space<vmem_shared>> -> memref<65x128xf32, #tpu.memory_space<vmem_shared>>
      %dma_wait3A_62 = arith.constant 0 : i32
      %dma_wait3A_63 = tpu.memref_slice %arg15[%add3A_38, %dma_wait3A_62] : memref<10000x128xf32, #tpu.memory_space<vmem_shared>> -> memref<65x128xf32, #tpu.memory_space<vmem_shared>>
      %dma_wait3A_64 = arith.constant 0 : i32
      %dma_wait3A_65 = arith.constant 0 : i32
      %dma_wait3A_66 = tpu.memref_slice %arg14[%dma_wait3A_64, %dma_wait3A_65] : memref<80x128xf32, #tpu.memory_space<vmem>> -> memref<65x128xf32, #tpu.memory_space<vmem>>
      tpu.wait_dma2 semaphore(%run_scoped3A : memref<!tpu.dma_semaphore, #tpu.memory_space<semaphore_mem>>) src(%dma_wait3A_66 : memref<65x128xf32, #tpu.memory_space<vmem>>) dst(%dma_wait3A_63 : memref<65x128xf32, #tpu.memory_space<vmem_shared>>)
      tpu.yield
    }) : () -> ()
    %barrier3A = arith.constant 0 : index
    tpu.barrier barrier_id(%barrier3A)
    %scan3A_39 = arith.constant 0 : i32
    %scan3A_40 = arith.constant 0 : i32
    %scan3A_41 = arith.constant 250 : i32
    %scan3A_42 = arith.addi %scan3A_40, %scan3A_41 : i32
    %scan3A_43 = arith.constant 1 : i32
    %scan3A_44 = scf.for %scan3A_49 = %scan3A_40 to %scan3A_42 step %scan3A_43 iter_args(%scan3A_50 = %scan3A_39) -> (i32)  : i32 {
      %mul3A_51 = arith.constant 20000 : i32
      %mul3A_52 = arith.muli %arg1, %mul3A_51 : i32
      %mul3A_53 = arith.constant 80 : i32
      %mul3A_54 = arith.muli %scan3A_49, %mul3A_53 : i32
      %add3A_55 = arith.addi %mul3A_52, %mul3A_54 : i32
      "tpu.region"() ({
        %run_scoped3A = tpu.sem_alloc : memref<!tpu.dma_semaphore, #tpu.memory_space<semaphore_mem>>
        %dma_start3A_183 = tpu.memref_slice %arg5[%add3A_55] : memref<320000xi32, #tpu.memory_space<hbm>> -> memref<80xi32, #tpu.memory_space<hbm>>
        %dma_start3A_184 = tpu.memref_slice %arg5[%add3A_55] : memref<320000xi32, #tpu.memory_space<hbm>> -> memref<80xi32, #tpu.memory_space<hbm>>
        tpu.enqueue_dma source(%dma_start3A_184 : memref<80xi32, #tpu.memory_space<hbm>>) target(%arg8 : memref<80xi32, #tpu.memory_space<vmem>>) target_semaphore(%run_scoped3A : memref<!tpu.dma_semaphore, #tpu.memory_space<semaphore_mem>>)
        %dma_wait3A_185 = tpu.memref_slice %arg5[%add3A_55] : memref<320000xi32, #tpu.memory_space<hbm>> -> memref<80xi32, #tpu.memory_space<hbm>>
        %dma_wait3A_186 = tpu.memref_slice %arg5[%add3A_55] : memref<320000xi32, #tpu.memory_space<hbm>> -> memref<80xi32, #tpu.memory_space<hbm>>
        tpu.wait_dma2 semaphore(%run_scoped3A : memref<!tpu.dma_semaphore, #tpu.memory_space<semaphore_mem>>) src(%dma_wait3A_186 : memref<80xi32, #tpu.memory_space<hbm>>) dst(%arg8 : memref<80xi32, #tpu.memory_space<vmem>>)
        tpu.yield
      }) : () -> ()
      "tpu.region"() ({
        %run_scoped3A = tpu.sem_alloc : memref<!tpu.dma_semaphore, #tpu.memory_space<semaphore_mem>>
        %dma_start3A_183 = tpu.memref_slice %arg6[%add3A_55] : memref<320000xi32, #tpu.memory_space<hbm>> -> memref<80xi32, #tpu.memory_space<hbm>>
        %dma_start3A_184 = tpu.memref_slice %arg6[%add3A_55] : memref<320000xi32, #tpu.memory_space<hbm>> -> memref<80xi32, #tpu.memory_space<hbm>>
        tpu.enqueue_dma source(%dma_start3A_184 : memref<80xi32, #tpu.memory_space<hbm>>) target(%arg9 : memref<80xi32, #tpu.memory_space<vmem>>) target_semaphore(%run_scoped3A : memref<!tpu.dma_semaphore, #tpu.memory_space<semaphore_mem>>)
        %dma_wait3A_185 = tpu.memref_slice %arg6[%add3A_55] : memref<320000xi32, #tpu.memory_space<hbm>> -> memref<80xi32, #tpu.memory_space<hbm>>
        %dma_wait3A_186 = tpu.memref_slice %arg6[%add3A_55] : memref<320000xi32, #tpu.memory_space<hbm>> -> memref<80xi32, #tpu.memory_space<hbm>>
        tpu.wait_dma2 semaphore(%run_scoped3A : memref<!tpu.dma_semaphore, #tpu.memory_space<semaphore_mem>>) src(%dma_wait3A_186 : memref<80xi32, #tpu.memory_space<hbm>>) dst(%arg9 : memref<80xi32, #tpu.memory_space<vmem>>)
        tpu.yield
      }) : () -> ()
      %scan3A_56 = arith.constant 0 : i32
      %scan3A_57 = arith.constant 0 : i32
      %scan3A_58 = arith.constant 5 : i32
      %scan3A_59 = arith.addi %scan3A_57, %scan3A_58 : i32
      %scan3A_60 = arith.constant 1 : i32
      %scan3A_61 = scf.for %scan3A_183 = %scan3A_57 to %scan3A_59 step %scan3A_60 iter_args(%scan3A_184 = %scan3A_56) -> (i32)  : i32 {
        %mul3A_185 = arith.constant 16 : i32
        %mul3A_186 = arith.muli %scan3A_183, %mul3A_185 : i32
        %get3A = arith.index_cast %mul3A_186 : i32 to index
        %get3A_187 = tpu.vector_load %arg8[%get3A] {strides = array<i32>} : memref<80xi32, #tpu.memory_space<vmem>>, vector<16xi32>,
        %mul3A_188 = arith.constant 10000 : i32
        %mul3A_189 = arith.muli %arg0, %mul3A_188 : i32
        %add3A_190 = vector.broadcast %mul3A_189 : i32 to vector<16xi32>
        %add3A_191 = arith.addi %get3A_187, %add3A_190 : vector<16xi32>
        %mul3A_192 = arith.constant 16 : i32
        %mul3A_193 = arith.muli %scan3A_183, %mul3A_192 : i32
        %swap3A = arith.index_cast %mul3A_193 : i32 to index
        %swap3A_194 = tpu.vector_load %arg10[%swap3A] {strides = array<i32>} : memref<80xi32, #tpu.memory_space<vmem>>, vector<16xi32>,
        tpu.vector_store %arg10[%swap3A], %add3A_191 {strides = array<i32>} : memref<80xi32, #tpu.memory_space<vmem>>, vector<16xi32>,
        %scan3A_195 = arith.constant 0 : i32
        scf.yield %scan3A_195 : i32
      }
      %scan3A_62 = arith.constant 5 : i32
      %dma_start3A = arith.constant 0 : i32
      %dma_start3A_63 = arith.constant 0 : i32
      %dma_start3A_64 = tpu.memref_slice %arg11[%dma_start3A, %dma_start3A_63] : memref<80x128xf32, #tpu.memory_space<vmem>> -> memref<40x128xf32, #tpu.memory_space<vmem>>
      %dma_start3A_65 = arith.constant 0 : i32
      %dma_start3A_66 = tpu.memref_slice %arg10[%dma_start3A_65] : memref<80xi32, #tpu.memory_space<vmem>> -> memref<40xi32, #tpu.memory_space<vmem>>
      %dma_start3A_67 = arith.constant 0 : i32
      %dma_start3A_68 = arith.constant 0 : i32
      %dma_start3A_69 = tpu.memref_slice %arg2[%dma_start3A_67, %dma_start3A_68] : memref<20000x128xf32, #tpu.memory_space<hbm>> -> memref<20000x128xf32, #tpu.memory_space<hbm>>
      tpu.enqueue_indirect_dma source(%dma_start3A_69 : memref<20000x128xf32, #tpu.memory_space<hbm>>) target(%dma_start3A_64 : memref<40x128xf32, #tpu.memory_space<vmem>>) offsets(%dma_start3A_66 : memref<40xi32, #tpu.memory_space<vmem>>) semaphore(%arg16 : memref<!tpu.dma_semaphore, #tpu.memory_space<semaphore_mem>>)
      %dma_start3A_70 = arith.constant 0 : i32
      %dma_start3A_71 = arith.constant 0 : i32
      %dma_start3A_72 = tpu.memref_slice %arg12[%dma_start3A_70, %dma_start3A_71] : memref<80x128xf32, #tpu.memory_space<vmem>> -> memref<40x128xf32, #tpu.memory_space<vmem>>
      %dma_start3A_73 = arith.constant 0 : i32
      %dma_start3A_74 = tpu.memref_slice %arg9[%dma_start3A_73] : memref<80xi32, #tpu.memory_space<vmem>> -> memref<40xi32, #tpu.memory_space<vmem>>
      %dma_start3A_75 = arith.constant 0 : i32
      %dma_start3A_76 = arith.constant 0 : i32
      %dma_start3A_77 = tpu.memref_slice %arg3[%dma_start3A_75, %dma_start3A_76] : memref<10000x128xf32, #tpu.memory_space<hbm>> -> memref<10000x128xf32, #tpu.memory_space<hbm>>
      tpu.enqueue_indirect_dma source(%dma_start3A_77 : memref<10000x128xf32, #tpu.memory_space<hbm>>) target(%dma_start3A_72 : memref<40x128xf32, #tpu.memory_space<vmem>>) offsets(%dma_start3A_74 : memref<40xi32, #tpu.memory_space<vmem>>) semaphore(%arg16 : memref<!tpu.dma_semaphore, #tpu.memory_space<semaphore_mem>>)
      %dma_start3A_78 = arith.constant 40 : i32
      %dma_start3A_79 = arith.constant 0 : i32
      %dma_start3A_80 = tpu.memref_slice %arg11[%dma_start3A_78, %dma_start3A_79] : memref<80x128xf32, #tpu.memory_space<vmem>> -> memref<40x128xf32, #tpu.memory_space<vmem>>
      %dma_start3A_81 = arith.constant 40 : i32
      %dma_start3A_82 = tpu.memref_slice %arg10[%dma_start3A_81] : memref<80xi32, #tpu.memory_space<vmem>> -> memref<40xi32, #tpu.memory_space<vmem>>
      %dma_start3A_83 = arith.constant 0 : i32
      %dma_start3A_84 = arith.constant 0 : i32
      %dma_start3A_85 = tpu.memref_slice %arg2[%dma_start3A_83, %dma_start3A_84] : memref<20000x128xf32, #tpu.memory_space<hbm>> -> memref<20000x128xf32, #tpu.memory_space<hbm>>
      tpu.enqueue_indirect_dma source(%dma_start3A_85 : memref<20000x128xf32, #tpu.memory_space<hbm>>) target(%dma_start3A_80 : memref<40x128xf32, #tpu.memory_space<vmem>>) offsets(%dma_start3A_82 : memref<40xi32, #tpu.memory_space<vmem>>) semaphore(%arg17 : memref<!tpu.dma_semaphore, #tpu.memory_space<semaphore_mem>>)
      %dma_start3A_86 = arith.constant 40 : i32
      %dma_start3A_87 = arith.constant 0 : i32
      %dma_start3A_88 = tpu.memref_slice %arg12[%dma_start3A_86, %dma_start3A_87] : memref<80x128xf32, #tpu.memory_space<vmem>> -> memref<40x128xf32, #tpu.memory_space<vmem>>
      %dma_start3A_89 = arith.constant 40 : i32
      %dma_start3A_90 = tpu.memref_slice %arg9[%dma_start3A_89] : memref<80xi32, #tpu.memory_space<vmem>> -> memref<40xi32, #tpu.memory_space<vmem>>
      %dma_start3A_91 = arith.constant 0 : i32
      %dma_start3A_92 = arith.constant 0 : i32
      %dma_start3A_93 = tpu.memref_slice %arg3[%dma_start3A_91, %dma_start3A_92] : memref<10000x128xf32, #tpu.memory_space<hbm>> -> memref<10000x128xf32, #tpu.memory_space<hbm>>
      tpu.enqueue_indirect_dma source(%dma_start3A_93 : memref<10000x128xf32, #tpu.memory_space<hbm>>) target(%dma_start3A_88 : memref<40x128xf32, #tpu.memory_space<vmem>>) offsets(%dma_start3A_90 : memref<40xi32, #tpu.memory_space<vmem>>) semaphore(%arg17 : memref<!tpu.dma_semaphore, #tpu.memory_space<semaphore_mem>>)
      %jit3A = arith.constant 8 : i32
      %div3A = arith.divsi %add3A_55, %jit3A : i32
      %sign3A = arith.constant 0 : i32
      %sign3A_94 = arith.cmpi sgt, %add3A_55, %sign3A : i32
      %sign3A_95 = arith.extui %sign3A_94 : i1 to i32
      %sign3A_96 = arith.constant 0 : i32
      %sign3A_97 = arith.cmpi slt, %add3A_55, %sign3A_96 : i32
      %sign3A_98 = arith.extui %sign3A_97 : i1 to i32
      %sign3A_99 = arith.subi %sign3A_95, %sign3A_98 : i32
      %sign3A_100 = arith.constant 0 : i32
      %sign3A_101 = arith.cmpi sgt, %jit3A, %sign3A_100 : i32
      %sign3A_102 = arith.extui %sign3A_101 : i1 to i32
      %sign3A_103 = arith.constant 0 : i32
      %sign3A_104 = arith.cmpi slt, %jit3A, %sign3A_103 : i32
      %sign3A_105 = arith.extui %sign3A_104 : i1 to i32
      %sign3A_106 = arith.subi %sign3A_102, %sign3A_105 : i32
      %ne3A = arith.cmpi ne, %sign3A_99, %sign3A_106 : i32
      %rem3A = arith.remsi %add3A_55, %jit3A : i32
      %ne3A_107 = arith.constant 0 : i32
      %ne3A_108 = arith.cmpi ne, %rem3A, %ne3A_107 : i32
      %and3A = arith.andi %ne3A, %ne3A_108 : i1
      %sub3A = arith.constant 1 : i32
      %sub3A_109 = arith.subi %div3A, %sub3A : i32
      %select_n3A = arith.select %and3A, %sub3A_109, %div3A : i32
      %jit3A_110 = arith.constant 8 : i32
      %div3A_111 = arith.divsi %select_n3A, %jit3A_110 : i32
      %sign3A_112 = arith.constant 0 : i32
      %sign3A_113 = arith.cmpi sgt, %select_n3A, %sign3A_112 : i32
      %sign3A_114 = arith.extui %sign3A_113 : i1 to i32
      %sign3A_115 = arith.constant 0 : i32
      %sign3A_116 = arith.cmpi slt, %select_n3A, %sign3A_115 : i32
      %sign3A_117 = arith.extui %sign3A_116 : i1 to i32
      %sign3A_118 = arith.subi %sign3A_114, %sign3A_117 : i32
      %sign3A_119 = arith.constant 0 : i32
      %sign3A_120 = arith.cmpi sgt, %jit3A_110, %sign3A_119 : i32
      %sign3A_121 = arith.extui %sign3A_120 : i1 to i32
      %sign3A_122 = arith.constant 0 : i32
      %sign3A_123 = arith.cmpi slt, %jit3A_110, %sign3A_122 : i32
      %sign3A_124 = arith.extui %sign3A_123 : i1 to i32
      %sign3A_125 = arith.subi %sign3A_121, %sign3A_124 : i32
      %ne3A_126 = arith.cmpi ne, %sign3A_118, %sign3A_125 : i32
      %rem3A_127 = arith.remsi %select_n3A, %jit3A_110 : i32
      %ne3A_128 = arith.constant 0 : i32
      %ne3A_129 = arith.cmpi ne, %rem3A_127, %ne3A_128 : i32
      %and3A_130 = arith.andi %ne3A_126, %ne3A_129 : i1
      %sub3A_131 = arith.constant 1 : i32
      %sub3A_132 = arith.subi %div3A_111, %sub3A_131 : i32
      %select_n3A_133 = arith.select %and3A_130, %sub3A_132, %div3A_111 : i32
      %mul3A_134 = arith.constant 8 : i32
      %mul3A_135 = arith.muli %select_n3A_133, %mul3A_134 : i32
      %sub3A_136 = arith.subi %select_n3A, %mul3A_135 : i32
      "tpu.region"() ({
        %run_scoped3A = tpu.sem_alloc : memref<!tpu.dma_semaphore, #tpu.memory_space<semaphore_mem>>
        %dma_start3A_183 = arith.constant 0 : i32
        %dma_start3A_184 = tpu.memref_slice %arg4[%arg0, %mul3A_135, %dma_start3A_183] : memref<2x40008x128xf32, #tpu.memory_space<hbm>> -> memref<1x24x128xf32, #tpu.memory_space<hbm>>
        %dma_start3A_185 = tpu.memref_squeeze %dma_start3A_184 : memref<1x24x128xf32, #tpu.memory_space<hbm>> -> memref<24x128xf32, #tpu.memory_space<hbm>>
        %dma_start3A_186 = arith.constant 0 : i32
        %dma_start3A_187 = tpu.memref_slice %arg4[%arg0, %mul3A_135, %dma_start3A_186] : memref<2x40008x128xf32, #tpu.memory_space<hbm>> -> memref<1x24x128xf32, #tpu.memory_space<hbm>>
        %dma_start3A_188 = tpu.memref_squeeze %dma_start3A_187 : memref<1x24x128xf32, #tpu.memory_space<hbm>> -> memref<24x128xf32, #tpu.memory_space<hbm>>
        tpu.enqueue_dma source(%dma_start3A_188 : memref<24x128xf32, #tpu.memory_space<hbm>>) target(%arg13 : memref<24x128xf32, #tpu.memory_space<vmem>>) target_semaphore(%run_scoped3A : memref<!tpu.dma_semaphore, #tpu.memory_space<semaphore_mem>>)
        %dma_wait3A_189 = arith.constant 0 : i32
        %dma_wait3A_190 = tpu.memref_slice %arg4[%arg0, %mul3A_135, %dma_wait3A_189] : memref<2x40008x128xf32, #tpu.memory_space<hbm>> -> memref<1x24x128xf32, #tpu.memory_space<hbm>>
        %dma_wait3A_191 = tpu.memref_squeeze %dma_wait3A_190 : memref<1x24x128xf32, #tpu.memory_space<hbm>> -> memref<24x128xf32, #tpu.memory_space<hbm>>
        %dma_wait3A_192 = arith.constant 0 : i32
        %dma_wait3A_193 = tpu.memref_slice %arg4[%arg0, %mul3A_135, %dma_wait3A_192] : memref<2x40008x128xf32, #tpu.memory_space<hbm>> -> memref<1x24x128xf32, #tpu.memory_space<hbm>>
        %dma_wait3A_194 = tpu.memref_squeeze %dma_wait3A_193 : memref<1x24x128xf32, #tpu.memory_space<hbm>> -> memref<24x128xf32, #tpu.memory_space<hbm>>
        tpu.wait_dma2 semaphore(%run_scoped3A : memref<!tpu.dma_semaphore, #tpu.memory_space<semaphore_mem>>) src(%dma_wait3A_194 : memref<24x128xf32, #tpu.memory_space<hbm>>) dst(%arg13 : memref<24x128xf32, #tpu.memory_space<vmem>>)
        tpu.yield
      }) : () -> ()
      %dma_wait3A = arith.constant 0 : i32
      %dma_wait3A_137 = arith.constant 0 : i32
      %dma_wait3A_138 = tpu.memref_slice %arg11[%dma_wait3A, %dma_wait3A_137] : memref<80x128xf32, #tpu.memory_space<vmem>> -> memref<40x128xf32, #tpu.memory_space<vmem>>
      %dma_wait3A_139 = arith.constant 0 : i32
      %dma_wait3A_140 = tpu.memref_slice %arg10[%dma_wait3A_139] : memref<80xi32, #tpu.memory_space<vmem>> -> memref<40xi32, #tpu.memory_space<vmem>>
      %dma_wait3A_141 = arith.constant 0 : i32
      %dma_wait3A_142 = arith.constant 0 : i32
      %dma_wait3A_143 = tpu.memref_slice %arg2[%dma_wait3A_141, %dma_wait3A_142] : memref<20000x128xf32, #tpu.memory_space<hbm>> -> memref<20000x128xf32, #tpu.memory_space<hbm>>
      tpu.wait_indirect_dma semaphore(%arg16 : memref<!tpu.dma_semaphore, #tpu.memory_space<semaphore_mem>>) src(%dma_wait3A_143 : memref<20000x128xf32, #tpu.memory_space<hbm>>) dst(%dma_wait3A_138 : memref<40x128xf32, #tpu.memory_space<vmem>>)
      %dma_wait3A_144 = arith.constant 0 : i32
      %dma_wait3A_145 = arith.constant 0 : i32
      %dma_wait3A_146 = tpu.memref_slice %arg12[%dma_wait3A_144, %dma_wait3A_145] : memref<80x128xf32, #tpu.memory_space<vmem>> -> memref<40x128xf32, #tpu.memory_space<vmem>>
      %dma_wait3A_147 = arith.constant 0 : i32
      %dma_wait3A_148 = tpu.memref_slice %arg9[%dma_wait3A_147] : memref<80xi32, #tpu.memory_space<vmem>> -> memref<40xi32, #tpu.memory_space<vmem>>
      %dma_wait3A_149 = arith.constant 0 : i32
      %dma_wait3A_150 = arith.constant 0 : i32
      %dma_wait3A_151 = tpu.memref_slice %arg3[%dma_wait3A_149, %dma_wait3A_150] : memref<10000x128xf32, #tpu.memory_space<hbm>> -> memref<10000x128xf32, #tpu.memory_space<hbm>>
      tpu.wait_indirect_dma semaphore(%arg16 : memref<!tpu.dma_semaphore, #tpu.memory_space<semaphore_mem>>) src(%dma_wait3A_151 : memref<10000x128xf32, #tpu.memory_space<hbm>>) dst(%dma_wait3A_146 : memref<40x128xf32, #tpu.memory_space<vmem>>)
      %scan3A_152 = arith.constant 0 : i32
      %scan3A_153 = arith.constant 0 : i32
      %scan3A_154 = arith.constant 5 : i32
      %scan3A_155 = arith.addi %scan3A_153, %scan3A_154 : i32
      %scan3A_156 = arith.constant 1 : i32
      %scan3A_157 = scf.for %scan3A_183 = %scan3A_153 to %scan3A_155 step %scan3A_156 iter_args(%scan3A_184 = %scan3A_152) -> (i32)  : i32 {
        %add3A_185 = arith.constant 0 : i32
        %add3A_186 = arith.addi %sub3A_136, %add3A_185 : i32
        %add3A_187 = arith.addi %add3A_186, %scan3A_183 : i32
        %mul3A_188 = arith.constant 8 : i32
        %mul3A_189 = arith.muli %scan3A_183, %mul3A_188 : i32
        %add3A_190 = arith.constant 0 : i32
        %add3A_191 = arith.addi %add3A_190, %mul3A_189 : i32
        %add3A_192 = arith.constant 0 : i32
        %add3A_193 = arith.addi %add3A_191, %add3A_192 : i32
        %get3A = arith.index_cast %add3A_193 : i32 to index
        %get3A_194 = arith.constant 0 : index
        %get3A_195 = tpu.vector_load %arg11[%get3A, %get3A_194] {strides = array<i32>} : memref<80x128xf32, #tpu.memory_space<vmem>>, vector<16xf32>,
        %add3A_196 = arith.constant 0 : i32
        %add3A_197 = arith.addi %mul3A_0, %add3A_196 : i32
        %get3A_198 = arith.index_cast %add3A_193 : i32 to index
        %get3A_199 = arith.index_cast %add3A_197 : i32 to index
        %get3A_200 = tpu.vector_load %arg12[%get3A_198, %get3A_199] {strides = array<i32>} : memref<80x128xf32, #tpu.memory_space<vmem>>, vector<16xf32>,
        %eq3A_201 = arith.constant 0 : i32
        %eq3A_202 = vector.broadcast %eq3A_201 : i32 to vector<16xi32>
        %eq3A_203 = arith.cmpi eq, %iota3A, %eq3A_202 : vector<16xi32>
        %mul3A_204 = arith.mulf %get3A_195, %get3A_200 : vector<16xf32>
        %reduce_sum3A = arith.constant true
        %reduce_sum3A_205 = vector.broadcast %reduce_sum3A : i1 to vector<16xi1>
        %reduce_sum3A_206 = tpu.scan <sum>, %mul3A_204 masked %reduce_sum3A_205 : vector<16xf32>, vector<16xi1> -> vector<16xf32>
        %reduce_sum3A_207 = vector.extract %reduce_sum3A_206[15] : f32 from vector<16xf32>
        %broadcast_in_dim3A_208 = vector.broadcast %reduce_sum3A_207 : f32 to vector<16xf32>
        %select_n3A_209 = arith.select %eq3A_203, %broadcast_in_dim3A_208, %broadcast_in_dim3A_1 : vector<16xi1>, vector<16xf32>
        %get3A_210 = arith.index_cast %add3A_193 : i32 to index
        %get3A_211 = arith.constant 16 : index
        %get3A_212 = tpu.vector_load %arg11[%get3A_210, %get3A_211] {strides = array<i32>} : memref<80x128xf32, #tpu.memory_space<vmem>>, vector<16xf32>,
        %add3A_213 = arith.constant 16 : i32
        %add3A_214 = arith.addi %mul3A_0, %add3A_213 : i32
        %get3A_215 = arith.index_cast %add3A_193 : i32 to index
        %get3A_216 = arith.index_cast %add3A_214 : i32 to index
        %get3A_217 = tpu.vector_load %arg12[%get3A_215, %get3A_216] {strides = array<i32>} : memref<80x128xf32, #tpu.memory_space<vmem>>, vector<16xf32>,
        %eq3A_218 = arith.constant 1 : i32
        %eq3A_219 = vector.broadcast %eq3A_218 : i32 to vector<16xi32>
        %eq3A_220 = arith.cmpi eq, %iota3A, %eq3A_219 : vector<16xi32>
        %mul3A_221 = arith.mulf %get3A_212, %get3A_217 : vector<16xf32>
        %reduce_sum3A_222 = arith.constant true
        %reduce_sum3A_223 = vector.broadcast %reduce_sum3A_222 : i1 to vector<16xi1>
        %reduce_sum3A_224 = tpu.scan <sum>, %mul3A_221 masked %reduce_sum3A_223 : vector<16xf32>, vector<16xi1> -> vector<16xf32>
        %reduce_sum3A_225 = vector.extract %reduce_sum3A_224[15] : f32 from vector<16xf32>
        %broadcast_in_dim3A_226 = vector.broadcast %reduce_sum3A_225 : f32 to vector<16xf32>
        %select_n3A_227 = arith.select %eq3A_220, %broadcast_in_dim3A_226, %select_n3A_209 : vector<16xi1>, vector<16xf32>
        %get3A_228 = arith.index_cast %add3A_193 : i32 to index
        %get3A_229 = arith.constant 32 : index
        %get3A_230 = tpu.vector_load %arg11[%get3A_228, %get3A_229] {strides = array<i32>} : memref<80x128xf32, #tpu.memory_space<vmem>>, vector<16xf32>,
        %add3A_231 = arith.constant 32 : i32
        %add3A_232 = arith.addi %mul3A_0, %add3A_231 : i32
        %get3A_233 = arith.index_cast %add3A_193 : i32 to index
        %get3A_234 = arith.index_cast %add3A_232 : i32 to index
        %get3A_235 = tpu.vector_load %arg12[%get3A_233, %get3A_234] {strides = array<i32>} : memref<80x128xf32, #tpu.memory_space<vmem>>, vector<16xf32>,
        %eq3A_236 = arith.constant 2 : i32
        %eq3A_237 = vector.broadcast %eq3A_236 : i32 to vector<16xi32>
        %eq3A_238 = arith.cmpi eq, %iota3A, %eq3A_237 : vector<16xi32>
        %mul3A_239 = arith.mulf %get3A_230, %get3A_235 : vector<16xf32>
        %reduce_sum3A_240 = arith.constant true
        %reduce_sum3A_241 = vector.broadcast %reduce_sum3A_240 : i1 to vector<16xi1>
        %reduce_sum3A_242 = tpu.scan <sum>, %mul3A_239 masked %reduce_sum3A_241 : vector<16xf32>, vector<16xi1> -> vector<16xf32>
        %reduce_sum3A_243 = vector.extract %reduce_sum3A_242[15] : f32 from vector<16xf32>
        %broadcast_in_dim3A_244 = vector.broadcast %reduce_sum3A_243 : f32 to vector<16xf32>
        %select_n3A_245 = arith.select %eq3A_238, %broadcast_in_dim3A_244, %select_n3A_227 : vector<16xi1>, vector<16xf32>
        %get3A_246 = arith.index_cast %add3A_193 : i32 to index
        %get3A_247 = arith.constant 48 : index
        %get3A_248 = tpu.vector_load %arg11[%get3A_246, %get3A_247] {strides = array<i32>} : memref<80x128xf32, #tpu.memory_space<vmem>>, vector<16xf32>,
        %add3A_249 = arith.constant 48 : i32
        %add3A_250 = arith.addi %mul3A_0, %add3A_249 : i32
        %get3A_251 = arith.index_cast %add3A_193 : i32 to index
        %get3A_252 = arith.index_cast %add3A_250 : i32 to index
        %get3A_253 = tpu.vector_load %arg12[%get3A_251, %get3A_252] {strides = array<i32>} : memref<80x128xf32, #tpu.memory_space<vmem>>, vector<16xf32>,
        %eq3A_254 = arith.constant 3 : i32
        %eq3A_255 = vector.broadcast %eq3A_254 : i32 to vector<16xi32>
        %eq3A_256 = arith.cmpi eq, %iota3A, %eq3A_255 : vector<16xi32>
        %mul3A_257 = arith.mulf %get3A_248, %get3A_253 : vector<16xf32>
        %reduce_sum3A_258 = arith.constant true
        %reduce_sum3A_259 = vector.broadcast %reduce_sum3A_258 : i1 to vector<16xi1>
        %reduce_sum3A_260 = tpu.scan <sum>, %mul3A_257 masked %reduce_sum3A_259 : vector<16xf32>, vector<16xi1> -> vector<16xf32>
        %reduce_sum3A_261 = vector.extract %reduce_sum3A_260[15] : f32 from vector<16xf32>
        %broadcast_in_dim3A_262 = vector.broadcast %reduce_sum3A_261 : f32 to vector<16xf32>
        %select_n3A_263 = arith.select %eq3A_256, %broadcast_in_dim3A_262, %select_n3A_245 : vector<16xi1>, vector<16xf32>
        %mul3A_264 = arith.constant 2.500000e-01 : f32
        %mul3A_265 = vector.broadcast %mul3A_264 : f32 to vector<16xf32>
        %mul3A_266 = arith.mulf %select_n3A_263, %mul3A_265 : vector<16xf32>
        %get3A_267 = arith.index_cast %add3A_187 : i32 to index
        %get3A_268 = arith.constant 0 : index
        %get3A_269 = tpu.vector_load %arg13[%get3A_267, %get3A_268] {strides = array<i32>} : memref<24x128xf32, #tpu.memory_space<vmem>>, vector<16xf32>,
        %add3A_270 = arith.addf %mul3A_266, %get3A_269 : vector<16xf32>
        %ge3A = arith.constant 0.000000e+00 : f32
        %ge3A_271 = vector.broadcast %ge3A : f32 to vector<16xf32>
        %ge3A_272 = arith.cmpf oge, %add3A_270, %ge3A_271 : vector<16xf32>
        %mul3A_273 = arith.constant 2.000000e-01 : f32
        %mul3A_274 = vector.broadcast %mul3A_273 : f32 to vector<16xf32>
        %mul3A_275 = arith.mulf %mul3A_274, %add3A_270 : vector<16xf32>
        %select_n3A_276 = arith.select %ge3A_272, %add3A_270, %mul3A_275 : vector<16xi1>, vector<16xf32>
        %exp3A = math.exp %select_n3A_276 : vector<16xf32>
        %swap3A = arith.index_cast %add3A_193 : i32 to index
        %swap3A_277 = arith.constant 64 : index
        %swap3A_278 = tpu.vector_load %arg14[%swap3A, %swap3A_277] {strides = array<i32>} : memref<80x128xf32, #tpu.memory_space<vmem>>, vector<16xf32>,
        tpu.vector_store %arg14[%swap3A, %swap3A_277], %exp3A {strides = array<i32>} : memref<80x128xf32, #tpu.memory_space<vmem>>, vector<16xf32>,
        %get3A_279 = arith.index_cast %add3A_193 : i32 to index
        %get3A_280 = arith.constant 64 : index
        %get3A_281 = tpu.vector_load %arg11[%get3A_279, %get3A_280] {strides = array<i32>} : memref<80x128xf32, #tpu.memory_space<vmem>>, vector<16xf32>,
        %slice3A = vector.extract_strided_slice %exp3A {offsets = [0], sizes = [1], strides = [1]} : vector<16xf32> to vector<1xf32>
        %squeeze3A = vector.extract %slice3A[0] : f32 from vector<1xf32>
        %mul3A_282 = vector.broadcast %squeeze3A : f32 to vector<16xf32>
        %mul3A_283 = arith.mulf %get3A_281, %mul3A_282 : vector<16xf32>
        %swap3A_284 = arith.index_cast %add3A_193 : i32 to index
        %swap3A_285 = arith.constant 0 : index
        %swap3A_286 = tpu.vector_load %arg14[%swap3A_284, %swap3A_285] {strides = array<i32>} : memref<80x128xf32, #tpu.memory_space<vmem>>, vector<16xf32>,
        tpu.vector_store %arg14[%swap3A_284, %swap3A_285], %mul3A_283 {strides = array<i32>} : memref<80x128xf32, #tpu.memory_space<vmem>>, vector<16xf32>,
        %get3A_287 = arith.index_cast %add3A_193 : i32 to index
        %get3A_288 = arith.constant 80 : index
        %get3A_289 = tpu.vector_load %arg11[%get3A_287, %get3A_288] {strides = array<i32>} : memref<80x128xf32, #tpu.memory_space<vmem>>, vector<16xf32>,
        %slice3A_290 = vector.extract_strided_slice %exp3A {offsets = [1], sizes = [1], strides = [1]} : vector<16xf32> to vector<1xf32>
        %squeeze3A_291 = vector.extract %slice3A_290[0] : f32 from vector<1xf32>
        %mul3A_292 = vector.broadcast %squeeze3A_291 : f32 to vector<16xf32>
        %mul3A_293 = arith.mulf %get3A_289, %mul3A_292 : vector<16xf32>
        %swap3A_294 = arith.index_cast %add3A_193 : i32 to index
        %swap3A_295 = arith.constant 16 : index
        %swap3A_296 = tpu.vector_load %arg14[%swap3A_294, %swap3A_295] {strides = array<i32>} : memref<80x128xf32, #tpu.memory_space<vmem>>, vector<16xf32>,
        tpu.vector_store %arg14[%swap3A_294, %swap3A_295], %mul3A_293 {strides = array<i32>} : memref<80x128xf32, #tpu.memory_space<vmem>>, vector<16xf32>,
        %get3A_297 = arith.index_cast %add3A_193 : i32 to index
        %get3A_298 = arith.constant 96 : index
        %get3A_299 = tpu.vector_load %arg11[%get3A_297, %get3A_298] {strides = array<i32>} : memref<80x128xf32, #tpu.memory_space<vmem>>, vector<16xf32>,
        %slice3A_300 = vector.extract_strided_slice %exp3A {offsets = [2], sizes = [1], strides = [1]} : vector<16xf32> to vector<1xf32>
        %squeeze3A_301 = vector.extract %slice3A_300[0] : f32 from vector<1xf32>
        %mul3A_302 = vector.broadcast %squeeze3A_301 : f32 to vector<16xf32>
        %mul3A_303 = arith.mulf %get3A_299, %mul3A_302 : vector<16xf32>
        %swap3A_304 = arith.index_cast %add3A_193 : i32 to index
        %swap3A_305 = arith.constant 32 : index
        %swap3A_306 = tpu.vector_load %arg14[%swap3A_304, %swap3A_305] {strides = array<i32>} : memref<80x128xf32, #tpu.memory_space<vmem>>, vector<16xf32>,
        tpu.vector_store %arg14[%swap3A_304, %swap3A_305], %mul3A_303 {strides = array<i32>} : memref<80x128xf32, #tpu.memory_space<vmem>>, vector<16xf32>,
        %get3A_307 = arith.index_cast %add3A_193 : i32 to index
        %get3A_308 = arith.constant 112 : index
        %get3A_309 = tpu.vector_load %arg11[%get3A_307, %get3A_308] {strides = array<i32>} : memref<80x128xf32, #tpu.memory_space<vmem>>, vector<16xf32>,
        %slice3A_310 = vector.extract_strided_slice %exp3A {offsets = [3], sizes = [1], strides = [1]} : vector<16xf32> to vector<1xf32>
        %squeeze3A_311 = vector.extract %slice3A_310[0] : f32 from vector<1xf32>
        %mul3A_312 = vector.broadcast %squeeze3A_311 : f32 to vector<16xf32>
        %mul3A_313 = arith.mulf %get3A_309, %mul3A_312 : vector<16xf32>
        %swap3A_314 = arith.index_cast %add3A_193 : i32 to index
        %swap3A_315 = arith.constant 48 : index
        %swap3A_316 = tpu.vector_load %arg14[%swap3A_314, %swap3A_315] {strides = array<i32>} : memref<80x128xf32, #tpu.memory_space<vmem>>, vector<16xf32>,
        tpu.vector_store %arg14[%swap3A_314, %swap3A_315], %mul3A_313 {strides = array<i32>} : memref<80x128xf32, #tpu.memory_space<vmem>>, vector<16xf32>,
        %mul3A_317 = arith.constant 8 : i32
        %mul3A_318 = arith.muli %scan3A_183, %mul3A_317 : i32
        %add3A_319 = arith.constant 0 : i32
        %add3A_320 = arith.addi %add3A_319, %mul3A_318 : i32
        %add3A_321 = arith.constant 1 : i32
        %add3A_322 = arith.addi %add3A_320, %add3A_321 : i32
        %get3A_323 = arith.index_cast %add3A_322 : i32 to index
        %get3A_324 = arith.constant 0 : index
        %get3A_325 = tpu.vector_load %arg11[%get3A_323, %get3A_324] {strides = array<i32>} : memref<80x128xf32, #tpu.memory_space<vmem>>, vector<16xf32>,
        %add3A_326 = arith.constant 0 : i32
        %add3A_327 = arith.addi %mul3A_0, %add3A_326 : i32
        %get3A_328 = arith.index_cast %add3A_322 : i32 to index
        %get3A_329 = arith.index_cast %add3A_327 : i32 to index
        %get3A_330 = tpu.vector_load %arg12[%get3A_328, %get3A_329] {strides = array<i32>} : memref<80x128xf32, #tpu.memory_space<vmem>>, vector<16xf32>,
        %eq3A_331 = arith.constant 0 : i32
        %eq3A_332 = vector.broadcast %eq3A_331 : i32 to vector<16xi32>
        %eq3A_333 = arith.cmpi eq, %iota3A, %eq3A_332 : vector<16xi32>
        %mul3A_334 = arith.mulf %get3A_325, %get3A_330 : vector<16xf32>
        %reduce_sum3A_335 = arith.constant true
        %reduce_sum3A_336 = vector.broadcast %reduce_sum3A_335 : i1 to vector<16xi1>
        %reduce_sum3A_337 = tpu.scan <sum>, %mul3A_334 masked %reduce_sum3A_336 : vector<16xf32>, vector<16xi1> -> vector<16xf32>
        %reduce_sum3A_338 = vector.extract %reduce_sum3A_337[15] : f32 from vector<16xf32>
        %broadcast_in_dim3A_339 = vector.broadcast %reduce_sum3A_338 : f32 to vector<16xf32>
        %select_n3A_340 = arith.select %eq3A_333, %broadcast_in_dim3A_339, %broadcast_in_dim3A_1 : vector<16xi1>, vector<16xf32>
        %get3A_341 = arith.index_cast %add3A_322 : i32 to index
        %get3A_342 = arith.constant 16 : index
        %get3A_343 = tpu.vector_load %arg11[%get3A_341, %get3A_342] {strides = array<i32>} : memref<80x128xf32, #tpu.memory_space<vmem>>, vector<16xf32>,
        %add3A_344 = arith.constant 16 : i32
        %add3A_345 = arith.addi %mul3A_0, %add3A_344 : i32
        %get3A_346 = arith.index_cast %add3A_322 : i32 to index
        %get3A_347 = arith.index_cast %add3A_345 : i32 to index
        %get3A_348 = tpu.vector_load %arg12[%get3A_346, %get3A_347] {strides = array<i32>} : memref<80x128xf32, #tpu.memory_space<vmem>>, vector<16xf32>,
        %eq3A_349 = arith.constant 1 : i32
        %eq3A_350 = vector.broadcast %eq3A_349 : i32 to vector<16xi32>
        %eq3A_351 = arith.cmpi eq, %iota3A, %eq3A_350 : vector<16xi32>
        %mul3A_352 = arith.mulf %get3A_343, %get3A_348 : vector<16xf32>
        %reduce_sum3A_353 = arith.constant true
        %reduce_sum3A_354 = vector.broadcast %reduce_sum3A_353 : i1 to vector<16xi1>
        %reduce_sum3A_355 = tpu.scan <sum>, %mul3A_352 masked %reduce_sum3A_354 : vector<16xf32>, vector<16xi1> -> vector<16xf32>
        %reduce_sum3A_356 = vector.extract %reduce_sum3A_355[15] : f32 from vector<16xf32>
        %broadcast_in_dim3A_357 = vector.broadcast %reduce_sum3A_356 : f32 to vector<16xf32>
        %select_n3A_358 = arith.select %eq3A_351, %broadcast_in_dim3A_357, %select_n3A_340 : vector<16xi1>, vector<16xf32>
        %get3A_359 = arith.index_cast %add3A_322 : i32 to index
        %get3A_360 = arith.constant 32 : index
        %get3A_361 = tpu.vector_load %arg11[%get3A_359, %get3A_360] {strides = array<i32>} : memref<80x128xf32, #tpu.memory_space<vmem>>, vector<16xf32>,
        %add3A_362 = arith.constant 32 : i32
        %add3A_363 = arith.addi %mul3A_0, %add3A_362 : i32
        %get3A_364 = arith.index_cast %add3A_322 : i32 to index
        %get3A_365 = arith.index_cast %add3A_363 : i32 to index
        %get3A_366 = tpu.vector_load %arg12[%get3A_364, %get3A_365] {strides = array<i32>} : memref<80x128xf32, #tpu.memory_space<vmem>>, vector<16xf32>,
        %eq3A_367 = arith.constant 2 : i32
        %eq3A_368 = vector.broadcast %eq3A_367 : i32 to vector<16xi32>
        %eq3A_369 = arith.cmpi eq, %iota3A, %eq3A_368 : vector<16xi32>
        %mul3A_370 = arith.mulf %get3A_361, %get3A_366 : vector<16xf32>
        %reduce_sum3A_371 = arith.constant true
        %reduce_sum3A_372 = vector.broadcast %reduce_sum3A_371 : i1 to vector<16xi1>
        %reduce_sum3A_373 = tpu.scan <sum>, %mul3A_370 masked %reduce_sum3A_372 : vector<16xf32>, vector<16xi1> -> vector<16xf32>
        %reduce_sum3A_374 = vector.extract %reduce_sum3A_373[15] : f32 from vector<16xf32>
        %broadcast_in_dim3A_375 = vector.broadcast %reduce_sum3A_374 : f32 to vector<16xf32>
        %select_n3A_376 = arith.select %eq3A_369, %broadcast_in_dim3A_375, %select_n3A_358 : vector<16xi1>, vector<16xf32>
        %get3A_377 = arith.index_cast %add3A_322 : i32 to index
        %get3A_378 = arith.constant 48 : index
        %get3A_379 = tpu.vector_load %arg11[%get3A_377, %get3A_378] {strides = array<i32>} : memref<80x128xf32, #tpu.memory_space<vmem>>, vector<16xf32>,
        %add3A_380 = arith.constant 48 : i32
        %add3A_381 = arith.addi %mul3A_0, %add3A_380 : i32
        %get3A_382 = arith.index_cast %add3A_322 : i32 to index
        %get3A_383 = arith.index_cast %add3A_381 : i32 to index
        %get3A_384 = tpu.vector_load %arg12[%get3A_382, %get3A_383] {strides = array<i32>} : memref<80x128xf32, #tpu.memory_space<vmem>>, vector<16xf32>,
        %eq3A_385 = arith.constant 3 : i32
        %eq3A_386 = vector.broadcast %eq3A_385 : i32 to vector<16xi32>
        %eq3A_387 = arith.cmpi eq, %iota3A, %eq3A_386 : vector<16xi32>
        %mul3A_388 = arith.mulf %get3A_379, %get3A_384 : vector<16xf32>
        %reduce_sum3A_389 = arith.constant true
        %reduce_sum3A_390 = vector.broadcast %reduce_sum3A_389 : i1 to vector<16xi1>
        %reduce_sum3A_391 = tpu.scan <sum>, %mul3A_388 masked %reduce_sum3A_390 : vector<16xf32>, vector<16xi1> -> vector<16xf32>
        %reduce_sum3A_392 = vector.extract %reduce_sum3A_391[15] : f32 from vector<16xf32>
        %broadcast_in_dim3A_393 = vector.broadcast %reduce_sum3A_392 : f32 to vector<16xf32>
        %select_n3A_394 = arith.select %eq3A_387, %broadcast_in_dim3A_393, %select_n3A_376 : vector<16xi1>, vector<16xf32>
        %mul3A_395 = arith.constant 2.500000e-01 : f32
        %mul3A_396 = vector.broadcast %mul3A_395 : f32 to vector<16xf32>
        %mul3A_397 = arith.mulf %select_n3A_394, %mul3A_396 : vector<16xf32>
        %get3A_398 = arith.index_cast %add3A_187 : i32 to index
        %get3A_399 = arith.constant 16 : index
        %get3A_400 = tpu.vector_load %arg13[%get3A_398, %get3A_399] {strides = array<i32>} : memref<24x128xf32, #tpu.memory_space<vmem>>, vector<16xf32>,
        %add3A_401 = arith.addf %mul3A_397, %get3A_400 : vector<16xf32>
        %ge3A_402 = arith.constant 0.000000e+00 : f32
        %ge3A_403 = vector.broadcast %ge3A_402 : f32 to vector<16xf32>
        %ge3A_404 = arith.cmpf oge, %add3A_401, %ge3A_403 : vector<16xf32>
        %mul3A_405 = arith.constant 2.000000e-01 : f32
        %mul3A_406 = vector.broadcast %mul3A_405 : f32 to vector<16xf32>
        %mul3A_407 = arith.mulf %mul3A_406, %add3A_401 : vector<16xf32>
        %select_n3A_408 = arith.select %ge3A_404, %add3A_401, %mul3A_407 : vector<16xi1>, vector<16xf32>
        %exp3A_409 = math.exp %select_n3A_408 : vector<16xf32>
        %swap3A_410 = arith.index_cast %add3A_322 : i32 to index
        %swap3A_411 = arith.constant 64 : index
        %swap3A_412 = tpu.vector_load %arg14[%swap3A_410, %swap3A_411] {strides = array<i32>} : memref<80x128xf32, #tpu.memory_space<vmem>>, vector<16xf32>,
        tpu.vector_store %arg14[%swap3A_410, %swap3A_411], %exp3A_409 {strides = array<i32>} : memref<80x128xf32, #tpu.memory_space<vmem>>, vector<16xf32>,
        %get3A_413 = arith.index_cast %add3A_322 : i32 to index
        %get3A_414 = arith.constant 64 : index
        %get3A_415 = tpu.vector_load %arg11[%get3A_413, %get3A_414] {strides = array<i32>} : memref<80x128xf32, #tpu.memory_space<vmem>>, vector<16xf32>,
        %slice3A_416 = vector.extract_strided_slice %exp3A_409 {offsets = [0], sizes = [1], strides = [1]} : vector<16xf32> to vector<1xf32>
        %squeeze3A_417 = vector.extract %slice3A_416[0] : f32 from vector<1xf32>
        %mul3A_418 = vector.broadcast %squeeze3A_417 : f32 to vector<16xf32>
        %mul3A_419 = arith.mulf %get3A_415, %mul3A_418 : vector<16xf32>
        %swap3A_420 = arith.index_cast %add3A_322 : i32 to index
        %swap3A_421 = arith.constant 0 : index
        %swap3A_422 = tpu.vector_load %arg14[%swap3A_420, %swap3A_421] {strides = array<i32>} : memref<80x128xf32, #tpu.memory_space<vmem>>, vector<16xf32>,
        tpu.vector_store %arg14[%swap3A_420, %swap3A_421], %mul3A_419 {strides = array<i32>} : memref<80x128xf32, #tpu.memory_space<vmem>>, vector<16xf32>,
        %get3A_423 = arith.index_cast %add3A_322 : i32 to index
        %get3A_424 = arith.constant 80 : index
        %get3A_425 = tpu.vector_load %arg11[%get3A_423, %get3A_424] {strides = array<i32>} : memref<80x128xf32, #tpu.memory_space<vmem>>, vector<16xf32>,
        %slice3A_426 = vector.extract_strided_slice %exp3A_409 {offsets = [1], sizes = [1], strides = [1]} : vector<16xf32> to vector<1xf32>
        %squeeze3A_427 = vector.extract %slice3A_426[0] : f32 from vector<1xf32>
        %mul3A_428 = vector.broadcast %squeeze3A_427 : f32 to vector<16xf32>
        %mul3A_429 = arith.mulf %get3A_425, %mul3A_428 : vector<16xf32>
        %swap3A_430 = arith.index_cast %add3A_322 : i32 to index
        %swap3A_431 = arith.constant 16 : index
        %swap3A_432 = tpu.vector_load %arg14[%swap3A_430, %swap3A_431] {strides = array<i32>} : memref<80x128xf32, #tpu.memory_space<vmem>>, vector<16xf32>,
        tpu.vector_store %arg14[%swap3A_430, %swap3A_431], %mul3A_429 {strides = array<i32>} : memref<80x128xf32, #tpu.memory_space<vmem>>, vector<16xf32>,
        %get3A_433 = arith.index_cast %add3A_322 : i32 to index
        %get3A_434 = arith.constant 96 : index
        %get3A_435 = tpu.vector_load %arg11[%get3A_433, %get3A_434] {strides = array<i32>} : memref<80x128xf32, #tpu.memory_space<vmem>>, vector<16xf32>,
        %slice3A_436 = vector.extract_strided_slice %exp3A_409 {offsets = [2], sizes = [1], strides = [1]} : vector<16xf32> to vector<1xf32>
        %squeeze3A_437 = vector.extract %slice3A_436[0] : f32 from vector<1xf32>
        %mul3A_438 = vector.broadcast %squeeze3A_437 : f32 to vector<16xf32>
        %mul3A_439 = arith.mulf %get3A_435, %mul3A_438 : vector<16xf32>
        %swap3A_440 = arith.index_cast %add3A_322 : i32 to index
        %swap3A_441 = arith.constant 32 : index
        %swap3A_442 = tpu.vector_load %arg14[%swap3A_440, %swap3A_441] {strides = array<i32>} : memref<80x128xf32, #tpu.memory_space<vmem>>, vector<16xf32>,
        tpu.vector_store %arg14[%swap3A_440, %swap3A_441], %mul3A_439 {strides = array<i32>} : memref<80x128xf32, #tpu.memory_space<vmem>>, vector<16xf32>,
        %get3A_443 = arith.index_cast %add3A_322 : i32 to index
        %get3A_444 = arith.constant 112 : index
        %get3A_445 = tpu.vector_load %arg11[%get3A_443, %get3A_444] {strides = array<i32>} : memref<80x128xf32, #tpu.memory_space<vmem>>, vector<16xf32>,
        %slice3A_446 = vector.extract_strided_slice %exp3A_409 {offsets = [3], sizes = [1], strides = [1]} : vector<16xf32> to vector<1xf32>
        %squeeze3A_447 = vector.extract %slice3A_446[0] : f32 from vector<1xf32>
        %mul3A_448 = vector.broadcast %squeeze3A_447 : f32 to vector<16xf32>
        %mul3A_449 = arith.mulf %get3A_445, %mul3A_448 : vector<16xf32>
        %swap3A_450 = arith.index_cast %add3A_322 : i32 to index
        %swap3A_451 = arith.constant 48 : index
        %swap3A_452 = tpu.vector_load %arg14[%swap3A_450, %swap3A_451] {strides = array<i32>} : memref<80x128xf32, #tpu.memory_space<vmem>>, vector<16xf32>,
        tpu.vector_store %arg14[%swap3A_450, %swap3A_451], %mul3A_449 {strides = array<i32>} : memref<80x128xf32, #tpu.memory_space<vmem>>, vector<16xf32>,
        %mul3A_453 = arith.constant 8 : i32
        %mul3A_454 = arith.muli %scan3A_183, %mul3A_453 : i32
        %add3A_455 = arith.constant 0 : i32
        %add3A_456 = arith.addi %add3A_455, %mul3A_454 : i32
        %add3A_457 = arith.constant 2 : i32
        %add3A_458 = arith.addi %add3A_456, %add3A_457 : i32
        %get3A_459 = arith.index_cast %add3A_458 : i32 to index
        %get3A_460 = arith.constant 0 : index
        %get3A_461 = tpu.vector_load %arg11[%get3A_459, %get3A_460] {strides = array<i32>} : memref<80x128xf32, #tpu.memory_space<vmem>>, vector<16xf32>,
        %add3A_462 = arith.constant 0 : i32
        %add3A_463 = arith.addi %mul3A_0, %add3A_462 : i32
        %get3A_464 = arith.index_cast %add3A_458 : i32 to index
        %get3A_465 = arith.index_cast %add3A_463 : i32 to index
        %get3A_466 = tpu.vector_load %arg12[%get3A_464, %get3A_465] {strides = array<i32>} : memref<80x128xf32, #tpu.memory_space<vmem>>, vector<16xf32>,
        %eq3A_467 = arith.constant 0 : i32
        %eq3A_468 = vector.broadcast %eq3A_467 : i32 to vector<16xi32>
        %eq3A_469 = arith.cmpi eq, %iota3A, %eq3A_468 : vector<16xi32>
        %mul3A_470 = arith.mulf %get3A_461, %get3A_466 : vector<16xf32>
        %reduce_sum3A_471 = arith.constant true
        %reduce_sum3A_472 = vector.broadcast %reduce_sum3A_471 : i1 to vector<16xi1>
        %reduce_sum3A_473 = tpu.scan <sum>, %mul3A_470 masked %reduce_sum3A_472 : vector<16xf32>, vector<16xi1> -> vector<16xf32>
        %reduce_sum3A_474 = vector.extract %reduce_sum3A_473[15] : f32 from vector<16xf32>
        %broadcast_in_dim3A_475 = vector.broadcast %reduce_sum3A_474 : f32 to vector<16xf32>
        %select_n3A_476 = arith.select %eq3A_469, %broadcast_in_dim3A_475, %broadcast_in_dim3A_1 : vector<16xi1>, vector<16xf32>
        %get3A_477 = arith.index_cast %add3A_458 : i32 to index
        %get3A_478 = arith.constant 16 : index
        %get3A_479 = tpu.vector_load %arg11[%get3A_477, %get3A_478] {strides = array<i32>} : memref<80x128xf32, #tpu.memory_space<vmem>>, vector<16xf32>,
        %add3A_480 = arith.constant 16 : i32
        %add3A_481 = arith.addi %mul3A_0, %add3A_480 : i32
        %get3A_482 = arith.index_cast %add3A_458 : i32 to index
        %get3A_483 = arith.index_cast %add3A_481 : i32 to index
        %get3A_484 = tpu.vector_load %arg12[%get3A_482, %get3A_483] {strides = array<i32>} : memref<80x128xf32, #tpu.memory_space<vmem>>, vector<16xf32>,
        %eq3A_485 = arith.constant 1 : i32
        %eq3A_486 = vector.broadcast %eq3A_485 : i32 to vector<16xi32>
        %eq3A_487 = arith.cmpi eq, %iota3A, %eq3A_486 : vector<16xi32>
        %mul3A_488 = arith.mulf %get3A_479, %get3A_484 : vector<16xf32>
        %reduce_sum3A_489 = arith.constant true
        %reduce_sum3A_490 = vector.broadcast %reduce_sum3A_489 : i1 to vector<16xi1>
        %reduce_sum3A_491 = tpu.scan <sum>, %mul3A_488 masked %reduce_sum3A_490 : vector<16xf32>, vector<16xi1> -> vector<16xf32>
        %reduce_sum3A_492 = vector.extract %reduce_sum3A_491[15] : f32 from vector<16xf32>
        %broadcast_in_dim3A_493 = vector.broadcast %reduce_sum3A_492 : f32 to vector<16xf32>
        %select_n3A_494 = arith.select %eq3A_487, %broadcast_in_dim3A_493, %select_n3A_476 : vector<16xi1>, vector<16xf32>
        %get3A_495 = arith.index_cast %add3A_458 : i32 to index
        %get3A_496 = arith.constant 32 : index
        %get3A_497 = tpu.vector_load %arg11[%get3A_495, %get3A_496] {strides = array<i32>} : memref<80x128xf32, #tpu.memory_space<vmem>>, vector<16xf32>,
        %add3A_498 = arith.constant 32 : i32
        %add3A_499 = arith.addi %mul3A_0, %add3A_498 : i32
        %get3A_500 = arith.index_cast %add3A_458 : i32 to index
        %get3A_501 = arith.index_cast %add3A_499 : i32 to index
        %get3A_502 = tpu.vector_load %arg12[%get3A_500, %get3A_501] {strides = array<i32>} : memref<80x128xf32, #tpu.memory_space<vmem>>, vector<16xf32>,
        %eq3A_503 = arith.constant 2 : i32
        %eq3A_504 = vector.broadcast %eq3A_503 : i32 to vector<16xi32>
        %eq3A_505 = arith.cmpi eq, %iota3A, %eq3A_504 : vector<16xi32>
        %mul3A_506 = arith.mulf %get3A_497, %get3A_502 : vector<16xf32>
        %reduce_sum3A_507 = arith.constant true
        %reduce_sum3A_508 = vector.broadcast %reduce_sum3A_507 : i1 to vector<16xi1>
        %reduce_sum3A_509 = tpu.scan <sum>, %mul3A_506 masked %reduce_sum3A_508 : vector<16xf32>, vector<16xi1> -> vector<16xf32>
        %reduce_sum3A_510 = vector.extract %reduce_sum3A_509[15] : f32 from vector<16xf32>
        %broadcast_in_dim3A_511 = vector.broadcast %reduce_sum3A_510 : f32 to vector<16xf32>
        %select_n3A_512 = arith.select %eq3A_505, %broadcast_in_dim3A_511, %select_n3A_494 : vector<16xi1>, vector<16xf32>
        %get3A_513 = arith.index_cast %add3A_458 : i32 to index
        %get3A_514 = arith.constant 48 : index
        %get3A_515 = tpu.vector_load %arg11[%get3A_513, %get3A_514] {strides = array<i32>} : memref<80x128xf32, #tpu.memory_space<vmem>>, vector<16xf32>,
        %add3A_516 = arith.constant 48 : i32
        %add3A_517 = arith.addi %mul3A_0, %add3A_516 : i32
        %get3A_518 = arith.index_cast %add3A_458 : i32 to index
        %get3A_519 = arith.index_cast %add3A_517 : i32 to index
        %get3A_520 = tpu.vector_load %arg12[%get3A_518, %get3A_519] {strides = array<i32>} : memref<80x128xf32, #tpu.memory_space<vmem>>, vector<16xf32>,
        %eq3A_521 = arith.constant 3 : i32
        %eq3A_522 = vector.broadcast %eq3A_521 : i32 to vector<16xi32>
        %eq3A_523 = arith.cmpi eq, %iota3A, %eq3A_522 : vector<16xi32>
        %mul3A_524 = arith.mulf %get3A_515, %get3A_520 : vector<16xf32>
        %reduce_sum3A_525 = arith.constant true
        %reduce_sum3A_526 = vector.broadcast %reduce_sum3A_525 : i1 to vector<16xi1>
        %reduce_sum3A_527 = tpu.scan <sum>, %mul3A_524 masked %reduce_sum3A_526 : vector<16xf32>, vector<16xi1> -> vector<16xf32>
        %reduce_sum3A_528 = vector.extract %reduce_sum3A_527[15] : f32 from vector<16xf32>
        %broadcast_in_dim3A_529 = vector.broadcast %reduce_sum3A_528 : f32 to vector<16xf32>
        %select_n3A_530 = arith.select %eq3A_523, %broadcast_in_dim3A_529, %select_n3A_512 : vector<16xi1>, vector<16xf32>
        %mul3A_531 = arith.constant 2.500000e-01 : f32
        %mul3A_532 = vector.broadcast %mul3A_531 : f32 to vector<16xf32>
        %mul3A_533 = arith.mulf %select_n3A_530, %mul3A_532 : vector<16xf32>
        %get3A_534 = arith.index_cast %add3A_187 : i32 to index
        %get3A_535 = arith.constant 32 : index
        %get3A_536 = tpu.vector_load %arg13[%get3A_534, %get3A_535] {strides = array<i32>} : memref<24x128xf32, #tpu.memory_space<vmem>>, vector<16xf32>,
        %add3A_537 = arith.addf %mul3A_533, %get3A_536 : vector<16xf32>
        %ge3A_538 = arith.constant 0.000000e+00 : f32
        %ge3A_539 = vector.broadcast %ge3A_538 : f32 to vector<16xf32>
        %ge3A_540 = arith.cmpf oge, %add3A_537, %ge3A_539 : vector<16xf32>
        %mul3A_541 = arith.constant 2.000000e-01 : f32
        %mul3A_542 = vector.broadcast %mul3A_541 : f32 to vector<16xf32>
        %mul3A_543 = arith.mulf %mul3A_542, %add3A_537 : vector<16xf32>
        %select_n3A_544 = arith.select %ge3A_540, %add3A_537, %mul3A_543 : vector<16xi1>, vector<16xf32>
        %exp3A_545 = math.exp %select_n3A_544 : vector<16xf32>
        %swap3A_546 = arith.index_cast %add3A_458 : i32 to index
        %swap3A_547 = arith.constant 64 : index
        %swap3A_548 = tpu.vector_load %arg14[%swap3A_546, %swap3A_547] {strides = array<i32>} : memref<80x128xf32, #tpu.memory_space<vmem>>, vector<16xf32>,
        tpu.vector_store %arg14[%swap3A_546, %swap3A_547], %exp3A_545 {strides = array<i32>} : memref<80x128xf32, #tpu.memory_space<vmem>>, vector<16xf32>,
        %get3A_549 = arith.index_cast %add3A_458 : i32 to index
        %get3A_550 = arith.constant 64 : index
        %get3A_551 = tpu.vector_load %arg11[%get3A_549, %get3A_550] {strides = array<i32>} : memref<80x128xf32, #tpu.memory_space<vmem>>, vector<16xf32>,
        %slice3A_552 = vector.extract_strided_slice %exp3A_545 {offsets = [0], sizes = [1], strides = [1]} : vector<16xf32> to vector<1xf32>
        %squeeze3A_553 = vector.extract %slice3A_552[0] : f32 from vector<1xf32>
        %mul3A_554 = vector.broadcast %squeeze3A_553 : f32 to vector<16xf32>
        %mul3A_555 = arith.mulf %get3A_551, %mul3A_554 : vector<16xf32>
        %swap3A_556 = arith.index_cast %add3A_458 : i32 to index
        %swap3A_557 = arith.constant 0 : index
        %swap3A_558 = tpu.vector_load %arg14[%swap3A_556, %swap3A_557] {strides = array<i32>} : memref<80x128xf32, #tpu.memory_space<vmem>>, vector<16xf32>,
        tpu.vector_store %arg14[%swap3A_556, %swap3A_557], %mul3A_555 {strides = array<i32>} : memref<80x128xf32, #tpu.memory_space<vmem>>, vector<16xf32>,
        %get3A_559 = arith.index_cast %add3A_458 : i32 to index
        %get3A_560 = arith.constant 80 : index
        %get3A_561 = tpu.vector_load %arg11[%get3A_559, %get3A_560] {strides = array<i32>} : memref<80x128xf32, #tpu.memory_space<vmem>>, vector<16xf32>,
        %slice3A_562 = vector.extract_strided_slice %exp3A_545 {offsets = [1], sizes = [1], strides = [1]} : vector<16xf32> to vector<1xf32>
        %squeeze3A_563 = vector.extract %slice3A_562[0] : f32 from vector<1xf32>
        %mul3A_564 = vector.broadcast %squeeze3A_563 : f32 to vector<16xf32>
        %mul3A_565 = arith.mulf %get3A_561, %mul3A_564 : vector<16xf32>
        %swap3A_566 = arith.index_cast %add3A_458 : i32 to index
        %swap3A_567 = arith.constant 16 : index
        %swap3A_568 = tpu.vector_load %arg14[%swap3A_566, %swap3A_567] {strides = array<i32>} : memref<80x128xf32, #tpu.memory_space<vmem>>, vector<16xf32>,
        tpu.vector_store %arg14[%swap3A_566, %swap3A_567], %mul3A_565 {strides = array<i32>} : memref<80x128xf32, #tpu.memory_space<vmem>>, vector<16xf32>,
        %get3A_569 = arith.index_cast %add3A_458 : i32 to index
        %get3A_570 = arith.constant 96 : index
        %get3A_571 = tpu.vector_load %arg11[%get3A_569, %get3A_570] {strides = array<i32>} : memref<80x128xf32, #tpu.memory_space<vmem>>, vector<16xf32>,
        %slice3A_572 = vector.extract_strided_slice %exp3A_545 {offsets = [2], sizes = [1], strides = [1]} : vector<16xf32> to vector<1xf32>
        %squeeze3A_573 = vector.extract %slice3A_572[0] : f32 from vector<1xf32>
        %mul3A_574 = vector.broadcast %squeeze3A_573 : f32 to vector<16xf32>
        %mul3A_575 = arith.mulf %get3A_571, %mul3A_574 : vector<16xf32>
        %swap3A_576 = arith.index_cast %add3A_458 : i32 to index
        %swap3A_577 = arith.constant 32 : index
        %swap3A_578 = tpu.vector_load %arg14[%swap3A_576, %swap3A_577] {strides = array<i32>} : memref<80x128xf32, #tpu.memory_space<vmem>>, vector<16xf32>,
        tpu.vector_store %arg14[%swap3A_576, %swap3A_577], %mul3A_575 {strides = array<i32>} : memref<80x128xf32, #tpu.memory_space<vmem>>, vector<16xf32>,
        %get3A_579 = arith.index_cast %add3A_458 : i32 to index
        %get3A_580 = arith.constant 112 : index
        %get3A_581 = tpu.vector_load %arg11[%get3A_579, %get3A_580] {strides = array<i32>} : memref<80x128xf32, #tpu.memory_space<vmem>>, vector<16xf32>,
        %slice3A_582 = vector.extract_strided_slice %exp3A_545 {offsets = [3], sizes = [1], strides = [1]} : vector<16xf32> to vector<1xf32>
        %squeeze3A_583 = vector.extract %slice3A_582[0] : f32 from vector<1xf32>
        %mul3A_584 = vector.broadcast %squeeze3A_583 : f32 to vector<16xf32>
        %mul3A_585 = arith.mulf %get3A_581, %mul3A_584 : vector<16xf32>
        %swap3A_586 = arith.index_cast %add3A_458 : i32 to index
        %swap3A_587 = arith.constant 48 : index
        %swap3A_588 = tpu.vector_load %arg14[%swap3A_586, %swap3A_587] {strides = array<i32>} : memref<80x128xf32, #tpu.memory_space<vmem>>, vector<16xf32>,
        tpu.vector_store %arg14[%swap3A_586, %swap3A_587], %mul3A_585 {strides = array<i32>} : memref<80x128xf32, #tpu.memory_space<vmem>>, vector<16xf32>,
        %mul3A_589 = arith.constant 8 : i32
        %mul3A_590 = arith.muli %scan3A_183, %mul3A_589 : i32
        %add3A_591 = arith.constant 0 : i32
        %add3A_592 = arith.addi %add3A_591, %mul3A_590 : i32
        %add3A_593 = arith.constant 3 : i32
        %add3A_594 = arith.addi %add3A_592, %add3A_593 : i32
        %get3A_595 = arith.index_cast %add3A_594 : i32 to index
        %get3A_596 = arith.constant 0 : index
        %get3A_597 = tpu.vector_load %arg11[%get3A_595, %get3A_596] {strides = array<i32>} : memref<80x128xf32, #tpu.memory_space<vmem>>, vector<16xf32>,
        %add3A_598 = arith.constant 0 : i32
        %add3A_599 = arith.addi %mul3A_0, %add3A_598 : i32
        %get3A_600 = arith.index_cast %add3A_594 : i32 to index
        %get3A_601 = arith.index_cast %add3A_599 : i32 to index
        %get3A_602 = tpu.vector_load %arg12[%get3A_600, %get3A_601] {strides = array<i32>} : memref<80x128xf32, #tpu.memory_space<vmem>>, vector<16xf32>,
        %eq3A_603 = arith.constant 0 : i32
        %eq3A_604 = vector.broadcast %eq3A_603 : i32 to vector<16xi32>
        %eq3A_605 = arith.cmpi eq, %iota3A, %eq3A_604 : vector<16xi32>
        %mul3A_606 = arith.mulf %get3A_597, %get3A_602 : vector<16xf32>
        %reduce_sum3A_607 = arith.constant true
        %reduce_sum3A_608 = vector.broadcast %reduce_sum3A_607 : i1 to vector<16xi1>
        %reduce_sum3A_609 = tpu.scan <sum>, %mul3A_606 masked %reduce_sum3A_608 : vector<16xf32>, vector<16xi1> -> vector<16xf32>
        %reduce_sum3A_610 = vector.extract %reduce_sum3A_609[15] : f32 from vector<16xf32>
        %broadcast_in_dim3A_611 = vector.broadcast %reduce_sum3A_610 : f32 to vector<16xf32>
        %select_n3A_612 = arith.select %eq3A_605, %broadcast_in_dim3A_611, %broadcast_in_dim3A_1 : vector<16xi1>, vector<16xf32>
        %get3A_613 = arith.index_cast %add3A_594 : i32 to index
        %get3A_614 = arith.constant 16 : index
        %get3A_615 = tpu.vector_load %arg11[%get3A_613, %get3A_614] {strides = array<i32>} : memref<80x128xf32, #tpu.memory_space<vmem>>, vector<16xf32>,
        %add3A_616 = arith.constant 16 : i32
        %add3A_617 = arith.addi %mul3A_0, %add3A_616 : i32
        %get3A_618 = arith.index_cast %add3A_594 : i32 to index
        %get3A_619 = arith.index_cast %add3A_617 : i32 to index
        %get3A_620 = tpu.vector_load %arg12[%get3A_618, %get3A_619] {strides = array<i32>} : memref<80x128xf32, #tpu.memory_space<vmem>>, vector<16xf32>,
        %eq3A_621 = arith.constant 1 : i32
        %eq3A_622 = vector.broadcast %eq3A_621 : i32 to vector<16xi32>
        %eq3A_623 = arith.cmpi eq, %iota3A, %eq3A_622 : vector<16xi32>
        %mul3A_624 = arith.mulf %get3A_615, %get3A_620 : vector<16xf32>
        %reduce_sum3A_625 = arith.constant true
        %reduce_sum3A_626 = vector.broadcast %reduce_sum3A_625 : i1 to vector<16xi1>
        %reduce_sum3A_627 = tpu.scan <sum>, %mul3A_624 masked %reduce_sum3A_626 : vector<16xf32>, vector<16xi1> -> vector<16xf32>
        %reduce_sum3A_628 = vector.extract %reduce_sum3A_627[15] : f32 from vector<16xf32>
        %broadcast_in_dim3A_629 = vector.broadcast %reduce_sum3A_628 : f32 to vector<16xf32>
        %select_n3A_630 = arith.select %eq3A_623, %broadcast_in_dim3A_629, %select_n3A_612 : vector<16xi1>, vector<16xf32>
        %get3A_631 = arith.index_cast %add3A_594 : i32 to index
        %get3A_632 = arith.constant 32 : index
        %get3A_633 = tpu.vector_load %arg11[%get3A_631, %get3A_632] {strides = array<i32>} : memref<80x128xf32, #tpu.memory_space<vmem>>, vector<16xf32>,
        %add3A_634 = arith.constant 32 : i32
        %add3A_635 = arith.addi %mul3A_0, %add3A_634 : i32
        %get3A_636 = arith.index_cast %add3A_594 : i32 to index
        %get3A_637 = arith.index_cast %add3A_635 : i32 to index
        %get3A_638 = tpu.vector_load %arg12[%get3A_636, %get3A_637] {strides = array<i32>} : memref<80x128xf32, #tpu.memory_space<vmem>>, vector<16xf32>,
        %eq3A_639 = arith.constant 2 : i32
        %eq3A_640 = vector.broadcast %eq3A_639 : i32 to vector<16xi32>
        %eq3A_641 = arith.cmpi eq, %iota3A, %eq3A_640 : vector<16xi32>
        %mul3A_642 = arith.mulf %get3A_633, %get3A_638 : vector<16xf32>
        %reduce_sum3A_643 = arith.constant true
        %reduce_sum3A_644 = vector.broadcast %reduce_sum3A_643 : i1 to vector<16xi1>
        %reduce_sum3A_645 = tpu.scan <sum>, %mul3A_642 masked %reduce_sum3A_644 : vector<16xf32>, vector<16xi1> -> vector<16xf32>
        %reduce_sum3A_646 = vector.extract %reduce_sum3A_645[15] : f32 from vector<16xf32>
        %broadcast_in_dim3A_647 = vector.broadcast %reduce_sum3A_646 : f32 to vector<16xf32>
        %select_n3A_648 = arith.select %eq3A_641, %broadcast_in_dim3A_647, %select_n3A_630 : vector<16xi1>, vector<16xf32>
        %get3A_649 = arith.index_cast %add3A_594 : i32 to index
        %get3A_650 = arith.constant 48 : index
        %get3A_651 = tpu.vector_load %arg11[%get3A_649, %get3A_650] {strides = array<i32>} : memref<80x128xf32, #tpu.memory_space<vmem>>, vector<16xf32>,
        %add3A_652 = arith.constant 48 : i32
        %add3A_653 = arith.addi %mul3A_0, %add3A_652 : i32
        %get3A_654 = arith.index_cast %add3A_594 : i32 to index
        %get3A_655 = arith.index_cast %add3A_653 : i32 to index
        %get3A_656 = tpu.vector_load %arg12[%get3A_654, %get3A_655] {strides = array<i32>} : memref<80x128xf32, #tpu.memory_space<vmem>>, vector<16xf32>,
        %eq3A_657 = arith.constant 3 : i32
        %eq3A_658 = vector.broadcast %eq3A_657 : i32 to vector<16xi32>
        %eq3A_659 = arith.cmpi eq, %iota3A, %eq3A_658 : vector<16xi32>
        %mul3A_660 = arith.mulf %get3A_651, %get3A_656 : vector<16xf32>
        %reduce_sum3A_661 = arith.constant true
        %reduce_sum3A_662 = vector.broadcast %reduce_sum3A_661 : i1 to vector<16xi1>
        %reduce_sum3A_663 = tpu.scan <sum>, %mul3A_660 masked %reduce_sum3A_662 : vector<16xf32>, vector<16xi1> -> vector<16xf32>
        %reduce_sum3A_664 = vector.extract %reduce_sum3A_663[15] : f32 from vector<16xf32>
        %broadcast_in_dim3A_665 = vector.broadcast %reduce_sum3A_664 : f32 to vector<16xf32>
        %select_n3A_666 = arith.select %eq3A_659, %broadcast_in_dim3A_665, %select_n3A_648 : vector<16xi1>, vector<16xf32>
        %mul3A_667 = arith.constant 2.500000e-01 : f32
        %mul3A_668 = vector.broadcast %mul3A_667 : f32 to vector<16xf32>
        %mul3A_669 = arith.mulf %select_n3A_666, %mul3A_668 : vector<16xf32>
        %get3A_670 = arith.index_cast %add3A_187 : i32 to index
        %get3A_671 = arith.constant 48 : index
        %get3A_672 = tpu.vector_load %arg13[%get3A_670, %get3A_671] {strides = array<i32>} : memref<24x128xf32, #tpu.memory_space<vmem>>, vector<16xf32>,
        %add3A_673 = arith.addf %mul3A_669, %get3A_672 : vector<16xf32>
        %ge3A_674 = arith.constant 0.000000e+00 : f32
        %ge3A_675 = vector.broadcast %ge3A_674 : f32 to vector<16xf32>
        %ge3A_676 = arith.cmpf oge, %add3A_673, %ge3A_675 : vector<16xf32>
        %mul3A_677 = arith.constant 2.000000e-01 : f32
        %mul3A_678 = vector.broadcast %mul3A_677 : f32 to vector<16xf32>
        %mul3A_679 = arith.mulf %mul3A_678, %add3A_673 : vector<16xf32>
        %select_n3A_680 = arith.select %ge3A_676, %add3A_673, %mul3A_679 : vector<16xi1>, vector<16xf32>
        %exp3A_681 = math.exp %select_n3A_680 : vector<16xf32>
        %swap3A_682 = arith.index_cast %add3A_594 : i32 to index
        %swap3A_683 = arith.constant 64 : index
        %swap3A_684 = tpu.vector_load %arg14[%swap3A_682, %swap3A_683] {strides = array<i32>} : memref<80x128xf32, #tpu.memory_space<vmem>>, vector<16xf32>,
        tpu.vector_store %arg14[%swap3A_682, %swap3A_683], %exp3A_681 {strides = array<i32>} : memref<80x128xf32, #tpu.memory_space<vmem>>, vector<16xf32>,
        %get3A_685 = arith.index_cast %add3A_594 : i32 to index
        %get3A_686 = arith.constant 64 : index
        %get3A_687 = tpu.vector_load %arg11[%get3A_685, %get3A_686] {strides = array<i32>} : memref<80x128xf32, #tpu.memory_space<vmem>>, vector<16xf32>,
        %slice3A_688 = vector.extract_strided_slice %exp3A_681 {offsets = [0], sizes = [1], strides = [1]} : vector<16xf32> to vector<1xf32>
        %squeeze3A_689 = vector.extract %slice3A_688[0] : f32 from vector<1xf32>
        %mul3A_690 = vector.broadcast %squeeze3A_689 : f32 to vector<16xf32>
        %mul3A_691 = arith.mulf %get3A_687, %mul3A_690 : vector<16xf32>
        %swap3A_692 = arith.index_cast %add3A_594 : i32 to index
        %swap3A_693 = arith.constant 0 : index
        %swap3A_694 = tpu.vector_load %arg14[%swap3A_692, %swap3A_693] {strides = array<i32>} : memref<80x128xf32, #tpu.memory_space<vmem>>, vector<16xf32>,
        tpu.vector_store %arg14[%swap3A_692, %swap3A_693], %mul3A_691 {strides = array<i32>} : memref<80x128xf32, #tpu.memory_space<vmem>>, vector<16xf32>,
        %get3A_695 = arith.index_cast %add3A_594 : i32 to index
        %get3A_696 = arith.constant 80 : index
        %get3A_697 = tpu.vector_load %arg11[%get3A_695, %get3A_696] {strides = array<i32>} : memref<80x128xf32, #tpu.memory_space<vmem>>, vector<16xf32>,
        %slice3A_698 = vector.extract_strided_slice %exp3A_681 {offsets = [1], sizes = [1], strides = [1]} : vector<16xf32> to vector<1xf32>
        %squeeze3A_699 = vector.extract %slice3A_698[0] : f32 from vector<1xf32>
        %mul3A_700 = vector.broadcast %squeeze3A_699 : f32 to vector<16xf32>
        %mul3A_701 = arith.mulf %get3A_697, %mul3A_700 : vector<16xf32>
        %swap3A_702 = arith.index_cast %add3A_594 : i32 to index
        %swap3A_703 = arith.constant 16 : index
        %swap3A_704 = tpu.vector_load %arg14[%swap3A_702, %swap3A_703] {strides = array<i32>} : memref<80x128xf32, #tpu.memory_space<vmem>>, vector<16xf32>,
        tpu.vector_store %arg14[%swap3A_702, %swap3A_703], %mul3A_701 {strides = array<i32>} : memref<80x128xf32, #tpu.memory_space<vmem>>, vector<16xf32>,
        %get3A_705 = arith.index_cast %add3A_594 : i32 to index
        %get3A_706 = arith.constant 96 : index
        %get3A_707 = tpu.vector_load %arg11[%get3A_705, %get3A_706] {strides = array<i32>} : memref<80x128xf32, #tpu.memory_space<vmem>>, vector<16xf32>,
        %slice3A_708 = vector.extract_strided_slice %exp3A_681 {offsets = [2], sizes = [1], strides = [1]} : vector<16xf32> to vector<1xf32>
        %squeeze3A_709 = vector.extract %slice3A_708[0] : f32 from vector<1xf32>
        %mul3A_710 = vector.broadcast %squeeze3A_709 : f32 to vector<16xf32>
        %mul3A_711 = arith.mulf %get3A_707, %mul3A_710 : vector<16xf32>
        %swap3A_712 = arith.index_cast %add3A_594 : i32 to index
        %swap3A_713 = arith.constant 32 : index
        %swap3A_714 = tpu.vector_load %arg14[%swap3A_712, %swap3A_713] {strides = array<i32>} : memref<80x128xf32, #tpu.memory_space<vmem>>, vector<16xf32>,
        tpu.vector_store %arg14[%swap3A_712, %swap3A_713], %mul3A_711 {strides = array<i32>} : memref<80x128xf32, #tpu.memory_space<vmem>>, vector<16xf32>,
        %get3A_715 = arith.index_cast %add3A_594 : i32 to index
        %get3A_716 = arith.constant 112 : index
        %get3A_717 = tpu.vector_load %arg11[%get3A_715, %get3A_716] {strides = array<i32>} : memref<80x128xf32, #tpu.memory_space<vmem>>, vector<16xf32>,
        %slice3A_718 = vector.extract_strided_slice %exp3A_681 {offsets = [3], sizes = [1], strides = [1]} : vector<16xf32> to vector<1xf32>
        %squeeze3A_719 = vector.extract %slice3A_718[0] : f32 from vector<1xf32>
        %mul3A_720 = vector.broadcast %squeeze3A_719 : f32 to vector<16xf32>
        %mul3A_721 = arith.mulf %get3A_717, %mul3A_720 : vector<16xf32>
        %swap3A_722 = arith.index_cast %add3A_594 : i32 to index
        %swap3A_723 = arith.constant 48 : index
        %swap3A_724 = tpu.vector_load %arg14[%swap3A_722, %swap3A_723] {strides = array<i32>} : memref<80x128xf32, #tpu.memory_space<vmem>>, vector<16xf32>,
        tpu.vector_store %arg14[%swap3A_722, %swap3A_723], %mul3A_721 {strides = array<i32>} : memref<80x128xf32, #tpu.memory_space<vmem>>, vector<16xf32>,
        %mul3A_725 = arith.constant 8 : i32
        %mul3A_726 = arith.muli %scan3A_183, %mul3A_725 : i32
        %add3A_727 = arith.constant 0 : i32
        %add3A_728 = arith.addi %add3A_727, %mul3A_726 : i32
        %add3A_729 = arith.constant 4 : i32
        %add3A_730 = arith.addi %add3A_728, %add3A_729 : i32
        %get3A_731 = arith.index_cast %add3A_730 : i32 to index
        %get3A_732 = arith.constant 0 : index
        %get3A_733 = tpu.vector_load %arg11[%get3A_731, %get3A_732] {strides = array<i32>} : memref<80x128xf32, #tpu.memory_space<vmem>>, vector<16xf32>,
        %add3A_734 = arith.constant 0 : i32
        %add3A_735 = arith.addi %mul3A_0, %add3A_734 : i32
        %get3A_736 = arith.index_cast %add3A_730 : i32 to index
        %get3A_737 = arith.index_cast %add3A_735 : i32 to index
        %get3A_738 = tpu.vector_load %arg12[%get3A_736, %get3A_737] {strides = array<i32>} : memref<80x128xf32, #tpu.memory_space<vmem>>, vector<16xf32>,
        %eq3A_739 = arith.constant 0 : i32
        %eq3A_740 = vector.broadcast %eq3A_739 : i32 to vector<16xi32>
        %eq3A_741 = arith.cmpi eq, %iota3A, %eq3A_740 : vector<16xi32>
        %mul3A_742 = arith.mulf %get3A_733, %get3A_738 : vector<16xf32>
        %reduce_sum3A_743 = arith.constant true
        %reduce_sum3A_744 = vector.broadcast %reduce_sum3A_743 : i1 to vector<16xi1>
        %reduce_sum3A_745 = tpu.scan <sum>, %mul3A_742 masked %reduce_sum3A_744 : vector<16xf32>, vector<16xi1> -> vector<16xf32>
        %reduce_sum3A_746 = vector.extract %reduce_sum3A_745[15] : f32 from vector<16xf32>
        %broadcast_in_dim3A_747 = vector.broadcast %reduce_sum3A_746 : f32 to vector<16xf32>
        %select_n3A_748 = arith.select %eq3A_741, %broadcast_in_dim3A_747, %broadcast_in_dim3A_1 : vector<16xi1>, vector<16xf32>
        %get3A_749 = arith.index_cast %add3A_730 : i32 to index
        %get3A_750 = arith.constant 16 : index
        %get3A_751 = tpu.vector_load %arg11[%get3A_749, %get3A_750] {strides = array<i32>} : memref<80x128xf32, #tpu.memory_space<vmem>>, vector<16xf32>,
        %add3A_752 = arith.constant 16 : i32
        %add3A_753 = arith.addi %mul3A_0, %add3A_752 : i32
        %get3A_754 = arith.index_cast %add3A_730 : i32 to index
        %get3A_755 = arith.index_cast %add3A_753 : i32 to index
        %get3A_756 = tpu.vector_load %arg12[%get3A_754, %get3A_755] {strides = array<i32>} : memref<80x128xf32, #tpu.memory_space<vmem>>, vector<16xf32>,
        %eq3A_757 = arith.constant 1 : i32
        %eq3A_758 = vector.broadcast %eq3A_757 : i32 to vector<16xi32>
        %eq3A_759 = arith.cmpi eq, %iota3A, %eq3A_758 : vector<16xi32>
        %mul3A_760 = arith.mulf %get3A_751, %get3A_756 : vector<16xf32>
        %reduce_sum3A_761 = arith.constant true
        %reduce_sum3A_762 = vector.broadcast %reduce_sum3A_761 : i1 to vector<16xi1>
        %reduce_sum3A_763 = tpu.scan <sum>, %mul3A_760 masked %reduce_sum3A_762 : vector<16xf32>, vector<16xi1> -> vector<16xf32>
        %reduce_sum3A_764 = vector.extract %reduce_sum3A_763[15] : f32 from vector<16xf32>
        %broadcast_in_dim3A_765 = vector.broadcast %reduce_sum3A_764 : f32 to vector<16xf32>
        %select_n3A_766 = arith.select %eq3A_759, %broadcast_in_dim3A_765, %select_n3A_748 : vector<16xi1>, vector<16xf32>
        %get3A_767 = arith.index_cast %add3A_730 : i32 to index
        %get3A_768 = arith.constant 32 : index
        %get3A_769 = tpu.vector_load %arg11[%get3A_767, %get3A_768] {strides = array<i32>} : memref<80x128xf32, #tpu.memory_space<vmem>>, vector<16xf32>,
        %add3A_770 = arith.constant 32 : i32
        %add3A_771 = arith.addi %mul3A_0, %add3A_770 : i32
        %get3A_772 = arith.index_cast %add3A_730 : i32 to index
        %get3A_773 = arith.index_cast %add3A_771 : i32 to index
        %get3A_774 = tpu.vector_load %arg12[%get3A_772, %get3A_773] {strides = array<i32>} : memref<80x128xf32, #tpu.memory_space<vmem>>, vector<16xf32>,
        %eq3A_775 = arith.constant 2 : i32
        %eq3A_776 = vector.broadcast %eq3A_775 : i32 to vector<16xi32>
        %eq3A_777 = arith.cmpi eq, %iota3A, %eq3A_776 : vector<16xi32>
        %mul3A_778 = arith.mulf %get3A_769, %get3A_774 : vector<16xf32>
        %reduce_sum3A_779 = arith.constant true
        %reduce_sum3A_780 = vector.broadcast %reduce_sum3A_779 : i1 to vector<16xi1>
        %reduce_sum3A_781 = tpu.scan <sum>, %mul3A_778 masked %reduce_sum3A_780 : vector<16xf32>, vector<16xi1> -> vector<16xf32>
        %reduce_sum3A_782 = vector.extract %reduce_sum3A_781[15] : f32 from vector<16xf32>
        %broadcast_in_dim3A_783 = vector.broadcast %reduce_sum3A_782 : f32 to vector<16xf32>
        %select_n3A_784 = arith.select %eq3A_777, %broadcast_in_dim3A_783, %select_n3A_766 : vector<16xi1>, vector<16xf32>
        %get3A_785 = arith.index_cast %add3A_730 : i32 to index
        %get3A_786 = arith.constant 48 : index
        %get3A_787 = tpu.vector_load %arg11[%get3A_785, %get3A_786] {strides = array<i32>} : memref<80x128xf32, #tpu.memory_space<vmem>>, vector<16xf32>,
        %add3A_788 = arith.constant 48 : i32
        %add3A_789 = arith.addi %mul3A_0, %add3A_788 : i32
        %get3A_790 = arith.index_cast %add3A_730 : i32 to index
        %get3A_791 = arith.index_cast %add3A_789 : i32 to index
        %get3A_792 = tpu.vector_load %arg12[%get3A_790, %get3A_791] {strides = array<i32>} : memref<80x128xf32, #tpu.memory_space<vmem>>, vector<16xf32>,
        %eq3A_793 = arith.constant 3 : i32
        %eq3A_794 = vector.broadcast %eq3A_793 : i32 to vector<16xi32>
        %eq3A_795 = arith.cmpi eq, %iota3A, %eq3A_794 : vector<16xi32>
        %mul3A_796 = arith.mulf %get3A_787, %get3A_792 : vector<16xf32>
        %reduce_sum3A_797 = arith.constant true
        %reduce_sum3A_798 = vector.broadcast %reduce_sum3A_797 : i1 to vector<16xi1>
        %reduce_sum3A_799 = tpu.scan <sum>, %mul3A_796 masked %reduce_sum3A_798 : vector<16xf32>, vector<16xi1> -> vector<16xf32>
        %reduce_sum3A_800 = vector.extract %reduce_sum3A_799[15] : f32 from vector<16xf32>
        %broadcast_in_dim3A_801 = vector.broadcast %reduce_sum3A_800 : f32 to vector<16xf32>
        %select_n3A_802 = arith.select %eq3A_795, %broadcast_in_dim3A_801, %select_n3A_784 : vector<16xi1>, vector<16xf32>
        %mul3A_803 = arith.constant 2.500000e-01 : f32
        %mul3A_804 = vector.broadcast %mul3A_803 : f32 to vector<16xf32>
        %mul3A_805 = arith.mulf %select_n3A_802, %mul3A_804 : vector<16xf32>
        %get3A_806 = arith.index_cast %add3A_187 : i32 to index
        %get3A_807 = arith.constant 64 : index
        %get3A_808 = tpu.vector_load %arg13[%get3A_806, %get3A_807] {strides = array<i32>} : memref<24x128xf32, #tpu.memory_space<vmem>>, vector<16xf32>,
        %add3A_809 = arith.addf %mul3A_805, %get3A_808 : vector<16xf32>
        %ge3A_810 = arith.constant 0.000000e+00 : f32
        %ge3A_811 = vector.broadcast %ge3A_810 : f32 to vector<16xf32>
        %ge3A_812 = arith.cmpf oge, %add3A_809, %ge3A_811 : vector<16xf32>
        %mul3A_813 = arith.constant 2.000000e-01 : f32
        %mul3A_814 = vector.broadcast %mul3A_813 : f32 to vector<16xf32>
        %mul3A_815 = arith.mulf %mul3A_814, %add3A_809 : vector<16xf32>
        %select_n3A_816 = arith.select %ge3A_812, %add3A_809, %mul3A_815 : vector<16xi1>, vector<16xf32>
        %exp3A_817 = math.exp %select_n3A_816 : vector<16xf32>
        %swap3A_818 = arith.index_cast %add3A_730 : i32 to index
        %swap3A_819 = arith.constant 64 : index
        %swap3A_820 = tpu.vector_load %arg14[%swap3A_818, %swap3A_819] {strides = array<i32>} : memref<80x128xf32, #tpu.memory_space<vmem>>, vector<16xf32>,
        tpu.vector_store %arg14[%swap3A_818, %swap3A_819], %exp3A_817 {strides = array<i32>} : memref<80x128xf32, #tpu.memory_space<vmem>>, vector<16xf32>,
        %get3A_821 = arith.index_cast %add3A_730 : i32 to index
        %get3A_822 = arith.constant 64 : index
        %get3A_823 = tpu.vector_load %arg11[%get3A_821, %get3A_822] {strides = array<i32>} : memref<80x128xf32, #tpu.memory_space<vmem>>, vector<16xf32>,
        %slice3A_824 = vector.extract_strided_slice %exp3A_817 {offsets = [0], sizes = [1], strides = [1]} : vector<16xf32> to vector<1xf32>
        %squeeze3A_825 = vector.extract %slice3A_824[0] : f32 from vector<1xf32>
        %mul3A_826 = vector.broadcast %squeeze3A_825 : f32 to vector<16xf32>
        %mul3A_827 = arith.mulf %get3A_823, %mul3A_826 : vector<16xf32>
        %swap3A_828 = arith.index_cast %add3A_730 : i32 to index
        %swap3A_829 = arith.constant 0 : index
        %swap3A_830 = tpu.vector_load %arg14[%swap3A_828, %swap3A_829] {strides = array<i32>} : memref<80x128xf32, #tpu.memory_space<vmem>>, vector<16xf32>,
        tpu.vector_store %arg14[%swap3A_828, %swap3A_829], %mul3A_827 {strides = array<i32>} : memref<80x128xf32, #tpu.memory_space<vmem>>, vector<16xf32>,
        %get3A_831 = arith.index_cast %add3A_730 : i32 to index
        %get3A_832 = arith.constant 80 : index
        %get3A_833 = tpu.vector_load %arg11[%get3A_831, %get3A_832] {strides = array<i32>} : memref<80x128xf32, #tpu.memory_space<vmem>>, vector<16xf32>,
        %slice3A_834 = vector.extract_strided_slice %exp3A_817 {offsets = [1], sizes = [1], strides = [1]} : vector<16xf32> to vector<1xf32>
        %squeeze3A_835 = vector.extract %slice3A_834[0] : f32 from vector<1xf32>
        %mul3A_836 = vector.broadcast %squeeze3A_835 : f32 to vector<16xf32>
        %mul3A_837 = arith.mulf %get3A_833, %mul3A_836 : vector<16xf32>
        %swap3A_838 = arith.index_cast %add3A_730 : i32 to index
        %swap3A_839 = arith.constant 16 : index
        %swap3A_840 = tpu.vector_load %arg14[%swap3A_838, %swap3A_839] {strides = array<i32>} : memref<80x128xf32, #tpu.memory_space<vmem>>, vector<16xf32>,
        tpu.vector_store %arg14[%swap3A_838, %swap3A_839], %mul3A_837 {strides = array<i32>} : memref<80x128xf32, #tpu.memory_space<vmem>>, vector<16xf32>,
        %get3A_841 = arith.index_cast %add3A_730 : i32 to index
        %get3A_842 = arith.constant 96 : index
        %get3A_843 = tpu.vector_load %arg11[%get3A_841, %get3A_842] {strides = array<i32>} : memref<80x128xf32, #tpu.memory_space<vmem>>, vector<16xf32>,
        %slice3A_844 = vector.extract_strided_slice %exp3A_817 {offsets = [2], sizes = [1], strides = [1]} : vector<16xf32> to vector<1xf32>
        %squeeze3A_845 = vector.extract %slice3A_844[0] : f32 from vector<1xf32>
        %mul3A_846 = vector.broadcast %squeeze3A_845 : f32 to vector<16xf32>
        %mul3A_847 = arith.mulf %get3A_843, %mul3A_846 : vector<16xf32>
        %swap3A_848 = arith.index_cast %add3A_730 : i32 to index
        %swap3A_849 = arith.constant 32 : index
        %swap3A_850 = tpu.vector_load %arg14[%swap3A_848, %swap3A_849] {strides = array<i32>} : memref<80x128xf32, #tpu.memory_space<vmem>>, vector<16xf32>,
        tpu.vector_store %arg14[%swap3A_848, %swap3A_849], %mul3A_847 {strides = array<i32>} : memref<80x128xf32, #tpu.memory_space<vmem>>, vector<16xf32>,
        %get3A_851 = arith.index_cast %add3A_730 : i32 to index
        %get3A_852 = arith.constant 112 : index
        %get3A_853 = tpu.vector_load %arg11[%get3A_851, %get3A_852] {strides = array<i32>} : memref<80x128xf32, #tpu.memory_space<vmem>>, vector<16xf32>,
        %slice3A_854 = vector.extract_strided_slice %exp3A_817 {offsets = [3], sizes = [1], strides = [1]} : vector<16xf32> to vector<1xf32>
        %squeeze3A_855 = vector.extract %slice3A_854[0] : f32 from vector<1xf32>
        %mul3A_856 = vector.broadcast %squeeze3A_855 : f32 to vector<16xf32>
        %mul3A_857 = arith.mulf %get3A_853, %mul3A_856 : vector<16xf32>
        %swap3A_858 = arith.index_cast %add3A_730 : i32 to index
        %swap3A_859 = arith.constant 48 : index
        %swap3A_860 = tpu.vector_load %arg14[%swap3A_858, %swap3A_859] {strides = array<i32>} : memref<80x128xf32, #tpu.memory_space<vmem>>, vector<16xf32>,
        tpu.vector_store %arg14[%swap3A_858, %swap3A_859], %mul3A_857 {strides = array<i32>} : memref<80x128xf32, #tpu.memory_space<vmem>>, vector<16xf32>,
        %mul3A_861 = arith.constant 8 : i32
        %mul3A_862 = arith.muli %scan3A_183, %mul3A_861 : i32
        %add3A_863 = arith.constant 0 : i32
        %add3A_864 = arith.addi %add3A_863, %mul3A_862 : i32
        %add3A_865 = arith.constant 5 : i32
        %add3A_866 = arith.addi %add3A_864, %add3A_865 : i32
        %get3A_867 = arith.index_cast %add3A_866 : i32 to index
        %get3A_868 = arith.constant 0 : index
        %get3A_869 = tpu.vector_load %arg11[%get3A_867, %get3A_868] {strides = array<i32>} : memref<80x128xf32, #tpu.memory_space<vmem>>, vector<16xf32>,
        %add3A_870 = arith.constant 0 : i32
        %add3A_871 = arith.addi %mul3A_0, %add3A_870 : i32
        %get3A_872 = arith.index_cast %add3A_866 : i32 to index
        %get3A_873 = arith.index_cast %add3A_871 : i32 to index
        %get3A_874 = tpu.vector_load %arg12[%get3A_872, %get3A_873] {strides = array<i32>} : memref<80x128xf32, #tpu.memory_space<vmem>>, vector<16xf32>,
        %eq3A_875 = arith.constant 0 : i32
        %eq3A_876 = vector.broadcast %eq3A_875 : i32 to vector<16xi32>
        %eq3A_877 = arith.cmpi eq, %iota3A, %eq3A_876 : vector<16xi32>
        %mul3A_878 = arith.mulf %get3A_869, %get3A_874 : vector<16xf32>
        %reduce_sum3A_879 = arith.constant true
        %reduce_sum3A_880 = vector.broadcast %reduce_sum3A_879 : i1 to vector<16xi1>
        %reduce_sum3A_881 = tpu.scan <sum>, %mul3A_878 masked %reduce_sum3A_880 : vector<16xf32>, vector<16xi1> -> vector<16xf32>
        %reduce_sum3A_882 = vector.extract %reduce_sum3A_881[15] : f32 from vector<16xf32>
        %broadcast_in_dim3A_883 = vector.broadcast %reduce_sum3A_882 : f32 to vector<16xf32>
        %select_n3A_884 = arith.select %eq3A_877, %broadcast_in_dim3A_883, %broadcast_in_dim3A_1 : vector<16xi1>, vector<16xf32>
        %get3A_885 = arith.index_cast %add3A_866 : i32 to index
        %get3A_886 = arith.constant 16 : index
        %get3A_887 = tpu.vector_load %arg11[%get3A_885, %get3A_886] {strides = array<i32>} : memref<80x128xf32, #tpu.memory_space<vmem>>, vector<16xf32>,
        %add3A_888 = arith.constant 16 : i32
        %add3A_889 = arith.addi %mul3A_0, %add3A_888 : i32
        %get3A_890 = arith.index_cast %add3A_866 : i32 to index
        %get3A_891 = arith.index_cast %add3A_889 : i32 to index
        %get3A_892 = tpu.vector_load %arg12[%get3A_890, %get3A_891] {strides = array<i32>} : memref<80x128xf32, #tpu.memory_space<vmem>>, vector<16xf32>,
        %eq3A_893 = arith.constant 1 : i32
        %eq3A_894 = vector.broadcast %eq3A_893 : i32 to vector<16xi32>
        %eq3A_895 = arith.cmpi eq, %iota3A, %eq3A_894 : vector<16xi32>
        %mul3A_896 = arith.mulf %get3A_887, %get3A_892 : vector<16xf32>
        %reduce_sum3A_897 = arith.constant true
        %reduce_sum3A_898 = vector.broadcast %reduce_sum3A_897 : i1 to vector<16xi1>
        %reduce_sum3A_899 = tpu.scan <sum>, %mul3A_896 masked %reduce_sum3A_898 : vector<16xf32>, vector<16xi1> -> vector<16xf32>
        %reduce_sum3A_900 = vector.extract %reduce_sum3A_899[15] : f32 from vector<16xf32>
        %broadcast_in_dim3A_901 = vector.broadcast %reduce_sum3A_900 : f32 to vector<16xf32>
        %select_n3A_902 = arith.select %eq3A_895, %broadcast_in_dim3A_901, %select_n3A_884 : vector<16xi1>, vector<16xf32>
        %get3A_903 = arith.index_cast %add3A_866 : i32 to index
        %get3A_904 = arith.constant 32 : index
        %get3A_905 = tpu.vector_load %arg11[%get3A_903, %get3A_904] {strides = array<i32>} : memref<80x128xf32, #tpu.memory_space<vmem>>, vector<16xf32>,
        %add3A_906 = arith.constant 32 : i32
        %add3A_907 = arith.addi %mul3A_0, %add3A_906 : i32
        %get3A_908 = arith.index_cast %add3A_866 : i32 to index
        %get3A_909 = arith.index_cast %add3A_907 : i32 to index
        %get3A_910 = tpu.vector_load %arg12[%get3A_908, %get3A_909] {strides = array<i32>} : memref<80x128xf32, #tpu.memory_space<vmem>>, vector<16xf32>,
        %eq3A_911 = arith.constant 2 : i32
        %eq3A_912 = vector.broadcast %eq3A_911 : i32 to vector<16xi32>
        %eq3A_913 = arith.cmpi eq, %iota3A, %eq3A_912 : vector<16xi32>
        %mul3A_914 = arith.mulf %get3A_905, %get3A_910 : vector<16xf32>
        %reduce_sum3A_915 = arith.constant true
        %reduce_sum3A_916 = vector.broadcast %reduce_sum3A_915 : i1 to vector<16xi1>
        %reduce_sum3A_917 = tpu.scan <sum>, %mul3A_914 masked %reduce_sum3A_916 : vector<16xf32>, vector<16xi1> -> vector<16xf32>
        %reduce_sum3A_918 = vector.extract %reduce_sum3A_917[15] : f32 from vector<16xf32>
        %broadcast_in_dim3A_919 = vector.broadcast %reduce_sum3A_918 : f32 to vector<16xf32>
        %select_n3A_920 = arith.select %eq3A_913, %broadcast_in_dim3A_919, %select_n3A_902 : vector<16xi1>, vector<16xf32>
        %get3A_921 = arith.index_cast %add3A_866 : i32 to index
        %get3A_922 = arith.constant 48 : index
        %get3A_923 = tpu.vector_load %arg11[%get3A_921, %get3A_922] {strides = array<i32>} : memref<80x128xf32, #tpu.memory_space<vmem>>, vector<16xf32>,
        %add3A_924 = arith.constant 48 : i32
        %add3A_925 = arith.addi %mul3A_0, %add3A_924 : i32
        %get3A_926 = arith.index_cast %add3A_866 : i32 to index
        %get3A_927 = arith.index_cast %add3A_925 : i32 to index
        %get3A_928 = tpu.vector_load %arg12[%get3A_926, %get3A_927] {strides = array<i32>} : memref<80x128xf32, #tpu.memory_space<vmem>>, vector<16xf32>,
        %eq3A_929 = arith.constant 3 : i32
        %eq3A_930 = vector.broadcast %eq3A_929 : i32 to vector<16xi32>
        %eq3A_931 = arith.cmpi eq, %iota3A, %eq3A_930 : vector<16xi32>
        %mul3A_932 = arith.mulf %get3A_923, %get3A_928 : vector<16xf32>
        %reduce_sum3A_933 = arith.constant true
        %reduce_sum3A_934 = vector.broadcast %reduce_sum3A_933 : i1 to vector<16xi1>
        %reduce_sum3A_935 = tpu.scan <sum>, %mul3A_932 masked %reduce_sum3A_934 : vector<16xf32>, vector<16xi1> -> vector<16xf32>
        %reduce_sum3A_936 = vector.extract %reduce_sum3A_935[15] : f32 from vector<16xf32>
        %broadcast_in_dim3A_937 = vector.broadcast %reduce_sum3A_936 : f32 to vector<16xf32>
        %select_n3A_938 = arith.select %eq3A_931, %broadcast_in_dim3A_937, %select_n3A_920 : vector<16xi1>, vector<16xf32>
        %mul3A_939 = arith.constant 2.500000e-01 : f32
        %mul3A_940 = vector.broadcast %mul3A_939 : f32 to vector<16xf32>
        %mul3A_941 = arith.mulf %select_n3A_938, %mul3A_940 : vector<16xf32>
        %get3A_942 = arith.index_cast %add3A_187 : i32 to index
        %get3A_943 = arith.constant 80 : index
        %get3A_944 = tpu.vector_load %arg13[%get3A_942, %get3A_943] {strides = array<i32>} : memref<24x128xf32, #tpu.memory_space<vmem>>, vector<16xf32>,
        %add3A_945 = arith.addf %mul3A_941, %get3A_944 : vector<16xf32>
        %ge3A_946 = arith.constant 0.000000e+00 : f32
        %ge3A_947 = vector.broadcast %ge3A_946 : f32 to vector<16xf32>
        %ge3A_948 = arith.cmpf oge, %add3A_945, %ge3A_947 : vector<16xf32>
        %mul3A_949 = arith.constant 2.000000e-01 : f32
        %mul3A_950 = vector.broadcast %mul3A_949 : f32 to vector<16xf32>
        %mul3A_951 = arith.mulf %mul3A_950, %add3A_945 : vector<16xf32>
        %select_n3A_952 = arith.select %ge3A_948, %add3A_945, %mul3A_951 : vector<16xi1>, vector<16xf32>
        %exp3A_953 = math.exp %select_n3A_952 : vector<16xf32>
        %swap3A_954 = arith.index_cast %add3A_866 : i32 to index
        %swap3A_955 = arith.constant 64 : index
        %swap3A_956 = tpu.vector_load %arg14[%swap3A_954, %swap3A_955] {strides = array<i32>} : memref<80x128xf32, #tpu.memory_space<vmem>>, vector<16xf32>,
        tpu.vector_store %arg14[%swap3A_954, %swap3A_955], %exp3A_953 {strides = array<i32>} : memref<80x128xf32, #tpu.memory_space<vmem>>, vector<16xf32>,
        %get3A_957 = arith.index_cast %add3A_866 : i32 to index
        %get3A_958 = arith.constant 64 : index
        %get3A_959 = tpu.vector_load %arg11[%get3A_957, %get3A_958] {strides = array<i32>} : memref<80x128xf32, #tpu.memory_space<vmem>>, vector<16xf32>,
        %slice3A_960 = vector.extract_strided_slice %exp3A_953 {offsets = [0], sizes = [1], strides = [1]} : vector<16xf32> to vector<1xf32>
        %squeeze3A_961 = vector.extract %slice3A_960[0] : f32 from vector<1xf32>
        %mul3A_962 = vector.broadcast %squeeze3A_961 : f32 to vector<16xf32>
        %mul3A_963 = arith.mulf %get3A_959, %mul3A_962 : vector<16xf32>
        %swap3A_964 = arith.index_cast %add3A_866 : i32 to index
        %swap3A_965 = arith.constant 0 : index
        %swap3A_966 = tpu.vector_load %arg14[%swap3A_964, %swap3A_965] {strides = array<i32>} : memref<80x128xf32, #tpu.memory_space<vmem>>, vector<16xf32>,
        tpu.vector_store %arg14[%swap3A_964, %swap3A_965], %mul3A_963 {strides = array<i32>} : memref<80x128xf32, #tpu.memory_space<vmem>>, vector<16xf32>,
        %get3A_967 = arith.index_cast %add3A_866 : i32 to index
        %get3A_968 = arith.constant 80 : index
        %get3A_969 = tpu.vector_load %arg11[%get3A_967, %get3A_968] {strides = array<i32>} : memref<80x128xf32, #tpu.memory_space<vmem>>, vector<16xf32>,
        %slice3A_970 = vector.extract_strided_slice %exp3A_953 {offsets = [1], sizes = [1], strides = [1]} : vector<16xf32> to vector<1xf32>
        %squeeze3A_971 = vector.extract %slice3A_970[0] : f32 from vector<1xf32>
        %mul3A_972 = vector.broadcast %squeeze3A_971 : f32 to vector<16xf32>
        %mul3A_973 = arith.mulf %get3A_969, %mul3A_972 : vector<16xf32>
        %swap3A_974 = arith.index_cast %add3A_866 : i32 to index
        %swap3A_975 = arith.constant 16 : index
        %swap3A_976 = tpu.vector_load %arg14[%swap3A_974, %swap3A_975] {strides = array<i32>} : memref<80x128xf32, #tpu.memory_space<vmem>>, vector<16xf32>,
        tpu.vector_store %arg14[%swap3A_974, %swap3A_975], %mul3A_973 {strides = array<i32>} : memref<80x128xf32, #tpu.memory_space<vmem>>, vector<16xf32>,
        %get3A_977 = arith.index_cast %add3A_866 : i32 to index
        %get3A_978 = arith.constant 96 : index
        %get3A_979 = tpu.vector_load %arg11[%get3A_977, %get3A_978] {strides = array<i32>} : memref<80x128xf32, #tpu.memory_space<vmem>>, vector<16xf32>,
        %slice3A_980 = vector.extract_strided_slice %exp3A_953 {offsets = [2], sizes = [1], strides = [1]} : vector<16xf32> to vector<1xf32>
        %squeeze3A_981 = vector.extract %slice3A_980[0] : f32 from vector<1xf32>
        %mul3A_982 = vector.broadcast %squeeze3A_981 : f32 to vector<16xf32>
        %mul3A_983 = arith.mulf %get3A_979, %mul3A_982 : vector<16xf32>
        %swap3A_984 = arith.index_cast %add3A_866 : i32 to index
        %swap3A_985 = arith.constant 32 : index
        %swap3A_986 = tpu.vector_load %arg14[%swap3A_984, %swap3A_985] {strides = array<i32>} : memref<80x128xf32, #tpu.memory_space<vmem>>, vector<16xf32>,
        tpu.vector_store %arg14[%swap3A_984, %swap3A_985], %mul3A_983 {strides = array<i32>} : memref<80x128xf32, #tpu.memory_space<vmem>>, vector<16xf32>,
        %get3A_987 = arith.index_cast %add3A_866 : i32 to index
        %get3A_988 = arith.constant 112 : index
        %get3A_989 = tpu.vector_load %arg11[%get3A_987, %get3A_988] {strides = array<i32>} : memref<80x128xf32, #tpu.memory_space<vmem>>, vector<16xf32>,
        %slice3A_990 = vector.extract_strided_slice %exp3A_953 {offsets = [3], sizes = [1], strides = [1]} : vector<16xf32> to vector<1xf32>
        %squeeze3A_991 = vector.extract %slice3A_990[0] : f32 from vector<1xf32>
        %mul3A_992 = vector.broadcast %squeeze3A_991 : f32 to vector<16xf32>
        %mul3A_993 = arith.mulf %get3A_989, %mul3A_992 : vector<16xf32>
        %swap3A_994 = arith.index_cast %add3A_866 : i32 to index
        %swap3A_995 = arith.constant 48 : index
        %swap3A_996 = tpu.vector_load %arg14[%swap3A_994, %swap3A_995] {strides = array<i32>} : memref<80x128xf32, #tpu.memory_space<vmem>>, vector<16xf32>,
        tpu.vector_store %arg14[%swap3A_994, %swap3A_995], %mul3A_993 {strides = array<i32>} : memref<80x128xf32, #tpu.memory_space<vmem>>, vector<16xf32>,
        %mul3A_997 = arith.constant 8 : i32
        %mul3A_998 = arith.muli %scan3A_183, %mul3A_997 : i32
        %add3A_999 = arith.constant 0 : i32
        %add3A_1000 = arith.addi %add3A_999, %mul3A_998 : i32
        %add3A_1001 = arith.constant 6 : i32
        %add3A_1002 = arith.addi %add3A_1000, %add3A_1001 : i32
        %get3A_1003 = arith.index_cast %add3A_1002 : i32 to index
        %get3A_1004 = arith.constant 0 : index
        %get3A_1005 = tpu.vector_load %arg11[%get3A_1003, %get3A_1004] {strides = array<i32>} : memref<80x128xf32, #tpu.memory_space<vmem>>, vector<16xf32>,
        %add3A_1006 = arith.constant 0 : i32
        %add3A_1007 = arith.addi %mul3A_0, %add3A_1006 : i32
        %get3A_1008 = arith.index_cast %add3A_1002 : i32 to index
        %get3A_1009 = arith.index_cast %add3A_1007 : i32 to index
        %get3A_1010 = tpu.vector_load %arg12[%get3A_1008, %get3A_1009] {strides = array<i32>} : memref<80x128xf32, #tpu.memory_space<vmem>>, vector<16xf32>,
        %eq3A_1011 = arith.constant 0 : i32
        %eq3A_1012 = vector.broadcast %eq3A_1011 : i32 to vector<16xi32>
        %eq3A_1013 = arith.cmpi eq, %iota3A, %eq3A_1012 : vector<16xi32>
        %mul3A_1014 = arith.mulf %get3A_1005, %get3A_1010 : vector<16xf32>
        %reduce_sum3A_1015 = arith.constant true
        %reduce_sum3A_1016 = vector.broadcast %reduce_sum3A_1015 : i1 to vector<16xi1>
        %reduce_sum3A_1017 = tpu.scan <sum>, %mul3A_1014 masked %reduce_sum3A_1016 : vector<16xf32>, vector<16xi1> -> vector<16xf32>
        %reduce_sum3A_1018 = vector.extract %reduce_sum3A_1017[15] : f32 from vector<16xf32>
        %broadcast_in_dim3A_1019 = vector.broadcast %reduce_sum3A_1018 : f32 to vector<16xf32>
        %select_n3A_1020 = arith.select %eq3A_1013, %broadcast_in_dim3A_1019, %broadcast_in_dim3A_1 : vector<16xi1>, vector<16xf32>
        %get3A_1021 = arith.index_cast %add3A_1002 : i32 to index
        %get3A_1022 = arith.constant 16 : index
        %get3A_1023 = tpu.vector_load %arg11[%get3A_1021, %get3A_1022] {strides = array<i32>} : memref<80x128xf32, #tpu.memory_space<vmem>>, vector<16xf32>,
        %add3A_1024 = arith.constant 16 : i32
        %add3A_1025 = arith.addi %mul3A_0, %add3A_1024 : i32
        %get3A_1026 = arith.index_cast %add3A_1002 : i32 to index
        %get3A_1027 = arith.index_cast %add3A_1025 : i32 to index
        %get3A_1028 = tpu.vector_load %arg12[%get3A_1026, %get3A_1027] {strides = array<i32>} : memref<80x128xf32, #tpu.memory_space<vmem>>, vector<16xf32>,
        %eq3A_1029 = arith.constant 1 : i32
        %eq3A_1030 = vector.broadcast %eq3A_1029 : i32 to vector<16xi32>
        %eq3A_1031 = arith.cmpi eq, %iota3A, %eq3A_1030 : vector<16xi32>
        %mul3A_1032 = arith.mulf %get3A_1023, %get3A_1028 : vector<16xf32>
        %reduce_sum3A_1033 = arith.constant true
        %reduce_sum3A_1034 = vector.broadcast %reduce_sum3A_1033 : i1 to vector<16xi1>
        %reduce_sum3A_1035 = tpu.scan <sum>, %mul3A_1032 masked %reduce_sum3A_1034 : vector<16xf32>, vector<16xi1> -> vector<16xf32>
        %reduce_sum3A_1036 = vector.extract %reduce_sum3A_1035[15] : f32 from vector<16xf32>
        %broadcast_in_dim3A_1037 = vector.broadcast %reduce_sum3A_1036 : f32 to vector<16xf32>
        %select_n3A_1038 = arith.select %eq3A_1031, %broadcast_in_dim3A_1037, %select_n3A_1020 : vector<16xi1>, vector<16xf32>
        %get3A_1039 = arith.index_cast %add3A_1002 : i32 to index
        %get3A_1040 = arith.constant 32 : index
        %get3A_1041 = tpu.vector_load %arg11[%get3A_1039, %get3A_1040] {strides = array<i32>} : memref<80x128xf32, #tpu.memory_space<vmem>>, vector<16xf32>,
        %add3A_1042 = arith.constant 32 : i32
        %add3A_1043 = arith.addi %mul3A_0, %add3A_1042 : i32
        %get3A_1044 = arith.index_cast %add3A_1002 : i32 to index
        %get3A_1045 = arith.index_cast %add3A_1043 : i32 to index
        %get3A_1046 = tpu.vector_load %arg12[%get3A_1044, %get3A_1045] {strides = array<i32>} : memref<80x128xf32, #tpu.memory_space<vmem>>, vector<16xf32>,
        %eq3A_1047 = arith.constant 2 : i32
        %eq3A_1048 = vector.broadcast %eq3A_1047 : i32 to vector<16xi32>
        %eq3A_1049 = arith.cmpi eq, %iota3A, %eq3A_1048 : vector<16xi32>
        %mul3A_1050 = arith.mulf %get3A_1041, %get3A_1046 : vector<16xf32>
        %reduce_sum3A_1051 = arith.constant true
        %reduce_sum3A_1052 = vector.broadcast %reduce_sum3A_1051 : i1 to vector<16xi1>
        %reduce_sum3A_1053 = tpu.scan <sum>, %mul3A_1050 masked %reduce_sum3A_1052 : vector<16xf32>, vector<16xi1> -> vector<16xf32>
        %reduce_sum3A_1054 = vector.extract %reduce_sum3A_1053[15] : f32 from vector<16xf32>
        %broadcast_in_dim3A_1055 = vector.broadcast %reduce_sum3A_1054 : f32 to vector<16xf32>
        %select_n3A_1056 = arith.select %eq3A_1049, %broadcast_in_dim3A_1055, %select_n3A_1038 : vector<16xi1>, vector<16xf32>
        %get3A_1057 = arith.index_cast %add3A_1002 : i32 to index
        %get3A_1058 = arith.constant 48 : index
        %get3A_1059 = tpu.vector_load %arg11[%get3A_1057, %get3A_1058] {strides = array<i32>} : memref<80x128xf32, #tpu.memory_space<vmem>>, vector<16xf32>,
        %add3A_1060 = arith.constant 48 : i32
        %add3A_1061 = arith.addi %mul3A_0, %add3A_1060 : i32
        %get3A_1062 = arith.index_cast %add3A_1002 : i32 to index
        %get3A_1063 = arith.index_cast %add3A_1061 : i32 to index
        %get3A_1064 = tpu.vector_load %arg12[%get3A_1062, %get3A_1063] {strides = array<i32>} : memref<80x128xf32, #tpu.memory_space<vmem>>, vector<16xf32>,
        %eq3A_1065 = arith.constant 3 : i32
        %eq3A_1066 = vector.broadcast %eq3A_1065 : i32 to vector<16xi32>
        %eq3A_1067 = arith.cmpi eq, %iota3A, %eq3A_1066 : vector<16xi32>
        %mul3A_1068 = arith.mulf %get3A_1059, %get3A_1064 : vector<16xf32>
        %reduce_sum3A_1069 = arith.constant true
        %reduce_sum3A_1070 = vector.broadcast %reduce_sum3A_1069 : i1 to vector<16xi1>
        %reduce_sum3A_1071 = tpu.scan <sum>, %mul3A_1068 masked %reduce_sum3A_1070 : vector<16xf32>, vector<16xi1> -> vector<16xf32>
        %reduce_sum3A_1072 = vector.extract %reduce_sum3A_1071[15] : f32 from vector<16xf32>
        %broadcast_in_dim3A_1073 = vector.broadcast %reduce_sum3A_1072 : f32 to vector<16xf32>
        %select_n3A_1074 = arith.select %eq3A_1067, %broadcast_in_dim3A_1073, %select_n3A_1056 : vector<16xi1>, vector<16xf32>
        %mul3A_1075 = arith.constant 2.500000e-01 : f32
        %mul3A_1076 = vector.broadcast %mul3A_1075 : f32 to vector<16xf32>
        %mul3A_1077 = arith.mulf %select_n3A_1074, %mul3A_1076 : vector<16xf32>
        %get3A_1078 = arith.index_cast %add3A_187 : i32 to index
        %get3A_1079 = arith.constant 96 : index
        %get3A_1080 = tpu.vector_load %arg13[%get3A_1078, %get3A_1079] {strides = array<i32>} : memref<24x128xf32, #tpu.memory_space<vmem>>, vector<16xf32>,
        %add3A_1081 = arith.addf %mul3A_1077, %get3A_1080 : vector<16xf32>
        %ge3A_1082 = arith.constant 0.000000e+00 : f32
        %ge3A_1083 = vector.broadcast %ge3A_1082 : f32 to vector<16xf32>
        %ge3A_1084 = arith.cmpf oge, %add3A_1081, %ge3A_1083 : vector<16xf32>
        %mul3A_1085 = arith.constant 2.000000e-01 : f32
        %mul3A_1086 = vector.broadcast %mul3A_1085 : f32 to vector<16xf32>
        %mul3A_1087 = arith.mulf %mul3A_1086, %add3A_1081 : vector<16xf32>
        %select_n3A_1088 = arith.select %ge3A_1084, %add3A_1081, %mul3A_1087 : vector<16xi1>, vector<16xf32>
        %exp3A_1089 = math.exp %select_n3A_1088 : vector<16xf32>
        %swap3A_1090 = arith.index_cast %add3A_1002 : i32 to index
        %swap3A_1091 = arith.constant 64 : index
        %swap3A_1092 = tpu.vector_load %arg14[%swap3A_1090, %swap3A_1091] {strides = array<i32>} : memref<80x128xf32, #tpu.memory_space<vmem>>, vector<16xf32>,
        tpu.vector_store %arg14[%swap3A_1090, %swap3A_1091], %exp3A_1089 {strides = array<i32>} : memref<80x128xf32, #tpu.memory_space<vmem>>, vector<16xf32>,
        %get3A_1093 = arith.index_cast %add3A_1002 : i32 to index
        %get3A_1094 = arith.constant 64 : index
        %get3A_1095 = tpu.vector_load %arg11[%get3A_1093, %get3A_1094] {strides = array<i32>} : memref<80x128xf32, #tpu.memory_space<vmem>>, vector<16xf32>,
        %slice3A_1096 = vector.extract_strided_slice %exp3A_1089 {offsets = [0], sizes = [1], strides = [1]} : vector<16xf32> to vector<1xf32>
        %squeeze3A_1097 = vector.extract %slice3A_1096[0] : f32 from vector<1xf32>
        %mul3A_1098 = vector.broadcast %squeeze3A_1097 : f32 to vector<16xf32>
        %mul3A_1099 = arith.mulf %get3A_1095, %mul3A_1098 : vector<16xf32>
        %swap3A_1100 = arith.index_cast %add3A_1002 : i32 to index
        %swap3A_1101 = arith.constant 0 : index
        %swap3A_1102 = tpu.vector_load %arg14[%swap3A_1100, %swap3A_1101] {strides = array<i32>} : memref<80x128xf32, #tpu.memory_space<vmem>>, vector<16xf32>,
        tpu.vector_store %arg14[%swap3A_1100, %swap3A_1101], %mul3A_1099 {strides = array<i32>} : memref<80x128xf32, #tpu.memory_space<vmem>>, vector<16xf32>,
        %get3A_1103 = arith.index_cast %add3A_1002 : i32 to index
        %get3A_1104 = arith.constant 80 : index
        %get3A_1105 = tpu.vector_load %arg11[%get3A_1103, %get3A_1104] {strides = array<i32>} : memref<80x128xf32, #tpu.memory_space<vmem>>, vector<16xf32>,
        %slice3A_1106 = vector.extract_strided_slice %exp3A_1089 {offsets = [1], sizes = [1], strides = [1]} : vector<16xf32> to vector<1xf32>
        %squeeze3A_1107 = vector.extract %slice3A_1106[0] : f32 from vector<1xf32>
        %mul3A_1108 = vector.broadcast %squeeze3A_1107 : f32 to vector<16xf32>
        %mul3A_1109 = arith.mulf %get3A_1105, %mul3A_1108 : vector<16xf32>
        %swap3A_1110 = arith.index_cast %add3A_1002 : i32 to index
        %swap3A_1111 = arith.constant 16 : index
        %swap3A_1112 = tpu.vector_load %arg14[%swap3A_1110, %swap3A_1111] {strides = array<i32>} : memref<80x128xf32, #tpu.memory_space<vmem>>, vector<16xf32>,
        tpu.vector_store %arg14[%swap3A_1110, %swap3A_1111], %mul3A_1109 {strides = array<i32>} : memref<80x128xf32, #tpu.memory_space<vmem>>, vector<16xf32>,
        %get3A_1113 = arith.index_cast %add3A_1002 : i32 to index
        %get3A_1114 = arith.constant 96 : index
        %get3A_1115 = tpu.vector_load %arg11[%get3A_1113, %get3A_1114] {strides = array<i32>} : memref<80x128xf32, #tpu.memory_space<vmem>>, vector<16xf32>,
        %slice3A_1116 = vector.extract_strided_slice %exp3A_1089 {offsets = [2], sizes = [1], strides = [1]} : vector<16xf32> to vector<1xf32>
        %squeeze3A_1117 = vector.extract %slice3A_1116[0] : f32 from vector<1xf32>
        %mul3A_1118 = vector.broadcast %squeeze3A_1117 : f32 to vector<16xf32>
        %mul3A_1119 = arith.mulf %get3A_1115, %mul3A_1118 : vector<16xf32>
        %swap3A_1120 = arith.index_cast %add3A_1002 : i32 to index
        %swap3A_1121 = arith.constant 32 : index
        %swap3A_1122 = tpu.vector_load %arg14[%swap3A_1120, %swap3A_1121] {strides = array<i32>} : memref<80x128xf32, #tpu.memory_space<vmem>>, vector<16xf32>,
        tpu.vector_store %arg14[%swap3A_1120, %swap3A_1121], %mul3A_1119 {strides = array<i32>} : memref<80x128xf32, #tpu.memory_space<vmem>>, vector<16xf32>,
        %get3A_1123 = arith.index_cast %add3A_1002 : i32 to index
        %get3A_1124 = arith.constant 112 : index
        %get3A_1125 = tpu.vector_load %arg11[%get3A_1123, %get3A_1124] {strides = array<i32>} : memref<80x128xf32, #tpu.memory_space<vmem>>, vector<16xf32>,
        %slice3A_1126 = vector.extract_strided_slice %exp3A_1089 {offsets = [3], sizes = [1], strides = [1]} : vector<16xf32> to vector<1xf32>
        %squeeze3A_1127 = vector.extract %slice3A_1126[0] : f32 from vector<1xf32>
        %mul3A_1128 = vector.broadcast %squeeze3A_1127 : f32 to vector<16xf32>
        %mul3A_1129 = arith.mulf %get3A_1125, %mul3A_1128 : vector<16xf32>
        %swap3A_1130 = arith.index_cast %add3A_1002 : i32 to index
        %swap3A_1131 = arith.constant 48 : index
        %swap3A_1132 = tpu.vector_load %arg14[%swap3A_1130, %swap3A_1131] {strides = array<i32>} : memref<80x128xf32, #tpu.memory_space<vmem>>, vector<16xf32>,
        tpu.vector_store %arg14[%swap3A_1130, %swap3A_1131], %mul3A_1129 {strides = array<i32>} : memref<80x128xf32, #tpu.memory_space<vmem>>, vector<16xf32>,
        %mul3A_1133 = arith.constant 8 : i32
        %mul3A_1134 = arith.muli %scan3A_183, %mul3A_1133 : i32
        %add3A_1135 = arith.constant 0 : i32
        %add3A_1136 = arith.addi %add3A_1135, %mul3A_1134 : i32
        %add3A_1137 = arith.constant 7 : i32
        %add3A_1138 = arith.addi %add3A_1136, %add3A_1137 : i32
        %get3A_1139 = arith.index_cast %add3A_1138 : i32 to index
        %get3A_1140 = arith.constant 0 : index
        %get3A_1141 = tpu.vector_load %arg11[%get3A_1139, %get3A_1140] {strides = array<i32>} : memref<80x128xf32, #tpu.memory_space<vmem>>, vector<16xf32>,
        %add3A_1142 = arith.constant 0 : i32
        %add3A_1143 = arith.addi %mul3A_0, %add3A_1142 : i32
        %get3A_1144 = arith.index_cast %add3A_1138 : i32 to index
        %get3A_1145 = arith.index_cast %add3A_1143 : i32 to index
        %get3A_1146 = tpu.vector_load %arg12[%get3A_1144, %get3A_1145] {strides = array<i32>} : memref<80x128xf32, #tpu.memory_space<vmem>>, vector<16xf32>,
        %eq3A_1147 = arith.constant 0 : i32
        %eq3A_1148 = vector.broadcast %eq3A_1147 : i32 to vector<16xi32>
        %eq3A_1149 = arith.cmpi eq, %iota3A, %eq3A_1148 : vector<16xi32>
        %mul3A_1150 = arith.mulf %get3A_1141, %get3A_1146 : vector<16xf32>
        %reduce_sum3A_1151 = arith.constant true
        %reduce_sum3A_1152 = vector.broadcast %reduce_sum3A_1151 : i1 to vector<16xi1>
        %reduce_sum3A_1153 = tpu.scan <sum>, %mul3A_1150 masked %reduce_sum3A_1152 : vector<16xf32>, vector<16xi1> -> vector<16xf32>
        %reduce_sum3A_1154 = vector.extract %reduce_sum3A_1153[15] : f32 from vector<16xf32>
        %broadcast_in_dim3A_1155 = vector.broadcast %reduce_sum3A_1154 : f32 to vector<16xf32>
        %select_n3A_1156 = arith.select %eq3A_1149, %broadcast_in_dim3A_1155, %broadcast_in_dim3A_1 : vector<16xi1>, vector<16xf32>
        %get3A_1157 = arith.index_cast %add3A_1138 : i32 to index
        %get3A_1158 = arith.constant 16 : index
        %get3A_1159 = tpu.vector_load %arg11[%get3A_1157, %get3A_1158] {strides = array<i32>} : memref<80x128xf32, #tpu.memory_space<vmem>>, vector<16xf32>,
        %add3A_1160 = arith.constant 16 : i32
        %add3A_1161 = arith.addi %mul3A_0, %add3A_1160 : i32
        %get3A_1162 = arith.index_cast %add3A_1138 : i32 to index
        %get3A_1163 = arith.index_cast %add3A_1161 : i32 to index
        %get3A_1164 = tpu.vector_load %arg12[%get3A_1162, %get3A_1163] {strides = array<i32>} : memref<80x128xf32, #tpu.memory_space<vmem>>, vector<16xf32>,
        %eq3A_1165 = arith.constant 1 : i32
        %eq3A_1166 = vector.broadcast %eq3A_1165 : i32 to vector<16xi32>
        %eq3A_1167 = arith.cmpi eq, %iota3A, %eq3A_1166 : vector<16xi32>
        %mul3A_1168 = arith.mulf %get3A_1159, %get3A_1164 : vector<16xf32>
        %reduce_sum3A_1169 = arith.constant true
        %reduce_sum3A_1170 = vector.broadcast %reduce_sum3A_1169 : i1 to vector<16xi1>
        %reduce_sum3A_1171 = tpu.scan <sum>, %mul3A_1168 masked %reduce_sum3A_1170 : vector<16xf32>, vector<16xi1> -> vector<16xf32>
        %reduce_sum3A_1172 = vector.extract %reduce_sum3A_1171[15] : f32 from vector<16xf32>
        %broadcast_in_dim3A_1173 = vector.broadcast %reduce_sum3A_1172 : f32 to vector<16xf32>
        %select_n3A_1174 = arith.select %eq3A_1167, %broadcast_in_dim3A_1173, %select_n3A_1156 : vector<16xi1>, vector<16xf32>
        %get3A_1175 = arith.index_cast %add3A_1138 : i32 to index
        %get3A_1176 = arith.constant 32 : index
        %get3A_1177 = tpu.vector_load %arg11[%get3A_1175, %get3A_1176] {strides = array<i32>} : memref<80x128xf32, #tpu.memory_space<vmem>>, vector<16xf32>,
        %add3A_1178 = arith.constant 32 : i32
        %add3A_1179 = arith.addi %mul3A_0, %add3A_1178 : i32
        %get3A_1180 = arith.index_cast %add3A_1138 : i32 to index
        %get3A_1181 = arith.index_cast %add3A_1179 : i32 to index
        %get3A_1182 = tpu.vector_load %arg12[%get3A_1180, %get3A_1181] {strides = array<i32>} : memref<80x128xf32, #tpu.memory_space<vmem>>, vector<16xf32>,
        %eq3A_1183 = arith.constant 2 : i32
        %eq3A_1184 = vector.broadcast %eq3A_1183 : i32 to vector<16xi32>
        %eq3A_1185 = arith.cmpi eq, %iota3A, %eq3A_1184 : vector<16xi32>
        %mul3A_1186 = arith.mulf %get3A_1177, %get3A_1182 : vector<16xf32>
        %reduce_sum3A_1187 = arith.constant true
        %reduce_sum3A_1188 = vector.broadcast %reduce_sum3A_1187 : i1 to vector<16xi1>
        %reduce_sum3A_1189 = tpu.scan <sum>, %mul3A_1186 masked %reduce_sum3A_1188 : vector<16xf32>, vector<16xi1> -> vector<16xf32>
        %reduce_sum3A_1190 = vector.extract %reduce_sum3A_1189[15] : f32 from vector<16xf32>
        %broadcast_in_dim3A_1191 = vector.broadcast %reduce_sum3A_1190 : f32 to vector<16xf32>
        %select_n3A_1192 = arith.select %eq3A_1185, %broadcast_in_dim3A_1191, %select_n3A_1174 : vector<16xi1>, vector<16xf32>
        %get3A_1193 = arith.index_cast %add3A_1138 : i32 to index
        %get3A_1194 = arith.constant 48 : index
        %get3A_1195 = tpu.vector_load %arg11[%get3A_1193, %get3A_1194] {strides = array<i32>} : memref<80x128xf32, #tpu.memory_space<vmem>>, vector<16xf32>,
        %add3A_1196 = arith.constant 48 : i32
        %add3A_1197 = arith.addi %mul3A_0, %add3A_1196 : i32
        %get3A_1198 = arith.index_cast %add3A_1138 : i32 to index
        %get3A_1199 = arith.index_cast %add3A_1197 : i32 to index
        %get3A_1200 = tpu.vector_load %arg12[%get3A_1198, %get3A_1199] {strides = array<i32>} : memref<80x128xf32, #tpu.memory_space<vmem>>, vector<16xf32>,
        %eq3A_1201 = arith.constant 3 : i32
        %eq3A_1202 = vector.broadcast %eq3A_1201 : i32 to vector<16xi32>
        %eq3A_1203 = arith.cmpi eq, %iota3A, %eq3A_1202 : vector<16xi32>
        %mul3A_1204 = arith.mulf %get3A_1195, %get3A_1200 : vector<16xf32>
        %reduce_sum3A_1205 = arith.constant true
        %reduce_sum3A_1206 = vector.broadcast %reduce_sum3A_1205 : i1 to vector<16xi1>
        %reduce_sum3A_1207 = tpu.scan <sum>, %mul3A_1204 masked %reduce_sum3A_1206 : vector<16xf32>, vector<16xi1> -> vector<16xf32>
        %reduce_sum3A_1208 = vector.extract %reduce_sum3A_1207[15] : f32 from vector<16xf32>
        %broadcast_in_dim3A_1209 = vector.broadcast %reduce_sum3A_1208 : f32 to vector<16xf32>
        %select_n3A_1210 = arith.select %eq3A_1203, %broadcast_in_dim3A_1209, %select_n3A_1192 : vector<16xi1>, vector<16xf32>
        %mul3A_1211 = arith.constant 2.500000e-01 : f32
        %mul3A_1212 = vector.broadcast %mul3A_1211 : f32 to vector<16xf32>
        %mul3A_1213 = arith.mulf %select_n3A_1210, %mul3A_1212 : vector<16xf32>
        %get3A_1214 = arith.index_cast %add3A_187 : i32 to index
        %get3A_1215 = arith.constant 112 : index
        %get3A_1216 = tpu.vector_load %arg13[%get3A_1214, %get3A_1215] {strides = array<i32>} : memref<24x128xf32, #tpu.memory_space<vmem>>, vector<16xf32>,
        %add3A_1217 = arith.addf %mul3A_1213, %get3A_1216 : vector<16xf32>
        %ge3A_1218 = arith.constant 0.000000e+00 : f32
        %ge3A_1219 = vector.broadcast %ge3A_1218 : f32 to vector<16xf32>
        %ge3A_1220 = arith.cmpf oge, %add3A_1217, %ge3A_1219 : vector<16xf32>
        %mul3A_1221 = arith.constant 2.000000e-01 : f32
        %mul3A_1222 = vector.broadcast %mul3A_1221 : f32 to vector<16xf32>
        %mul3A_1223 = arith.mulf %mul3A_1222, %add3A_1217 : vector<16xf32>
        %select_n3A_1224 = arith.select %ge3A_1220, %add3A_1217, %mul3A_1223 : vector<16xi1>, vector<16xf32>
        %exp3A_1225 = math.exp %select_n3A_1224 : vector<16xf32>
        %swap3A_1226 = arith.index_cast %add3A_1138 : i32 to index
        %swap3A_1227 = arith.constant 64 : index
        %swap3A_1228 = tpu.vector_load %arg14[%swap3A_1226, %swap3A_1227] {strides = array<i32>} : memref<80x128xf32, #tpu.memory_space<vmem>>, vector<16xf32>,
        tpu.vector_store %arg14[%swap3A_1226, %swap3A_1227], %exp3A_1225 {strides = array<i32>} : memref<80x128xf32, #tpu.memory_space<vmem>>, vector<16xf32>,
        %get3A_1229 = arith.index_cast %add3A_1138 : i32 to index
        %get3A_1230 = arith.constant 64 : index
        %get3A_1231 = tpu.vector_load %arg11[%get3A_1229, %get3A_1230] {strides = array<i32>} : memref<80x128xf32, #tpu.memory_space<vmem>>, vector<16xf32>,
        %slice3A_1232 = vector.extract_strided_slice %exp3A_1225 {offsets = [0], sizes = [1], strides = [1]} : vector<16xf32> to vector<1xf32>
        %squeeze3A_1233 = vector.extract %slice3A_1232[0] : f32 from vector<1xf32>
        %mul3A_1234 = vector.broadcast %squeeze3A_1233 : f32 to vector<16xf32>
        %mul3A_1235 = arith.mulf %get3A_1231, %mul3A_1234 : vector<16xf32>
        %swap3A_1236 = arith.index_cast %add3A_1138 : i32 to index
        %swap3A_1237 = arith.constant 0 : index
        %swap3A_1238 = tpu.vector_load %arg14[%swap3A_1236, %swap3A_1237] {strides = array<i32>} : memref<80x128xf32, #tpu.memory_space<vmem>>, vector<16xf32>,
        tpu.vector_store %arg14[%swap3A_1236, %swap3A_1237], %mul3A_1235 {strides = array<i32>} : memref<80x128xf32, #tpu.memory_space<vmem>>, vector<16xf32>,
        %get3A_1239 = arith.index_cast %add3A_1138 : i32 to index
        %get3A_1240 = arith.constant 80 : index
        %get3A_1241 = tpu.vector_load %arg11[%get3A_1239, %get3A_1240] {strides = array<i32>} : memref<80x128xf32, #tpu.memory_space<vmem>>, vector<16xf32>,
        %slice3A_1242 = vector.extract_strided_slice %exp3A_1225 {offsets = [1], sizes = [1], strides = [1]} : vector<16xf32> to vector<1xf32>
        %squeeze3A_1243 = vector.extract %slice3A_1242[0] : f32 from vector<1xf32>
        %mul3A_1244 = vector.broadcast %squeeze3A_1243 : f32 to vector<16xf32>
        %mul3A_1245 = arith.mulf %get3A_1241, %mul3A_1244 : vector<16xf32>
        %swap3A_1246 = arith.index_cast %add3A_1138 : i32 to index
        %swap3A_1247 = arith.constant 16 : index
        %swap3A_1248 = tpu.vector_load %arg14[%swap3A_1246, %swap3A_1247] {strides = array<i32>} : memref<80x128xf32, #tpu.memory_space<vmem>>, vector<16xf32>,
        tpu.vector_store %arg14[%swap3A_1246, %swap3A_1247], %mul3A_1245 {strides = array<i32>} : memref<80x128xf32, #tpu.memory_space<vmem>>, vector<16xf32>,
        %get3A_1249 = arith.index_cast %add3A_1138 : i32 to index
        %get3A_1250 = arith.constant 96 : index
        %get3A_1251 = tpu.vector_load %arg11[%get3A_1249, %get3A_1250] {strides = array<i32>} : memref<80x128xf32, #tpu.memory_space<vmem>>, vector<16xf32>,
        %slice3A_1252 = vector.extract_strided_slice %exp3A_1225 {offsets = [2], sizes = [1], strides = [1]} : vector<16xf32> to vector<1xf32>
        %squeeze3A_1253 = vector.extract %slice3A_1252[0] : f32 from vector<1xf32>
        %mul3A_1254 = vector.broadcast %squeeze3A_1253 : f32 to vector<16xf32>
        %mul3A_1255 = arith.mulf %get3A_1251, %mul3A_1254 : vector<16xf32>
        %swap3A_1256 = arith.index_cast %add3A_1138 : i32 to index
        %swap3A_1257 = arith.constant 32 : index
        %swap3A_1258 = tpu.vector_load %arg14[%swap3A_1256, %swap3A_1257] {strides = array<i32>} : memref<80x128xf32, #tpu.memory_space<vmem>>, vector<16xf32>,
        tpu.vector_store %arg14[%swap3A_1256, %swap3A_1257], %mul3A_1255 {strides = array<i32>} : memref<80x128xf32, #tpu.memory_space<vmem>>, vector<16xf32>,
        %get3A_1259 = arith.index_cast %add3A_1138 : i32 to index
        %get3A_1260 = arith.constant 112 : index
        %get3A_1261 = tpu.vector_load %arg11[%get3A_1259, %get3A_1260] {strides = array<i32>} : memref<80x128xf32, #tpu.memory_space<vmem>>, vector<16xf32>,
        %slice3A_1262 = vector.extract_strided_slice %exp3A_1225 {offsets = [3], sizes = [1], strides = [1]} : vector<16xf32> to vector<1xf32>
        %squeeze3A_1263 = vector.extract %slice3A_1262[0] : f32 from vector<1xf32>
        %mul3A_1264 = vector.broadcast %squeeze3A_1263 : f32 to vector<16xf32>
        %mul3A_1265 = arith.mulf %get3A_1261, %mul3A_1264 : vector<16xf32>
        %swap3A_1266 = arith.index_cast %add3A_1138 : i32 to index
        %swap3A_1267 = arith.constant 48 : index
        %swap3A_1268 = tpu.vector_load %arg14[%swap3A_1266, %swap3A_1267] {strides = array<i32>} : memref<80x128xf32, #tpu.memory_space<vmem>>, vector<16xf32>,
        tpu.vector_store %arg14[%swap3A_1266, %swap3A_1267], %mul3A_1265 {strides = array<i32>} : memref<80x128xf32, #tpu.memory_space<vmem>>, vector<16xf32>,
        %scan3A_1269 = arith.constant 0 : i32
        scf.yield %scan3A_1269 : i32
      }
      %scan3A_158 = arith.constant 5 : i32
      %dma_wait3A_159 = arith.constant 40 : i32
      %dma_wait3A_160 = arith.constant 0 : i32
      %dma_wait3A_161 = tpu.memref_slice %arg11[%dma_wait3A_159, %dma_wait3A_160] : memref<80x128xf32, #tpu.memory_space<vmem>> -> memref<40x128xf32, #tpu.memory_space<vmem>>
      %dma_wait3A_162 = arith.constant 40 : i32
      %dma_wait3A_163 = tpu.memref_slice %arg10[%dma_wait3A_162] : memref<80xi32, #tpu.memory_space<vmem>> -> memref<40xi32, #tpu.memory_space<vmem>>
      %dma_wait3A_164 = arith.constant 0 : i32
      %dma_wait3A_165 = arith.constant 0 : i32
      %dma_wait3A_166 = tpu.memref_slice %arg2[%dma_wait3A_164, %dma_wait3A_165] : memref<20000x128xf32, #tpu.memory_space<hbm>> -> memref<20000x128xf32, #tpu.memory_space<hbm>>
      tpu.wait_indirect_dma semaphore(%arg17 : memref<!tpu.dma_semaphore, #tpu.memory_space<semaphore_mem>>) src(%dma_wait3A_166 : memref<20000x128xf32, #tpu.memory_space<hbm>>) dst(%dma_wait3A_161 : memref<40x128xf32, #tpu.memory_space<vmem>>)
      %dma_wait3A_167 = arith.constant 40 : i32
      %dma_wait3A_168 = arith.constant 0 : i32
      %dma_wait3A_169 = tpu.memref_slice %arg12[%dma_wait3A_167, %dma_wait3A_168] : memref<80x128xf32, #tpu.memory_space<vmem>> -> memref<40x128xf32, #tpu.memory_space<vmem>>
      %dma_wait3A_170 = arith.constant 40 : i32
      %dma_wait3A_171 = tpu.memref_slice %arg9[%dma_wait3A_170] : memref<80xi32, #tpu.memory_space<vmem>> -> memref<40xi32, #tpu.memory_space<vmem>>
      %dma_wait3A_172 = arith.constant 0 : i32
      %dma_wait3A_173 = arith.constant 0 : i32
      %dma_wait3A_174 = tpu.memref_slice %arg3[%dma_wait3A_172, %dma_wait3A_173] : memref<10000x128xf32, #tpu.memory_space<hbm>> -> memref<10000x128xf32, #tpu.memory_space<hbm>>
      tpu.wait_indirect_dma semaphore(%arg17 : memref<!tpu.dma_semaphore, #tpu.memory_space<semaphore_mem>>) src(%dma_wait3A_174 : memref<10000x128xf32, #tpu.memory_space<hbm>>) dst(%dma_wait3A_169 : memref<40x128xf32, #tpu.memory_space<vmem>>)
      %scan3A_175 = arith.constant 0 : i32
      %scan3A_176 = arith.constant 0 : i32
      %scan3A_177 = arith.constant 5 : i32
      %scan3A_178 = arith.addi %scan3A_176, %scan3A_177 : i32
      %scan3A_179 = arith.constant 1 : i32
      %scan3A_180 = scf.for %scan3A_183 = %scan3A_176 to %scan3A_178 step %scan3A_179 iter_args(%scan3A_184 = %scan3A_175) -> (i32)  : i32 {
        %add3A_185 = arith.constant 5 : i32
        %add3A_186 = arith.addi %sub3A_136, %add3A_185 : i32
        %add3A_187 = arith.addi %add3A_186, %scan3A_183 : i32
        %mul3A_188 = arith.constant 8 : i32
        %mul3A_189 = arith.muli %scan3A_183, %mul3A_188 : i32
        %add3A_190 = arith.constant 40 : i32
        %add3A_191 = arith.addi %add3A_190, %mul3A_189 : i32
        %add3A_192 = arith.constant 0 : i32
        %add3A_193 = arith.addi %add3A_191, %add3A_192 : i32
        %get3A = arith.index_cast %add3A_193 : i32 to index
        %get3A_194 = arith.constant 0 : index
        %get3A_195 = tpu.vector_load %arg11[%get3A, %get3A_194] {strides = array<i32>} : memref<80x128xf32, #tpu.memory_space<vmem>>, vector<16xf32>,
        %add3A_196 = arith.constant 0 : i32
        %add3A_197 = arith.addi %mul3A_0, %add3A_196 : i32
        %get3A_198 = arith.index_cast %add3A_193 : i32 to index
        %get3A_199 = arith.index_cast %add3A_197 : i32 to index
        %get3A_200 = tpu.vector_load %arg12[%get3A_198, %get3A_199] {strides = array<i32>} : memref<80x128xf32, #tpu.memory_space<vmem>>, vector<16xf32>,
        %eq3A_201 = arith.constant 0 : i32
        %eq3A_202 = vector.broadcast %eq3A_201 : i32 to vector<16xi32>
        %eq3A_203 = arith.cmpi eq, %iota3A, %eq3A_202 : vector<16xi32>
        %mul3A_204 = arith.mulf %get3A_195, %get3A_200 : vector<16xf32>
        %reduce_sum3A = arith.constant true
        %reduce_sum3A_205 = vector.broadcast %reduce_sum3A : i1 to vector<16xi1>
        %reduce_sum3A_206 = tpu.scan <sum>, %mul3A_204 masked %reduce_sum3A_205 : vector<16xf32>, vector<16xi1> -> vector<16xf32>
        %reduce_sum3A_207 = vector.extract %reduce_sum3A_206[15] : f32 from vector<16xf32>
        %broadcast_in_dim3A_208 = vector.broadcast %reduce_sum3A_207 : f32 to vector<16xf32>
        %select_n3A_209 = arith.select %eq3A_203, %broadcast_in_dim3A_208, %broadcast_in_dim3A_1 : vector<16xi1>, vector<16xf32>
        %get3A_210 = arith.index_cast %add3A_193 : i32 to index
        %get3A_211 = arith.constant 16 : index
        %get3A_212 = tpu.vector_load %arg11[%get3A_210, %get3A_211] {strides = array<i32>} : memref<80x128xf32, #tpu.memory_space<vmem>>, vector<16xf32>,
        %add3A_213 = arith.constant 16 : i32
        %add3A_214 = arith.addi %mul3A_0, %add3A_213 : i32
        %get3A_215 = arith.index_cast %add3A_193 : i32 to index
        %get3A_216 = arith.index_cast %add3A_214 : i32 to index
        %get3A_217 = tpu.vector_load %arg12[%get3A_215, %get3A_216] {strides = array<i32>} : memref<80x128xf32, #tpu.memory_space<vmem>>, vector<16xf32>,
        %eq3A_218 = arith.constant 1 : i32
        %eq3A_219 = vector.broadcast %eq3A_218 : i32 to vector<16xi32>
        %eq3A_220 = arith.cmpi eq, %iota3A, %eq3A_219 : vector<16xi32>
        %mul3A_221 = arith.mulf %get3A_212, %get3A_217 : vector<16xf32>
        %reduce_sum3A_222 = arith.constant true
        %reduce_sum3A_223 = vector.broadcast %reduce_sum3A_222 : i1 to vector<16xi1>
        %reduce_sum3A_224 = tpu.scan <sum>, %mul3A_221 masked %reduce_sum3A_223 : vector<16xf32>, vector<16xi1> -> vector<16xf32>
        %reduce_sum3A_225 = vector.extract %reduce_sum3A_224[15] : f32 from vector<16xf32>
        %broadcast_in_dim3A_226 = vector.broadcast %reduce_sum3A_225 : f32 to vector<16xf32>
        %select_n3A_227 = arith.select %eq3A_220, %broadcast_in_dim3A_226, %select_n3A_209 : vector<16xi1>, vector<16xf32>
        %get3A_228 = arith.index_cast %add3A_193 : i32 to index
        %get3A_229 = arith.constant 32 : index
        %get3A_230 = tpu.vector_load %arg11[%get3A_228, %get3A_229] {strides = array<i32>} : memref<80x128xf32, #tpu.memory_space<vmem>>, vector<16xf32>,
        %add3A_231 = arith.constant 32 : i32
        %add3A_232 = arith.addi %mul3A_0, %add3A_231 : i32
        %get3A_233 = arith.index_cast %add3A_193 : i32 to index
        %get3A_234 = arith.index_cast %add3A_232 : i32 to index
        %get3A_235 = tpu.vector_load %arg12[%get3A_233, %get3A_234] {strides = array<i32>} : memref<80x128xf32, #tpu.memory_space<vmem>>, vector<16xf32>,
        %eq3A_236 = arith.constant 2 : i32
        %eq3A_237 = vector.broadcast %eq3A_236 : i32 to vector<16xi32>
        %eq3A_238 = arith.cmpi eq, %iota3A, %eq3A_237 : vector<16xi32>
        %mul3A_239 = arith.mulf %get3A_230, %get3A_235 : vector<16xf32>
        %reduce_sum3A_240 = arith.constant true
        %reduce_sum3A_241 = vector.broadcast %reduce_sum3A_240 : i1 to vector<16xi1>
        %reduce_sum3A_242 = tpu.scan <sum>, %mul3A_239 masked %reduce_sum3A_241 : vector<16xf32>, vector<16xi1> -> vector<16xf32>
        %reduce_sum3A_243 = vector.extract %reduce_sum3A_242[15] : f32 from vector<16xf32>
        %broadcast_in_dim3A_244 = vector.broadcast %reduce_sum3A_243 : f32 to vector<16xf32>
        %select_n3A_245 = arith.select %eq3A_238, %broadcast_in_dim3A_244, %select_n3A_227 : vector<16xi1>, vector<16xf32>
        %get3A_246 = arith.index_cast %add3A_193 : i32 to index
        %get3A_247 = arith.constant 48 : index
        %get3A_248 = tpu.vector_load %arg11[%get3A_246, %get3A_247] {strides = array<i32>} : memref<80x128xf32, #tpu.memory_space<vmem>>, vector<16xf32>,
        %add3A_249 = arith.constant 48 : i32
        %add3A_250 = arith.addi %mul3A_0, %add3A_249 : i32
        %get3A_251 = arith.index_cast %add3A_193 : i32 to index
        %get3A_252 = arith.index_cast %add3A_250 : i32 to index
        %get3A_253 = tpu.vector_load %arg12[%get3A_251, %get3A_252] {strides = array<i32>} : memref<80x128xf32, #tpu.memory_space<vmem>>, vector<16xf32>,
        %eq3A_254 = arith.constant 3 : i32
        %eq3A_255 = vector.broadcast %eq3A_254 : i32 to vector<16xi32>
        %eq3A_256 = arith.cmpi eq, %iota3A, %eq3A_255 : vector<16xi32>
        %mul3A_257 = arith.mulf %get3A_248, %get3A_253 : vector<16xf32>
        %reduce_sum3A_258 = arith.constant true
        %reduce_sum3A_259 = vector.broadcast %reduce_sum3A_258 : i1 to vector<16xi1>
        %reduce_sum3A_260 = tpu.scan <sum>, %mul3A_257 masked %reduce_sum3A_259 : vector<16xf32>, vector<16xi1> -> vector<16xf32>
        %reduce_sum3A_261 = vector.extract %reduce_sum3A_260[15] : f32 from vector<16xf32>
        %broadcast_in_dim3A_262 = vector.broadcast %reduce_sum3A_261 : f32 to vector<16xf32>
        %select_n3A_263 = arith.select %eq3A_256, %broadcast_in_dim3A_262, %select_n3A_245 : vector<16xi1>, vector<16xf32>
        %mul3A_264 = arith.constant 2.500000e-01 : f32
        %mul3A_265 = vector.broadcast %mul3A_264 : f32 to vector<16xf32>
        %mul3A_266 = arith.mulf %select_n3A_263, %mul3A_265 : vector<16xf32>
        %get3A_267 = arith.index_cast %add3A_187 : i32 to index
        %get3A_268 = arith.constant 0 : index
        %get3A_269 = tpu.vector_load %arg13[%get3A_267, %get3A_268] {strides = array<i32>} : memref<24x128xf32, #tpu.memory_space<vmem>>, vector<16xf32>,
        %add3A_270 = arith.addf %mul3A_266, %get3A_269 : vector<16xf32>
        %ge3A = arith.constant 0.000000e+00 : f32
        %ge3A_271 = vector.broadcast %ge3A : f32 to vector<16xf32>
        %ge3A_272 = arith.cmpf oge, %add3A_270, %ge3A_271 : vector<16xf32>
        %mul3A_273 = arith.constant 2.000000e-01 : f32
        %mul3A_274 = vector.broadcast %mul3A_273 : f32 to vector<16xf32>
        %mul3A_275 = arith.mulf %mul3A_274, %add3A_270 : vector<16xf32>
        %select_n3A_276 = arith.select %ge3A_272, %add3A_270, %mul3A_275 : vector<16xi1>, vector<16xf32>
        %exp3A = math.exp %select_n3A_276 : vector<16xf32>
        %swap3A = arith.index_cast %add3A_193 : i32 to index
        %swap3A_277 = arith.constant 64 : index
        %swap3A_278 = tpu.vector_load %arg14[%swap3A, %swap3A_277] {strides = array<i32>} : memref<80x128xf32, #tpu.memory_space<vmem>>, vector<16xf32>,
        tpu.vector_store %arg14[%swap3A, %swap3A_277], %exp3A {strides = array<i32>} : memref<80x128xf32, #tpu.memory_space<vmem>>, vector<16xf32>,
        %get3A_279 = arith.index_cast %add3A_193 : i32 to index
        %get3A_280 = arith.constant 64 : index
        %get3A_281 = tpu.vector_load %arg11[%get3A_279, %get3A_280] {strides = array<i32>} : memref<80x128xf32, #tpu.memory_space<vmem>>, vector<16xf32>,
        %slice3A = vector.extract_strided_slice %exp3A {offsets = [0], sizes = [1], strides = [1]} : vector<16xf32> to vector<1xf32>
        %squeeze3A = vector.extract %slice3A[0] : f32 from vector<1xf32>
        %mul3A_282 = vector.broadcast %squeeze3A : f32 to vector<16xf32>
        %mul3A_283 = arith.mulf %get3A_281, %mul3A_282 : vector<16xf32>
        %swap3A_284 = arith.index_cast %add3A_193 : i32 to index
        %swap3A_285 = arith.constant 0 : index
        %swap3A_286 = tpu.vector_load %arg14[%swap3A_284, %swap3A_285] {strides = array<i32>} : memref<80x128xf32, #tpu.memory_space<vmem>>, vector<16xf32>,
        tpu.vector_store %arg14[%swap3A_284, %swap3A_285], %mul3A_283 {strides = array<i32>} : memref<80x128xf32, #tpu.memory_space<vmem>>, vector<16xf32>,
        %get3A_287 = arith.index_cast %add3A_193 : i32 to index
        %get3A_288 = arith.constant 80 : index
        %get3A_289 = tpu.vector_load %arg11[%get3A_287, %get3A_288] {strides = array<i32>} : memref<80x128xf32, #tpu.memory_space<vmem>>, vector<16xf32>,
        %slice3A_290 = vector.extract_strided_slice %exp3A {offsets = [1], sizes = [1], strides = [1]} : vector<16xf32> to vector<1xf32>
        %squeeze3A_291 = vector.extract %slice3A_290[0] : f32 from vector<1xf32>
        %mul3A_292 = vector.broadcast %squeeze3A_291 : f32 to vector<16xf32>
        %mul3A_293 = arith.mulf %get3A_289, %mul3A_292 : vector<16xf32>
        %swap3A_294 = arith.index_cast %add3A_193 : i32 to index
        %swap3A_295 = arith.constant 16 : index
        %swap3A_296 = tpu.vector_load %arg14[%swap3A_294, %swap3A_295] {strides = array<i32>} : memref<80x128xf32, #tpu.memory_space<vmem>>, vector<16xf32>,
        tpu.vector_store %arg14[%swap3A_294, %swap3A_295], %mul3A_293 {strides = array<i32>} : memref<80x128xf32, #tpu.memory_space<vmem>>, vector<16xf32>,
        %get3A_297 = arith.index_cast %add3A_193 : i32 to index
        %get3A_298 = arith.constant 96 : index
        %get3A_299 = tpu.vector_load %arg11[%get3A_297, %get3A_298] {strides = array<i32>} : memref<80x128xf32, #tpu.memory_space<vmem>>, vector<16xf32>,
        %slice3A_300 = vector.extract_strided_slice %exp3A {offsets = [2], sizes = [1], strides = [1]} : vector<16xf32> to vector<1xf32>
        %squeeze3A_301 = vector.extract %slice3A_300[0] : f32 from vector<1xf32>
        %mul3A_302 = vector.broadcast %squeeze3A_301 : f32 to vector<16xf32>
        %mul3A_303 = arith.mulf %get3A_299, %mul3A_302 : vector<16xf32>
        %swap3A_304 = arith.index_cast %add3A_193 : i32 to index
        %swap3A_305 = arith.constant 32 : index
        %swap3A_306 = tpu.vector_load %arg14[%swap3A_304, %swap3A_305] {strides = array<i32>} : memref<80x128xf32, #tpu.memory_space<vmem>>, vector<16xf32>,
        tpu.vector_store %arg14[%swap3A_304, %swap3A_305], %mul3A_303 {strides = array<i32>} : memref<80x128xf32, #tpu.memory_space<vmem>>, vector<16xf32>,
        %get3A_307 = arith.index_cast %add3A_193 : i32 to index
        %get3A_308 = arith.constant 112 : index
        %get3A_309 = tpu.vector_load %arg11[%get3A_307, %get3A_308] {strides = array<i32>} : memref<80x128xf32, #tpu.memory_space<vmem>>, vector<16xf32>,
        %slice3A_310 = vector.extract_strided_slice %exp3A {offsets = [3], sizes = [1], strides = [1]} : vector<16xf32> to vector<1xf32>
        %squeeze3A_311 = vector.extract %slice3A_310[0] : f32 from vector<1xf32>
        %mul3A_312 = vector.broadcast %squeeze3A_311 : f32 to vector<16xf32>
        %mul3A_313 = arith.mulf %get3A_309, %mul3A_312 : vector<16xf32>
        %swap3A_314 = arith.index_cast %add3A_193 : i32 to index
        %swap3A_315 = arith.constant 48 : index
        %swap3A_316 = tpu.vector_load %arg14[%swap3A_314, %swap3A_315] {strides = array<i32>} : memref<80x128xf32, #tpu.memory_space<vmem>>, vector<16xf32>,
        tpu.vector_store %arg14[%swap3A_314, %swap3A_315], %mul3A_313 {strides = array<i32>} : memref<80x128xf32, #tpu.memory_space<vmem>>, vector<16xf32>,
        %mul3A_317 = arith.constant 8 : i32
        %mul3A_318 = arith.muli %scan3A_183, %mul3A_317 : i32
        %add3A_319 = arith.constant 40 : i32
        %add3A_320 = arith.addi %add3A_319, %mul3A_318 : i32
        %add3A_321 = arith.constant 1 : i32
        %add3A_322 = arith.addi %add3A_320, %add3A_321 : i32
        %get3A_323 = arith.index_cast %add3A_322 : i32 to index
        %get3A_324 = arith.constant 0 : index
        %get3A_325 = tpu.vector_load %arg11[%get3A_323, %get3A_324] {strides = array<i32>} : memref<80x128xf32, #tpu.memory_space<vmem>>, vector<16xf32>,
        %add3A_326 = arith.constant 0 : i32
        %add3A_327 = arith.addi %mul3A_0, %add3A_326 : i32
        %get3A_328 = arith.index_cast %add3A_322 : i32 to index
        %get3A_329 = arith.index_cast %add3A_327 : i32 to index
        %get3A_330 = tpu.vector_load %arg12[%get3A_328, %get3A_329] {strides = array<i32>} : memref<80x128xf32, #tpu.memory_space<vmem>>, vector<16xf32>,
        %eq3A_331 = arith.constant 0 : i32
        %eq3A_332 = vector.broadcast %eq3A_331 : i32 to vector<16xi32>
        %eq3A_333 = arith.cmpi eq, %iota3A, %eq3A_332 : vector<16xi32>
        %mul3A_334 = arith.mulf %get3A_325, %get3A_330 : vector<16xf32>
        %reduce_sum3A_335 = arith.constant true
        %reduce_sum3A_336 = vector.broadcast %reduce_sum3A_335 : i1 to vector<16xi1>
        %reduce_sum3A_337 = tpu.scan <sum>, %mul3A_334 masked %reduce_sum3A_336 : vector<16xf32>, vector<16xi1> -> vector<16xf32>
        %reduce_sum3A_338 = vector.extract %reduce_sum3A_337[15] : f32 from vector<16xf32>
        %broadcast_in_dim3A_339 = vector.broadcast %reduce_sum3A_338 : f32 to vector<16xf32>
        %select_n3A_340 = arith.select %eq3A_333, %broadcast_in_dim3A_339, %broadcast_in_dim3A_1 : vector<16xi1>, vector<16xf32>
        %get3A_341 = arith.index_cast %add3A_322 : i32 to index
        %get3A_342 = arith.constant 16 : index
        %get3A_343 = tpu.vector_load %arg11[%get3A_341, %get3A_342] {strides = array<i32>} : memref<80x128xf32, #tpu.memory_space<vmem>>, vector<16xf32>,
        %add3A_344 = arith.constant 16 : i32
        %add3A_345 = arith.addi %mul3A_0, %add3A_344 : i32
        %get3A_346 = arith.index_cast %add3A_322 : i32 to index
        %get3A_347 = arith.index_cast %add3A_345 : i32 to index
        %get3A_348 = tpu.vector_load %arg12[%get3A_346, %get3A_347] {strides = array<i32>} : memref<80x128xf32, #tpu.memory_space<vmem>>, vector<16xf32>,
        %eq3A_349 = arith.constant 1 : i32
        %eq3A_350 = vector.broadcast %eq3A_349 : i32 to vector<16xi32>
        %eq3A_351 = arith.cmpi eq, %iota3A, %eq3A_350 : vector<16xi32>
        %mul3A_352 = arith.mulf %get3A_343, %get3A_348 : vector<16xf32>
        %reduce_sum3A_353 = arith.constant true
        %reduce_sum3A_354 = vector.broadcast %reduce_sum3A_353 : i1 to vector<16xi1>
        %reduce_sum3A_355 = tpu.scan <sum>, %mul3A_352 masked %reduce_sum3A_354 : vector<16xf32>, vector<16xi1> -> vector<16xf32>
        %reduce_sum3A_356 = vector.extract %reduce_sum3A_355[15] : f32 from vector<16xf32>
        %broadcast_in_dim3A_357 = vector.broadcast %reduce_sum3A_356 : f32 to vector<16xf32>
        %select_n3A_358 = arith.select %eq3A_351, %broadcast_in_dim3A_357, %select_n3A_340 : vector<16xi1>, vector<16xf32>
        %get3A_359 = arith.index_cast %add3A_322 : i32 to index
        %get3A_360 = arith.constant 32 : index
        %get3A_361 = tpu.vector_load %arg11[%get3A_359, %get3A_360] {strides = array<i32>} : memref<80x128xf32, #tpu.memory_space<vmem>>, vector<16xf32>,
        %add3A_362 = arith.constant 32 : i32
        %add3A_363 = arith.addi %mul3A_0, %add3A_362 : i32
        %get3A_364 = arith.index_cast %add3A_322 : i32 to index
        %get3A_365 = arith.index_cast %add3A_363 : i32 to index
        %get3A_366 = tpu.vector_load %arg12[%get3A_364, %get3A_365] {strides = array<i32>} : memref<80x128xf32, #tpu.memory_space<vmem>>, vector<16xf32>,
        %eq3A_367 = arith.constant 2 : i32
        %eq3A_368 = vector.broadcast %eq3A_367 : i32 to vector<16xi32>
        %eq3A_369 = arith.cmpi eq, %iota3A, %eq3A_368 : vector<16xi32>
        %mul3A_370 = arith.mulf %get3A_361, %get3A_366 : vector<16xf32>
        %reduce_sum3A_371 = arith.constant true
        %reduce_sum3A_372 = vector.broadcast %reduce_sum3A_371 : i1 to vector<16xi1>
        %reduce_sum3A_373 = tpu.scan <sum>, %mul3A_370 masked %reduce_sum3A_372 : vector<16xf32>, vector<16xi1> -> vector<16xf32>
        %reduce_sum3A_374 = vector.extract %reduce_sum3A_373[15] : f32 from vector<16xf32>
        %broadcast_in_dim3A_375 = vector.broadcast %reduce_sum3A_374 : f32 to vector<16xf32>
        %select_n3A_376 = arith.select %eq3A_369, %broadcast_in_dim3A_375, %select_n3A_358 : vector<16xi1>, vector<16xf32>
        %get3A_377 = arith.index_cast %add3A_322 : i32 to index
        %get3A_378 = arith.constant 48 : index
        %get3A_379 = tpu.vector_load %arg11[%get3A_377, %get3A_378] {strides = array<i32>} : memref<80x128xf32, #tpu.memory_space<vmem>>, vector<16xf32>,
        %add3A_380 = arith.constant 48 : i32
        %add3A_381 = arith.addi %mul3A_0, %add3A_380 : i32
        %get3A_382 = arith.index_cast %add3A_322 : i32 to index
        %get3A_383 = arith.index_cast %add3A_381 : i32 to index
        %get3A_384 = tpu.vector_load %arg12[%get3A_382, %get3A_383] {strides = array<i32>} : memref<80x128xf32, #tpu.memory_space<vmem>>, vector<16xf32>,
        %eq3A_385 = arith.constant 3 : i32
        %eq3A_386 = vector.broadcast %eq3A_385 : i32 to vector<16xi32>
        %eq3A_387 = arith.cmpi eq, %iota3A, %eq3A_386 : vector<16xi32>
        %mul3A_388 = arith.mulf %get3A_379, %get3A_384 : vector<16xf32>
        %reduce_sum3A_389 = arith.constant true
        %reduce_sum3A_390 = vector.broadcast %reduce_sum3A_389 : i1 to vector<16xi1>
        %reduce_sum3A_391 = tpu.scan <sum>, %mul3A_388 masked %reduce_sum3A_390 : vector<16xf32>, vector<16xi1> -> vector<16xf32>
        %reduce_sum3A_392 = vector.extract %reduce_sum3A_391[15] : f32 from vector<16xf32>
        %broadcast_in_dim3A_393 = vector.broadcast %reduce_sum3A_392 : f32 to vector<16xf32>
        %select_n3A_394 = arith.select %eq3A_387, %broadcast_in_dim3A_393, %select_n3A_376 : vector<16xi1>, vector<16xf32>
        %mul3A_395 = arith.constant 2.500000e-01 : f32
        %mul3A_396 = vector.broadcast %mul3A_395 : f32 to vector<16xf32>
        %mul3A_397 = arith.mulf %select_n3A_394, %mul3A_396 : vector<16xf32>
        %get3A_398 = arith.index_cast %add3A_187 : i32 to index
        %get3A_399 = arith.constant 16 : index
        %get3A_400 = tpu.vector_load %arg13[%get3A_398, %get3A_399] {strides = array<i32>} : memref<24x128xf32, #tpu.memory_space<vmem>>, vector<16xf32>,
        %add3A_401 = arith.addf %mul3A_397, %get3A_400 : vector<16xf32>
        %ge3A_402 = arith.constant 0.000000e+00 : f32
        %ge3A_403 = vector.broadcast %ge3A_402 : f32 to vector<16xf32>
        %ge3A_404 = arith.cmpf oge, %add3A_401, %ge3A_403 : vector<16xf32>
        %mul3A_405 = arith.constant 2.000000e-01 : f32
        %mul3A_406 = vector.broadcast %mul3A_405 : f32 to vector<16xf32>
        %mul3A_407 = arith.mulf %mul3A_406, %add3A_401 : vector<16xf32>
        %select_n3A_408 = arith.select %ge3A_404, %add3A_401, %mul3A_407 : vector<16xi1>, vector<16xf32>
        %exp3A_409 = math.exp %select_n3A_408 : vector<16xf32>
        %swap3A_410 = arith.index_cast %add3A_322 : i32 to index
        %swap3A_411 = arith.constant 64 : index
        %swap3A_412 = tpu.vector_load %arg14[%swap3A_410, %swap3A_411] {strides = array<i32>} : memref<80x128xf32, #tpu.memory_space<vmem>>, vector<16xf32>,
        tpu.vector_store %arg14[%swap3A_410, %swap3A_411], %exp3A_409 {strides = array<i32>} : memref<80x128xf32, #tpu.memory_space<vmem>>, vector<16xf32>,
        %get3A_413 = arith.index_cast %add3A_322 : i32 to index
        %get3A_414 = arith.constant 64 : index
        %get3A_415 = tpu.vector_load %arg11[%get3A_413, %get3A_414] {strides = array<i32>} : memref<80x128xf32, #tpu.memory_space<vmem>>, vector<16xf32>,
        %slice3A_416 = vector.extract_strided_slice %exp3A_409 {offsets = [0], sizes = [1], strides = [1]} : vector<16xf32> to vector<1xf32>
        %squeeze3A_417 = vector.extract %slice3A_416[0] : f32 from vector<1xf32>
        %mul3A_418 = vector.broadcast %squeeze3A_417 : f32 to vector<16xf32>
        %mul3A_419 = arith.mulf %get3A_415, %mul3A_418 : vector<16xf32>
        %swap3A_420 = arith.index_cast %add3A_322 : i32 to index
        %swap3A_421 = arith.constant 0 : index
        %swap3A_422 = tpu.vector_load %arg14[%swap3A_420, %swap3A_421] {strides = array<i32>} : memref<80x128xf32, #tpu.memory_space<vmem>>, vector<16xf32>,
        tpu.vector_store %arg14[%swap3A_420, %swap3A_421], %mul3A_419 {strides = array<i32>} : memref<80x128xf32, #tpu.memory_space<vmem>>, vector<16xf32>,
        %get3A_423 = arith.index_cast %add3A_322 : i32 to index
        %get3A_424 = arith.constant 80 : index
        %get3A_425 = tpu.vector_load %arg11[%get3A_423, %get3A_424] {strides = array<i32>} : memref<80x128xf32, #tpu.memory_space<vmem>>, vector<16xf32>,
        %slice3A_426 = vector.extract_strided_slice %exp3A_409 {offsets = [1], sizes = [1], strides = [1]} : vector<16xf32> to vector<1xf32>
        %squeeze3A_427 = vector.extract %slice3A_426[0] : f32 from vector<1xf32>
        %mul3A_428 = vector.broadcast %squeeze3A_427 : f32 to vector<16xf32>
        %mul3A_429 = arith.mulf %get3A_425, %mul3A_428 : vector<16xf32>
        %swap3A_430 = arith.index_cast %add3A_322 : i32 to index
        %swap3A_431 = arith.constant 16 : index
        %swap3A_432 = tpu.vector_load %arg14[%swap3A_430, %swap3A_431] {strides = array<i32>} : memref<80x128xf32, #tpu.memory_space<vmem>>, vector<16xf32>,
        tpu.vector_store %arg14[%swap3A_430, %swap3A_431], %mul3A_429 {strides = array<i32>} : memref<80x128xf32, #tpu.memory_space<vmem>>, vector<16xf32>,
        %get3A_433 = arith.index_cast %add3A_322 : i32 to index
        %get3A_434 = arith.constant 96 : index
        %get3A_435 = tpu.vector_load %arg11[%get3A_433, %get3A_434] {strides = array<i32>} : memref<80x128xf32, #tpu.memory_space<vmem>>, vector<16xf32>,
        %slice3A_436 = vector.extract_strided_slice %exp3A_409 {offsets = [2], sizes = [1], strides = [1]} : vector<16xf32> to vector<1xf32>
        %squeeze3A_437 = vector.extract %slice3A_436[0] : f32 from vector<1xf32>
        %mul3A_438 = vector.broadcast %squeeze3A_437 : f32 to vector<16xf32>
        %mul3A_439 = arith.mulf %get3A_435, %mul3A_438 : vector<16xf32>
        %swap3A_440 = arith.index_cast %add3A_322 : i32 to index
        %swap3A_441 = arith.constant 32 : index
        %swap3A_442 = tpu.vector_load %arg14[%swap3A_440, %swap3A_441] {strides = array<i32>} : memref<80x128xf32, #tpu.memory_space<vmem>>, vector<16xf32>,
        tpu.vector_store %arg14[%swap3A_440, %swap3A_441], %mul3A_439 {strides = array<i32>} : memref<80x128xf32, #tpu.memory_space<vmem>>, vector<16xf32>,
        %get3A_443 = arith.index_cast %add3A_322 : i32 to index
        %get3A_444 = arith.constant 112 : index
        %get3A_445 = tpu.vector_load %arg11[%get3A_443, %get3A_444] {strides = array<i32>} : memref<80x128xf32, #tpu.memory_space<vmem>>, vector<16xf32>,
        %slice3A_446 = vector.extract_strided_slice %exp3A_409 {offsets = [3], sizes = [1], strides = [1]} : vector<16xf32> to vector<1xf32>
        %squeeze3A_447 = vector.extract %slice3A_446[0] : f32 from vector<1xf32>
        %mul3A_448 = vector.broadcast %squeeze3A_447 : f32 to vector<16xf32>
        %mul3A_449 = arith.mulf %get3A_445, %mul3A_448 : vector<16xf32>
        %swap3A_450 = arith.index_cast %add3A_322 : i32 to index
        %swap3A_451 = arith.constant 48 : index
        %swap3A_452 = tpu.vector_load %arg14[%swap3A_450, %swap3A_451] {strides = array<i32>} : memref<80x128xf32, #tpu.memory_space<vmem>>, vector<16xf32>,
        tpu.vector_store %arg14[%swap3A_450, %swap3A_451], %mul3A_449 {strides = array<i32>} : memref<80x128xf32, #tpu.memory_space<vmem>>, vector<16xf32>,
        %mul3A_453 = arith.constant 8 : i32
        %mul3A_454 = arith.muli %scan3A_183, %mul3A_453 : i32
        %add3A_455 = arith.constant 40 : i32
        %add3A_456 = arith.addi %add3A_455, %mul3A_454 : i32
        %add3A_457 = arith.constant 2 : i32
        %add3A_458 = arith.addi %add3A_456, %add3A_457 : i32
        %get3A_459 = arith.index_cast %add3A_458 : i32 to index
        %get3A_460 = arith.constant 0 : index
        %get3A_461 = tpu.vector_load %arg11[%get3A_459, %get3A_460] {strides = array<i32>} : memref<80x128xf32, #tpu.memory_space<vmem>>, vector<16xf32>,
        %add3A_462 = arith.constant 0 : i32
        %add3A_463 = arith.addi %mul3A_0, %add3A_462 : i32
        %get3A_464 = arith.index_cast %add3A_458 : i32 to index
        %get3A_465 = arith.index_cast %add3A_463 : i32 to index
        %get3A_466 = tpu.vector_load %arg12[%get3A_464, %get3A_465] {strides = array<i32>} : memref<80x128xf32, #tpu.memory_space<vmem>>, vector<16xf32>,
        %eq3A_467 = arith.constant 0 : i32
        %eq3A_468 = vector.broadcast %eq3A_467 : i32 to vector<16xi32>
        %eq3A_469 = arith.cmpi eq, %iota3A, %eq3A_468 : vector<16xi32>
        %mul3A_470 = arith.mulf %get3A_461, %get3A_466 : vector<16xf32>
        %reduce_sum3A_471 = arith.constant true
        %reduce_sum3A_472 = vector.broadcast %reduce_sum3A_471 : i1 to vector<16xi1>
        %reduce_sum3A_473 = tpu.scan <sum>, %mul3A_470 masked %reduce_sum3A_472 : vector<16xf32>, vector<16xi1> -> vector<16xf32>
        %reduce_sum3A_474 = vector.extract %reduce_sum3A_473[15] : f32 from vector<16xf32>
        %broadcast_in_dim3A_475 = vector.broadcast %reduce_sum3A_474 : f32 to vector<16xf32>
        %select_n3A_476 = arith.select %eq3A_469, %broadcast_in_dim3A_475, %broadcast_in_dim3A_1 : vector<16xi1>, vector<16xf32>
        %get3A_477 = arith.index_cast %add3A_458 : i32 to index
        %get3A_478 = arith.constant 16 : index
        %get3A_479 = tpu.vector_load %arg11[%get3A_477, %get3A_478] {strides = array<i32>} : memref<80x128xf32, #tpu.memory_space<vmem>>, vector<16xf32>,
        %add3A_480 = arith.constant 16 : i32
        %add3A_481 = arith.addi %mul3A_0, %add3A_480 : i32
        %get3A_482 = arith.index_cast %add3A_458 : i32 to index
        %get3A_483 = arith.index_cast %add3A_481 : i32 to index
        %get3A_484 = tpu.vector_load %arg12[%get3A_482, %get3A_483] {strides = array<i32>} : memref<80x128xf32, #tpu.memory_space<vmem>>, vector<16xf32>,
        %eq3A_485 = arith.constant 1 : i32
        %eq3A_486 = vector.broadcast %eq3A_485 : i32 to vector<16xi32>
        %eq3A_487 = arith.cmpi eq, %iota3A, %eq3A_486 : vector<16xi32>
        %mul3A_488 = arith.mulf %get3A_479, %get3A_484 : vector<16xf32>
        %reduce_sum3A_489 = arith.constant true
        %reduce_sum3A_490 = vector.broadcast %reduce_sum3A_489 : i1 to vector<16xi1>
        %reduce_sum3A_491 = tpu.scan <sum>, %mul3A_488 masked %reduce_sum3A_490 : vector<16xf32>, vector<16xi1> -> vector<16xf32>
        %reduce_sum3A_492 = vector.extract %reduce_sum3A_491[15] : f32 from vector<16xf32>
        %broadcast_in_dim3A_493 = vector.broadcast %reduce_sum3A_492 : f32 to vector<16xf32>
        %select_n3A_494 = arith.select %eq3A_487, %broadcast_in_dim3A_493, %select_n3A_476 : vector<16xi1>, vector<16xf32>
        %get3A_495 = arith.index_cast %add3A_458 : i32 to index
        %get3A_496 = arith.constant 32 : index
        %get3A_497 = tpu.vector_load %arg11[%get3A_495, %get3A_496] {strides = array<i32>} : memref<80x128xf32, #tpu.memory_space<vmem>>, vector<16xf32>,
        %add3A_498 = arith.constant 32 : i32
        %add3A_499 = arith.addi %mul3A_0, %add3A_498 : i32
        %get3A_500 = arith.index_cast %add3A_458 : i32 to index
        %get3A_501 = arith.index_cast %add3A_499 : i32 to index
        %get3A_502 = tpu.vector_load %arg12[%get3A_500, %get3A_501] {strides = array<i32>} : memref<80x128xf32, #tpu.memory_space<vmem>>, vector<16xf32>,
        %eq3A_503 = arith.constant 2 : i32
        %eq3A_504 = vector.broadcast %eq3A_503 : i32 to vector<16xi32>
        %eq3A_505 = arith.cmpi eq, %iota3A, %eq3A_504 : vector<16xi32>
        %mul3A_506 = arith.mulf %get3A_497, %get3A_502 : vector<16xf32>
        %reduce_sum3A_507 = arith.constant true
        %reduce_sum3A_508 = vector.broadcast %reduce_sum3A_507 : i1 to vector<16xi1>
        %reduce_sum3A_509 = tpu.scan <sum>, %mul3A_506 masked %reduce_sum3A_508 : vector<16xf32>, vector<16xi1> -> vector<16xf32>
        %reduce_sum3A_510 = vector.extract %reduce_sum3A_509[15] : f32 from vector<16xf32>
        %broadcast_in_dim3A_511 = vector.broadcast %reduce_sum3A_510 : f32 to vector<16xf32>
        %select_n3A_512 = arith.select %eq3A_505, %broadcast_in_dim3A_511, %select_n3A_494 : vector<16xi1>, vector<16xf32>
        %get3A_513 = arith.index_cast %add3A_458 : i32 to index
        %get3A_514 = arith.constant 48 : index
        %get3A_515 = tpu.vector_load %arg11[%get3A_513, %get3A_514] {strides = array<i32>} : memref<80x128xf32, #tpu.memory_space<vmem>>, vector<16xf32>,
        %add3A_516 = arith.constant 48 : i32
        %add3A_517 = arith.addi %mul3A_0, %add3A_516 : i32
        %get3A_518 = arith.index_cast %add3A_458 : i32 to index
        %get3A_519 = arith.index_cast %add3A_517 : i32 to index
        %get3A_520 = tpu.vector_load %arg12[%get3A_518, %get3A_519] {strides = array<i32>} : memref<80x128xf32, #tpu.memory_space<vmem>>, vector<16xf32>,
        %eq3A_521 = arith.constant 3 : i32
        %eq3A_522 = vector.broadcast %eq3A_521 : i32 to vector<16xi32>
        %eq3A_523 = arith.cmpi eq, %iota3A, %eq3A_522 : vector<16xi32>
        %mul3A_524 = arith.mulf %get3A_515, %get3A_520 : vector<16xf32>
        %reduce_sum3A_525 = arith.constant true
        %reduce_sum3A_526 = vector.broadcast %reduce_sum3A_525 : i1 to vector<16xi1>
        %reduce_sum3A_527 = tpu.scan <sum>, %mul3A_524 masked %reduce_sum3A_526 : vector<16xf32>, vector<16xi1> -> vector<16xf32>
        %reduce_sum3A_528 = vector.extract %reduce_sum3A_527[15] : f32 from vector<16xf32>
        %broadcast_in_dim3A_529 = vector.broadcast %reduce_sum3A_528 : f32 to vector<16xf32>
        %select_n3A_530 = arith.select %eq3A_523, %broadcast_in_dim3A_529, %select_n3A_512 : vector<16xi1>, vector<16xf32>
        %mul3A_531 = arith.constant 2.500000e-01 : f32
        %mul3A_532 = vector.broadcast %mul3A_531 : f32 to vector<16xf32>
        %mul3A_533 = arith.mulf %select_n3A_530, %mul3A_532 : vector<16xf32>
        %get3A_534 = arith.index_cast %add3A_187 : i32 to index
        %get3A_535 = arith.constant 32 : index
        %get3A_536 = tpu.vector_load %arg13[%get3A_534, %get3A_535] {strides = array<i32>} : memref<24x128xf32, #tpu.memory_space<vmem>>, vector<16xf32>,
        %add3A_537 = arith.addf %mul3A_533, %get3A_536 : vector<16xf32>
        %ge3A_538 = arith.constant 0.000000e+00 : f32
        %ge3A_539 = vector.broadcast %ge3A_538 : f32 to vector<16xf32>
        %ge3A_540 = arith.cmpf oge, %add3A_537, %ge3A_539 : vector<16xf32>
        %mul3A_541 = arith.constant 2.000000e-01 : f32
        %mul3A_542 = vector.broadcast %mul3A_541 : f32 to vector<16xf32>
        %mul3A_543 = arith.mulf %mul3A_542, %add3A_537 : vector<16xf32>
        %select_n3A_544 = arith.select %ge3A_540, %add3A_537, %mul3A_543 : vector<16xi1>, vector<16xf32>
        %exp3A_545 = math.exp %select_n3A_544 : vector<16xf32>
        %swap3A_546 = arith.index_cast %add3A_458 : i32 to index
        %swap3A_547 = arith.constant 64 : index
        %swap3A_548 = tpu.vector_load %arg14[%swap3A_546, %swap3A_547] {strides = array<i32>} : memref<80x128xf32, #tpu.memory_space<vmem>>, vector<16xf32>,
        tpu.vector_store %arg14[%swap3A_546, %swap3A_547], %exp3A_545 {strides = array<i32>} : memref<80x128xf32, #tpu.memory_space<vmem>>, vector<16xf32>,
        %get3A_549 = arith.index_cast %add3A_458 : i32 to index
        %get3A_550 = arith.constant 64 : index
        %get3A_551 = tpu.vector_load %arg11[%get3A_549, %get3A_550] {strides = array<i32>} : memref<80x128xf32, #tpu.memory_space<vmem>>, vector<16xf32>,
        %slice3A_552 = vector.extract_strided_slice %exp3A_545 {offsets = [0], sizes = [1], strides = [1]} : vector<16xf32> to vector<1xf32>
        %squeeze3A_553 = vector.extract %slice3A_552[0] : f32 from vector<1xf32>
        %mul3A_554 = vector.broadcast %squeeze3A_553 : f32 to vector<16xf32>
        %mul3A_555 = arith.mulf %get3A_551, %mul3A_554 : vector<16xf32>
        %swap3A_556 = arith.index_cast %add3A_458 : i32 to index
        %swap3A_557 = arith.constant 0 : index
        %swap3A_558 = tpu.vector_load %arg14[%swap3A_556, %swap3A_557] {strides = array<i32>} : memref<80x128xf32, #tpu.memory_space<vmem>>, vector<16xf32>,
        tpu.vector_store %arg14[%swap3A_556, %swap3A_557], %mul3A_555 {strides = array<i32>} : memref<80x128xf32, #tpu.memory_space<vmem>>, vector<16xf32>,
        %get3A_559 = arith.index_cast %add3A_458 : i32 to index
        %get3A_560 = arith.constant 80 : index
        %get3A_561 = tpu.vector_load %arg11[%get3A_559, %get3A_560] {strides = array<i32>} : memref<80x128xf32, #tpu.memory_space<vmem>>, vector<16xf32>,
        %slice3A_562 = vector.extract_strided_slice %exp3A_545 {offsets = [1], sizes = [1], strides = [1]} : vector<16xf32> to vector<1xf32>
        %squeeze3A_563 = vector.extract %slice3A_562[0] : f32 from vector<1xf32>
        %mul3A_564 = vector.broadcast %squeeze3A_563 : f32 to vector<16xf32>
        %mul3A_565 = arith.mulf %get3A_561, %mul3A_564 : vector<16xf32>
        %swap3A_566 = arith.index_cast %add3A_458 : i32 to index
        %swap3A_567 = arith.constant 16 : index
        %swap3A_568 = tpu.vector_load %arg14[%swap3A_566, %swap3A_567] {strides = array<i32>} : memref<80x128xf32, #tpu.memory_space<vmem>>, vector<16xf32>,
        tpu.vector_store %arg14[%swap3A_566, %swap3A_567], %mul3A_565 {strides = array<i32>} : memref<80x128xf32, #tpu.memory_space<vmem>>, vector<16xf32>,
        %get3A_569 = arith.index_cast %add3A_458 : i32 to index
        %get3A_570 = arith.constant 96 : index
        %get3A_571 = tpu.vector_load %arg11[%get3A_569, %get3A_570] {strides = array<i32>} : memref<80x128xf32, #tpu.memory_space<vmem>>, vector<16xf32>,
        %slice3A_572 = vector.extract_strided_slice %exp3A_545 {offsets = [2], sizes = [1], strides = [1]} : vector<16xf32> to vector<1xf32>
        %squeeze3A_573 = vector.extract %slice3A_572[0] : f32 from vector<1xf32>
        %mul3A_574 = vector.broadcast %squeeze3A_573 : f32 to vector<16xf32>
        %mul3A_575 = arith.mulf %get3A_571, %mul3A_574 : vector<16xf32>
        %swap3A_576 = arith.index_cast %add3A_458 : i32 to index
        %swap3A_577 = arith.constant 32 : index
        %swap3A_578 = tpu.vector_load %arg14[%swap3A_576, %swap3A_577] {strides = array<i32>} : memref<80x128xf32, #tpu.memory_space<vmem>>, vector<16xf32>,
        tpu.vector_store %arg14[%swap3A_576, %swap3A_577], %mul3A_575 {strides = array<i32>} : memref<80x128xf32, #tpu.memory_space<vmem>>, vector<16xf32>,
        %get3A_579 = arith.index_cast %add3A_458 : i32 to index
        %get3A_580 = arith.constant 112 : index
        %get3A_581 = tpu.vector_load %arg11[%get3A_579, %get3A_580] {strides = array<i32>} : memref<80x128xf32, #tpu.memory_space<vmem>>, vector<16xf32>,
        %slice3A_582 = vector.extract_strided_slice %exp3A_545 {offsets = [3], sizes = [1], strides = [1]} : vector<16xf32> to vector<1xf32>
        %squeeze3A_583 = vector.extract %slice3A_582[0] : f32 from vector<1xf32>
        %mul3A_584 = vector.broadcast %squeeze3A_583 : f32 to vector<16xf32>
        %mul3A_585 = arith.mulf %get3A_581, %mul3A_584 : vector<16xf32>
        %swap3A_586 = arith.index_cast %add3A_458 : i32 to index
        %swap3A_587 = arith.constant 48 : index
        %swap3A_588 = tpu.vector_load %arg14[%swap3A_586, %swap3A_587] {strides = array<i32>} : memref<80x128xf32, #tpu.memory_space<vmem>>, vector<16xf32>,
        tpu.vector_store %arg14[%swap3A_586, %swap3A_587], %mul3A_585 {strides = array<i32>} : memref<80x128xf32, #tpu.memory_space<vmem>>, vector<16xf32>,
        %mul3A_589 = arith.constant 8 : i32
        %mul3A_590 = arith.muli %scan3A_183, %mul3A_589 : i32
        %add3A_591 = arith.constant 40 : i32
        %add3A_592 = arith.addi %add3A_591, %mul3A_590 : i32
        %add3A_593 = arith.constant 3 : i32
        %add3A_594 = arith.addi %add3A_592, %add3A_593 : i32
        %get3A_595 = arith.index_cast %add3A_594 : i32 to index
        %get3A_596 = arith.constant 0 : index
        %get3A_597 = tpu.vector_load %arg11[%get3A_595, %get3A_596] {strides = array<i32>} : memref<80x128xf32, #tpu.memory_space<vmem>>, vector<16xf32>,
        %add3A_598 = arith.constant 0 : i32
        %add3A_599 = arith.addi %mul3A_0, %add3A_598 : i32
        %get3A_600 = arith.index_cast %add3A_594 : i32 to index
        %get3A_601 = arith.index_cast %add3A_599 : i32 to index
        %get3A_602 = tpu.vector_load %arg12[%get3A_600, %get3A_601] {strides = array<i32>} : memref<80x128xf32, #tpu.memory_space<vmem>>, vector<16xf32>,
        %eq3A_603 = arith.constant 0 : i32
        %eq3A_604 = vector.broadcast %eq3A_603 : i32 to vector<16xi32>
        %eq3A_605 = arith.cmpi eq, %iota3A, %eq3A_604 : vector<16xi32>
        %mul3A_606 = arith.mulf %get3A_597, %get3A_602 : vector<16xf32>
        %reduce_sum3A_607 = arith.constant true
        %reduce_sum3A_608 = vector.broadcast %reduce_sum3A_607 : i1 to vector<16xi1>
        %reduce_sum3A_609 = tpu.scan <sum>, %mul3A_606 masked %reduce_sum3A_608 : vector<16xf32>, vector<16xi1> -> vector<16xf32>
        %reduce_sum3A_610 = vector.extract %reduce_sum3A_609[15] : f32 from vector<16xf32>
        %broadcast_in_dim3A_611 = vector.broadcast %reduce_sum3A_610 : f32 to vector<16xf32>
        %select_n3A_612 = arith.select %eq3A_605, %broadcast_in_dim3A_611, %broadcast_in_dim3A_1 : vector<16xi1>, vector<16xf32>
        %get3A_613 = arith.index_cast %add3A_594 : i32 to index
        %get3A_614 = arith.constant 16 : index
        %get3A_615 = tpu.vector_load %arg11[%get3A_613, %get3A_614] {strides = array<i32>} : memref<80x128xf32, #tpu.memory_space<vmem>>, vector<16xf32>,
        %add3A_616 = arith.constant 16 : i32
        %add3A_617 = arith.addi %mul3A_0, %add3A_616 : i32
        %get3A_618 = arith.index_cast %add3A_594 : i32 to index
        %get3A_619 = arith.index_cast %add3A_617 : i32 to index
        %get3A_620 = tpu.vector_load %arg12[%get3A_618, %get3A_619] {strides = array<i32>} : memref<80x128xf32, #tpu.memory_space<vmem>>, vector<16xf32>,
        %eq3A_621 = arith.constant 1 : i32
        %eq3A_622 = vector.broadcast %eq3A_621 : i32 to vector<16xi32>
        %eq3A_623 = arith.cmpi eq, %iota3A, %eq3A_622 : vector<16xi32>
        %mul3A_624 = arith.mulf %get3A_615, %get3A_620 : vector<16xf32>
        %reduce_sum3A_625 = arith.constant true
        %reduce_sum3A_626 = vector.broadcast %reduce_sum3A_625 : i1 to vector<16xi1>
        %reduce_sum3A_627 = tpu.scan <sum>, %mul3A_624 masked %reduce_sum3A_626 : vector<16xf32>, vector<16xi1> -> vector<16xf32>
        %reduce_sum3A_628 = vector.extract %reduce_sum3A_627[15] : f32 from vector<16xf32>
        %broadcast_in_dim3A_629 = vector.broadcast %reduce_sum3A_628 : f32 to vector<16xf32>
        %select_n3A_630 = arith.select %eq3A_623, %broadcast_in_dim3A_629, %select_n3A_612 : vector<16xi1>, vector<16xf32>
        %get3A_631 = arith.index_cast %add3A_594 : i32 to index
        %get3A_632 = arith.constant 32 : index
        %get3A_633 = tpu.vector_load %arg11[%get3A_631, %get3A_632] {strides = array<i32>} : memref<80x128xf32, #tpu.memory_space<vmem>>, vector<16xf32>,
        %add3A_634 = arith.constant 32 : i32
        %add3A_635 = arith.addi %mul3A_0, %add3A_634 : i32
        %get3A_636 = arith.index_cast %add3A_594 : i32 to index
        %get3A_637 = arith.index_cast %add3A_635 : i32 to index
        %get3A_638 = tpu.vector_load %arg12[%get3A_636, %get3A_637] {strides = array<i32>} : memref<80x128xf32, #tpu.memory_space<vmem>>, vector<16xf32>,
        %eq3A_639 = arith.constant 2 : i32
        %eq3A_640 = vector.broadcast %eq3A_639 : i32 to vector<16xi32>
        %eq3A_641 = arith.cmpi eq, %iota3A, %eq3A_640 : vector<16xi32>
        %mul3A_642 = arith.mulf %get3A_633, %get3A_638 : vector<16xf32>
        %reduce_sum3A_643 = arith.constant true
        %reduce_sum3A_644 = vector.broadcast %reduce_sum3A_643 : i1 to vector<16xi1>
        %reduce_sum3A_645 = tpu.scan <sum>, %mul3A_642 masked %reduce_sum3A_644 : vector<16xf32>, vector<16xi1> -> vector<16xf32>
        %reduce_sum3A_646 = vector.extract %reduce_sum3A_645[15] : f32 from vector<16xf32>
        %broadcast_in_dim3A_647 = vector.broadcast %reduce_sum3A_646 : f32 to vector<16xf32>
        %select_n3A_648 = arith.select %eq3A_641, %broadcast_in_dim3A_647, %select_n3A_630 : vector<16xi1>, vector<16xf32>
        %get3A_649 = arith.index_cast %add3A_594 : i32 to index
        %get3A_650 = arith.constant 48 : index
        %get3A_651 = tpu.vector_load %arg11[%get3A_649, %get3A_650] {strides = array<i32>} : memref<80x128xf32, #tpu.memory_space<vmem>>, vector<16xf32>,
        %add3A_652 = arith.constant 48 : i32
        %add3A_653 = arith.addi %mul3A_0, %add3A_652 : i32
        %get3A_654 = arith.index_cast %add3A_594 : i32 to index
        %get3A_655 = arith.index_cast %add3A_653 : i32 to index
        %get3A_656 = tpu.vector_load %arg12[%get3A_654, %get3A_655] {strides = array<i32>} : memref<80x128xf32, #tpu.memory_space<vmem>>, vector<16xf32>,
        %eq3A_657 = arith.constant 3 : i32
        %eq3A_658 = vector.broadcast %eq3A_657 : i32 to vector<16xi32>
        %eq3A_659 = arith.cmpi eq, %iota3A, %eq3A_658 : vector<16xi32>
        %mul3A_660 = arith.mulf %get3A_651, %get3A_656 : vector<16xf32>
        %reduce_sum3A_661 = arith.constant true
        %reduce_sum3A_662 = vector.broadcast %reduce_sum3A_661 : i1 to vector<16xi1>
        %reduce_sum3A_663 = tpu.scan <sum>, %mul3A_660 masked %reduce_sum3A_662 : vector<16xf32>, vector<16xi1> -> vector<16xf32>
        %reduce_sum3A_664 = vector.extract %reduce_sum3A_663[15] : f32 from vector<16xf32>
        %broadcast_in_dim3A_665 = vector.broadcast %reduce_sum3A_664 : f32 to vector<16xf32>
        %select_n3A_666 = arith.select %eq3A_659, %broadcast_in_dim3A_665, %select_n3A_648 : vector<16xi1>, vector<16xf32>
        %mul3A_667 = arith.constant 2.500000e-01 : f32
        %mul3A_668 = vector.broadcast %mul3A_667 : f32 to vector<16xf32>
        %mul3A_669 = arith.mulf %select_n3A_666, %mul3A_668 : vector<16xf32>
        %get3A_670 = arith.index_cast %add3A_187 : i32 to index
        %get3A_671 = arith.constant 48 : index
        %get3A_672 = tpu.vector_load %arg13[%get3A_670, %get3A_671] {strides = array<i32>} : memref<24x128xf32, #tpu.memory_space<vmem>>, vector<16xf32>,
        %add3A_673 = arith.addf %mul3A_669, %get3A_672 : vector<16xf32>
        %ge3A_674 = arith.constant 0.000000e+00 : f32
        %ge3A_675 = vector.broadcast %ge3A_674 : f32 to vector<16xf32>
        %ge3A_676 = arith.cmpf oge, %add3A_673, %ge3A_675 : vector<16xf32>
        %mul3A_677 = arith.constant 2.000000e-01 : f32
        %mul3A_678 = vector.broadcast %mul3A_677 : f32 to vector<16xf32>
        %mul3A_679 = arith.mulf %mul3A_678, %add3A_673 : vector<16xf32>
        %select_n3A_680 = arith.select %ge3A_676, %add3A_673, %mul3A_679 : vector<16xi1>, vector<16xf32>
        %exp3A_681 = math.exp %select_n3A_680 : vector<16xf32>
        %swap3A_682 = arith.index_cast %add3A_594 : i32 to index
        %swap3A_683 = arith.constant 64 : index
        %swap3A_684 = tpu.vector_load %arg14[%swap3A_682, %swap3A_683] {strides = array<i32>} : memref<80x128xf32, #tpu.memory_space<vmem>>, vector<16xf32>,
        tpu.vector_store %arg14[%swap3A_682, %swap3A_683], %exp3A_681 {strides = array<i32>} : memref<80x128xf32, #tpu.memory_space<vmem>>, vector<16xf32>,
        %get3A_685 = arith.index_cast %add3A_594 : i32 to index
        %get3A_686 = arith.constant 64 : index
        %get3A_687 = tpu.vector_load %arg11[%get3A_685, %get3A_686] {strides = array<i32>} : memref<80x128xf32, #tpu.memory_space<vmem>>, vector<16xf32>,
        %slice3A_688 = vector.extract_strided_slice %exp3A_681 {offsets = [0], sizes = [1], strides = [1]} : vector<16xf32> to vector<1xf32>
        %squeeze3A_689 = vector.extract %slice3A_688[0] : f32 from vector<1xf32>
        %mul3A_690 = vector.broadcast %squeeze3A_689 : f32 to vector<16xf32>
        %mul3A_691 = arith.mulf %get3A_687, %mul3A_690 : vector<16xf32>
        %swap3A_692 = arith.index_cast %add3A_594 : i32 to index
        %swap3A_693 = arith.constant 0 : index
        %swap3A_694 = tpu.vector_load %arg14[%swap3A_692, %swap3A_693] {strides = array<i32>} : memref<80x128xf32, #tpu.memory_space<vmem>>, vector<16xf32>,
        tpu.vector_store %arg14[%swap3A_692, %swap3A_693], %mul3A_691 {strides = array<i32>} : memref<80x128xf32, #tpu.memory_space<vmem>>, vector<16xf32>,
        %get3A_695 = arith.index_cast %add3A_594 : i32 to index
        %get3A_696 = arith.constant 80 : index
        %get3A_697 = tpu.vector_load %arg11[%get3A_695, %get3A_696] {strides = array<i32>} : memref<80x128xf32, #tpu.memory_space<vmem>>, vector<16xf32>,
        %slice3A_698 = vector.extract_strided_slice %exp3A_681 {offsets = [1], sizes = [1], strides = [1]} : vector<16xf32> to vector<1xf32>
        %squeeze3A_699 = vector.extract %slice3A_698[0] : f32 from vector<1xf32>
        %mul3A_700 = vector.broadcast %squeeze3A_699 : f32 to vector<16xf32>
        %mul3A_701 = arith.mulf %get3A_697, %mul3A_700 : vector<16xf32>
        %swap3A_702 = arith.index_cast %add3A_594 : i32 to index
        %swap3A_703 = arith.constant 16 : index
        %swap3A_704 = tpu.vector_load %arg14[%swap3A_702, %swap3A_703] {strides = array<i32>} : memref<80x128xf32, #tpu.memory_space<vmem>>, vector<16xf32>,
        tpu.vector_store %arg14[%swap3A_702, %swap3A_703], %mul3A_701 {strides = array<i32>} : memref<80x128xf32, #tpu.memory_space<vmem>>, vector<16xf32>,
        %get3A_705 = arith.index_cast %add3A_594 : i32 to index
        %get3A_706 = arith.constant 96 : index
        %get3A_707 = tpu.vector_load %arg11[%get3A_705, %get3A_706] {strides = array<i32>} : memref<80x128xf32, #tpu.memory_space<vmem>>, vector<16xf32>,
        %slice3A_708 = vector.extract_strided_slice %exp3A_681 {offsets = [2], sizes = [1], strides = [1]} : vector<16xf32> to vector<1xf32>
        %squeeze3A_709 = vector.extract %slice3A_708[0] : f32 from vector<1xf32>
        %mul3A_710 = vector.broadcast %squeeze3A_709 : f32 to vector<16xf32>
        %mul3A_711 = arith.mulf %get3A_707, %mul3A_710 : vector<16xf32>
        %swap3A_712 = arith.index_cast %add3A_594 : i32 to index
        %swap3A_713 = arith.constant 32 : index
        %swap3A_714 = tpu.vector_load %arg14[%swap3A_712, %swap3A_713] {strides = array<i32>} : memref<80x128xf32, #tpu.memory_space<vmem>>, vector<16xf32>,
        tpu.vector_store %arg14[%swap3A_712, %swap3A_713], %mul3A_711 {strides = array<i32>} : memref<80x128xf32, #tpu.memory_space<vmem>>, vector<16xf32>,
        %get3A_715 = arith.index_cast %add3A_594 : i32 to index
        %get3A_716 = arith.constant 112 : index
        %get3A_717 = tpu.vector_load %arg11[%get3A_715, %get3A_716] {strides = array<i32>} : memref<80x128xf32, #tpu.memory_space<vmem>>, vector<16xf32>,
        %slice3A_718 = vector.extract_strided_slice %exp3A_681 {offsets = [3], sizes = [1], strides = [1]} : vector<16xf32> to vector<1xf32>
        %squeeze3A_719 = vector.extract %slice3A_718[0] : f32 from vector<1xf32>
        %mul3A_720 = vector.broadcast %squeeze3A_719 : f32 to vector<16xf32>
        %mul3A_721 = arith.mulf %get3A_717, %mul3A_720 : vector<16xf32>
        %swap3A_722 = arith.index_cast %add3A_594 : i32 to index
        %swap3A_723 = arith.constant 48 : index
        %swap3A_724 = tpu.vector_load %arg14[%swap3A_722, %swap3A_723] {strides = array<i32>} : memref<80x128xf32, #tpu.memory_space<vmem>>, vector<16xf32>,
        tpu.vector_store %arg14[%swap3A_722, %swap3A_723], %mul3A_721 {strides = array<i32>} : memref<80x128xf32, #tpu.memory_space<vmem>>, vector<16xf32>,
        %mul3A_725 = arith.constant 8 : i32
        %mul3A_726 = arith.muli %scan3A_183, %mul3A_725 : i32
        %add3A_727 = arith.constant 40 : i32
        %add3A_728 = arith.addi %add3A_727, %mul3A_726 : i32
        %add3A_729 = arith.constant 4 : i32
        %add3A_730 = arith.addi %add3A_728, %add3A_729 : i32
        %get3A_731 = arith.index_cast %add3A_730 : i32 to index
        %get3A_732 = arith.constant 0 : index
        %get3A_733 = tpu.vector_load %arg11[%get3A_731, %get3A_732] {strides = array<i32>} : memref<80x128xf32, #tpu.memory_space<vmem>>, vector<16xf32>,
        %add3A_734 = arith.constant 0 : i32
        %add3A_735 = arith.addi %mul3A_0, %add3A_734 : i32
        %get3A_736 = arith.index_cast %add3A_730 : i32 to index
        %get3A_737 = arith.index_cast %add3A_735 : i32 to index
        %get3A_738 = tpu.vector_load %arg12[%get3A_736, %get3A_737] {strides = array<i32>} : memref<80x128xf32, #tpu.memory_space<vmem>>, vector<16xf32>,
        %eq3A_739 = arith.constant 0 : i32
        %eq3A_740 = vector.broadcast %eq3A_739 : i32 to vector<16xi32>
        %eq3A_741 = arith.cmpi eq, %iota3A, %eq3A_740 : vector<16xi32>
        %mul3A_742 = arith.mulf %get3A_733, %get3A_738 : vector<16xf32>
        %reduce_sum3A_743 = arith.constant true
        %reduce_sum3A_744 = vector.broadcast %reduce_sum3A_743 : i1 to vector<16xi1>
        %reduce_sum3A_745 = tpu.scan <sum>, %mul3A_742 masked %reduce_sum3A_744 : vector<16xf32>, vector<16xi1> -> vector<16xf32>
        %reduce_sum3A_746 = vector.extract %reduce_sum3A_745[15] : f32 from vector<16xf32>
        %broadcast_in_dim3A_747 = vector.broadcast %reduce_sum3A_746 : f32 to vector<16xf32>
        %select_n3A_748 = arith.select %eq3A_741, %broadcast_in_dim3A_747, %broadcast_in_dim3A_1 : vector<16xi1>, vector<16xf32>
        %get3A_749 = arith.index_cast %add3A_730 : i32 to index
        %get3A_750 = arith.constant 16 : index
        %get3A_751 = tpu.vector_load %arg11[%get3A_749, %get3A_750] {strides = array<i32>} : memref<80x128xf32, #tpu.memory_space<vmem>>, vector<16xf32>,
        %add3A_752 = arith.constant 16 : i32
        %add3A_753 = arith.addi %mul3A_0, %add3A_752 : i32
        %get3A_754 = arith.index_cast %add3A_730 : i32 to index
        %get3A_755 = arith.index_cast %add3A_753 : i32 to index
        %get3A_756 = tpu.vector_load %arg12[%get3A_754, %get3A_755] {strides = array<i32>} : memref<80x128xf32, #tpu.memory_space<vmem>>, vector<16xf32>,
        %eq3A_757 = arith.constant 1 : i32
        %eq3A_758 = vector.broadcast %eq3A_757 : i32 to vector<16xi32>
        %eq3A_759 = arith.cmpi eq, %iota3A, %eq3A_758 : vector<16xi32>
        %mul3A_760 = arith.mulf %get3A_751, %get3A_756 : vector<16xf32>
        %reduce_sum3A_761 = arith.constant true
        %reduce_sum3A_762 = vector.broadcast %reduce_sum3A_761 : i1 to vector<16xi1>
        %reduce_sum3A_763 = tpu.scan <sum>, %mul3A_760 masked %reduce_sum3A_762 : vector<16xf32>, vector<16xi1> -> vector<16xf32>
        %reduce_sum3A_764 = vector.extract %reduce_sum3A_763[15] : f32 from vector<16xf32>
        %broadcast_in_dim3A_765 = vector.broadcast %reduce_sum3A_764 : f32 to vector<16xf32>
        %select_n3A_766 = arith.select %eq3A_759, %broadcast_in_dim3A_765, %select_n3A_748 : vector<16xi1>, vector<16xf32>
        %get3A_767 = arith.index_cast %add3A_730 : i32 to index
        %get3A_768 = arith.constant 32 : index
        %get3A_769 = tpu.vector_load %arg11[%get3A_767, %get3A_768] {strides = array<i32>} : memref<80x128xf32, #tpu.memory_space<vmem>>, vector<16xf32>,
        %add3A_770 = arith.constant 32 : i32
        %add3A_771 = arith.addi %mul3A_0, %add3A_770 : i32
        %get3A_772 = arith.index_cast %add3A_730 : i32 to index
        %get3A_773 = arith.index_cast %add3A_771 : i32 to index
        %get3A_774 = tpu.vector_load %arg12[%get3A_772, %get3A_773] {strides = array<i32>} : memref<80x128xf32, #tpu.memory_space<vmem>>, vector<16xf32>,
        %eq3A_775 = arith.constant 2 : i32
        %eq3A_776 = vector.broadcast %eq3A_775 : i32 to vector<16xi32>
        %eq3A_777 = arith.cmpi eq, %iota3A, %eq3A_776 : vector<16xi32>
        %mul3A_778 = arith.mulf %get3A_769, %get3A_774 : vector<16xf32>
        %reduce_sum3A_779 = arith.constant true
        %reduce_sum3A_780 = vector.broadcast %reduce_sum3A_779 : i1 to vector<16xi1>
        %reduce_sum3A_781 = tpu.scan <sum>, %mul3A_778 masked %reduce_sum3A_780 : vector<16xf32>, vector<16xi1> -> vector<16xf32>
        %reduce_sum3A_782 = vector.extract %reduce_sum3A_781[15] : f32 from vector<16xf32>
        %broadcast_in_dim3A_783 = vector.broadcast %reduce_sum3A_782 : f32 to vector<16xf32>
        %select_n3A_784 = arith.select %eq3A_777, %broadcast_in_dim3A_783, %select_n3A_766 : vector<16xi1>, vector<16xf32>
        %get3A_785 = arith.index_cast %add3A_730 : i32 to index
        %get3A_786 = arith.constant 48 : index
        %get3A_787 = tpu.vector_load %arg11[%get3A_785, %get3A_786] {strides = array<i32>} : memref<80x128xf32, #tpu.memory_space<vmem>>, vector<16xf32>,
        %add3A_788 = arith.constant 48 : i32
        %add3A_789 = arith.addi %mul3A_0, %add3A_788 : i32
        %get3A_790 = arith.index_cast %add3A_730 : i32 to index
        %get3A_791 = arith.index_cast %add3A_789 : i32 to index
        %get3A_792 = tpu.vector_load %arg12[%get3A_790, %get3A_791] {strides = array<i32>} : memref<80x128xf32, #tpu.memory_space<vmem>>, vector<16xf32>,
        %eq3A_793 = arith.constant 3 : i32
        %eq3A_794 = vector.broadcast %eq3A_793 : i32 to vector<16xi32>
        %eq3A_795 = arith.cmpi eq, %iota3A, %eq3A_794 : vector<16xi32>
        %mul3A_796 = arith.mulf %get3A_787, %get3A_792 : vector<16xf32>
        %reduce_sum3A_797 = arith.constant true
        %reduce_sum3A_798 = vector.broadcast %reduce_sum3A_797 : i1 to vector<16xi1>
        %reduce_sum3A_799 = tpu.scan <sum>, %mul3A_796 masked %reduce_sum3A_798 : vector<16xf32>, vector<16xi1> -> vector<16xf32>
        %reduce_sum3A_800 = vector.extract %reduce_sum3A_799[15] : f32 from vector<16xf32>
        %broadcast_in_dim3A_801 = vector.broadcast %reduce_sum3A_800 : f32 to vector<16xf32>
        %select_n3A_802 = arith.select %eq3A_795, %broadcast_in_dim3A_801, %select_n3A_784 : vector<16xi1>, vector<16xf32>
        %mul3A_803 = arith.constant 2.500000e-01 : f32
        %mul3A_804 = vector.broadcast %mul3A_803 : f32 to vector<16xf32>
        %mul3A_805 = arith.mulf %select_n3A_802, %mul3A_804 : vector<16xf32>
        %get3A_806 = arith.index_cast %add3A_187 : i32 to index
        %get3A_807 = arith.constant 64 : index
        %get3A_808 = tpu.vector_load %arg13[%get3A_806, %get3A_807] {strides = array<i32>} : memref<24x128xf32, #tpu.memory_space<vmem>>, vector<16xf32>,
        %add3A_809 = arith.addf %mul3A_805, %get3A_808 : vector<16xf32>
        %ge3A_810 = arith.constant 0.000000e+00 : f32
        %ge3A_811 = vector.broadcast %ge3A_810 : f32 to vector<16xf32>
        %ge3A_812 = arith.cmpf oge, %add3A_809, %ge3A_811 : vector<16xf32>
        %mul3A_813 = arith.constant 2.000000e-01 : f32
        %mul3A_814 = vector.broadcast %mul3A_813 : f32 to vector<16xf32>
        %mul3A_815 = arith.mulf %mul3A_814, %add3A_809 : vector<16xf32>
        %select_n3A_816 = arith.select %ge3A_812, %add3A_809, %mul3A_815 : vector<16xi1>, vector<16xf32>
        %exp3A_817 = math.exp %select_n3A_816 : vector<16xf32>
        %swap3A_818 = arith.index_cast %add3A_730 : i32 to index
        %swap3A_819 = arith.constant 64 : index
        %swap3A_820 = tpu.vector_load %arg14[%swap3A_818, %swap3A_819] {strides = array<i32>} : memref<80x128xf32, #tpu.memory_space<vmem>>, vector<16xf32>,
        tpu.vector_store %arg14[%swap3A_818, %swap3A_819], %exp3A_817 {strides = array<i32>} : memref<80x128xf32, #tpu.memory_space<vmem>>, vector<16xf32>,
        %get3A_821 = arith.index_cast %add3A_730 : i32 to index
        %get3A_822 = arith.constant 64 : index
        %get3A_823 = tpu.vector_load %arg11[%get3A_821, %get3A_822] {strides = array<i32>} : memref<80x128xf32, #tpu.memory_space<vmem>>, vector<16xf32>,
        %slice3A_824 = vector.extract_strided_slice %exp3A_817 {offsets = [0], sizes = [1], strides = [1]} : vector<16xf32> to vector<1xf32>
        %squeeze3A_825 = vector.extract %slice3A_824[0] : f32 from vector<1xf32>
        %mul3A_826 = vector.broadcast %squeeze3A_825 : f32 to vector<16xf32>
        %mul3A_827 = arith.mulf %get3A_823, %mul3A_826 : vector<16xf32>
        %swap3A_828 = arith.index_cast %add3A_730 : i32 to index
        %swap3A_829 = arith.constant 0 : index
        %swap3A_830 = tpu.vector_load %arg14[%swap3A_828, %swap3A_829] {strides = array<i32>} : memref<80x128xf32, #tpu.memory_space<vmem>>, vector<16xf32>,
        tpu.vector_store %arg14[%swap3A_828, %swap3A_829], %mul3A_827 {strides = array<i32>} : memref<80x128xf32, #tpu.memory_space<vmem>>, vector<16xf32>,
        %get3A_831 = arith.index_cast %add3A_730 : i32 to index
        %get3A_832 = arith.constant 80 : index
        %get3A_833 = tpu.vector_load %arg11[%get3A_831, %get3A_832] {strides = array<i32>} : memref<80x128xf32, #tpu.memory_space<vmem>>, vector<16xf32>,
        %slice3A_834 = vector.extract_strided_slice %exp3A_817 {offsets = [1], sizes = [1], strides = [1]} : vector<16xf32> to vector<1xf32>
        %squeeze3A_835 = vector.extract %slice3A_834[0] : f32 from vector<1xf32>
        %mul3A_836 = vector.broadcast %squeeze3A_835 : f32 to vector<16xf32>
        %mul3A_837 = arith.mulf %get3A_833, %mul3A_836 : vector<16xf32>
        %swap3A_838 = arith.index_cast %add3A_730 : i32 to index
        %swap3A_839 = arith.constant 16 : index
        %swap3A_840 = tpu.vector_load %arg14[%swap3A_838, %swap3A_839] {strides = array<i32>} : memref<80x128xf32, #tpu.memory_space<vmem>>, vector<16xf32>,
        tpu.vector_store %arg14[%swap3A_838, %swap3A_839], %mul3A_837 {strides = array<i32>} : memref<80x128xf32, #tpu.memory_space<vmem>>, vector<16xf32>,
        %get3A_841 = arith.index_cast %add3A_730 : i32 to index
        %get3A_842 = arith.constant 96 : index
        %get3A_843 = tpu.vector_load %arg11[%get3A_841, %get3A_842] {strides = array<i32>} : memref<80x128xf32, #tpu.memory_space<vmem>>, vector<16xf32>,
        %slice3A_844 = vector.extract_strided_slice %exp3A_817 {offsets = [2], sizes = [1], strides = [1]} : vector<16xf32> to vector<1xf32>
        %squeeze3A_845 = vector.extract %slice3A_844[0] : f32 from vector<1xf32>
        %mul3A_846 = vector.broadcast %squeeze3A_845 : f32 to vector<16xf32>
        %mul3A_847 = arith.mulf %get3A_843, %mul3A_846 : vector<16xf32>
        %swap3A_848 = arith.index_cast %add3A_730 : i32 to index
        %swap3A_849 = arith.constant 32 : index
        %swap3A_850 = tpu.vector_load %arg14[%swap3A_848, %swap3A_849] {strides = array<i32>} : memref<80x128xf32, #tpu.memory_space<vmem>>, vector<16xf32>,
        tpu.vector_store %arg14[%swap3A_848, %swap3A_849], %mul3A_847 {strides = array<i32>} : memref<80x128xf32, #tpu.memory_space<vmem>>, vector<16xf32>,
        %get3A_851 = arith.index_cast %add3A_730 : i32 to index
        %get3A_852 = arith.constant 112 : index
        %get3A_853 = tpu.vector_load %arg11[%get3A_851, %get3A_852] {strides = array<i32>} : memref<80x128xf32, #tpu.memory_space<vmem>>, vector<16xf32>,
        %slice3A_854 = vector.extract_strided_slice %exp3A_817 {offsets = [3], sizes = [1], strides = [1]} : vector<16xf32> to vector<1xf32>
        %squeeze3A_855 = vector.extract %slice3A_854[0] : f32 from vector<1xf32>
        %mul3A_856 = vector.broadcast %squeeze3A_855 : f32 to vector<16xf32>
        %mul3A_857 = arith.mulf %get3A_853, %mul3A_856 : vector<16xf32>
        %swap3A_858 = arith.index_cast %add3A_730 : i32 to index
        %swap3A_859 = arith.constant 48 : index
        %swap3A_860 = tpu.vector_load %arg14[%swap3A_858, %swap3A_859] {strides = array<i32>} : memref<80x128xf32, #tpu.memory_space<vmem>>, vector<16xf32>,
        tpu.vector_store %arg14[%swap3A_858, %swap3A_859], %mul3A_857 {strides = array<i32>} : memref<80x128xf32, #tpu.memory_space<vmem>>, vector<16xf32>,
        %mul3A_861 = arith.constant 8 : i32
        %mul3A_862 = arith.muli %scan3A_183, %mul3A_861 : i32
        %add3A_863 = arith.constant 40 : i32
        %add3A_864 = arith.addi %add3A_863, %mul3A_862 : i32
        %add3A_865 = arith.constant 5 : i32
        %add3A_866 = arith.addi %add3A_864, %add3A_865 : i32
        %get3A_867 = arith.index_cast %add3A_866 : i32 to index
        %get3A_868 = arith.constant 0 : index
        %get3A_869 = tpu.vector_load %arg11[%get3A_867, %get3A_868] {strides = array<i32>} : memref<80x128xf32, #tpu.memory_space<vmem>>, vector<16xf32>,
        %add3A_870 = arith.constant 0 : i32
        %add3A_871 = arith.addi %mul3A_0, %add3A_870 : i32
        %get3A_872 = arith.index_cast %add3A_866 : i32 to index
        %get3A_873 = arith.index_cast %add3A_871 : i32 to index
        %get3A_874 = tpu.vector_load %arg12[%get3A_872, %get3A_873] {strides = array<i32>} : memref<80x128xf32, #tpu.memory_space<vmem>>, vector<16xf32>,
        %eq3A_875 = arith.constant 0 : i32
        %eq3A_876 = vector.broadcast %eq3A_875 : i32 to vector<16xi32>
        %eq3A_877 = arith.cmpi eq, %iota3A, %eq3A_876 : vector<16xi32>
        %mul3A_878 = arith.mulf %get3A_869, %get3A_874 : vector<16xf32>
        %reduce_sum3A_879 = arith.constant true
        %reduce_sum3A_880 = vector.broadcast %reduce_sum3A_879 : i1 to vector<16xi1>
        %reduce_sum3A_881 = tpu.scan <sum>, %mul3A_878 masked %reduce_sum3A_880 : vector<16xf32>, vector<16xi1> -> vector<16xf32>
        %reduce_sum3A_882 = vector.extract %reduce_sum3A_881[15] : f32 from vector<16xf32>
        %broadcast_in_dim3A_883 = vector.broadcast %reduce_sum3A_882 : f32 to vector<16xf32>
        %select_n3A_884 = arith.select %eq3A_877, %broadcast_in_dim3A_883, %broadcast_in_dim3A_1 : vector<16xi1>, vector<16xf32>
        %get3A_885 = arith.index_cast %add3A_866 : i32 to index
        %get3A_886 = arith.constant 16 : index
        %get3A_887 = tpu.vector_load %arg11[%get3A_885, %get3A_886] {strides = array<i32>} : memref<80x128xf32, #tpu.memory_space<vmem>>, vector<16xf32>,
        %add3A_888 = arith.constant 16 : i32
        %add3A_889 = arith.addi %mul3A_0, %add3A_888 : i32
        %get3A_890 = arith.index_cast %add3A_866 : i32 to index
        %get3A_891 = arith.index_cast %add3A_889 : i32 to index
        %get3A_892 = tpu.vector_load %arg12[%get3A_890, %get3A_891] {strides = array<i32>} : memref<80x128xf32, #tpu.memory_space<vmem>>, vector<16xf32>,
        %eq3A_893 = arith.constant 1 : i32
        %eq3A_894 = vector.broadcast %eq3A_893 : i32 to vector<16xi32>
        %eq3A_895 = arith.cmpi eq, %iota3A, %eq3A_894 : vector<16xi32>
        %mul3A_896 = arith.mulf %get3A_887, %get3A_892 : vector<16xf32>
        %reduce_sum3A_897 = arith.constant true
        %reduce_sum3A_898 = vector.broadcast %reduce_sum3A_897 : i1 to vector<16xi1>
        %reduce_sum3A_899 = tpu.scan <sum>, %mul3A_896 masked %reduce_sum3A_898 : vector<16xf32>, vector<16xi1> -> vector<16xf32>
        %reduce_sum3A_900 = vector.extract %reduce_sum3A_899[15] : f32 from vector<16xf32>
        %broadcast_in_dim3A_901 = vector.broadcast %reduce_sum3A_900 : f32 to vector<16xf32>
        %select_n3A_902 = arith.select %eq3A_895, %broadcast_in_dim3A_901, %select_n3A_884 : vector<16xi1>, vector<16xf32>
        %get3A_903 = arith.index_cast %add3A_866 : i32 to index
        %get3A_904 = arith.constant 32 : index
        %get3A_905 = tpu.vector_load %arg11[%get3A_903, %get3A_904] {strides = array<i32>} : memref<80x128xf32, #tpu.memory_space<vmem>>, vector<16xf32>,
        %add3A_906 = arith.constant 32 : i32
        %add3A_907 = arith.addi %mul3A_0, %add3A_906 : i32
        %get3A_908 = arith.index_cast %add3A_866 : i32 to index
        %get3A_909 = arith.index_cast %add3A_907 : i32 to index
        %get3A_910 = tpu.vector_load %arg12[%get3A_908, %get3A_909] {strides = array<i32>} : memref<80x128xf32, #tpu.memory_space<vmem>>, vector<16xf32>,
        %eq3A_911 = arith.constant 2 : i32
        %eq3A_912 = vector.broadcast %eq3A_911 : i32 to vector<16xi32>
        %eq3A_913 = arith.cmpi eq, %iota3A, %eq3A_912 : vector<16xi32>
        %mul3A_914 = arith.mulf %get3A_905, %get3A_910 : vector<16xf32>
        %reduce_sum3A_915 = arith.constant true
        %reduce_sum3A_916 = vector.broadcast %reduce_sum3A_915 : i1 to vector<16xi1>
        %reduce_sum3A_917 = tpu.scan <sum>, %mul3A_914 masked %reduce_sum3A_916 : vector<16xf32>, vector<16xi1> -> vector<16xf32>
        %reduce_sum3A_918 = vector.extract %reduce_sum3A_917[15] : f32 from vector<16xf32>
        %broadcast_in_dim3A_919 = vector.broadcast %reduce_sum3A_918 : f32 to vector<16xf32>
        %select_n3A_920 = arith.select %eq3A_913, %broadcast_in_dim3A_919, %select_n3A_902 : vector<16xi1>, vector<16xf32>
        %get3A_921 = arith.index_cast %add3A_866 : i32 to index
        %get3A_922 = arith.constant 48 : index
        %get3A_923 = tpu.vector_load %arg11[%get3A_921, %get3A_922] {strides = array<i32>} : memref<80x128xf32, #tpu.memory_space<vmem>>, vector<16xf32>,
        %add3A_924 = arith.constant 48 : i32
        %add3A_925 = arith.addi %mul3A_0, %add3A_924 : i32
        %get3A_926 = arith.index_cast %add3A_866 : i32 to index
        %get3A_927 = arith.index_cast %add3A_925 : i32 to index
        %get3A_928 = tpu.vector_load %arg12[%get3A_926, %get3A_927] {strides = array<i32>} : memref<80x128xf32, #tpu.memory_space<vmem>>, vector<16xf32>,
        %eq3A_929 = arith.constant 3 : i32
        %eq3A_930 = vector.broadcast %eq3A_929 : i32 to vector<16xi32>
        %eq3A_931 = arith.cmpi eq, %iota3A, %eq3A_930 : vector<16xi32>
        %mul3A_932 = arith.mulf %get3A_923, %get3A_928 : vector<16xf32>
        %reduce_sum3A_933 = arith.constant true
        %reduce_sum3A_934 = vector.broadcast %reduce_sum3A_933 : i1 to vector<16xi1>
        %reduce_sum3A_935 = tpu.scan <sum>, %mul3A_932 masked %reduce_sum3A_934 : vector<16xf32>, vector<16xi1> -> vector<16xf32>
        %reduce_sum3A_936 = vector.extract %reduce_sum3A_935[15] : f32 from vector<16xf32>
        %broadcast_in_dim3A_937 = vector.broadcast %reduce_sum3A_936 : f32 to vector<16xf32>
        %select_n3A_938 = arith.select %eq3A_931, %broadcast_in_dim3A_937, %select_n3A_920 : vector<16xi1>, vector<16xf32>
        %mul3A_939 = arith.constant 2.500000e-01 : f32
        %mul3A_940 = vector.broadcast %mul3A_939 : f32 to vector<16xf32>
        %mul3A_941 = arith.mulf %select_n3A_938, %mul3A_940 : vector<16xf32>
        %get3A_942 = arith.index_cast %add3A_187 : i32 to index
        %get3A_943 = arith.constant 80 : index
        %get3A_944 = tpu.vector_load %arg13[%get3A_942, %get3A_943] {strides = array<i32>} : memref<24x128xf32, #tpu.memory_space<vmem>>, vector<16xf32>,
        %add3A_945 = arith.addf %mul3A_941, %get3A_944 : vector<16xf32>
        %ge3A_946 = arith.constant 0.000000e+00 : f32
        %ge3A_947 = vector.broadcast %ge3A_946 : f32 to vector<16xf32>
        %ge3A_948 = arith.cmpf oge, %add3A_945, %ge3A_947 : vector<16xf32>
        %mul3A_949 = arith.constant 2.000000e-01 : f32
        %mul3A_950 = vector.broadcast %mul3A_949 : f32 to vector<16xf32>
        %mul3A_951 = arith.mulf %mul3A_950, %add3A_945 : vector<16xf32>
        %select_n3A_952 = arith.select %ge3A_948, %add3A_945, %mul3A_951 : vector<16xi1>, vector<16xf32>
        %exp3A_953 = math.exp %select_n3A_952 : vector<16xf32>
        %swap3A_954 = arith.index_cast %add3A_866 : i32 to index
        %swap3A_955 = arith.constant 64 : index
        %swap3A_956 = tpu.vector_load %arg14[%swap3A_954, %swap3A_955] {strides = array<i32>} : memref<80x128xf32, #tpu.memory_space<vmem>>, vector<16xf32>,
        tpu.vector_store %arg14[%swap3A_954, %swap3A_955], %exp3A_953 {strides = array<i32>} : memref<80x128xf32, #tpu.memory_space<vmem>>, vector<16xf32>,
        %get3A_957 = arith.index_cast %add3A_866 : i32 to index
        %get3A_958 = arith.constant 64 : index
        %get3A_959 = tpu.vector_load %arg11[%get3A_957, %get3A_958] {strides = array<i32>} : memref<80x128xf32, #tpu.memory_space<vmem>>, vector<16xf32>,
        %slice3A_960 = vector.extract_strided_slice %exp3A_953 {offsets = [0], sizes = [1], strides = [1]} : vector<16xf32> to vector<1xf32>
        %squeeze3A_961 = vector.extract %slice3A_960[0] : f32 from vector<1xf32>
        %mul3A_962 = vector.broadcast %squeeze3A_961 : f32 to vector<16xf32>
        %mul3A_963 = arith.mulf %get3A_959, %mul3A_962 : vector<16xf32>
        %swap3A_964 = arith.index_cast %add3A_866 : i32 to index
        %swap3A_965 = arith.constant 0 : index
        %swap3A_966 = tpu.vector_load %arg14[%swap3A_964, %swap3A_965] {strides = array<i32>} : memref<80x128xf32, #tpu.memory_space<vmem>>, vector<16xf32>,
        tpu.vector_store %arg14[%swap3A_964, %swap3A_965], %mul3A_963 {strides = array<i32>} : memref<80x128xf32, #tpu.memory_space<vmem>>, vector<16xf32>,
        %get3A_967 = arith.index_cast %add3A_866 : i32 to index
        %get3A_968 = arith.constant 80 : index
        %get3A_969 = tpu.vector_load %arg11[%get3A_967, %get3A_968] {strides = array<i32>} : memref<80x128xf32, #tpu.memory_space<vmem>>, vector<16xf32>,
        %slice3A_970 = vector.extract_strided_slice %exp3A_953 {offsets = [1], sizes = [1], strides = [1]} : vector<16xf32> to vector<1xf32>
        %squeeze3A_971 = vector.extract %slice3A_970[0] : f32 from vector<1xf32>
        %mul3A_972 = vector.broadcast %squeeze3A_971 : f32 to vector<16xf32>
        %mul3A_973 = arith.mulf %get3A_969, %mul3A_972 : vector<16xf32>
        %swap3A_974 = arith.index_cast %add3A_866 : i32 to index
        %swap3A_975 = arith.constant 16 : index
        %swap3A_976 = tpu.vector_load %arg14[%swap3A_974, %swap3A_975] {strides = array<i32>} : memref<80x128xf32, #tpu.memory_space<vmem>>, vector<16xf32>,
        tpu.vector_store %arg14[%swap3A_974, %swap3A_975], %mul3A_973 {strides = array<i32>} : memref<80x128xf32, #tpu.memory_space<vmem>>, vector<16xf32>,
        %get3A_977 = arith.index_cast %add3A_866 : i32 to index
        %get3A_978 = arith.constant 96 : index
        %get3A_979 = tpu.vector_load %arg11[%get3A_977, %get3A_978] {strides = array<i32>} : memref<80x128xf32, #tpu.memory_space<vmem>>, vector<16xf32>,
        %slice3A_980 = vector.extract_strided_slice %exp3A_953 {offsets = [2], sizes = [1], strides = [1]} : vector<16xf32> to vector<1xf32>
        %squeeze3A_981 = vector.extract %slice3A_980[0] : f32 from vector<1xf32>
        %mul3A_982 = vector.broadcast %squeeze3A_981 : f32 to vector<16xf32>
        %mul3A_983 = arith.mulf %get3A_979, %mul3A_982 : vector<16xf32>
        %swap3A_984 = arith.index_cast %add3A_866 : i32 to index
        %swap3A_985 = arith.constant 32 : index
        %swap3A_986 = tpu.vector_load %arg14[%swap3A_984, %swap3A_985] {strides = array<i32>} : memref<80x128xf32, #tpu.memory_space<vmem>>, vector<16xf32>,
        tpu.vector_store %arg14[%swap3A_984, %swap3A_985], %mul3A_983 {strides = array<i32>} : memref<80x128xf32, #tpu.memory_space<vmem>>, vector<16xf32>,
        %get3A_987 = arith.index_cast %add3A_866 : i32 to index
        %get3A_988 = arith.constant 112 : index
        %get3A_989 = tpu.vector_load %arg11[%get3A_987, %get3A_988] {strides = array<i32>} : memref<80x128xf32, #tpu.memory_space<vmem>>, vector<16xf32>,
        %slice3A_990 = vector.extract_strided_slice %exp3A_953 {offsets = [3], sizes = [1], strides = [1]} : vector<16xf32> to vector<1xf32>
        %squeeze3A_991 = vector.extract %slice3A_990[0] : f32 from vector<1xf32>
        %mul3A_992 = vector.broadcast %squeeze3A_991 : f32 to vector<16xf32>
        %mul3A_993 = arith.mulf %get3A_989, %mul3A_992 : vector<16xf32>
        %swap3A_994 = arith.index_cast %add3A_866 : i32 to index
        %swap3A_995 = arith.constant 48 : index
        %swap3A_996 = tpu.vector_load %arg14[%swap3A_994, %swap3A_995] {strides = array<i32>} : memref<80x128xf32, #tpu.memory_space<vmem>>, vector<16xf32>,
        tpu.vector_store %arg14[%swap3A_994, %swap3A_995], %mul3A_993 {strides = array<i32>} : memref<80x128xf32, #tpu.memory_space<vmem>>, vector<16xf32>,
        %mul3A_997 = arith.constant 8 : i32
        %mul3A_998 = arith.muli %scan3A_183, %mul3A_997 : i32
        %add3A_999 = arith.constant 40 : i32
        %add3A_1000 = arith.addi %add3A_999, %mul3A_998 : i32
        %add3A_1001 = arith.constant 6 : i32
        %add3A_1002 = arith.addi %add3A_1000, %add3A_1001 : i32
        %get3A_1003 = arith.index_cast %add3A_1002 : i32 to index
        %get3A_1004 = arith.constant 0 : index
        %get3A_1005 = tpu.vector_load %arg11[%get3A_1003, %get3A_1004] {strides = array<i32>} : memref<80x128xf32, #tpu.memory_space<vmem>>, vector<16xf32>,
        %add3A_1006 = arith.constant 0 : i32
        %add3A_1007 = arith.addi %mul3A_0, %add3A_1006 : i32
        %get3A_1008 = arith.index_cast %add3A_1002 : i32 to index
        %get3A_1009 = arith.index_cast %add3A_1007 : i32 to index
        %get3A_1010 = tpu.vector_load %arg12[%get3A_1008, %get3A_1009] {strides = array<i32>} : memref<80x128xf32, #tpu.memory_space<vmem>>, vector<16xf32>,
        %eq3A_1011 = arith.constant 0 : i32
        %eq3A_1012 = vector.broadcast %eq3A_1011 : i32 to vector<16xi32>
        %eq3A_1013 = arith.cmpi eq, %iota3A, %eq3A_1012 : vector<16xi32>
        %mul3A_1014 = arith.mulf %get3A_1005, %get3A_1010 : vector<16xf32>
        %reduce_sum3A_1015 = arith.constant true
        %reduce_sum3A_1016 = vector.broadcast %reduce_sum3A_1015 : i1 to vector<16xi1>
        %reduce_sum3A_1017 = tpu.scan <sum>, %mul3A_1014 masked %reduce_sum3A_1016 : vector<16xf32>, vector<16xi1> -> vector<16xf32>
        %reduce_sum3A_1018 = vector.extract %reduce_sum3A_1017[15] : f32 from vector<16xf32>
        %broadcast_in_dim3A_1019 = vector.broadcast %reduce_sum3A_1018 : f32 to vector<16xf32>
        %select_n3A_1020 = arith.select %eq3A_1013, %broadcast_in_dim3A_1019, %broadcast_in_dim3A_1 : vector<16xi1>, vector<16xf32>
        %get3A_1021 = arith.index_cast %add3A_1002 : i32 to index
        %get3A_1022 = arith.constant 16 : index
        %get3A_1023 = tpu.vector_load %arg11[%get3A_1021, %get3A_1022] {strides = array<i32>} : memref<80x128xf32, #tpu.memory_space<vmem>>, vector<16xf32>,
        %add3A_1024 = arith.constant 16 : i32
        %add3A_1025 = arith.addi %mul3A_0, %add3A_1024 : i32
        %get3A_1026 = arith.index_cast %add3A_1002 : i32 to index
        %get3A_1027 = arith.index_cast %add3A_1025 : i32 to index
        %get3A_1028 = tpu.vector_load %arg12[%get3A_1026, %get3A_1027] {strides = array<i32>} : memref<80x128xf32, #tpu.memory_space<vmem>>, vector<16xf32>,
        %eq3A_1029 = arith.constant 1 : i32
        %eq3A_1030 = vector.broadcast %eq3A_1029 : i32 to vector<16xi32>
        %eq3A_1031 = arith.cmpi eq, %iota3A, %eq3A_1030 : vector<16xi32>
        %mul3A_1032 = arith.mulf %get3A_1023, %get3A_1028 : vector<16xf32>
        %reduce_sum3A_1033 = arith.constant true
        %reduce_sum3A_1034 = vector.broadcast %reduce_sum3A_1033 : i1 to vector<16xi1>
        %reduce_sum3A_1035 = tpu.scan <sum>, %mul3A_1032 masked %reduce_sum3A_1034 : vector<16xf32>, vector<16xi1> -> vector<16xf32>
        %reduce_sum3A_1036 = vector.extract %reduce_sum3A_1035[15] : f32 from vector<16xf32>
        %broadcast_in_dim3A_1037 = vector.broadcast %reduce_sum3A_1036 : f32 to vector<16xf32>
        %select_n3A_1038 = arith.select %eq3A_1031, %broadcast_in_dim3A_1037, %select_n3A_1020 : vector<16xi1>, vector<16xf32>
        %get3A_1039 = arith.index_cast %add3A_1002 : i32 to index
        %get3A_1040 = arith.constant 32 : index
        %get3A_1041 = tpu.vector_load %arg11[%get3A_1039, %get3A_1040] {strides = array<i32>} : memref<80x128xf32, #tpu.memory_space<vmem>>, vector<16xf32>,
        %add3A_1042 = arith.constant 32 : i32
        %add3A_1043 = arith.addi %mul3A_0, %add3A_1042 : i32
        %get3A_1044 = arith.index_cast %add3A_1002 : i32 to index
        %get3A_1045 = arith.index_cast %add3A_1043 : i32 to index
        %get3A_1046 = tpu.vector_load %arg12[%get3A_1044, %get3A_1045] {strides = array<i32>} : memref<80x128xf32, #tpu.memory_space<vmem>>, vector<16xf32>,
        %eq3A_1047 = arith.constant 2 : i32
        %eq3A_1048 = vector.broadcast %eq3A_1047 : i32 to vector<16xi32>
        %eq3A_1049 = arith.cmpi eq, %iota3A, %eq3A_1048 : vector<16xi32>
        %mul3A_1050 = arith.mulf %get3A_1041, %get3A_1046 : vector<16xf32>
        %reduce_sum3A_1051 = arith.constant true
        %reduce_sum3A_1052 = vector.broadcast %reduce_sum3A_1051 : i1 to vector<16xi1>
        %reduce_sum3A_1053 = tpu.scan <sum>, %mul3A_1050 masked %reduce_sum3A_1052 : vector<16xf32>, vector<16xi1> -> vector<16xf32>
        %reduce_sum3A_1054 = vector.extract %reduce_sum3A_1053[15] : f32 from vector<16xf32>
        %broadcast_in_dim3A_1055 = vector.broadcast %reduce_sum3A_1054 : f32 to vector<16xf32>
        %select_n3A_1056 = arith.select %eq3A_1049, %broadcast_in_dim3A_1055, %select_n3A_1038 : vector<16xi1>, vector<16xf32>
        %get3A_1057 = arith.index_cast %add3A_1002 : i32 to index
        %get3A_1058 = arith.constant 48 : index
        %get3A_1059 = tpu.vector_load %arg11[%get3A_1057, %get3A_1058] {strides = array<i32>} : memref<80x128xf32, #tpu.memory_space<vmem>>, vector<16xf32>,
        %add3A_1060 = arith.constant 48 : i32
        %add3A_1061 = arith.addi %mul3A_0, %add3A_1060 : i32
        %get3A_1062 = arith.index_cast %add3A_1002 : i32 to index
        %get3A_1063 = arith.index_cast %add3A_1061 : i32 to index
        %get3A_1064 = tpu.vector_load %arg12[%get3A_1062, %get3A_1063] {strides = array<i32>} : memref<80x128xf32, #tpu.memory_space<vmem>>, vector<16xf32>,
        %eq3A_1065 = arith.constant 3 : i32
        %eq3A_1066 = vector.broadcast %eq3A_1065 : i32 to vector<16xi32>
        %eq3A_1067 = arith.cmpi eq, %iota3A, %eq3A_1066 : vector<16xi32>
        %mul3A_1068 = arith.mulf %get3A_1059, %get3A_1064 : vector<16xf32>
        %reduce_sum3A_1069 = arith.constant true
        %reduce_sum3A_1070 = vector.broadcast %reduce_sum3A_1069 : i1 to vector<16xi1>
        %reduce_sum3A_1071 = tpu.scan <sum>, %mul3A_1068 masked %reduce_sum3A_1070 : vector<16xf32>, vector<16xi1> -> vector<16xf32>
        %reduce_sum3A_1072 = vector.extract %reduce_sum3A_1071[15] : f32 from vector<16xf32>
        %broadcast_in_dim3A_1073 = vector.broadcast %reduce_sum3A_1072 : f32 to vector<16xf32>
        %select_n3A_1074 = arith.select %eq3A_1067, %broadcast_in_dim3A_1073, %select_n3A_1056 : vector<16xi1>, vector<16xf32>
        %mul3A_1075 = arith.constant 2.500000e-01 : f32
        %mul3A_1076 = vector.broadcast %mul3A_1075 : f32 to vector<16xf32>
        %mul3A_1077 = arith.mulf %select_n3A_1074, %mul3A_1076 : vector<16xf32>
        %get3A_1078 = arith.index_cast %add3A_187 : i32 to index
        %get3A_1079 = arith.constant 96 : index
        %get3A_1080 = tpu.vector_load %arg13[%get3A_1078, %get3A_1079] {strides = array<i32>} : memref<24x128xf32, #tpu.memory_space<vmem>>, vector<16xf32>,
        %add3A_1081 = arith.addf %mul3A_1077, %get3A_1080 : vector<16xf32>
        %ge3A_1082 = arith.constant 0.000000e+00 : f32
        %ge3A_1083 = vector.broadcast %ge3A_1082 : f32 to vector<16xf32>
        %ge3A_1084 = arith.cmpf oge, %add3A_1081, %ge3A_1083 : vector<16xf32>
        %mul3A_1085 = arith.constant 2.000000e-01 : f32
        %mul3A_1086 = vector.broadcast %mul3A_1085 : f32 to vector<16xf32>
        %mul3A_1087 = arith.mulf %mul3A_1086, %add3A_1081 : vector<16xf32>
        %select_n3A_1088 = arith.select %ge3A_1084, %add3A_1081, %mul3A_1087 : vector<16xi1>, vector<16xf32>
        %exp3A_1089 = math.exp %select_n3A_1088 : vector<16xf32>
        %swap3A_1090 = arith.index_cast %add3A_1002 : i32 to index
        %swap3A_1091 = arith.constant 64 : index
        %swap3A_1092 = tpu.vector_load %arg14[%swap3A_1090, %swap3A_1091] {strides = array<i32>} : memref<80x128xf32, #tpu.memory_space<vmem>>, vector<16xf32>,
        tpu.vector_store %arg14[%swap3A_1090, %swap3A_1091], %exp3A_1089 {strides = array<i32>} : memref<80x128xf32, #tpu.memory_space<vmem>>, vector<16xf32>,
        %get3A_1093 = arith.index_cast %add3A_1002 : i32 to index
        %get3A_1094 = arith.constant 64 : index
        %get3A_1095 = tpu.vector_load %arg11[%get3A_1093, %get3A_1094] {strides = array<i32>} : memref<80x128xf32, #tpu.memory_space<vmem>>, vector<16xf32>,
        %slice3A_1096 = vector.extract_strided_slice %exp3A_1089 {offsets = [0], sizes = [1], strides = [1]} : vector<16xf32> to vector<1xf32>
        %squeeze3A_1097 = vector.extract %slice3A_1096[0] : f32 from vector<1xf32>
        %mul3A_1098 = vector.broadcast %squeeze3A_1097 : f32 to vector<16xf32>
        %mul3A_1099 = arith.mulf %get3A_1095, %mul3A_1098 : vector<16xf32>
        %swap3A_1100 = arith.index_cast %add3A_1002 : i32 to index
        %swap3A_1101 = arith.constant 0 : index
        %swap3A_1102 = tpu.vector_load %arg14[%swap3A_1100, %swap3A_1101] {strides = array<i32>} : memref<80x128xf32, #tpu.memory_space<vmem>>, vector<16xf32>,
        tpu.vector_store %arg14[%swap3A_1100, %swap3A_1101], %mul3A_1099 {strides = array<i32>} : memref<80x128xf32, #tpu.memory_space<vmem>>, vector<16xf32>,
        %get3A_1103 = arith.index_cast %add3A_1002 : i32 to index
        %get3A_1104 = arith.constant 80 : index
        %get3A_1105 = tpu.vector_load %arg11[%get3A_1103, %get3A_1104] {strides = array<i32>} : memref<80x128xf32, #tpu.memory_space<vmem>>, vector<16xf32>,
        %slice3A_1106 = vector.extract_strided_slice %exp3A_1089 {offsets = [1], sizes = [1], strides = [1]} : vector<16xf32> to vector<1xf32>
        %squeeze3A_1107 = vector.extract %slice3A_1106[0] : f32 from vector<1xf32>
        %mul3A_1108 = vector.broadcast %squeeze3A_1107 : f32 to vector<16xf32>
        %mul3A_1109 = arith.mulf %get3A_1105, %mul3A_1108 : vector<16xf32>
        %swap3A_1110 = arith.index_cast %add3A_1002 : i32 to index
        %swap3A_1111 = arith.constant 16 : index
        %swap3A_1112 = tpu.vector_load %arg14[%swap3A_1110, %swap3A_1111] {strides = array<i32>} : memref<80x128xf32, #tpu.memory_space<vmem>>, vector<16xf32>,
        tpu.vector_store %arg14[%swap3A_1110, %swap3A_1111], %mul3A_1109 {strides = array<i32>} : memref<80x128xf32, #tpu.memory_space<vmem>>, vector<16xf32>,
        %get3A_1113 = arith.index_cast %add3A_1002 : i32 to index
        %get3A_1114 = arith.constant 96 : index
        %get3A_1115 = tpu.vector_load %arg11[%get3A_1113, %get3A_1114] {strides = array<i32>} : memref<80x128xf32, #tpu.memory_space<vmem>>, vector<16xf32>,
        %slice3A_1116 = vector.extract_strided_slice %exp3A_1089 {offsets = [2], sizes = [1], strides = [1]} : vector<16xf32> to vector<1xf32>
        %squeeze3A_1117 = vector.extract %slice3A_1116[0] : f32 from vector<1xf32>
        %mul3A_1118 = vector.broadcast %squeeze3A_1117 : f32 to vector<16xf32>
        %mul3A_1119 = arith.mulf %get3A_1115, %mul3A_1118 : vector<16xf32>
        %swap3A_1120 = arith.index_cast %add3A_1002 : i32 to index
        %swap3A_1121 = arith.constant 32 : index
        %swap3A_1122 = tpu.vector_load %arg14[%swap3A_1120, %swap3A_1121] {strides = array<i32>} : memref<80x128xf32, #tpu.memory_space<vmem>>, vector<16xf32>,
        tpu.vector_store %arg14[%swap3A_1120, %swap3A_1121], %mul3A_1119 {strides = array<i32>} : memref<80x128xf32, #tpu.memory_space<vmem>>, vector<16xf32>,
        %get3A_1123 = arith.index_cast %add3A_1002 : i32 to index
        %get3A_1124 = arith.constant 112 : index
        %get3A_1125 = tpu.vector_load %arg11[%get3A_1123, %get3A_1124] {strides = array<i32>} : memref<80x128xf32, #tpu.memory_space<vmem>>, vector<16xf32>,
        %slice3A_1126 = vector.extract_strided_slice %exp3A_1089 {offsets = [3], sizes = [1], strides = [1]} : vector<16xf32> to vector<1xf32>
        %squeeze3A_1127 = vector.extract %slice3A_1126[0] : f32 from vector<1xf32>
        %mul3A_1128 = vector.broadcast %squeeze3A_1127 : f32 to vector<16xf32>
        %mul3A_1129 = arith.mulf %get3A_1125, %mul3A_1128 : vector<16xf32>
        %swap3A_1130 = arith.index_cast %add3A_1002 : i32 to index
        %swap3A_1131 = arith.constant 48 : index
        %swap3A_1132 = tpu.vector_load %arg14[%swap3A_1130, %swap3A_1131] {strides = array<i32>} : memref<80x128xf32, #tpu.memory_space<vmem>>, vector<16xf32>,
        tpu.vector_store %arg14[%swap3A_1130, %swap3A_1131], %mul3A_1129 {strides = array<i32>} : memref<80x128xf32, #tpu.memory_space<vmem>>, vector<16xf32>,
        %mul3A_1133 = arith.constant 8 : i32
        %mul3A_1134 = arith.muli %scan3A_183, %mul3A_1133 : i32
        %add3A_1135 = arith.constant 40 : i32
        %add3A_1136 = arith.addi %add3A_1135, %mul3A_1134 : i32
        %add3A_1137 = arith.constant 7 : i32
        %add3A_1138 = arith.addi %add3A_1136, %add3A_1137 : i32
        %get3A_1139 = arith.index_cast %add3A_1138 : i32 to index
        %get3A_1140 = arith.constant 0 : index
        %get3A_1141 = tpu.vector_load %arg11[%get3A_1139, %get3A_1140] {strides = array<i32>} : memref<80x128xf32, #tpu.memory_space<vmem>>, vector<16xf32>,
        %add3A_1142 = arith.constant 0 : i32
        %add3A_1143 = arith.addi %mul3A_0, %add3A_1142 : i32
        %get3A_1144 = arith.index_cast %add3A_1138 : i32 to index
        %get3A_1145 = arith.index_cast %add3A_1143 : i32 to index
        %get3A_1146 = tpu.vector_load %arg12[%get3A_1144, %get3A_1145] {strides = array<i32>} : memref<80x128xf32, #tpu.memory_space<vmem>>, vector<16xf32>,
        %eq3A_1147 = arith.constant 0 : i32
        %eq3A_1148 = vector.broadcast %eq3A_1147 : i32 to vector<16xi32>
        %eq3A_1149 = arith.cmpi eq, %iota3A, %eq3A_1148 : vector<16xi32>
        %mul3A_1150 = arith.mulf %get3A_1141, %get3A_1146 : vector<16xf32>
        %reduce_sum3A_1151 = arith.constant true
        %reduce_sum3A_1152 = vector.broadcast %reduce_sum3A_1151 : i1 to vector<16xi1>
        %reduce_sum3A_1153 = tpu.scan <sum>, %mul3A_1150 masked %reduce_sum3A_1152 : vector<16xf32>, vector<16xi1> -> vector<16xf32>
        %reduce_sum3A_1154 = vector.extract %reduce_sum3A_1153[15] : f32 from vector<16xf32>
        %broadcast_in_dim3A_1155 = vector.broadcast %reduce_sum3A_1154 : f32 to vector<16xf32>
        %select_n3A_1156 = arith.select %eq3A_1149, %broadcast_in_dim3A_1155, %broadcast_in_dim3A_1 : vector<16xi1>, vector<16xf32>
        %get3A_1157 = arith.index_cast %add3A_1138 : i32 to index
        %get3A_1158 = arith.constant 16 : index
        %get3A_1159 = tpu.vector_load %arg11[%get3A_1157, %get3A_1158] {strides = array<i32>} : memref<80x128xf32, #tpu.memory_space<vmem>>, vector<16xf32>,
        %add3A_1160 = arith.constant 16 : i32
        %add3A_1161 = arith.addi %mul3A_0, %add3A_1160 : i32
        %get3A_1162 = arith.index_cast %add3A_1138 : i32 to index
        %get3A_1163 = arith.index_cast %add3A_1161 : i32 to index
        %get3A_1164 = tpu.vector_load %arg12[%get3A_1162, %get3A_1163] {strides = array<i32>} : memref<80x128xf32, #tpu.memory_space<vmem>>, vector<16xf32>,
        %eq3A_1165 = arith.constant 1 : i32
        %eq3A_1166 = vector.broadcast %eq3A_1165 : i32 to vector<16xi32>
        %eq3A_1167 = arith.cmpi eq, %iota3A, %eq3A_1166 : vector<16xi32>
        %mul3A_1168 = arith.mulf %get3A_1159, %get3A_1164 : vector<16xf32>
        %reduce_sum3A_1169 = arith.constant true
        %reduce_sum3A_1170 = vector.broadcast %reduce_sum3A_1169 : i1 to vector<16xi1>
        %reduce_sum3A_1171 = tpu.scan <sum>, %mul3A_1168 masked %reduce_sum3A_1170 : vector<16xf32>, vector<16xi1> -> vector<16xf32>
        %reduce_sum3A_1172 = vector.extract %reduce_sum3A_1171[15] : f32 from vector<16xf32>
        %broadcast_in_dim3A_1173 = vector.broadcast %reduce_sum3A_1172 : f32 to vector<16xf32>
        %select_n3A_1174 = arith.select %eq3A_1167, %broadcast_in_dim3A_1173, %select_n3A_1156 : vector<16xi1>, vector<16xf32>
        %get3A_1175 = arith.index_cast %add3A_1138 : i32 to index
        %get3A_1176 = arith.constant 32 : index
        %get3A_1177 = tpu.vector_load %arg11[%get3A_1175, %get3A_1176] {strides = array<i32>} : memref<80x128xf32, #tpu.memory_space<vmem>>, vector<16xf32>,
        %add3A_1178 = arith.constant 32 : i32
        %add3A_1179 = arith.addi %mul3A_0, %add3A_1178 : i32
        %get3A_1180 = arith.index_cast %add3A_1138 : i32 to index
        %get3A_1181 = arith.index_cast %add3A_1179 : i32 to index
        %get3A_1182 = tpu.vector_load %arg12[%get3A_1180, %get3A_1181] {strides = array<i32>} : memref<80x128xf32, #tpu.memory_space<vmem>>, vector<16xf32>,
        %eq3A_1183 = arith.constant 2 : i32
        %eq3A_1184 = vector.broadcast %eq3A_1183 : i32 to vector<16xi32>
        %eq3A_1185 = arith.cmpi eq, %iota3A, %eq3A_1184 : vector<16xi32>
        %mul3A_1186 = arith.mulf %get3A_1177, %get3A_1182 : vector<16xf32>
        %reduce_sum3A_1187 = arith.constant true
        %reduce_sum3A_1188 = vector.broadcast %reduce_sum3A_1187 : i1 to vector<16xi1>
        %reduce_sum3A_1189 = tpu.scan <sum>, %mul3A_1186 masked %reduce_sum3A_1188 : vector<16xf32>, vector<16xi1> -> vector<16xf32>
        %reduce_sum3A_1190 = vector.extract %reduce_sum3A_1189[15] : f32 from vector<16xf32>
        %broadcast_in_dim3A_1191 = vector.broadcast %reduce_sum3A_1190 : f32 to vector<16xf32>
        %select_n3A_1192 = arith.select %eq3A_1185, %broadcast_in_dim3A_1191, %select_n3A_1174 : vector<16xi1>, vector<16xf32>
        %get3A_1193 = arith.index_cast %add3A_1138 : i32 to index
        %get3A_1194 = arith.constant 48 : index
        %get3A_1195 = tpu.vector_load %arg11[%get3A_1193, %get3A_1194] {strides = array<i32>} : memref<80x128xf32, #tpu.memory_space<vmem>>, vector<16xf32>,
        %add3A_1196 = arith.constant 48 : i32
        %add3A_1197 = arith.addi %mul3A_0, %add3A_1196 : i32
        %get3A_1198 = arith.index_cast %add3A_1138 : i32 to index
        %get3A_1199 = arith.index_cast %add3A_1197 : i32 to index
        %get3A_1200 = tpu.vector_load %arg12[%get3A_1198, %get3A_1199] {strides = array<i32>} : memref<80x128xf32, #tpu.memory_space<vmem>>, vector<16xf32>,
        %eq3A_1201 = arith.constant 3 : i32
        %eq3A_1202 = vector.broadcast %eq3A_1201 : i32 to vector<16xi32>
        %eq3A_1203 = arith.cmpi eq, %iota3A, %eq3A_1202 : vector<16xi32>
        %mul3A_1204 = arith.mulf %get3A_1195, %get3A_1200 : vector<16xf32>
        %reduce_sum3A_1205 = arith.constant true
        %reduce_sum3A_1206 = vector.broadcast %reduce_sum3A_1205 : i1 to vector<16xi1>
        %reduce_sum3A_1207 = tpu.scan <sum>, %mul3A_1204 masked %reduce_sum3A_1206 : vector<16xf32>, vector<16xi1> -> vector<16xf32>
        %reduce_sum3A_1208 = vector.extract %reduce_sum3A_1207[15] : f32 from vector<16xf32>
        %broadcast_in_dim3A_1209 = vector.broadcast %reduce_sum3A_1208 : f32 to vector<16xf32>
        %select_n3A_1210 = arith.select %eq3A_1203, %broadcast_in_dim3A_1209, %select_n3A_1192 : vector<16xi1>, vector<16xf32>
        %mul3A_1211 = arith.constant 2.500000e-01 : f32
        %mul3A_1212 = vector.broadcast %mul3A_1211 : f32 to vector<16xf32>
        %mul3A_1213 = arith.mulf %select_n3A_1210, %mul3A_1212 : vector<16xf32>
        %get3A_1214 = arith.index_cast %add3A_187 : i32 to index
        %get3A_1215 = arith.constant 112 : index
        %get3A_1216 = tpu.vector_load %arg13[%get3A_1214, %get3A_1215] {strides = array<i32>} : memref<24x128xf32, #tpu.memory_space<vmem>>, vector<16xf32>,
        %add3A_1217 = arith.addf %mul3A_1213, %get3A_1216 : vector<16xf32>
        %ge3A_1218 = arith.constant 0.000000e+00 : f32
        %ge3A_1219 = vector.broadcast %ge3A_1218 : f32 to vector<16xf32>
        %ge3A_1220 = arith.cmpf oge, %add3A_1217, %ge3A_1219 : vector<16xf32>
        %mul3A_1221 = arith.constant 2.000000e-01 : f32
        %mul3A_1222 = vector.broadcast %mul3A_1221 : f32 to vector<16xf32>
        %mul3A_1223 = arith.mulf %mul3A_1222, %add3A_1217 : vector<16xf32>
        %select_n3A_1224 = arith.select %ge3A_1220, %add3A_1217, %mul3A_1223 : vector<16xi1>, vector<16xf32>
        %exp3A_1225 = math.exp %select_n3A_1224 : vector<16xf32>
        %swap3A_1226 = arith.index_cast %add3A_1138 : i32 to index
        %swap3A_1227 = arith.constant 64 : index
        %swap3A_1228 = tpu.vector_load %arg14[%swap3A_1226, %swap3A_1227] {strides = array<i32>} : memref<80x128xf32, #tpu.memory_space<vmem>>, vector<16xf32>,
        tpu.vector_store %arg14[%swap3A_1226, %swap3A_1227], %exp3A_1225 {strides = array<i32>} : memref<80x128xf32, #tpu.memory_space<vmem>>, vector<16xf32>,
        %get3A_1229 = arith.index_cast %add3A_1138 : i32 to index
        %get3A_1230 = arith.constant 64 : index
        %get3A_1231 = tpu.vector_load %arg11[%get3A_1229, %get3A_1230] {strides = array<i32>} : memref<80x128xf32, #tpu.memory_space<vmem>>, vector<16xf32>,
        %slice3A_1232 = vector.extract_strided_slice %exp3A_1225 {offsets = [0], sizes = [1], strides = [1]} : vector<16xf32> to vector<1xf32>
        %squeeze3A_1233 = vector.extract %slice3A_1232[0] : f32 from vector<1xf32>
        %mul3A_1234 = vector.broadcast %squeeze3A_1233 : f32 to vector<16xf32>
        %mul3A_1235 = arith.mulf %get3A_1231, %mul3A_1234 : vector<16xf32>
        %swap3A_1236 = arith.index_cast %add3A_1138 : i32 to index
        %swap3A_1237 = arith.constant 0 : index
        %swap3A_1238 = tpu.vector_load %arg14[%swap3A_1236, %swap3A_1237] {strides = array<i32>} : memref<80x128xf32, #tpu.memory_space<vmem>>, vector<16xf32>,
        tpu.vector_store %arg14[%swap3A_1236, %swap3A_1237], %mul3A_1235 {strides = array<i32>} : memref<80x128xf32, #tpu.memory_space<vmem>>, vector<16xf32>,
        %get3A_1239 = arith.index_cast %add3A_1138 : i32 to index
        %get3A_1240 = arith.constant 80 : index
        %get3A_1241 = tpu.vector_load %arg11[%get3A_1239, %get3A_1240] {strides = array<i32>} : memref<80x128xf32, #tpu.memory_space<vmem>>, vector<16xf32>,
        %slice3A_1242 = vector.extract_strided_slice %exp3A_1225 {offsets = [1], sizes = [1], strides = [1]} : vector<16xf32> to vector<1xf32>
        %squeeze3A_1243 = vector.extract %slice3A_1242[0] : f32 from vector<1xf32>
        %mul3A_1244 = vector.broadcast %squeeze3A_1243 : f32 to vector<16xf32>
        %mul3A_1245 = arith.mulf %get3A_1241, %mul3A_1244 : vector<16xf32>
        %swap3A_1246 = arith.index_cast %add3A_1138 : i32 to index
        %swap3A_1247 = arith.constant 16 : index
        %swap3A_1248 = tpu.vector_load %arg14[%swap3A_1246, %swap3A_1247] {strides = array<i32>} : memref<80x128xf32, #tpu.memory_space<vmem>>, vector<16xf32>,
        tpu.vector_store %arg14[%swap3A_1246, %swap3A_1247], %mul3A_1245 {strides = array<i32>} : memref<80x128xf32, #tpu.memory_space<vmem>>, vector<16xf32>,
        %get3A_1249 = arith.index_cast %add3A_1138 : i32 to index
        %get3A_1250 = arith.constant 96 : index
        %get3A_1251 = tpu.vector_load %arg11[%get3A_1249, %get3A_1250] {strides = array<i32>} : memref<80x128xf32, #tpu.memory_space<vmem>>, vector<16xf32>,
        %slice3A_1252 = vector.extract_strided_slice %exp3A_1225 {offsets = [2], sizes = [1], strides = [1]} : vector<16xf32> to vector<1xf32>
        %squeeze3A_1253 = vector.extract %slice3A_1252[0] : f32 from vector<1xf32>
        %mul3A_1254 = vector.broadcast %squeeze3A_1253 : f32 to vector<16xf32>
        %mul3A_1255 = arith.mulf %get3A_1251, %mul3A_1254 : vector<16xf32>
        %swap3A_1256 = arith.index_cast %add3A_1138 : i32 to index
        %swap3A_1257 = arith.constant 32 : index
        %swap3A_1258 = tpu.vector_load %arg14[%swap3A_1256, %swap3A_1257] {strides = array<i32>} : memref<80x128xf32, #tpu.memory_space<vmem>>, vector<16xf32>,
        tpu.vector_store %arg14[%swap3A_1256, %swap3A_1257], %mul3A_1255 {strides = array<i32>} : memref<80x128xf32, #tpu.memory_space<vmem>>, vector<16xf32>,
        %get3A_1259 = arith.index_cast %add3A_1138 : i32 to index
        %get3A_1260 = arith.constant 112 : index
        %get3A_1261 = tpu.vector_load %arg11[%get3A_1259, %get3A_1260] {strides = array<i32>} : memref<80x128xf32, #tpu.memory_space<vmem>>, vector<16xf32>,
        %slice3A_1262 = vector.extract_strided_slice %exp3A_1225 {offsets = [3], sizes = [1], strides = [1]} : vector<16xf32> to vector<1xf32>
        %squeeze3A_1263 = vector.extract %slice3A_1262[0] : f32 from vector<1xf32>
        %mul3A_1264 = vector.broadcast %squeeze3A_1263 : f32 to vector<16xf32>
        %mul3A_1265 = arith.mulf %get3A_1261, %mul3A_1264 : vector<16xf32>
        %swap3A_1266 = arith.index_cast %add3A_1138 : i32 to index
        %swap3A_1267 = arith.constant 48 : index
        %swap3A_1268 = tpu.vector_load %arg14[%swap3A_1266, %swap3A_1267] {strides = array<i32>} : memref<80x128xf32, #tpu.memory_space<vmem>>, vector<16xf32>,
        tpu.vector_store %arg14[%swap3A_1266, %swap3A_1267], %mul3A_1265 {strides = array<i32>} : memref<80x128xf32, #tpu.memory_space<vmem>>, vector<16xf32>,
        %scan3A_1269 = arith.constant 0 : i32
        scf.yield %scan3A_1269 : i32
      }
      %scan3A_181 = arith.constant 5 : i32
      "tpu.region"() ({
        %run_scoped3A = tpu.sem_alloc : memref<!tpu.dma_semaphore, #tpu.memory_space<semaphore_mem>>
        %dma_start3A_183 = arith.constant 0 : i32
        %dma_start3A_184 = arith.constant 0 : i32
        %dma_start3A_185 = tpu.memref_slice %arg15[%dma_start3A_183, %dma_start3A_184] : memref<10000x128xf32, #tpu.memory_space<vmem_shared>> -> memref<10000x128xf32, #tpu.memory_space<vmem_shared>>
        tpu.enqueue_indirect_dma source(%arg14 : memref<80x128xf32, #tpu.memory_space<vmem>>) target(%dma_start3A_185 : memref<10000x128xf32, #tpu.memory_space<vmem_shared>>) offsets(%arg9 : memref<80xi32, #tpu.memory_space<vmem>>) semaphore(%run_scoped3A : memref<!tpu.dma_semaphore, #tpu.memory_space<semaphore_mem>>) {add = true}
        %dma_wait3A_186 = arith.constant 0 : i32
        %dma_wait3A_187 = arith.constant 0 : i32
        %dma_wait3A_188 = tpu.memref_slice %arg15[%dma_wait3A_186, %dma_wait3A_187] : memref<10000x128xf32, #tpu.memory_space<vmem_shared>> -> memref<10000x128xf32, #tpu.memory_space<vmem_shared>>
        tpu.wait_indirect_dma semaphore(%run_scoped3A : memref<!tpu.dma_semaphore, #tpu.memory_space<semaphore_mem>>) src(%arg14 : memref<80x128xf32, #tpu.memory_space<vmem>>) dst(%dma_wait3A_188 : memref<10000x128xf32, #tpu.memory_space<vmem_shared>>)
        tpu.yield
      }) : () -> ()
      %scan3A_182 = arith.constant 0 : i32
      scf.yield %scan3A_182 : i32
    }
    %scan3A_45 = arith.constant 250 : i32
    %barrier3A_46 = arith.constant 0 : index
    tpu.barrier barrier_id(%barrier3A_46)
    %eq3A = arith.constant 0 : i32
    %eq3A_47 = arith.cmpi eq, %arg1, %eq3A : i32
    %convert_element_type3A = arith.extui %eq3A_47 : i1 to i32
    %cond3A = arith.constant 0 : i32
    %cond3A_48 = arith.cmpi ne, %convert_element_type3A, %cond3A : i32
    scf.if %cond3A_48 {
      "tpu.region"() ({
        %run_scoped3A = tpu.sem_alloc : memref<!tpu.dma_semaphore, #tpu.memory_space<semaphore_mem>>
        %dma_start3A = arith.constant 0 : i32
        %dma_start3A_49 = arith.constant 0 : i32
        %dma_start3A_50 = tpu.memref_slice %arg7[%arg0, %dma_start3A, %dma_start3A_49] : memref<2x10000x128xf32, #tpu.memory_space<hbm>> -> memref<1x10000x128xf32, #tpu.memory_space<hbm>>
        %dma_start3A_51 = tpu.memref_squeeze %dma_start3A_50 : memref<1x10000x128xf32, #tpu.memory_space<hbm>> -> memref<10000x128xf32, #tpu.memory_space<hbm>>
        tpu.enqueue_dma source(%arg15 : memref<10000x128xf32, #tpu.memory_space<vmem_shared>>) target(%dma_start3A_51 : memref<10000x128xf32, #tpu.memory_space<hbm>>) target_semaphore(%run_scoped3A : memref<!tpu.dma_semaphore, #tpu.memory_space<semaphore_mem>>)
        %dma_wait3A = arith.constant 0 : i32
        %dma_wait3A_52 = arith.constant 0 : i32
        %dma_wait3A_53 = tpu.memref_slice %arg7[%arg0, %dma_wait3A, %dma_wait3A_52] : memref<2x10000x128xf32, #tpu.memory_space<hbm>> -> memref<1x10000x128xf32, #tpu.memory_space<hbm>>
        %dma_wait3A_54 = tpu.memref_squeeze %dma_wait3A_53 : memref<1x10000x128xf32, #tpu.memory_space<hbm>> -> memref<10000x128xf32, #tpu.memory_space<hbm>>
        tpu.wait_dma2 semaphore(%run_scoped3A : memref<!tpu.dma_semaphore, #tpu.memory_space<semaphore_mem>>) src(%arg15 : memref<10000x128xf32, #tpu.memory_space<vmem_shared>>) dst(%dma_wait3A_54 : memref<10000x128xf32, #tpu.memory_space<hbm>>)
        tpu.yield
      }) : () -> ()
    } else {
    }
    return
  }
}

module attributes {stable_mosaic.version = 14 : i64} {
  func.func @_minmax_body(%arg0: memref<2500x128xf32, #tpu.memory_space<vmem>>, %arg1: memref<1x2xf32, #tpu.memory_space<vmem>>) attributes {dimension_semantics = [], scalar_prefetch = 0 : i64, scratch_operands = 0 : i64, tpu.core_type = #tpu.core_type<tc>} {
    %get3A = arith.constant 0 : index
    %get3A_0 = arith.constant 0 : index
    %get3A_1 = vector.load %arg0[%get3A, %get3A_0] : memref<2500x128xf32, #tpu.memory_space<vmem>>, vector<2500x128xf32>
    %reduce_min3A = vector.shape_cast %get3A_1 : vector<2500x128xf32> to vector<1x2500x128xf32>
    %reduce_min3A_2 = arith.constant dense<0x7F800000> : vector<1xf32>
    %reduce_min3A_3 = vector.multi_reduction <minimumf>, %reduce_min3A, %reduce_min3A_2 [1, 2] : vector<1x2500x128xf32> to vector<1xf32>
    %reduce_min3A_4 = vector.shape_cast %reduce_min3A_3 : vector<1xf32> to vector<1x1x1xf32>
    %reduce_min3A_5 = vector.extract %reduce_min3A_4[0, 0, 0] : f32 from vector<1x1x1xf32>
    %reshape3A = vector.broadcast %reduce_min3A_5 : f32 to vector<1x1xf32>
    %reduce_max3A = vector.shape_cast %get3A_1 : vector<2500x128xf32> to vector<1x2500x128xf32>
    %reduce_max3A_6 = arith.constant dense<0xFF800000> : vector<1xf32>
    %reduce_max3A_7 = vector.multi_reduction <maximumf>, %reduce_max3A, %reduce_max3A_6 [1, 2] : vector<1x2500x128xf32> to vector<1xf32>
    %reduce_max3A_8 = vector.shape_cast %reduce_max3A_7 : vector<1xf32> to vector<1x1x1xf32>
    %reduce_max3A_9 = vector.extract %reduce_max3A_8[0, 0, 0] : f32 from vector<1x1x1xf32>
    %reshape3A_10 = vector.broadcast %reduce_max3A_9 : f32 to vector<1x1xf32>
    %concatenate3A = tpu.concatenate %reshape3A, %reshape3A_10 in 1 : vector<1x1xf32>, vector<1x1xf32> -> vector<1x2xf32>
    %swap3A = arith.constant 0 : index
    %swap3A_11 = arith.constant 0 : index
    %swap3A_12 = vector.load %arg1[%swap3A, %swap3A_11] : memref<1x2xf32, #tpu.memory_space<vmem>>, vector<1x2xf32>
    tpu.vector_store %arg1[%swap3A, %swap3A_11], %concatenate3A {strides = array<i32>} : memref<1x2xf32, #tpu.memory_space<vmem>>, vector<1x2xf32>,
    return
  }
}

module attributes {stable_mosaic.version = 14 : i64} {
  func.func @_bias_body(%arg0: i32, %arg1: memref<16x16000xf32, #tpu.memory_space<vmem>>, %arg2: memref<1x16000xf32, #tpu.memory_space<vmem>>, %arg3: memref<1x2xf32, #tpu.memory_space<vmem>>, %arg4: memref<32x1xf32, #tpu.memory_space<vmem>>, %arg5: memref<8x80xf32, #tpu.memory_space<vmem>>, %arg6: memref<8x1xf32, #tpu.memory_space<vmem>>, %arg7: memref<8x1xf32, #tpu.memory_space<vmem>>, %arg8: memref<8x16000xf32, #tpu.memory_space<vmem>>) attributes {dimension_semantics = [#tpu.dimension_semantics<arbitrary>], iteration_bounds = array<i64: 20>, scalar_prefetch = 0 : i64, scratch_operands = 0 : i64, tpu.core_type = #tpu.core_type<tc>, window_params = [{transform_indices = @transform_0, window_bounds = array<i64: 16, 16000>}, {transform_indices = @transform_1, window_bounds = array<i64: 1, 16000>}, {pipeline_mode = #tpu.pipeline_mode<synchronous>, transform_indices = @transform_2, window_bounds = array<i64: 1, 2>}, {pipeline_mode = #tpu.pipeline_mode<synchronous>, transform_indices = @transform_3, window_bounds = array<i64: 32, 1>}, {pipeline_mode = #tpu.pipeline_mode<synchronous>, transform_indices = @transform_4, window_bounds = array<i64: 8, 80>}, {pipeline_mode = #tpu.pipeline_mode<synchronous>, transform_indices = @transform_5, window_bounds = array<i64: 8, 1>}, {pipeline_mode = #tpu.pipeline_mode<synchronous>, transform_indices = @transform_6, window_bounds = array<i64: 8, 1>}, {transform_indices = @transform_7, window_bounds = array<i64: 8, 16000>}]} {
    %get3A = arith.constant 0 : index
    %get3A_0 = arith.constant 0 : index
    %get3A_1 = vector.load %arg3[%get3A, %get3A_0] : memref<1x2xf32, #tpu.memory_space<vmem>>, vector<1x1xf32>
    %get3A_2 = vector.extract %get3A_1[0, 0] : f32 from vector<1x1xf32>
    %get3A_3 = arith.constant 0 : index
    %get3A_4 = arith.constant 1 : index
    %get3A_5 = vector.load %arg3[%get3A_3, %get3A_4] : memref<1x2xf32, #tpu.memory_space<vmem>>, vector<1x1xf32>
    %get3A_6 = vector.extract %get3A_5[0, 0] : f32 from vector<1x1xf32>
    %get3A_7 = arith.constant 0 : index
    %get3A_8 = arith.constant 0 : index
    %get3A_9 = vector.load %arg2[%get3A_7, %get3A_8] : memref<1x16000xf32, #tpu.memory_space<vmem>>, vector<1x16000xf32>
    %add3A = arith.constant 9.99999997E-7 : f32
    %add3A_10 = vector.broadcast %add3A : f32 to vector<1x16000xf32>
    %add3A_11 = arith.addf %get3A_9, %add3A_10 : vector<1x16000xf32>
    %log1p3A = math.log1p %add3A_11 : vector<1x16000xf32>
    %get3A_12 = arith.constant 0 : index
    %get3A_13 = arith.constant 0 : index
    %get3A_14 = vector.load %arg4[%get3A_12, %get3A_13] : memref<32x1xf32, #tpu.memory_space<vmem>>, vector<32x1xf32>
    %mul3A = vector.broadcast %get3A_14 : vector<32x1xf32> to vector<32x16000xf32>
    %mul3A_15 = vector.broadcast %log1p3A : vector<1x16000xf32> to vector<32x16000xf32>
    %mul3A_16 = arith.mulf %mul3A, %mul3A_15 : vector<32x16000xf32>
    %mul3A_17 = arith.constant 0.636619746 : f32
    %mul3A_18 = vector.broadcast %mul3A_17 : f32 to vector<32x16000xf32>
    %mul3A_19 = arith.mulf %mul3A_16, %mul3A_18 : vector<32x16000xf32>
    %round3A = math.roundeven %mul3A_19 : vector<32x16000xf32>
    %convert_element_type3A = arith.fptosi %round3A : vector<32x16000xf32> to vector<32x16000xi32>
    %mul3A_20 = arith.constant 1.57079637 : f32
    %mul3A_21 = vector.broadcast %mul3A_20 : f32 to vector<32x16000xf32>
    %mul3A_22 = arith.mulf %round3A, %mul3A_21 : vector<32x16000xf32>
    %sub3A = arith.subf %mul3A_16, %mul3A_22 : vector<32x16000xf32>
    %mul3A_23 = arith.constant -4.37113883E-8 : f32
    %mul3A_24 = vector.broadcast %mul3A_23 : f32 to vector<32x16000xf32>
    %mul3A_25 = arith.mulf %round3A, %mul3A_24 : vector<32x16000xf32>
    %sub3A_26 = arith.subf %sub3A, %mul3A_25 : vector<32x16000xf32>
    %mul3A_27 = arith.mulf %sub3A_26, %sub3A_26 : vector<32x16000xf32>
    %mul3A_28 = arith.constant -1.98412701E-4 : f32
    %mul3A_29 = vector.broadcast %mul3A_28 : f32 to vector<32x16000xf32>
    %mul3A_30 = arith.mulf %mul3A_27, %mul3A_29 : vector<32x16000xf32>
    %add3A_31 = arith.constant 0.00833333377 : f32
    %add3A_32 = vector.broadcast %add3A_31 : f32 to vector<32x16000xf32>
    %add3A_33 = arith.addf %add3A_32, %mul3A_30 : vector<32x16000xf32>
    %mul3A_34 = arith.mulf %mul3A_27, %add3A_33 : vector<32x16000xf32>
    %add3A_35 = arith.constant -0.166666672 : f32
    %add3A_36 = vector.broadcast %add3A_35 : f32 to vector<32x16000xf32>
    %add3A_37 = arith.addf %add3A_36, %mul3A_34 : vector<32x16000xf32>
    %mul3A_38 = arith.mulf %mul3A_27, %add3A_37 : vector<32x16000xf32>
    %add3A_39 = arith.constant 1.000000e+00 : f32
    %add3A_40 = vector.broadcast %add3A_39 : f32 to vector<32x16000xf32>
    %add3A_41 = arith.addf %add3A_40, %mul3A_38 : vector<32x16000xf32>
    %mul3A_42 = arith.mulf %sub3A_26, %add3A_41 : vector<32x16000xf32>
    %mul3A_43 = arith.constant -0.00138888892 : f32
    %mul3A_44 = vector.broadcast %mul3A_43 : f32 to vector<32x16000xf32>
    %mul3A_45 = arith.mulf %mul3A_27, %mul3A_44 : vector<32x16000xf32>
    %add3A_46 = arith.constant 0.0416666679 : f32
    %add3A_47 = vector.broadcast %add3A_46 : f32 to vector<32x16000xf32>
    %add3A_48 = arith.addf %add3A_47, %mul3A_45 : vector<32x16000xf32>
    %mul3A_49 = arith.mulf %mul3A_27, %add3A_48 : vector<32x16000xf32>
    %add3A_50 = arith.constant -5.000000e-01 : f32
    %add3A_51 = vector.broadcast %add3A_50 : f32 to vector<32x16000xf32>
    %add3A_52 = arith.addf %add3A_51, %mul3A_49 : vector<32x16000xf32>
    %mul3A_53 = arith.mulf %mul3A_27, %add3A_52 : vector<32x16000xf32>
    %add3A_54 = arith.constant 1.000000e+00 : f32
    %add3A_55 = vector.broadcast %add3A_54 : f32 to vector<32x16000xf32>
    %add3A_56 = arith.addf %add3A_55, %mul3A_53 : vector<32x16000xf32>
    %and3A = arith.constant 1 : i32
    %and3A_57 = vector.broadcast %and3A : i32 to vector<32x16000xi32>
    %and3A_58 = arith.andi %convert_element_type3A, %and3A_57 : vector<32x16000xi32>
    %eq3A = arith.constant 1 : i32
    %eq3A_59 = vector.broadcast %eq3A : i32 to vector<32x16000xi32>
    %eq3A_60 = arith.cmpi eq, %and3A_58, %eq3A_59 : vector<32x16000xi32>
    %and3A_61 = arith.constant 2 : i32
    %and3A_62 = vector.broadcast %and3A_61 : i32 to vector<32x16000xi32>
    %and3A_63 = arith.andi %convert_element_type3A, %and3A_62 : vector<32x16000xi32>
    %ne3A = arith.constant 0 : i32
    %ne3A_64 = vector.broadcast %ne3A : i32 to vector<32x16000xi32>
    %ne3A_65 = arith.cmpi ne, %and3A_63, %ne3A_64 : vector<32x16000xi32>
    %add3A_66 = arith.constant 1 : i32
    %add3A_67 = vector.broadcast %add3A_66 : i32 to vector<32x16000xi32>
    %add3A_68 = arith.addi %convert_element_type3A, %add3A_67 : vector<32x16000xi32>
    %and3A_69 = arith.constant 2 : i32
    %and3A_70 = vector.broadcast %and3A_69 : i32 to vector<32x16000xi32>
    %and3A_71 = arith.andi %add3A_68, %and3A_70 : vector<32x16000xi32>
    %ne3A_72 = arith.constant 0 : i32
    %ne3A_73 = vector.broadcast %ne3A_72 : i32 to vector<32x16000xi32>
    %ne3A_74 = arith.cmpi ne, %and3A_71, %ne3A_73 : vector<32x16000xi32>
    %select_n3A = arith.select %eq3A_60, %add3A_56, %mul3A_42 : vector<32x16000xi1>, vector<32x16000xf32>
    %jit3A = arith.constant -1.000000e+00 : f32
    %jit3A_75 = arith.constant 1.000000e+00 : f32
    %broadcast_in_dim3A = vector.broadcast %jit3A : f32 to vector<32x16000xf32>
    %broadcast_in_dim3A_76 = vector.broadcast %jit3A_75 : f32 to vector<32x16000xf32>
    %select_n3A_77 = arith.select %ne3A_65, %broadcast_in_dim3A, %broadcast_in_dim3A_76 : vector<32x16000xi1>, vector<32x16000xf32>
    %mul3A_78 = arith.mulf %select_n3A, %select_n3A_77 : vector<32x16000xf32>
    %select_n3A_79 = arith.select %eq3A_60, %mul3A_42, %add3A_56 : vector<32x16000xi1>, vector<32x16000xf32>
    %jit3A_80 = arith.constant -1.000000e+00 : f32
    %jit3A_81 = arith.constant 1.000000e+00 : f32
    %broadcast_in_dim3A_82 = vector.broadcast %jit3A_80 : f32 to vector<32x16000xf32>
    %broadcast_in_dim3A_83 = vector.broadcast %jit3A_81 : f32 to vector<32x16000xf32>
    %select_n3A_84 = arith.select %ne3A_74, %broadcast_in_dim3A_82, %broadcast_in_dim3A_83 : vector<32x16000xi1>, vector<32x16000xf32>
    %mul3A_85 = arith.mulf %select_n3A_79, %select_n3A_84 : vector<32x16000xf32>
    %get3A_86 = arith.constant 0 : index
    %get3A_87 = arith.constant 0 : index
    %get3A_88 = vector.load %arg1[%get3A_86, %get3A_87] : memref<16x16000xf32, #tpu.memory_space<vmem>>, vector<16x16000xf32>
    %concatenate3A = tpu.concatenate %get3A_88, %mul3A_78, %mul3A_85 in 0 : vector<16x16000xf32>, vector<32x16000xf32>, vector<32x16000xf32> -> vector<80x16000xf32>
    %get3A_89 = arith.constant 0 : index
    %get3A_90 = arith.constant 0 : index
    %get3A_91 = vector.load %arg5[%get3A_89, %get3A_90] : memref<8x80xf32, #tpu.memory_space<vmem>>, vector<8x80xf32>
    %dot_general3A = arith.constant dense<0.000000e+00> : vector<8x16000xf32>
    %dot_general3A_92 = tpu.matmul %get3A_91, %concatenate3A, %dot_general3A {dimension_numbers = #tpu.dot_dimension_numbers<[1], [0], [0], [1], [0, 0, 1, 1], [], []>, transpose_lhs_hint = false} : vector<8x80xf32>, vector<80x16000xf32>, vector<8x16000xf32> -> vector<8x16000xf32>
    %gt3A = arith.cmpf ogt, %get3A_6, %get3A_2 : f32
    %sub3A_93 = vector.broadcast %get3A_2 : f32 to vector<1x16000xf32>
    %sub3A_94 = arith.subf %get3A_9, %sub3A_93 : vector<1x16000xf32>
    %sub3A_95 = arith.subf %get3A_6, %get3A_2 : f32
    %add3A_96 = arith.constant 9.99999997E-7 : f32
    %add3A_97 = arith.addf %sub3A_95, %add3A_96 : f32
    %div3A = vector.broadcast %add3A_97 : f32 to vector<1x16000xf32>
    %div3A_98 = arith.divf %sub3A_94, %div3A : vector<1x16000xf32>
    %broadcast_in_dim3A_99 = arith.constant 1.000000e+00 : f32
    %broadcast_in_dim3A_100 = vector.broadcast %broadcast_in_dim3A_99 : f32 to vector<1x16000xf32>
    %select_n3A_101 = arith.select %gt3A, %div3A_98, %broadcast_in_dim3A_100 : vector<1x16000xf32>
    %get3A_102 = arith.constant 0 : index
    %get3A_103 = arith.constant 0 : index
    %get3A_104 = vector.load %arg6[%get3A_102, %get3A_103] : memref<8x1xf32, #tpu.memory_space<vmem>>, vector<8x1xf32>
    %add3A_105 = vector.broadcast %get3A_104 : vector<8x1xf32> to vector<8x16000xf32>
    %add3A_106 = arith.addf %dot_general3A_92, %add3A_105 : vector<8x16000xf32>
    %get3A_107 = arith.constant 0 : index
    %get3A_108 = arith.constant 0 : index
    %get3A_109 = vector.load %arg7[%get3A_107, %get3A_108] : memref<8x1xf32, #tpu.memory_space<vmem>>, vector<8x1xf32>
    %mul3A_110 = vector.broadcast %get3A_109 : vector<8x1xf32> to vector<8x16000xf32>
    %mul3A_111 = vector.broadcast %select_n3A_101 : vector<1x16000xf32> to vector<8x16000xf32>
    %mul3A_112 = arith.mulf %mul3A_110, %mul3A_111 : vector<8x16000xf32>
    %add3A_113 = arith.addf %add3A_106, %mul3A_112 : vector<8x16000xf32>
    %swap3A = arith.constant 0 : index
    %swap3A_114 = arith.constant 0 : index
    %swap3A_115 = vector.load %arg8[%swap3A, %swap3A_114] : memref<8x16000xf32, #tpu.memory_space<vmem>>, vector<8x16000xf32>
    tpu.vector_store %arg8[%swap3A, %swap3A_114], %add3A_113 {strides = array<i32>} : memref<8x16000xf32, #tpu.memory_space<vmem>>, vector<8x16000xf32>,
    return
  }
  func.func @transform_0(%arg0: i32) -> (i32, i32) {
    %c0_i32 = arith.constant 0 : i32
    %c0_i32_0 = arith.constant 0 : i32
    return %c0_i32, %arg0 : i32, i32
  }
  func.func @transform_1(%arg0: i32) -> (i32, i32) {
    %c0_i32 = arith.constant 0 : i32
    %c0_i32_0 = arith.constant 0 : i32
    return %c0_i32, %arg0 : i32, i32
  }
  func.func @transform_2(%arg0: i32) -> (i32, i32) {
    %c0_i32 = arith.constant 0 : i32
    %c0_i32_0 = arith.constant 0 : i32
    %c0_i32_1 = arith.constant 0 : i32
    return %c0_i32, %c0_i32_0 : i32, i32
  }
  func.func @transform_3(%arg0: i32) -> (i32, i32) {
    %c0_i32 = arith.constant 0 : i32
    %c0_i32_0 = arith.constant 0 : i32
    %c0_i32_1 = arith.constant 0 : i32
    return %c0_i32, %c0_i32_0 : i32, i32
  }
  func.func @transform_4(%arg0: i32) -> (i32, i32) {
    %c0_i32 = arith.constant 0 : i32
    %c0_i32_0 = arith.constant 0 : i32
    %c0_i32_1 = arith.constant 0 : i32
    return %c0_i32, %c0_i32_0 : i32, i32
  }
  func.func @transform_5(%arg0: i32) -> (i32, i32) {
    %c0_i32 = arith.constant 0 : i32
    %c0_i32_0 = arith.constant 0 : i32
    %c0_i32_1 = arith.constant 0 : i32
    return %c0_i32, %c0_i32_0 : i32, i32
  }
  func.func @transform_6(%arg0: i32) -> (i32, i32) {
    %c0_i32 = arith.constant 0 : i32
    %c0_i32_0 = arith.constant 0 : i32
    %c0_i32_1 = arith.constant 0 : i32
    return %c0_i32, %c0_i32_0 : i32, i32
  }
  func.func @transform_7(%arg0: i32) -> (i32, i32) {
    %c0_i32 = arith.constant 0 : i32
    %c0_i32_0 = arith.constant 0 : i32
    return %c0_i32, %arg0 : i32, i32
  }
}

module attributes {stable_mosaic.version = 14 : i64} {
  func.func @_proj_body(%arg0: i32, %arg1: memref<2000x128xf32, #tpu.memory_space<vmem>>, %arg2: memref<128x128xf32, #tpu.memory_space<vmem>>, %arg3: memref<128x128xf32, #tpu.memory_space<vmem>>, %arg4: memref<128x128xf32, #tpu.memory_space<vmem>>, %arg5: memref<2x2000x128xf32, #tpu.memory_space<vmem>>, %arg6: memref<2000x128xf32, #tpu.memory_space<vmem>>) attributes {dimension_semantics = [#tpu.dimension_semantics<arbitrary>], iteration_bounds = array<i64: 5>, scalar_prefetch = 0 : i64, scratch_operands = 0 : i64, tpu.core_type = #tpu.core_type<tc>, window_params = [{transform_indices = @transform_0, window_bounds = array<i64: 2000, 128>}, {pipeline_mode = #tpu.pipeline_mode<synchronous>, transform_indices = @transform_1, window_bounds = array<i64: 128, 128>}, {pipeline_mode = #tpu.pipeline_mode<synchronous>, transform_indices = @transform_2, window_bounds = array<i64: 128, 128>}, {pipeline_mode = #tpu.pipeline_mode<synchronous>, transform_indices = @transform_3, window_bounds = array<i64: 128, 128>}, {transform_indices = @transform_4, window_bounds = array<i64: 2, 2000, 128>}, {transform_indices = @transform_5, window_bounds = array<i64: 2000, 128>}]} {
    %get3A = arith.constant 0 : index
    %get3A_0 = arith.constant 0 : index
    %get3A_1 = vector.load %arg1[%get3A, %get3A_0] : memref<2000x128xf32, #tpu.memory_space<vmem>>, vector<2000x128xf32>
    %get3A_2 = arith.constant 0 : index
    %get3A_3 = arith.constant 0 : index
    %get3A_4 = vector.load %arg2[%get3A_2, %get3A_3] : memref<128x128xf32, #tpu.memory_space<vmem>>, vector<128x128xf32>
    %dot_general3A = arith.constant dense<0.000000e+00> : vector<2000x128xf32>
    %dot_general3A_5 = tpu.matmul %get3A_1, %get3A_4, %dot_general3A {dimension_numbers = #tpu.dot_dimension_numbers<[1], [0], [0], [1], [0, 0, 1, 1], [], []>, transpose_lhs_hint = false} : vector<2000x128xf32>, vector<128x128xf32>, vector<2000x128xf32> -> vector<2000x128xf32>
    %get3A_6 = arith.constant 0 : index
    %get3A_7 = arith.constant 0 : index
    %get3A_8 = vector.load %arg3[%get3A_6, %get3A_7] : memref<128x128xf32, #tpu.memory_space<vmem>>, vector<128x128xf32>
    %dot_general3A_9 = arith.constant dense<0.000000e+00> : vector<2000x128xf32>
    %dot_general3A_10 = tpu.matmul %get3A_1, %get3A_8, %dot_general3A_9 {dimension_numbers = #tpu.dot_dimension_numbers<[1], [0], [0], [1], [0, 0, 1, 1], [], []>, transpose_lhs_hint = false} : vector<2000x128xf32>, vector<128x128xf32>, vector<2000x128xf32> -> vector<2000x128xf32>
    %broadcast_in_dim3A = vector.shape_cast %dot_general3A_5 : vector<2000x128xf32> to vector<1x2000x128xf32>
    %broadcast_in_dim3A_11 = vector.shape_cast %dot_general3A_10 : vector<2000x128xf32> to vector<1x2000x128xf32>
    %concatenate3A = tpu.concatenate %broadcast_in_dim3A, %broadcast_in_dim3A_11 in 0 : vector<1x2000x128xf32>, vector<1x2000x128xf32> -> vector<2x2000x128xf32>
    %swap3A = arith.constant 0 : index
    %swap3A_12 = arith.constant 0 : index
    %swap3A_13 = arith.constant 0 : index
    %swap3A_14 = vector.load %arg5[%swap3A, %swap3A_12, %swap3A_13] : memref<2x2000x128xf32, #tpu.memory_space<vmem>>, vector<2x2000x128xf32>
    tpu.vector_store %arg5[%swap3A, %swap3A_12, %swap3A_13], %concatenate3A {strides = array<i32>} : memref<2x2000x128xf32, #tpu.memory_space<vmem>>, vector<2x2000x128xf32>,
    %get3A_15 = arith.constant 0 : index
    %get3A_16 = arith.constant 0 : index
    %get3A_17 = vector.load %arg4[%get3A_15, %get3A_16] : memref<128x128xf32, #tpu.memory_space<vmem>>, vector<128x128xf32>
    %dot_general3A_18 = arith.constant dense<0.000000e+00> : vector<2000x128xf32>
    %dot_general3A_19 = tpu.matmul %get3A_1, %get3A_17, %dot_general3A_18 {dimension_numbers = #tpu.dot_dimension_numbers<[1], [0], [0], [1], [0, 0, 1, 1], [], []>, transpose_lhs_hint = false} : vector<2000x128xf32>, vector<128x128xf32>, vector<2000x128xf32> -> vector<2000x128xf32>
    %swap3A_20 = arith.constant 0 : index
    %swap3A_21 = arith.constant 0 : index
    %swap3A_22 = vector.load %arg6[%swap3A_20, %swap3A_21] : memref<2000x128xf32, #tpu.memory_space<vmem>>, vector<2000x128xf32>
    tpu.vector_store %arg6[%swap3A_20, %swap3A_21], %dot_general3A_19 {strides = array<i32>} : memref<2000x128xf32, #tpu.memory_space<vmem>>, vector<2000x128xf32>,
    return
  }
  func.func @transform_0(%arg0: i32) -> (i32, i32) {
    %c0_i32 = arith.constant 0 : i32
    %c0_i32_0 = arith.constant 0 : i32
    return %arg0, %c0_i32 : i32, i32
  }
  func.func @transform_1(%arg0: i32) -> (i32, i32) {
    %c0_i32 = arith.constant 0 : i32
    %c0_i32_0 = arith.constant 0 : i32
    %c0_i32_1 = arith.constant 0 : i32
    return %c0_i32, %c0_i32_0 : i32, i32
  }
  func.func @transform_2(%arg0: i32) -> (i32, i32) {
    %c0_i32 = arith.constant 0 : i32
    %c0_i32_0 = arith.constant 0 : i32
    %c0_i32_1 = arith.constant 0 : i32
    return %c0_i32, %c0_i32_0 : i32, i32
  }
  func.func @transform_3(%arg0: i32) -> (i32, i32) {
    %c0_i32 = arith.constant 0 : i32
    %c0_i32_0 = arith.constant 0 : i32
    %c0_i32_1 = arith.constant 0 : i32
    return %c0_i32, %c0_i32_0 : i32, i32
  }
  func.func @transform_4(%arg0: i32) -> (i32, i32, i32) {
    %c0_i32 = arith.constant 0 : i32
    %c0_i32_0 = arith.constant 0 : i32
    %c0_i32_1 = arith.constant 0 : i32
    return %c0_i32, %arg0, %c0_i32_0 : i32, i32, i32
  }
  func.func @transform_5(%arg0: i32) -> (i32, i32) {
    %c0_i32 = arith.constant 0 : i32
    %c0_i32_0 = arith.constant 0 : i32
    return %arg0, %c0_i32 : i32, i32
  }
}

module attributes {stable_mosaic.version = 14 : i64} {
  func.func @_combine_body(%arg0: i32, %arg1: memref<2x2000x128xf32, #tpu.memory_space<vmem>>, %arg2: memref<2000x128xf32, #tpu.memory_space<vmem>>) attributes {dimension_semantics = [#tpu.dimension_semantics<arbitrary>], iteration_bounds = array<i64: 5>, scalar_prefetch = 0 : i64, scratch_operands = 0 : i64, tpu.core_type = #tpu.core_type<tc>, window_params = [{transform_indices = @transform_0, window_bounds = array<i64: 2, 2000, 128>}, {transform_indices = @transform_1, window_bounds = array<i64: 2000, 128>}]} {
    %get3A = arith.constant 0 : index
    %get3A_0 = arith.constant 0 : index
    %get3A_1 = arith.constant 0 : index
    %get3A_2 = vector.load %arg1[%get3A, %get3A_0, %get3A_1] : memref<2x2000x128xf32, #tpu.memory_space<vmem>>, vector<1x2000x128xf32>
    %get3A_3 = vector.shape_cast %get3A_2 : vector<1x2000x128xf32> to vector<2000x128xf32>
    %get3A_4 = arith.constant 1 : index
    %get3A_5 = arith.constant 0 : index
    %get3A_6 = arith.constant 0 : index
    %get3A_7 = vector.load %arg1[%get3A_4, %get3A_5, %get3A_6] : memref<2x2000x128xf32, #tpu.memory_space<vmem>>, vector<1x2000x128xf32>
    %get3A_8 = vector.shape_cast %get3A_7 : vector<1x2000x128xf32> to vector<2000x128xf32>
    %iota3A = tpu.iota {dimensions = array<i32: 0>} : vector<16x64xi32>
    %iota3A_9 = tpu.iota {dimensions = array<i32: 1>} : vector<16x64xi32>
    %jit3A = arith.constant 16 : i32
    %div3A = vector.broadcast %jit3A : i32 to vector<16x64xi32>
    %div3A_10 = arith.divsi %iota3A_9, %div3A : vector<16x64xi32>
    %sign3A = arith.constant 0 : i32
    %sign3A_11 = vector.broadcast %sign3A : i32 to vector<16x64xi32>
    %sign3A_12 = arith.cmpi sgt, %iota3A_9, %sign3A_11 : vector<16x64xi32>
    %sign3A_13 = arith.extui %sign3A_12 : vector<16x64xi1> to vector<16x64xi32>
    %sign3A_14 = arith.constant 0 : i32
    %sign3A_15 = vector.broadcast %sign3A_14 : i32 to vector<16x64xi32>
    %sign3A_16 = arith.cmpi slt, %iota3A_9, %sign3A_15 : vector<16x64xi32>
    %sign3A_17 = arith.extui %sign3A_16 : vector<16x64xi1> to vector<16x64xi32>
    %sign3A_18 = arith.subi %sign3A_13, %sign3A_17 : vector<16x64xi32>
    %sign3A_19 = arith.constant 0 : i32
    %sign3A_20 = arith.cmpi sgt, %jit3A, %sign3A_19 : i32
    %sign3A_21 = arith.extui %sign3A_20 : i1 to i32
    %sign3A_22 = arith.constant 0 : i32
    %sign3A_23 = arith.cmpi slt, %jit3A, %sign3A_22 : i32
    %sign3A_24 = arith.extui %sign3A_23 : i1 to i32
    %sign3A_25 = arith.subi %sign3A_21, %sign3A_24 : i32
    %ne3A = vector.broadcast %sign3A_25 : i32 to vector<16x64xi32>
    %ne3A_26 = arith.cmpi ne, %sign3A_18, %ne3A : vector<16x64xi32>
    %rem3A = vector.broadcast %jit3A : i32 to vector<16x64xi32>
    %rem3A_27 = arith.remsi %iota3A_9, %rem3A : vector<16x64xi32>
    %ne3A_28 = arith.constant 0 : i32
    %ne3A_29 = vector.broadcast %ne3A_28 : i32 to vector<16x64xi32>
    %ne3A_30 = arith.cmpi ne, %rem3A_27, %ne3A_29 : vector<16x64xi32>
    %and3A = arith.andi %ne3A_26, %ne3A_30 : vector<16x64xi1>
    %sub3A = arith.constant 1 : i32
    %sub3A_31 = vector.broadcast %sub3A : i32 to vector<16x64xi32>
    %sub3A_32 = arith.subi %div3A_10, %sub3A_31 : vector<16x64xi32>
    %select_n3A = arith.select %and3A, %sub3A_32, %div3A_10 : vector<16x64xi1>, vector<16x64xi32>
    %eq3A = arith.cmpi eq, %select_n3A, %iota3A : vector<16x64xi32>
    %convert_element_type3A = arith.extui %eq3A : vector<16x64xi1> to vector<16x64xi32>
    %convert_element_type3A_33 = arith.sitofp %convert_element_type3A : vector<16x64xi32> to vector<16x64xf32>
    %slice3A = vector.extract_strided_slice %get3A_3 {offsets = [0, 64], sizes = [2000, 16], strides = [1, 1]} : vector<2000x128xf32> to vector<2000x16xf32>
    %add3A = arith.constant 9.99999993E-9 : f32
    %add3A_34 = vector.broadcast %add3A : f32 to vector<2000x16xf32>
    %add3A_35 = arith.addf %slice3A, %add3A_34 : vector<2000x16xf32>
    %div3A_36 = arith.constant 1.000000e+00 : f32
    %div3A_37 = vector.broadcast %div3A_36 : f32 to vector<2000x16xf32>
    %div3A_38 = arith.divf %div3A_37, %add3A_35 : vector<2000x16xf32>
    %slice3A_39 = vector.extract_strided_slice %get3A_8 {offsets = [0, 64], sizes = [2000, 16], strides = [1, 1]} : vector<2000x128xf32> to vector<2000x16xf32>
    %add3A_40 = arith.constant 9.99999993E-9 : f32
    %add3A_41 = vector.broadcast %add3A_40 : f32 to vector<2000x16xf32>
    %add3A_42 = arith.addf %slice3A_39, %add3A_41 : vector<2000x16xf32>
    %div3A_43 = arith.constant 1.000000e+00 : f32
    %div3A_44 = vector.broadcast %div3A_43 : f32 to vector<2000x16xf32>
    %div3A_45 = arith.divf %div3A_44, %add3A_42 : vector<2000x16xf32>
    %slice3A_46 = vector.extract_strided_slice %get3A_3 {offsets = [0, 0], sizes = [2000, 64], strides = [1, 1]} : vector<2000x128xf32> to vector<2000x64xf32>
    %dot_general3A = arith.constant dense<0.000000e+00> : vector<2000x64xf32>
    %dot_general3A_47 = tpu.matmul %div3A_38, %convert_element_type3A_33, %dot_general3A {dimension_numbers = #tpu.dot_dimension_numbers<[1], [0], [0], [1], [0, 0, 1, 1], [], []>, transpose_lhs_hint = false} : vector<2000x16xf32>, vector<16x64xf32>, vector<2000x64xf32> -> vector<2000x64xf32>
    %mul3A = arith.mulf %slice3A_46, %dot_general3A_47 : vector<2000x64xf32>
    %slice3A_48 = vector.extract_strided_slice %get3A_8 {offsets = [0, 0], sizes = [2000, 64], strides = [1, 1]} : vector<2000x128xf32> to vector<2000x64xf32>
    %dot_general3A_49 = arith.constant dense<0.000000e+00> : vector<2000x64xf32>
    %dot_general3A_50 = tpu.matmul %div3A_45, %convert_element_type3A_33, %dot_general3A_49 {dimension_numbers = #tpu.dot_dimension_numbers<[1], [0], [0], [1], [0, 0, 1, 1], [], []>, transpose_lhs_hint = false} : vector<2000x16xf32>, vector<16x64xf32>, vector<2000x64xf32> -> vector<2000x64xf32>
    %mul3A_51 = arith.mulf %slice3A_48, %dot_general3A_50 : vector<2000x64xf32>
    %concatenate3A = tpu.concatenate %mul3A, %mul3A_51 in 1 : vector<2000x64xf32>, vector<2000x64xf32> -> vector<2000x128xf32>
    %swap3A = arith.constant 0 : index
    %swap3A_52 = arith.constant 0 : index
    %swap3A_53 = vector.load %arg2[%swap3A, %swap3A_52] : memref<2000x128xf32, #tpu.memory_space<vmem>>, vector<2000x128xf32>
    tpu.vector_store %arg2[%swap3A, %swap3A_52], %concatenate3A {strides = array<i32>} : memref<2000x128xf32, #tpu.memory_space<vmem>>, vector<2000x128xf32>,
    return
  }
  func.func @transform_0(%arg0: i32) -> (i32, i32, i32) {
    %c0_i32 = arith.constant 0 : i32
    %c0_i32_0 = arith.constant 0 : i32
    %c0_i32_1 = arith.constant 0 : i32
    return %c0_i32, %arg0, %c0_i32_0 : i32, i32, i32
  }
  func.func @transform_1(%arg0: i32) -> (i32, i32) {
    %c0_i32 = arith.constant 0 : i32
    %c0_i32_0 = arith.constant 0 : i32
    return %arg0, %c0_i32 : i32, i32
  }
}

</mosaic_0001>

<sc_bundles>
// kernel: kernel.7.cloned.1.call-start
scs
__scs_entry_jumppad:
0x0: {  	(pc) =	sbr.rel $0x88, $3  }
0x1: {  	(tag) =	ssettag $0x0;
	lr =	simm.s32 $0x1  }
0x2: {  	[smem:$0x3F96] =	sst lr;
	_ =	strace $0xD0000000  }
0x3: {  	_ = 	snop  }
0x4: {  	_ = 	snop  }
0x5: {  	_ = 	snop  }
0x6: {  	_ = 	snop  }
0x7: {  	_ = 	snop  }
__scs_overlays_trampoline_lowered:
0x8: {  	[smem:$0x3FA5] =	sst s0  }
0x9: {  	[smem:$0x3FA6] =	sst s1  }
0xa: {  	[smem:$0x3FA7] =	sst s2  }
0xb: {  	[smem:$0x3FA8] =	sst s3  }
0xc: {  	[smem:$0x3FA9] =	sst s4  }
0xd: {  	[smem:$0x3FAA] =	sst s5  }
0xe: {  	[smem:$0x3FAB] =	sst s6  }
0xf: {  	[smem:$0x3FAC] =	sst s7  }
0x10: {  	[smem:$0x3FAD] =	sst s8  }
0x11: {  	[smem:$0x3FAE] =	sst s9;
	s0 =	simm.s32 @!p0 $0x0  }
0x12: {  	s1 =	sld [smem:$0x3F94];
	s0 =	simm.s32 @p0 $0x1  }
0x13: {  	[smem:$0x3FAF] =	sst s0;
	s0 =	simm.s32 @!p1 $0x0  }
0x14: {  	s2 =	sld [smem:$0x3F93];
	s0 =	simm.s32 @p1 $0x1  }
0x15: {  	[smem:$0x3FB0] =	sst s0;
	s0 =	simm.s32 @!p2 $0x0  }
0x16: {  	s3 =	sld [smem:$0x3FDB];
	s0 =	simm.s32 @p2 $0x1  }
0x17: {  	s4 =	simm.s32 $0x1BF5;
	[smem:$0x3FB2] =	sst s0  }
0x18: {  	s0 =	sld [smem:$0x3F95];
	_ =	swait.ge [sflag:s4], $0x0  }
0x19: {  	s7 =	sld [smem:$0x3F96]  }
0x1a: {  	s8 =	sadd.s32 $0xFFFFE003, lr  }
0x1b: {  	s9 =	sadd.s32 $0xFFFFFEF7, lr;
	s5 =	simm.s32 $0xFFFFFFFF;
	p2 =	slt.u32 s8, $0xFFFFF086  }
0x1c: {  	p1 =	slt.u32 s9, $0xF7A;
	s5 =	simm.s32 @!p2 $0x0  }
0x1d: {  	s5 =	simm.s32 @p1 $0x1;
	p0 =	seq.s32 s7, s2  }
0x1e: {  	s7 =	smul.u32 @!p0 $0xF7A, s2;
	p2 =	seq.s32 @!p0 s5, $0x0  }
0x1f: {  	s9 =	smul.u32 $0xF7A, s1;
	s8 =	simm.s32 @!p0 $0x1BF5;
	p2 =	por !p2, p0  }
0x20: {  	[sflag:s8] =	ssyncset.s32 @!p0 $0xFFFFF086;
	s6 =	sadd.s32 @!p0 s3, s7;
	s7 =	simm.s32 @!p0 $0x108  }
0x21: {  	s3 =	sadd.s32 s3, s9;
	s6 =	sadd.s32 @!p0 $0x88, s6;
	s7 =	simm.s32 @p2 $0x1082  }
0x22: {  	[simem:s7], [sflag:s8] =	dma.local @!p0 [hbm:s6], $0xF7A  }
0x23: {  	s9 =	sor.u32 $0xD0000000, s2;
	s6 =	simm.s32 $0x108;
	_ =	swait.ge @!p0 [sflag:s8], $0x0  }
0x24: {  	s3 =	sadd.s32 $0x88, s3;
	s6 =	simm.s32 @!p1 $0x1082;
	[sflag:s4] =	ssyncset.s32 $0xFFFFF086  }
0x25: {  	[simem:s6], [sflag:s4] =	dma.local [hbm:s3], $0xF7A  }
0x26: {  	[smem:$0x3F96] =	sst s1;
	(tag) =	ssettag s2;
	_ =	strace s9  }
0x27: {  	s1 =	sld [smem:$0x3FA6]  }
0x28: {  	s2 =	sld [smem:$0x3FA7]  }
0x29: {  	s4 =	sld [smem:$0x3FA9]  }
0x2a: {  	p0 =	seq.s32 s5, $0x0;
	s5 =	sld [smem:$0x3FAA]  }
0x2b: {  	s6 =	sld [smem:$0x3FAB]  }
0x2c: {  	s7 =	sld [smem:$0x3FAC]  }
0x2d: {  	s3 =	simm.s32 $0x108;
	s8 =	sld [smem:$0x3FAD]  }
0x2e: {  	s3 =	simm.s32 @!p0 $0x1082;
	s9 =	sld [smem:$0x3FAE]  }
0x2f: {  	lr =	sadd.s32 s0, s3;
	s0 =	sld [smem:$0x3FA5]  }
0x30: {  	s3 =	sld [smem:$0x3FA8]  }
0x31: {  	[smem:$0x3FB1] =	sst s10  }
0x32: {  	s10 =	sld [smem:$0x3FAF];
	_ =	sdelay $0x3  }
0x33: {  	p0 =	seq.s32 s10, $0x1;
	s10 =	sld [smem:$0x3FB1];
	_ =	sdelay $0x3  }
0x34: {  	[smem:$0x3FB1] =	sst s10  }
0x35: {  	s10 =	sld [smem:$0x3FB0];
	_ =	sdelay $0x3  }
0x36: {  	p1 =	seq.s32 s10, $0x1;
	s10 =	sld [smem:$0x3FB1];
	_ =	sdelay $0x3  }
0x37: {  	[smem:$0x3FB1] =	sst s10  }
0x38: {  	s10 =	sld [smem:$0x3FB2]  }
0x39: {  	_ = 	snop;
	(pc) =	sbr.ind lr, $3  }
0x3a: {  	_ = 	snop  }
0x3b: {  	_ = 	snop  }
0x3c: {  	p2 =	seq.s32 s10, $0x1;
	s10 =	sld [smem:$0x3FB1]  }
0x3d: {  	_ =	shalt  }
0x3e: {  	_ =	shalt  }
0x3f: {  	_ =	shalt  }
0x40: {  	_ =	shalt  }
0x41: {  	_ =	shalt  }
0x42: {  	_ =	shalt  }
0x43: {  	_ =	shalt  }
0x44: {  	_ =	shalt  }
0x45: {  	_ =	shalt  }
0x46: {  	_ =	shalt  }
0x47: {  	_ =	shalt  }
0x48: {  	_ =	shalt  }
0x49: {  	_ =	shalt  }
0x4a: {  	_ =	shalt  }
0x4b: {  	_ =	shalt  }
0x4c: {  	_ =	shalt  }
0x4d: {  	_ =	shalt  }
0x4e: {  	_ =	shalt  }
0x4f: {  	_ =	shalt  }
0x50: {  	_ =	shalt  }
0x51: {  	_ =	shalt  }
0x52: {  	_ =	shalt  }
0x53: {  	_ =	shalt  }
0x54: {  	_ =	shalt  }
0x55: {  	_ =	shalt  }
0x56: {  	_ =	shalt  }
0x57: {  	_ =	shalt  }
0x58: {  	_ =	shalt  }
0x59: {  	_ =	shalt  }
0x5a: {  	_ =	shalt  }
0x5b: {  	_ =	shalt  }
0x5c: {  	_ =	shalt  }
0x5d: {  	_ =	shalt  }
0x5e: {  	_ =	shalt  }
0x5f: {  	_ =	shalt  }
0x60: {  	_ =	shalt  }
0x61: {  	_ =	shalt  }
0x62: {  	_ =	shalt  }
0x63: {  	_ =	shalt  }
0x64: {  	_ =	shalt  }
0x65: {  	_ =	shalt  }
0x66: {  	_ =	shalt  }
0x67: {  	_ =	shalt  }
0x68: {  	_ =	shalt  }
0x69: {  	_ =	shalt  }
0x6a: {  	_ =	shalt  }
0x6b: {  	_ =	shalt  }
0x6c: {  	_ =	shalt  }
0x6d: {  	_ =	shalt  }
0x6e: {  	_ =	shalt  }
0x6f: {  	_ =	shalt  }
0x70: {  	_ =	shalt  }
0x71: {  	_ =	shalt  }
0x72: {  	_ =	shalt  }
0x73: {  	_ =	shalt  }
0x74: {  	_ =	shalt  }
0x75: {  	_ =	shalt  }
0x76: {  	_ =	shalt  }
0x77: {  	_ =	shalt  }
0x78: {  	_ =	shalt  }
0x79: {  	_ =	shalt  }
0x7a: {  	_ =	shalt  }
0x7b: {  	_ =	shalt  }
0x7c: {  	_ =	shalt  }
0x7d: {  	_ =	shalt  }
0x7e: {  	_ =	shalt  }
0x7f: {  	_ =	shalt  }
0x80: {  	_ =	shalt  }
0x81: {  	_ =	shalt  }
0x82: {  	_ =	shalt  }
0x83: {  	_ =	shalt  }
0x84: {  	_ =	shalt  }
0x85: {  	_ =	shalt  }
0x86: {  	_ =	shalt  }
0x87: {  	_ =	shalt  }
.Lfunc_end0:
.L_simem_size_0:
called_computation.2_lowered:
.L_overlay_start_0:
0x88: {  	s2 =	sld [smem:$0x3FD9]  }
0x89: {  	s3 =	sld [smem:$0x3FFE];
	_ =	sdelay $0x1  }
0x8a: {  	s1 =	srdreg.scid  }
0x8b: {  	s0 =	sand.u32 $0x1, s1  }
0x8c: {  	s17 =	sshll.u32 s0, $0xA;
	s2 =	sadd.s32 s3, s2  }
0x8d: {  	s2 =	sadd.s32 s2, s17  }
0x8e: {  	[smem:$0x3FBD] =	sst s2  }
0x8f: {  	_ = 	snop  }
0x90: {  	s2 =	sld [smem:$0x3FD0];
	(tm) =	ssettm $0x1  }
0x91: {  	s18 =	sld [smem:$0x3FFB];
	_ =	sdelay $0x3  }
0x92: {  	_ =	strace s18  }
0x93: {  	s3 =	sld [smem:$0x3FFC];
	_ =	sdelay $0x3  }
0x94: {  	_ =	strace s3  }
0x95: {  	s3 =	sld [smem:$0x3FFD];
	_ =	sdelay $0x3  }
0x96: {  	_ =	strace s3  }
0x97: {  	_ =	strace $0x8FFFFFFF  }
0x98: {  	s19 =	sld [smem:$0x3FDB];
	_ =	sdelay $0x1  }
0x99: {  	s4 =	simm.s32 $_scs_section_size  }
0x9a: {  	s5 =	simm.s32 $_size__tile_overlayer_lowered;
	s6 =	simm.s32 $_tile_overlayer_lowered  }
0x9b: {  	s22 =	simm.s32 $0x1BFF;
	s21 =	sshll.u32 s6, $0x1;
	s3 =	sadd.s32 s4, s19  }
0x9c: {  	s7 =	simm.s32 $0x0;
	s20 =	sshll.u32 s5, $0x1;
	s5 =	sadd.s32 s21, s3  }
0x9d: {  	[timem:s7], [sflag:s22] =	dma.local [hbm:s5], s20  }
0x9e: {  	_ =	swait.ge [sflag:s22], s20  }
0x9f: {  	s4 =	ssub.s32 $0x0, s20;
	[sflag:s22] =	ssyncset.done $0x0  }
0xa0: {  	[sflag:s22] =	ssyncadd.s32 s4;
	_ =	sdelay $0x1  }
0xa1: {  	s23 =	simm.s32 $0x1B8B  }
0xa2: {  	_ =	swait.ge [sflag:s23], $0x1  }
0xa3: {  	[sflag:s23] =	ssyncset.done $0x0  }
0xa4: {  	s25 =	simm.s32 $0x1B8E;
	s24 =	sld [smem:$0x3FFE];
	[sflag:s23] =	ssyncadd.s32 $0xFFFFFFFF  }
0xa5: {  	s26 =	simm.s32 $execute0_lowered;
	[smem:$0x3FD2] =	sst s25  }
0xa6: {  	s5 =	sshll.u32 s26, $0x1;
	_ =	strace $0x8000004C;
	[dreg:$0x1] =	wrdreg $0xFFFFFFFF  }
0xa7: {  	s28 =	simm.s32 $_size_execute0_lowered;
	s3 =	sadd.s32 s3, s5;
	[dreg:$0x0] =	wrdreg $0x0  }
0xa8: {  	s5 =	sshll.u32 s28, $0x1;
	[dreg:$0x2] =	wrdreg s3  }
0xa9: {  	[dreg:$0x3] =	wrdreg s5  }
0xaa: {  	[dreg:$0x4] =	wrdreg $0xC0  }
0xab: {  	_ =	task [dreg:s7], $0x5FFFF  }
0xac: {  	[dreg:$0x1] =	wrdreg $0xFFFFFFFF  }
0xad: {  	[dreg:$0x0] =	wrdreg $0x60  }
0xae: {  	[dreg:$0x2] =	wrdreg s24  }
0xaf: {  	[dreg:$0x3] =	wrdreg s2  }
0xb0: {  	[dreg:$0x4] =	wrdreg $0x85800  }
0xb1: {  	[dreg:$0x5] =	wrdreg $0x9  }
0xb2: {  	_ =	task.clear_ibuf [dreg:s7], $0x6FFFF;
	_ =	strace $0x9000004C  }
0xb3: {  	s29 =	simm.s32 $0x9;
	_ =	strace $0x8000004E  }
0xb4: {  	_ =	swait.ge [sflag:s29], $0x1  }
0xb5: {  	[sflag:s29] =	ssyncadd.s32 $0xFFFFFFFF  }
0xb6: {  	_ =	strace $0x9000004E  }
0xb7: {  	_ =	sfence  }
0xb8: {  	s30 =	sld [smem:$0x0];
	_ =	sdelay $0x2  }
0xb9: {  	s31 =	sshll.u32 s1, $0xD;
	s1 =	sshrl.u32 s1, $0x2  }
0xba: {  	s3 =	sand.u32 $0x4000, s31;
	s1 =	sadd.s32 s1, s30  }
0xbb: {  	s0 =	sor.u32 s3, s0;
	s1 =	sshll.u32 s1, $0x11  }
0xbc: {  	s0 =	sor.u32 s1, s0  }
0xbd: {  	s0 =	sadd.s32 $0x8F2B, s0  }
0xbe: {  	[sflag:s0] =	ssyncadd.remote.s32 $0x1  }
0xbf: {  	_ =	sfence.sel $0xFFFF  }
0xc0: {  	[dreg:$0x0] =	wrdreg $0xFFFFFFFF;
	(pc) =	sbr.abs _section_cstart, $3  }
0xc1: {  	[dreg:$0x1] =	wrdreg $0xFFFFFFFF  }
0xc2: {  	_ =	task.clear_ibuf [dreg:s7], $0x2FFFF;
	_ =	strace $0x9FFFFFFF  }
0xc3: {  	(tm) =	ssettm $0x7FFFFFFF  }
tec
execute0_lowered:
.L_overlay_start_1:
0x0: {  	(tag) =	ssettag $0x1  }
0x1: {  	s0 =	rddreg [dreg:$0x0]  }
0x2: {  	s1 =	rddreg [dreg:$0x1]  }
0x3: {  	s12 =	rddreg [dreg:$0x2];
	s15 =	simm.s32 $0x0;
	s2 =	stileid.u32  }
0x4: {  	s3 =	srdreg.scid;
	s22 =	simm.s32 $0x5D80;
	s23 =	simm.s32 $0x3  }
0x5: {  	s24 =	simm.s32 $0x80;
	s29 =	simm.s32 $0x2980;
	s30 =	simm.s32 $0x128  }
0x6: {  	s31 =	simm.s32 $0x1580;
	[smem:$0x7FF] =	sst s15;
	s4 =	sadd.s32 $0x274E00, s0  }
0x7: {  	s7 =	smul.u32 $0x4E200, s2;
	s5 =	sadd.s32 $0x3600, s0;
	s6 =	sadd.s32 $0x2CCE00, s0  }
0x8: {  	s3 =	sand.u32 $0x1, s3;
	s28 =	smov.u32 s12;
	s16 =	smul.u32 $0x4E20, s2  }
0x9: {  	s18 =	smul.u32 $0x138800, s2;
	s9 =	ssub.s32 $0x2, s3;
	s10 =	sshrl.u32 s7, $0x2  }
0xa: {  	_ =	strace $0x8000004D;
	s11 =	sshrl.u32 s9, $0x1;
	s10 =	sadd.s32 s10, s12  }
0xb: {  	s26 =	ssub.s32 s9, s11;
	s11 =	sadd.s32 $0x2800, s10;
	[dreg:$0x5] =	wrdreg s10  }
0xc: {  	p0 =	sne.s32 s2, $0x0;
	s12 =	sadd.s32 $0x5000, s10;
	[dreg:$0x6] =	wrdreg s11  }
0xd: {  	s8 =	smul.u32 $0x27100, s3;
	s13 =	sadd.s32 $0x7800, s10;
	[dreg:$0x7] =	wrdreg s12  }
0xe: {  	s20 =	smul.u32 $0x2710, s3;
	s14 =	sadd.s32 $0xA000, s10;
	[dreg:$0x8] =	wrdreg s13  }
0xf: {  	s7 =	sadd.s32 $0x2C3000, s0;
	s17 =	sadd.s32 $0xC800, s10;
	[dreg:$0x9] =	wrdreg s14  }
0x10: {  	s25 =	sshrl.u32 s18, $0x2;
	s19 =	sadd.s32 $0xF000, s10;
	[dreg:$0xa] =	wrdreg s17  }
0x11: {  	s0 =	sadd.s32 s8, s0;
	s10 =	sadd.s32 $0x11800, s10;
	[dreg:$0xb] =	wrdreg s19  }
0x12: {  	s9 =	simm.s32 $0x3D80;
	s0 =	sadd.s32 $0x13C000, s0;
	[dreg:$0xc] =	wrdreg s10  }
0x13: {  	s8 =	smax.u32 s26, $0x1;
	s26 =	sshll.u32 s3, $0x6;
	[dreg:$0xd] =	wrdreg s0  }
0x14: {  	s17 =	smul.u32 $0x4E2400, s3;
	[dreg:$0xe] =	wrdreg s8;
	s3 =	sor.u32 $0x2B80, s26  }
0x15: {  	s0 =	sadd.s32 $0x5180, s25;
	s21 =	sor.u32 $0x4130, s26;
	s25 =	simm.s32 $0x28;
	v1 =	vmov s3  }
0x16: {  	v2 =	vimm.f32 $0.0e+00;
	vm0 =	vmmov $0x1;
	vm1 =	vcmask $0x310;
	s10 =	simm.s32 $0x5180;
	s11 =	simm.s32 $0x1;
	s13 =	simm.s32 $0x2  }
0x17: {  	vm2 =	vcmask $0x710;
	vm3 =	vcmask $0xB10;
	v0 =	vmov s20;
	s14 =	simm.s32 $0x50;
	[dreg:$0xf] =	wrdreg s0;
	s0 =	simm.s32 $0xA8  }
.LBB2_1:
0x18: {  	[dreg:$0x4] =	wrdreg s15;
	s2 =	simm.s32 $0x0;
	s3 =	simm.s32 $0x200  }
.LBB2_2:
0x19: {  	p1 =	sne.s32 s3, $0x9E00;
	[tilespmem:s2+$0x5DF0] =	vst v2  }
0x1a: {  	[tilespmem:s2+$0x5D80] =	vst v2  }
0x1b: {  	[tilespmem:s2+$0x5D90] =	vst v2  }
.Ltmp0:
0x1c: {  	[tilespmem:s2+$0x5DA0] =	vst v2;
	(pc) =	sbr.rel @p1 .LBB2_2-.Ltmp0, $4  }
0x1d: {  	[tilespmem:s2+$0x5DB0] =	vst v2  }
0x1e: {  	[tilespmem:s2+$0x5DC0] =	vst v2  }
0x1f: {  	[tilespmem:s2+$0x5DD0] =	vst v2  }
0x20: {  	[tilespmem:s2+$0x5DE0] =	vst v2;
	s2 =	sshra.s32 s3, $0x2;
	s3 =	sadd.s32 $0x200, s3  }
0x21: {  	[tilespmem:s2+$0x5DF0] =	vst v2  }
0x22: {  	[tilespmem:s2+$0x5D80] =	vst v2  }
0x23: {  	[tilespmem:s2+$0x5D90] =	vst v2  }
0x24: {  	[tilespmem:s2+$0x5DA0] =	vst v2  }
0x25: {  	[tilespmem:s2+$0x5DB0] =	vst v2  }
0x26: {  	[tilespmem:s2+$0x5DC0] =	vst v2  }
0x27: {  	[tilespmem:s2+$0x5DD0] =	vst v2  }
0x28: {  	[tilespmem:s2+$0x5DE0] =	vst v2;
	s3 =	rddreg [dreg:$0x5]  }
0x29: {  	[spmem:s3] =	stream.linear.scatter [tilespmem:s22], [sflag:$0x3], $0x2800, $0x38;
	[tilespmem:$0x1BE00] =	vst v63  }
0x2a: {  	_ =	swait.ge [sflag:s23], $0x2800  }
0x2b: {  	[sflag:s23] =	ssyncset.done $0x0  }
0x2c: {  	s8 =	rddreg [dreg:$0x6];
	[sflag:s23] =	ssyncadd.s32 $0xFFFFD800  }
0x2d: {  	[spmem:s8] =	stream.linear.scatter [tilespmem:s22], [sflag:$0x3], $0x2800, $0x38;
	[tilespmem:$0x1BE00] =	vst v63  }
0x2e: {  	_ =	swait.ge [sflag:s23], $0x2800  }
0x2f: {  	[sflag:s23] =	ssyncset.done $0x0  }
0x30: {  	s12 =	rddreg [dreg:$0x7];
	[sflag:s23] =	ssyncadd.s32 $0xFFFFD800  }
0x31: {  	[spmem:s12] =	stream.linear.scatter [tilespmem:s22], [sflag:$0x3], $0x2800, $0x38;
	[tilespmem:$0x1BE00] =	vst v63  }
0x32: {  	_ =	swait.ge [sflag:s23], $0x2800  }
0x33: {  	[sflag:s23] =	ssyncset.done $0x0  }
0x34: {  	s15 =	rddreg [dreg:$0x8];
	[sflag:s23] =	ssyncadd.s32 $0xFFFFD800  }
0x35: {  	[spmem:s15] =	stream.linear.scatter [tilespmem:s22], [sflag:$0x3], $0x2800, $0x38;
	[tilespmem:$0x1BE00] =	vst v63  }
0x36: {  	_ =	swait.ge [sflag:s23], $0x2800  }
0x37: {  	[sflag:s23] =	ssyncset.done $0x0  }
0x38: {  	s18 =	rddreg [dreg:$0x9];
	[sflag:s23] =	ssyncadd.s32 $0xFFFFD800  }
0x39: {  	[spmem:s18] =	stream.linear.scatter [tilespmem:s22], [sflag:$0x3], $0x2800, $0x38;
	[tilespmem:$0x1BE00] =	vst v63  }
0x3a: {  	_ =	swait.ge [sflag:s23], $0x2800  }
0x3b: {  	[sflag:s23] =	ssyncset.done $0x0  }
0x3c: {  	s19 =	rddreg [dreg:$0xa];
	[sflag:s23] =	ssyncadd.s32 $0xFFFFD800  }
0x3d: {  	[spmem:s19] =	stream.linear.scatter [tilespmem:s22], [sflag:$0x3], $0x2800, $0x38;
	[tilespmem:$0x1BE00] =	vst v63  }
0x3e: {  	_ =	swait.ge [sflag:s23], $0x2800  }
0x3f: {  	[sflag:s23] =	ssyncset.done $0x0  }
0x40: {  	s20 =	rddreg [dreg:$0xb];
	[sflag:s23] =	ssyncadd.s32 $0xFFFFD800  }
0x41: {  	[spmem:s20] =	stream.linear.scatter [tilespmem:s22], [sflag:$0x3], $0x2800, $0x38;
	[tilespmem:$0x1BE00] =	vst v63  }
0x42: {  	_ =	swait.ge [sflag:s23], $0x2800  }
0x43: {  	[sflag:s23] =	ssyncset.done $0x0  }
0x44: {  	s26 =	rddreg [dreg:$0xc];
	[sflag:s23] =	ssyncadd.s32 $0xFFFFD800  }
0x45: {  	[spmem:s26] =	stream.linear.scatter [tilespmem:s22], [sflag:$0x3], $0x2080, $0x38;
	[tilespmem:$0x1BE00] =	vst v63  }
0x46: {  	_ =	swait.ge [sflag:s23], $0x2080  }
0x47: {  	[sflag:s23] =	ssyncset.done $0x0  }
0x48: {  	[sflag:s23] =	ssyncadd.s32 $0xFFFFDF80  }
0x49: {  	s12 =	smov.u32 s16;
	[bflag:$0x0] =	sbarrier.arrive $0xFFFF  }
0x4a: {  	s15 =	simm.s32 $0x0;
	s19 =	simm.s32 $0x0;
	s20 =	rddreg [dreg:$0xf]  }
.LBB2_4:
0x4b: {  	s2 =	smul.u32 $0x50, s19;
	_ =	sdelay $0x1  }
0x4c: {  	s2 =	sadd.s32 s16, s2  }
0x4d: {  	s3 =	sshrl.u32 s2, $0x3  }
0x4e: {  	s8 =	sadd.s32 s6, s3  }
0x4f: {  	[tilespmem:s15], [sflag:$0x3] =	stream.linear.gather [hbm4b:s8+s15], $0x50, $0x38;
	[tilespmem:$0x1BE00] =	vst v63  }
0x50: {  	_ =	swait.ge [sflag:s23], $0x50  }
0x51: {  	[sflag:s23] =	ssyncset.done $0x0  }
0x52: {  	s3 =	sadd.s32 s7, s3;
	[sflag:s23] =	ssyncadd.s32 $0xFFFFFFB0  }
0x53: {  	[tilespmem:s24], [sflag:$0x3] =	stream.linear.gather [hbm4b:s3+s15], $0x50, $0x38;
	[tilespmem:$0x1BE00] =	vst v63  }
0x54: {  	_ =	swait.ge [sflag:s23], $0x50  }
0x55: {  	[sflag:s23] =	ssyncset.done $0x0  }
0x56: {  	[sflag:s23] =	ssyncadd.s32 $0xFFFFFFB0  }
0x57: {  	v3 =	vld [tilespmem:$0x0]  }
0x58: {  	v4 =	vld [tilespmem:$0x10]  }
0x59: {  	v5 =	vld [tilespmem:$0x20]  }
0x5a: {  	v6 =	vld [tilespmem:$0x30]  }
0x5b: {  	v7 =	vld [tilespmem:$0x40]  }
0x5c: {  	v3 =	vadd.s32 v0, v3  }
0x5d: {  	[tilespmem:$0x100] =	vst v3;
	v3 =	vadd.s32 v0, v4  }
0x5e: {  	[tilespmem:$0x110] =	vst v3;
	v3 =	vadd.s32 v0, v5  }
0x5f: {  	[tilespmem:$0x120] =	vst v3;
	v3 =	vadd.s32 v0, v6  }
0x60: {  	[tilespmem:$0x130] =	vst v3;
	v3 =	vadd.s32 v0, v7  }
0x61: {  	s18 =	simm.s32 $0x180;
	s2 =	sshll.u32 s2, $0x4;
	s8 =	simm.s32 $0x100;
	[tilespmem:$0x140] =	vst v3  }
0x62: {  	[tilespmem:s18], [sflag:$0x1] =	stream.indirect.gather [hbm4b:s4+s25], $0x80, s8, s25, $0xb8;
	[tilespmem:$0x1BE00] =	vst v63  }
0x63: {  	s2 =	sand.u32 $0xFFFFFC00, s2  }
0x64: {  	[tilespmem:s29], [sflag:$0x1] =	stream.indirect.gather [hbm4b:s1+s25], $0x80, s24, s25, $0xb8;
	[tilespmem:$0x1BE00] =	vst v63  }
0x65: {  	s2 =	sadd.s32 s17, s2  }
0x66: {  	[tilespmem:s31], [sflag:$0x2] =	stream.indirect.gather [hbm4b:s4+s25], $0x80, s30, s25, $0xb8;
	[tilespmem:$0x1BE00] =	vst v63  }
0x67: {  	s2 =	sshrl.u32 s2, $0x3  }
0x68: {  	[tilespmem:s9], [sflag:$0x2] =	stream.indirect.gather [hbm4b:s1+s25], $0x80, s0, s25, $0xb8;
	[tilespmem:$0x1BE00] =	vst v63  }
0x69: {  	s2 =	sadd.s32 s5, s2  }
0x6a: {  	[tilespmem:s10], [sflag:$0x3] =	stream.linear.gather [hbm4b:s2+s15], $0xC00, $0x38;
	[tilespmem:$0x1BE00] =	vst v63  }
0x6b: {  	_ =	swait.ge [sflag:s23], $0xC00  }
0x6c: {  	[sflag:s23] =	ssyncset.done $0x0  }
0x6d: {  	[sflag:s23] =	ssyncadd.s32 $0xFFFFF400  }
0x6e: {  	s26 =	sshll.u32 s12, $0x6;
	_ =	swait.ge [sflag:s11], $0x1400  }
0x6f: {  	s2 =	sand.u32 $0xFFFFF000, s26;
	[sflag:s11] =	ssyncset.done $0x0  }
0x70: {  	s2 =	ssub.s32 $0x0, s2;
	[sflag:s11] =	ssyncadd.s32 $0xFFFFEC00  }
0x71: {  	s2 =	sshra.s32 s2, $0x2;
	_ =	swait.ge [sflag:s11], $0x1400  }
0x72: {  	s18 =	sadd.s32 s2, s20;
	[sflag:s11] =	ssyncset.done $0x0  }
0x73: {  	s3 =	simm.s32 $0x0;
	s2 =	smov.u32 s18;
	[sflag:s11] =	ssyncadd.s32 $0xFFFFEC00  }
.LBB2_5:
0x74: {  	s8 =	sshra.s32 s3, $0x2  }
0x75: {  	v3 =	vld [tilespmem:s8+$0x180]  }
0x76: {  	v4 =	vld.idx.msk [tilespmem:v1+s8+$0xFFFFFE00 ss:$0x1], $0xffff  }
0x77: {  	v5 =	vld [tilespmem:s8+$0x190]  }
0x78: {  	v6 =	vld.idx.msk [tilespmem:v1+s8+$0xFFFFFE10 ss:$0x1], $0xffff  }
0x79: {  	v7 =	vld [tilespmem:s8+$0x1A0]  }
0x7a: {  	v8 =	vld.idx.msk [tilespmem:v1+s8+$0xFFFFFE20 ss:$0x1], $0xffff  }
0x7b: {  	v9 =	vld [tilespmem:s8+$0x1B0]  }
0x7c: {  	v10 =	vld.idx.msk [tilespmem:v1+s8+$0xFFFFFE30 ss:$0x1], $0xffff;
	_ =	sdelay $0x1  }
0x7d: {  	v3 =	vmul.f32 v4, v3  }
0x7e: {  	v53 =	vmul.f32 v6, v5  }
0x7f: {  	(xrf2) =	vadd.scan.msk.f32 $0xffff, v3;
	v3 =	vmul.f32 v8, v7  }
0x80: {  	v54 =	vmul.f32 v10, v9;
	(xrf2) =	vadd.scan.msk.f32 $0xffff, v53  }
0x81: {  	(xrf2) =	vadd.scan.msk.f32 $0xffff, v3  }
0x82: {  	(xrf2) =	vadd.scan.msk.f32 $0xffff, v54;
	_ =	sdelay $0x6  }
0x83: {  	v3, _, _ =	vpop (xrf2)  }
0x84: {  	v3 =	vbroadcast v3, $0xF;
	v55, _, _ =	vpop (xrf2)  }
0x85: {  	v4 =	vbroadcast v55, $0xF;
	v56, _, _ =	vpop (xrf2)  }
0x86: {  	v3 =	vnsel vm0, $0x0, v3;
	v5 =	vbroadcast v56, $0xF;
	v57, _, _ =	vpop (xrf2)  }
0x87: {  	v59 =	vld [tilespmem:s2+$0x0];
	v3 =	vsel vm1, v3, v4;
	v58 =	vbroadcast v57, $0xF  }
0x88: {  	v3 =	vsel vm2, v3, v5  }
0x89: {  	v3 =	vsel vm3, v3, v58  }
0x8a: {  	v3 =	vmul.f32 $2.500000000e-01, v3;
	_ =	sdelay $0x1  }
0x8b: {  	v3 =	vadd.f32 v3, v59;
	_ =	sdelay $0x1  }
0x8c: {  	v60 =	vmul.f32 $2.000000030e-01, v3  }
0x8d: {  	vm4 =	vge.f32 v3, $0.0e+00  }
0x8e: {  	v3 =	vsel vm4, v3, v60  }
0x8f: {  	v3 =	vmul.f32 $1.442695020e+00, v3;
	_ =	sdelay $0x1  }
0x90: {  	(erf) = vpow2.f32 v3;
	_ =	sdelay $0x6  }
0x91: {  	v3 =	vld [tilespmem:s8+$0x1C0]  }
0x92: {  	v61 =	vld [tilespmem:s8+$0x1D0]  }
0x93: {  	v13 =	vld [tilespmem:s8+$0x1F0];
	v62 =	vpop (erf)  }
0x94: {  	v63 =	vld [tilespmem:s8+$0x1E0];
	v12 =	vbroadcast v62, $0x0  }
0x95: {  	v14 =	vbroadcast v62, $0x1  }
0x96: {  	v5 =	vbroadcast v62, $0x3;
	v3 =	vmul.f32 v12, v3  }
0x97: {  	v15 =	vbroadcast v62, $0x2;
	[tilespmem:s8+$0x5DC0] =	vst v62;
	v4 =	vmul.f32 v14, v61  }
0x98: {  	v17 =	vld [tilespmem:s8+$0x210];
	v16 =	vmul.f32 v5, v13;
	[tilespmem:s8+$0x5D80] =	vst v3  }
0x99: {  	v19 =	vld [tilespmem:s8+$0x220];
	v3 =	vmul.f32 v15, v63;
	[tilespmem:s8+$0x5D90] =	vst v4  }
0x9a: {  	v21 =	vld [tilespmem:s8+$0x230];
	[tilespmem:s8+$0x5DB0] =	vst v16  }
0x9b: {  	[tilespmem:s8+$0x5DA0] =	vst v3;
	v3 =	vld [tilespmem:s8+$0x200]  }
0x9c: {  	v4 =	vld.idx.msk [tilespmem:v1+s8+$0xFFFFFE80 ss:$0x1], $0xffff  }
0x9d: {  	v18 =	vld.idx.msk [tilespmem:v1+s8+$0xFFFFFE90 ss:$0x1], $0xffff  }
0x9e: {  	v20 =	vld.idx.msk [tilespmem:v1+s8+$0xFFFFFEA0 ss:$0x1], $0xffff  }
0x9f: {  	v22 =	vld.idx.msk [tilespmem:v1+s8+$0xFFFFFEB0 ss:$0x1], $0xffff;
	_ =	sdelay $0x1  }
0xa0: {  	v3 =	vmul.f32 v4, v3  }
0xa1: {  	v23 =	vmul.f32 v18, v17  }
0xa2: {  	(xrf2) =	vadd.scan.msk.f32 $0xffff, v3;
	v3 =	vmul.f32 v20, v19  }
0xa3: {  	v24 =	vmul.f32 v22, v21;
	(xrf2) =	vadd.scan.msk.f32 $0xffff, v23  }
0xa4: {  	(xrf2) =	vadd.scan.msk.f32 $0xffff, v3  }
0xa5: {  	(xrf2) =	vadd.scan.msk.f32 $0xffff, v24;
	_ =	sdelay $0x6  }
0xa6: {  	v3, _, _ =	vpop (xrf2)  }
0xa7: {  	v3 =	vbroadcast v3, $0xF;
	v25, _, _ =	vpop (xrf2)  }
0xa8: {  	v4 =	vbroadcast v25, $0xF;
	v26, _, _ =	vpop (xrf2)  }
0xa9: {  	v3 =	vnsel vm0, $0x0, v3;
	v5 =	vbroadcast v26, $0xF;
	v27, _, _ =	vpop (xrf2)  }
0xaa: {  	v29 =	vld [tilespmem:s2+$0x10];
	v3 =	vsel vm1, v3, v4;
	v28 =	vbroadcast v27, $0xF  }
0xab: {  	v3 =	vsel vm2, v3, v5  }
0xac: {  	v3 =	vsel vm3, v3, v28  }
0xad: {  	v3 =	vmul.f32 $2.500000000e-01, v3;
	_ =	sdelay $0x1  }
0xae: {  	v3 =	vadd.f32 v3, v29;
	_ =	sdelay $0x1  }
0xaf: {  	v30 =	vmul.f32 $2.000000030e-01, v3  }
0xb0: {  	vm4 =	vge.f32 v3, $0.0e+00  }
0xb1: {  	v3 =	vsel vm4, v3, v30  }
0xb2: {  	v3 =	vmul.f32 $1.442695020e+00, v3;
	_ =	sdelay $0x1  }
0xb3: {  	(erf) = vpow2.f32 v3;
	_ =	sdelay $0x6  }
0xb4: {  	v3 =	vld [tilespmem:s8+$0x240]  }
0xb5: {  	v31 =	vld [tilespmem:s8+$0x250]  }
0xb6: {  	v35 =	vld [tilespmem:s8+$0x270];
	v32 =	vpop (erf)  }
0xb7: {  	v33 =	vld [tilespmem:s8+$0x260];
	v34 =	vbroadcast v32, $0x0  }
0xb8: {  	v36 =	vbroadcast v32, $0x1  }
0xb9: {  	v5 =	vbroadcast v32, $0x3;
	v3 =	vmul.f32 v34, v3  }
0xba: {  	v37 =	vbroadcast v32, $0x2;
	[tilespmem:s8+$0x5E40] =	vst v32;
	v4 =	vmul.f32 v36, v31  }
0xbb: {  	v39 =	vld [tilespmem:s8+$0x290];
	v38 =	vmul.f32 v5, v35;
	[tilespmem:s8+$0x5E00] =	vst v3  }
0xbc: {  	v41 =	vld [tilespmem:s8+$0x2A0];
	v3 =	vmul.f32 v37, v33;
	[tilespmem:s8+$0x5E10] =	vst v4  }
0xbd: {  	v43 =	vld [tilespmem:s8+$0x2B0];
	[tilespmem:s8+$0x5E30] =	vst v38  }
0xbe: {  	[tilespmem:s8+$0x5E20] =	vst v3;
	v3 =	vld [tilespmem:s8+$0x280]  }
0xbf: {  	v4 =	vld.idx.msk [tilespmem:v1+s8+$0xFFFFFF00 ss:$0x1], $0xffff  }
0xc0: {  	v40 =	vld.idx.msk [tilespmem:v1+s8+$0xFFFFFF10 ss:$0x1], $0xffff  }
0xc1: {  	v42 =	vld.idx.msk [tilespmem:v1+s8+$0xFFFFFF20 ss:$0x1], $0xffff  }
0xc2: {  	v44 =	vld.idx.msk [tilespmem:v1+s8+$0xFFFFFF30 ss:$0x1], $0xffff;
	_ =	sdelay $0x1  }
0xc3: {  	v3 =	vmul.f32 v4, v3  }
0xc4: {  	v45 =	vmul.f32 v40, v39  }
0xc5: {  	(xrf2) =	vadd.scan.msk.f32 $0xffff, v3;
	v3 =	vmul.f32 v42, v41  }
0xc6: {  	v46 =	vmul.f32 v44, v43;
	(xrf2) =	vadd.scan.msk.f32 $0xffff, v45  }
0xc7: {  	(xrf2) =	vadd.scan.msk.f32 $0xffff, v3  }
0xc8: {  	(xrf2) =	vadd.scan.msk.f32 $0xffff, v46;
	_ =	sdelay $0x6  }
0xc9: {  	v3, _, _ =	vpop (xrf2)  }
0xca: {  	v3 =	vbroadcast v3, $0xF;
	v47, _, _ =	vpop (xrf2)  }
0xcb: {  	v4 =	vbroadcast v47, $0xF;
	v48, _, _ =	vpop (xrf2)  }
0xcc: {  	v3 =	vnsel vm0, $0x0, v3;
	v5 =	vbroadcast v48, $0xF;
	v49, _, _ =	vpop (xrf2)  }
0xcd: {  	v51 =	vld [tilespmem:s2+$0x20];
	v3 =	vsel vm1, v3, v4;
	v50 =	vbroadcast v49, $0xF  }
0xce: {  	v3 =	vsel vm2, v3, v5  }
0xcf: {  	v3 =	vsel vm3, v3, v50  }
0xd0: {  	v3 =	vmul.f32 $2.500000000e-01, v3;
	_ =	sdelay $0x1  }
0xd1: {  	v3 =	vadd.f32 v3, v51;
	_ =	sdelay $0x1  }
0xd2: {  	v52 =	vmul.f32 $2.000000030e-01, v3  }
0xd3: {  	vm4 =	vge.f32 v3, $0.0e+00  }
0xd4: {  	v3 =	vsel vm4, v3, v52  }
0xd5: {  	v3 =	vmul.f32 $1.442695020e+00, v3;
	_ =	sdelay $0x1  }
0xd6: {  	(erf) = vpow2.f32 v3;
	_ =	sdelay $0x6  }
0xd7: {  	v3 =	vld [tilespmem:s8+$0x2C0]  }
0xd8: {  	v53 =	vld [tilespmem:s8+$0x2D0]  }
0xd9: {  	v57 =	vld [tilespmem:s8+$0x2F0];
	v54 =	vpop (erf)  }
0xda: {  	v55 =	vld [tilespmem:s8+$0x2E0];
	v56 =	vbroadcast v54, $0x0  }
0xdb: {  	v58 =	vbroadcast v54, $0x1  }
0xdc: {  	v5 =	vbroadcast v54, $0x3;
	v3 =	vmul.f32 v56, v3  }
0xdd: {  	v59 =	vbroadcast v54, $0x2;
	[tilespmem:s8+$0x5EC0] =	vst v54;
	v4 =	vmul.f32 v58, v53  }
0xde: {  	v61 =	vld [tilespmem:s8+$0x310];
	v60 =	vmul.f32 v5, v57;
	[tilespmem:s8+$0x5E80] =	vst v3  }
0xdf: {  	v13 =	vld [tilespmem:s8+$0x330];
	v3 =	vmul.f32 v59, v55;
	[tilespmem:s8+$0x5E90] =	vst v4  }
0xe0: {  	v63 =	vld [tilespmem:s8+$0x320];
	[tilespmem:s8+$0x5EB0] =	vst v60  }
0xe1: {  	[tilespmem:s8+$0x5EA0] =	vst v3;
	v3 =	vld [tilespmem:s8+$0x300]  }
0xe2: {  	v4 =	vld.idx.msk [tilespmem:v1+s8+$0xFFFFFF80 ss:$0x1], $0xffff  }
0xe3: {  	v62 =	vld.idx.msk [tilespmem:v1+s8+$0xFFFFFF90 ss:$0x1], $0xffff  }
0xe4: {  	v12 =	vld.idx.msk [tilespmem:v1+s8+$0xFFFFFFA0 ss:$0x1], $0xffff  }
0xe5: {  	v14 =	vld.idx.msk [tilespmem:v1+s8+$0xFFFFFFB0 ss:$0x1], $0xffff;
	_ =	sdelay $0x1  }
0xe6: {  	v3 =	vmul.f32 v4, v3  }
0xe7: {  	v15 =	vmul.f32 v62, v61  }
0xe8: {  	(xrf2) =	vadd.scan.msk.f32 $0xffff, v3;
	v3 =	vmul.f32 v12, v63  }
0xe9: {  	v16 =	vmul.f32 v14, v13;
	(xrf2) =	vadd.scan.msk.f32 $0xffff, v15  }
0xea: {  	(xrf2) =	vadd.scan.msk.f32 $0xffff, v3  }
0xeb: {  	(xrf2) =	vadd.scan.msk.f32 $0xffff, v16;
	_ =	sdelay $0x6  }
0xec: {  	v3, _, _ =	vpop (xrf2)  }
0xed: {  	v3 =	vbroadcast v3, $0xF;
	v17, _, _ =	vpop (xrf2)  }
0xee: {  	v4 =	vbroadcast v17, $0xF;
	v18, _, _ =	vpop (xrf2)  }
0xef: {  	v3 =	vnsel vm0, $0x0, v3;
	v5 =	vbroadcast v18, $0xF;
	v19, _, _ =	vpop (xrf2)  }
0xf0: {  	v21 =	vld [tilespmem:s2+$0x30];
	v3 =	vsel vm1, v3, v4;
	v20 =	vbroadcast v19, $0xF  }
0xf1: {  	v3 =	vsel vm2, v3, v5  }
0xf2: {  	v3 =	vsel vm3, v3, v20  }
0xf3: {  	v3 =	vmul.f32 $2.500000000e-01, v3;
	_ =	sdelay $0x1  }
0xf4: {  	v3 =	vadd.f32 v3, v21;
	_ =	sdelay $0x1  }
0xf5: {  	v22 =	vmul.f32 $2.000000030e-01, v3  }
0xf6: {  	vm4 =	vge.f32 v3, $0.0e+00  }
0xf7: {  	v3 =	vsel vm4, v3, v22  }
0xf8: {  	v3 =	vmul.f32 $1.442695020e+00, v3;
	_ =	sdelay $0x1  }
0xf9: {  	(erf) = vpow2.f32 v3;
	_ =	sdelay $0x6  }
0xfa: {  	v3 =	vld [tilespmem:s8+$0x340]  }
0xfb: {  	v23 =	vld [tilespmem:s8+$0x350]  }
0xfc: {  	v27 =	vld [tilespmem:s8+$0x370];
	v24 =	vpop (erf)  }
0xfd: {  	v25 =	vld [tilespmem:s8+$0x360];
	v26 =	vbroadcast v24, $0x0  }
0xfe: {  	v28 =	vbroadcast v24, $0x1  }
0xff: {  	v5 =	vbroadcast v24, $0x3;
	v3 =	vmul.f32 v26, v3  }
0x100: {  	v29 =	vbroadcast v24, $0x2;
	[tilespmem:s8+$0x5F40] =	vst v24;
	v4 =	vmul.f32 v28, v23  }
0x101: {  	v31 =	vld [tilespmem:s8+$0x390];
	v30 =	vmul.f32 v5, v27;
	[tilespmem:s8+$0x5F00] =	vst v3  }
0x102: {  	v35 =	vld [tilespmem:s8+$0x3B0];
	v3 =	vmul.f32 v29, v25;
	[tilespmem:s8+$0x5F10] =	vst v4  }
0x103: {  	v33 =	vld [tilespmem:s8+$0x3A0];
	[tilespmem:s8+$0x5F30] =	vst v30  }
0x104: {  	[tilespmem:s8+$0x5F20] =	vst v3;
	v3 =	vld [tilespmem:s8+$0x380]  }
0x105: {  	v4 =	vld.idx.msk [tilespmem:v1+s8+$0x0 ss:$0x1], $0xffff  }
0x106: {  	v32 =	vld.idx.msk [tilespmem:v1+s8+$0x10 ss:$0x1], $0xffff  }
0x107: {  	v34 =	vld.idx.msk [tilespmem:v1+s8+$0x20 ss:$0x1], $0xffff  }
0x108: {  	v36 =	vld.idx.msk [tilespmem:v1+s8+$0x30 ss:$0x1], $0xffff;
	_ =	sdelay $0x1  }
0x109: {  	v3 =	vmul.f32 v4, v3  }
0x10a: {  	v37 =	vmul.f32 v32, v31  }
0x10b: {  	(xrf2) =	vadd.scan.msk.f32 $0xffff, v3;
	v3 =	vmul.f32 v34, v33  }
0x10c: {  	v38 =	vmul.f32 v36, v35;
	(xrf2) =	vadd.scan.msk.f32 $0xffff, v37  }
0x10d: {  	(xrf2) =	vadd.scan.msk.f32 $0xffff, v3  }
0x10e: {  	(xrf2) =	vadd.scan.msk.f32 $0xffff, v38;
	_ =	sdelay $0x6  }
0x10f: {  	v3, _, _ =	vpop (xrf2)  }
0x110: {  	v3 =	vbroadcast v3, $0xF;
	v39, _, _ =	vpop (xrf2)  }
0x111: {  	v4 =	vbroadcast v39, $0xF;
	v40, _, _ =	vpop (xrf2)  }
0x112: {  	v3 =	vnsel vm0, $0x0, v3;
	v5 =	vbroadcast v40, $0xF;
	v41, _, _ =	vpop (xrf2)  }
0x113: {  	v43 =	vld [tilespmem:s2+$0x40];
	v3 =	vsel vm1, v3, v4;
	v42 =	vbroadcast v41, $0xF  }
0x114: {  	v3 =	vsel vm2, v3, v5  }
0x115: {  	v3 =	vsel vm3, v3, v42  }
0x116: {  	v3 =	vmul.f32 $2.500000000e-01, v3;
	_ =	sdelay $0x1  }
0x117: {  	v3 =	vadd.f32 v3, v43;
	_ =	sdelay $0x1  }
0x118: {  	v44 =	vmul.f32 $2.000000030e-01, v3  }
0x119: {  	vm4 =	vge.f32 v3, $0.0e+00  }
0x11a: {  	v3 =	vsel vm4, v3, v44  }
0x11b: {  	v3 =	vmul.f32 $1.442695020e+00, v3;
	_ =	sdelay $0x1  }
0x11c: {  	(erf) = vpow2.f32 v3;
	_ =	sdelay $0x6  }
0x11d: {  	v3 =	vld [tilespmem:s8+$0x3C0]  }
0x11e: {  	v45 =	vld [tilespmem:s8+$0x3D0]  }
0x11f: {  	v49 =	vld [tilespmem:s8+$0x3F0];
	v46 =	vpop (erf)  }
0x120: {  	v47 =	vld [tilespmem:s8+$0x3E0];
	v48 =	vbroadcast v46, $0x0  }
0x121: {  	v50 =	vbroadcast v46, $0x1  }
0x122: {  	v5 =	vbroadcast v46, $0x3;
	v3 =	vmul.f32 v48, v3  }
0x123: {  	v51 =	vbroadcast v46, $0x2;
	[tilespmem:s8+$0x5FC0] =	vst v46;
	v4 =	vmul.f32 v50, v45  }
0x124: {  	v53 =	vld [tilespmem:s8+$0x410];
	v52 =	vmul.f32 v5, v49;
	[tilespmem:s8+$0x5F80] =	vst v3  }
0x125: {  	v57 =	vld [tilespmem:s8+$0x430];
	v3 =	vmul.f32 v51, v47;
	[tilespmem:s8+$0x5F90] =	vst v4  }
0x126: {  	v55 =	vld [tilespmem:s8+$0x420];
	[tilespmem:s8+$0x5FB0] =	vst v52  }
0x127: {  	[tilespmem:s8+$0x5FA0] =	vst v3;
	v3 =	vld [tilespmem:s8+$0x400]  }
0x128: {  	v4 =	vld.idx.msk [tilespmem:v1+s8+$0x80 ss:$0x1], $0xffff  }
0x129: {  	v54 =	vld.idx.msk [tilespmem:v1+s8+$0x90 ss:$0x1], $0xffff  }
0x12a: {  	v56 =	vld.idx.msk [tilespmem:v1+s8+$0xA0 ss:$0x1], $0xffff  }
0x12b: {  	v58 =	vld.idx.msk [tilespmem:v1+s8+$0xB0 ss:$0x1], $0xffff;
	_ =	sdelay $0x1  }
0x12c: {  	v3 =	vmul.f32 v4, v3  }
0x12d: {  	v59 =	vmul.f32 v54, v53  }
0x12e: {  	(xrf2) =	vadd.scan.msk.f32 $0xffff, v3;
	v3 =	vmul.f32 v56, v55  }
0x12f: {  	v60 =	vmul.f32 v58, v57;
	(xrf2) =	vadd.scan.msk.f32 $0xffff, v59  }
0x130: {  	(xrf2) =	vadd.scan.msk.f32 $0xffff, v3  }
0x131: {  	(xrf2) =	vadd.scan.msk.f32 $0xffff, v60;
	_ =	sdelay $0x6  }
0x132: {  	v3, _, _ =	vpop (xrf2)  }
0x133: {  	v3 =	vbroadcast v3, $0xF;
	v61, _, _ =	vpop (xrf2)  }
0x134: {  	v4 =	vbroadcast v61, $0xF;
	v62, _, _ =	vpop (xrf2)  }
0x135: {  	v3 =	vnsel vm0, $0x0, v3;
	v5 =	vbroadcast v62, $0xF;
	v63, _, _ =	vpop (xrf2)  }
0x136: {  	v10 =	vld [tilespmem:s2+$0x50];
	v3 =	vsel vm1, v3, v4;
	v9 =	vbroadcast v63, $0xF  }
0x137: {  	v3 =	vsel vm2, v3, v5  }
0x138: {  	v3 =	vsel vm3, v3, v9  }
0x139: {  	v3 =	vmul.f32 $2.500000000e-01, v3;
	_ =	sdelay $0x1  }
0x13a: {  	v3 =	vadd.f32 v3, v10;
	_ =	sdelay $0x1  }
0x13b: {  	v11 =	vmul.f32 $2.000000030e-01, v3  }
0x13c: {  	vm4 =	vge.f32 v3, $0.0e+00  }
0x13d: {  	v3 =	vsel vm4, v3, v11  }
0x13e: {  	v3 =	vmul.f32 $1.442695020e+00, v3;
	_ =	sdelay $0x1  }
0x13f: {  	(erf) = vpow2.f32 v3;
	_ =	sdelay $0x6  }
0x140: {  	v3 =	vld [tilespmem:s8+$0x440]  }
0x141: {  	v12 =	vld [tilespmem:s8+$0x450]  }
0x142: {  	v16 =	vld [tilespmem:s8+$0x470];
	v13 =	vpop (erf)  }
0x143: {  	v14 =	vld [tilespmem:s8+$0x460];
	v15 =	vbroadcast v13, $0x0  }
0x144: {  	v17 =	vbroadcast v13, $0x1  }
0x145: {  	v5 =	vbroadcast v13, $0x3;
	v3 =	vmul.f32 v15, v3  }
0x146: {  	v18 =	vbroadcast v13, $0x2;
	[tilespmem:s8+$0x6040] =	vst v13;
	v4 =	vmul.f32 v17, v12  }
0x147: {  	v20 =	vld [tilespmem:s8+$0x490];
	v19 =	vmul.f32 v5, v16;
	[tilespmem:s8+$0x6000] =	vst v3  }
0x148: {  	v22 =	vld [tilespmem:s8+$0x4A0];
	v3 =	vmul.f32 v18, v14;
	[tilespmem:s8+$0x6010] =	vst v4  }
0x149: {  	v24 =	vld [tilespmem:s8+$0x4B0];
	[tilespmem:s8+$0x6030] =	vst v19  }
0x14a: {  	[tilespmem:s8+$0x6020] =	vst v3;
	v3 =	vld [tilespmem:s8+$0x480]  }
0x14b: {  	v4 =	vld.idx.msk [tilespmem:v1+s8+$0x100 ss:$0x1], $0xffff  }
0x14c: {  	v21 =	vld.idx.msk [tilespmem:v1+s8+$0x110 ss:$0x1], $0xffff  }
0x14d: {  	v23 =	vld.idx.msk [tilespmem:v1+s8+$0x120 ss:$0x1], $0xffff  }
0x14e: {  	v25 =	vld.idx.msk [tilespmem:v1+s8+$0x130 ss:$0x1], $0xffff;
	_ =	sdelay $0x1  }
0x14f: {  	v3 =	vmul.f32 v4, v3  }
0x150: {  	v26 =	vmul.f32 v21, v20  }
0x151: {  	(xrf2) =	vadd.scan.msk.f32 $0xffff, v3;
	v3 =	vmul.f32 v23, v22  }
0x152: {  	v27 =	vmul.f32 v25, v24;
	(xrf2) =	vadd.scan.msk.f32 $0xffff, v26  }
0x153: {  	(xrf2) =	vadd.scan.msk.f32 $0xffff, v3  }
0x154: {  	(xrf2) =	vadd.scan.msk.f32 $0xffff, v27;
	_ =	sdelay $0x6  }
0x155: {  	v3, _, _ =	vpop (xrf2)  }
0x156: {  	v3 =	vbroadcast v3, $0xF;
	v28, _, _ =	vpop (xrf2)  }
0x157: {  	v4 =	vbroadcast v28, $0xF;
	v29, _, _ =	vpop (xrf2)  }
0x158: {  	v3 =	vnsel vm0, $0x0, v3;
	v5 =	vbroadcast v29, $0xF;
	v30, _, _ =	vpop (xrf2)  }
0x159: {  	v32 =	vld [tilespmem:s2+$0x60];
	v3 =	vsel vm1, v3, v4;
	v31 =	vbroadcast v30, $0xF  }
0x15a: {  	v3 =	vsel vm2, v3, v5  }
0x15b: {  	v3 =	vsel vm3, v3, v31  }
0x15c: {  	v3 =	vmul.f32 $2.500000000e-01, v3;
	_ =	sdelay $0x1  }
0x15d: {  	v3 =	vadd.f32 v3, v32;
	_ =	sdelay $0x1  }
0x15e: {  	v33 =	vmul.f32 $2.000000030e-01, v3  }
0x15f: {  	vm4 =	vge.f32 v3, $0.0e+00  }
0x160: {  	v3 =	vsel vm4, v3, v33  }
0x161: {  	v3 =	vmul.f32 $1.442695020e+00, v3;
	_ =	sdelay $0x1  }
0x162: {  	(erf) = vpow2.f32 v3;
	_ =	sdelay $0x6  }
0x163: {  	v3 =	vld [tilespmem:s8+$0x4C0]  }
0x164: {  	v34 =	vld [tilespmem:s8+$0x4D0]  }
0x165: {  	v38 =	vld [tilespmem:s8+$0x4F0];
	v35 =	vpop (erf)  }
0x166: {  	v36 =	vld [tilespmem:s8+$0x4E0];
	v37 =	vbroadcast v35, $0x0  }
0x167: {  	v39 =	vbroadcast v35, $0x1  }
0x168: {  	v5 =	vbroadcast v35, $0x3;
	v3 =	vmul.f32 v37, v3  }
0x169: {  	v40 =	vbroadcast v35, $0x2;
	[tilespmem:s8+$0x60C0] =	vst v35;
	v4 =	vmul.f32 v39, v34  }
0x16a: {  	v42 =	vld [tilespmem:s8+$0x510];
	v41 =	vmul.f32 v5, v38;
	[tilespmem:s8+$0x6080] =	vst v3  }
0x16b: {  	v44 =	vld [tilespmem:s8+$0x520];
	v3 =	vmul.f32 v40, v36;
	[tilespmem:s8+$0x6090] =	vst v4  }
0x16c: {  	v46 =	vld [tilespmem:s8+$0x530];
	[tilespmem:s8+$0x60B0] =	vst v41  }
0x16d: {  	[tilespmem:s8+$0x60A0] =	vst v3;
	v3 =	vld [tilespmem:s8+$0x500]  }
0x16e: {  	v4 =	vld.idx.msk [tilespmem:v1+s8+$0x180 ss:$0x1], $0xffff  }
0x16f: {  	v43 =	vld.idx.msk [tilespmem:v1+s8+$0x190 ss:$0x1], $0xffff  }
0x170: {  	v45 =	vld.idx.msk [tilespmem:v1+s8+$0x1A0 ss:$0x1], $0xffff  }
0x171: {  	v47 =	vld.idx.msk [tilespmem:v1+s8+$0x1B0 ss:$0x1], $0xffff;
	_ =	sdelay $0x1  }
0x172: {  	v3 =	vmul.f32 v4, v3  }
0x173: {  	v48 =	vmul.f32 v43, v42  }
0x174: {  	(xrf2) =	vadd.scan.msk.f32 $0xffff, v3;
	v3 =	vmul.f32 v45, v44  }
0x175: {  	v49 =	vmul.f32 v47, v46;
	(xrf2) =	vadd.scan.msk.f32 $0xffff, v48  }
0x176: {  	(xrf2) =	vadd.scan.msk.f32 $0xffff, v3  }
0x177: {  	(xrf2) =	vadd.scan.msk.f32 $0xffff, v49;
	_ =	sdelay $0x6  }
0x178: {  	v3, _, _ =	vpop (xrf2)  }
0x179: {  	v50, _, _ =	vpop (xrf2);
	v3 =	vbroadcast v3, $0xF  }
0x17a: {  	v51, _, _ =	vpop (xrf2);
	v4 =	vbroadcast v50, $0xF  }
0x17b: {  	v3 =	vnsel vm0, $0x0, v3;
	v5 =	vbroadcast v51, $0xF;
	v52, _, _ =	vpop (xrf2)  }
0x17c: {  	v54 =	vld [tilespmem:s2+$0x70];
	v3 =	vsel vm1, v3, v4;
	v53 =	vbroadcast v52, $0xF  }
0x17d: {  	v3 =	vsel vm2, v3, v5  }
0x17e: {  	v3 =	vsel vm3, v3, v53  }
0x17f: {  	v3 =	vmul.f32 $2.500000000e-01, v3;
	_ =	sdelay $0x1  }
0x180: {  	v3 =	vadd.f32 v3, v54;
	_ =	sdelay $0x1  }
0x181: {  	v55 =	vmul.f32 $2.000000030e-01, v3  }
0x182: {  	vm4 =	vge.f32 v3, $0.0e+00  }
0x183: {  	v3 =	vsel vm4, v3, v55  }
0x184: {  	v3 =	vmul.f32 $1.442695020e+00, v3;
	_ =	sdelay $0x1  }
0x185: {  	(erf) = vpow2.f32 v3;
	_ =	sdelay $0x6  }
0x186: {  	v3 =	vld [tilespmem:s8+$0x540]  }
0x187: {  	v56 =	vld [tilespmem:s8+$0x550]  }
0x188: {  	v60 =	vld [tilespmem:s8+$0x570];
	v57 =	vpop (erf)  }
0x189: {  	v58 =	vld [tilespmem:s8+$0x560];
	v59 =	vbroadcast v57, $0x0  }
0x18a: {  	v61 =	vbroadcast v57, $0x1  }
0x18b: {  	p1 =	sne.s32 s3, $0x4000;
	v5 =	vbroadcast v57, $0x3;
	v3 =	vmul.f32 v59, v3  }
.Ltmp1:
0x18c: {  	v62 =	vbroadcast v57, $0x2;
	[tilespmem:s8+$0x6140] =	vst v57;
	v4 =	vmul.f32 v61, v56;
	(pc) =	sbr.rel @p1 .LBB2_5-.Ltmp1, $4  }
0x18d: {  	v63 =	vmul.f32 v5, v60;
	[tilespmem:s8+$0x6100] =	vst v3  }
0x18e: {  	v3 =	vmul.f32 v62, v58;
	[tilespmem:s8+$0x6110] =	vst v4  }
0x18f: {  	[tilespmem:s8+$0x6130] =	vst v63  }
0x190: {  	s3 =	sadd.s32 $0x1000, s3;
	s2 =	sadd.s32 $0x80, s2;
	[tilespmem:s8+$0x6120] =	vst v3  }
0x191: {  	_ =	swait.ge [sflag:s13], $0x1400  }
0x192: {  	[sflag:s13] =	ssyncset.done $0x0  }
0x193: {  	[sflag:s13] =	ssyncadd.s32 $0xFFFFEC00  }
0x194: {  	_ =	swait.ge [sflag:s13], $0x1400  }
0x195: {  	s8 =	simm.s32 $0x0;
	s3 =	simm.s32 $0x1970;
	[sflag:s13] =	ssyncset.done $0x0  }
0x196: {  	s2 =	simm.s32 $0x7540;
	v3 =	vmov s18;
	s18 =	smov.u32 s21;
	[sflag:s13] =	ssyncadd.s32 $0xFFFFEC00  }
.LBB2_7:
0x197: {  	v4 =	vld [tilespmem:s3+$0xFFFFFC10]  }
0x198: {  	v5 =	vld [tilespmem:s18+$0xFFFFFC50]  }
0x199: {  	v6 =	vld [tilespmem:s3+$0xFFFFFC20]  }
0x19a: {  	v7 =	vld [tilespmem:s18+$0xFFFFFC60]  }
0x19b: {  	v8 =	vld [tilespmem:s3+$0xFFFFFC30]  }
0x19c: {  	v9 =	vld [tilespmem:s18+$0xFFFFFC70]  }
0x19d: {  	v10 =	vld [tilespmem:s3+$0xFFFFFC40]  }
0x19e: {  	v11 =	vld [tilespmem:s18+$0xFFFFFC80];
	_ =	sdelay $0x1  }
0x19f: {  	v4 =	vmul.f32 v5, v4  }
0x1a0: {  	v5 =	vmul.f32 v7, v6  }
0x1a1: {  	(xrf2) =	vadd.scan.msk.f32 $0xffff, v4;
	v4 =	vmul.f32 v9, v8  }
0x1a2: {  	(xrf2) =	vadd.scan.msk.f32 $0xffff, v5;
	v5 =	vmul.f32 v11, v10  }
0x1a3: {  	(xrf2) =	vadd.scan.msk.f32 $0xffff, v4  }
0x1a4: {  	(xrf2) =	vadd.scan.msk.f32 $0xffff, v5;
	_ =	sdelay $0x6  }
0x1a5: {  	v4, _, _ =	vpop (xrf2)  }
0x1a6: {  	v4 =	vbroadcast v4, $0xF;
	v5, _, _ =	vpop (xrf2)  }
0x1a7: {  	v5 =	vbroadcast v5, $0xF;
	v28, _, _ =	vpop (xrf2)  }
0x1a8: {  	s26 =	sshra.s32 s8, $0x2;
	v4 =	vnsel vm0, $0x0, v4;
	v6 =	vbroadcast v28, $0xF;
	v29, _, _ =	vpop (xrf2)  }
0x1a9: {  	v30 =	vld.idx.msk [tilespmem:v3+s26+$0x280 ss:$0x1], $0xffff;
	v4 =	vsel vm1, v4, v5;
	v5 =	vbroadcast v29, $0xF  }
0x1aa: {  	v4 =	vsel vm2, v4, v6  }
0x1ab: {  	v4 =	vsel vm3, v4, v5  }
0x1ac: {  	v4 =	vmul.f32 $2.500000000e-01, v4;
	_ =	sdelay $0x1  }
0x1ad: {  	v4 =	vadd.f32 v4, v30;
	_ =	sdelay $0x1  }
0x1ae: {  	v5 =	vmul.f32 $2.000000030e-01, v4  }
0x1af: {  	vm4 =	vge.f32 v4, $0.0e+00  }
0x1b0: {  	v4 =	vsel vm4, v4, v5  }
0x1b1: {  	v4 =	vmul.f32 $1.442695020e+00, v4;
	_ =	sdelay $0x1  }
0x1b2: {  	(erf) = vpow2.f32 v4;
	_ =	sdelay $0x8  }
0x1b3: {  	v4 =	vpop (erf)  }
0x1b4: {  	[tilespmem:s2+$0xFFFFFC80] =	vst v4  }
0x1b5: {  	v5 =	vld [tilespmem:s3+$0xFFFFFC50];
	_ =	sdelay $0x2  }
0x1b6: {  	v31 =	vbroadcast v4, $0x0;
	_ =	sdelay $0x1  }
0x1b7: {  	v5 =	vmul.f32 v31, v5;
	_ =	sdelay $0x1  }
0x1b8: {  	[tilespmem:s2+$0xFFFFFC40] =	vst v5  }
0x1b9: {  	v5 =	vld [tilespmem:s3+$0xFFFFFC60];
	_ =	sdelay $0x2  }
0x1ba: {  	v32 =	vbroadcast v4, $0x1;
	_ =	sdelay $0x1  }
0x1bb: {  	v5 =	vmul.f32 v32, v5;
	_ =	sdelay $0x1  }
0x1bc: {  	[tilespmem:s2+$0xFFFFFC50] =	vst v5  }
0x1bd: {  	v5 =	vld [tilespmem:s3+$0xFFFFFC70];
	_ =	sdelay $0x2  }
0x1be: {  	v33 =	vbroadcast v4, $0x2;
	_ =	sdelay $0x1  }
0x1bf: {  	v5 =	vmul.f32 v33, v5;
	_ =	sdelay $0x1  }
0x1c0: {  	[tilespmem:s2+$0xFFFFFC60] =	vst v5  }
0x1c1: {  	v5 =	vld [tilespmem:s3+$0xFFFFFC80];
	_ =	sdelay $0x2  }
0x1c2: {  	v4 =	vbroadcast v4, $0x3;
	_ =	sdelay $0x1  }
0x1c3: {  	v4 =	vmul.f32 v4, v5;
	_ =	sdelay $0x1  }
0x1c4: {  	[tilespmem:s2+$0xFFFFFC70] =	vst v4  }
0x1c5: {  	v4 =	vld [tilespmem:s3+$0xFFFFFC90]  }
0x1c6: {  	v5 =	vld [tilespmem:s18+$0xFFFFFCD0]  }
0x1c7: {  	v34 =	vld [tilespmem:s3+$0xFFFFFCA0]  }
0x1c8: {  	v35 =	vld [tilespmem:s18+$0xFFFFFCE0]  }
0x1c9: {  	v36 =	vld [tilespmem:s3+$0xFFFFFCB0]  }
0x1ca: {  	v37 =	vld [tilespmem:s18+$0xFFFFFCF0]  }
0x1cb: {  	v38 =	vld [tilespmem:s3+$0xFFFFFCC0]  }
0x1cc: {  	v39 =	vld [tilespmem:s18+$0xFFFFFD00];
	_ =	sdelay $0x1  }
0x1cd: {  	v4 =	vmul.f32 v5, v4  }
0x1ce: {  	v5 =	vmul.f32 v35, v34  }
0x1cf: {  	(xrf2) =	vadd.scan.msk.f32 $0xffff, v4;
	v4 =	vmul.f32 v37, v36  }
0x1d0: {  	(xrf2) =	vadd.scan.msk.f32 $0xffff, v5;
	v5 =	vmul.f32 v39, v38  }
0x1d1: {  	(xrf2) =	vadd.scan.msk.f32 $0xffff, v4  }
0x1d2: {  	(xrf2) =	vadd.scan.msk.f32 $0xffff, v5;
	_ =	sdelay $0x6  }
0x1d3: {  	v4, _, _ =	vpop (xrf2)  }
0x1d4: {  	v4 =	vbroadcast v4, $0xF;
	v5, _, _ =	vpop (xrf2)  }
0x1d5: {  	v5 =	vbroadcast v5, $0xF;
	v40, _, _ =	vpop (xrf2)  }
0x1d6: {  	v4 =	vnsel vm0, $0x0, v4;
	v6 =	vbroadcast v40, $0xF;
	v41, _, _ =	vpop (xrf2)  }
0x1d7: {  	v42 =	vld.idx.msk [tilespmem:v3+s26+$0x290 ss:$0x1], $0xffff;
	v4 =	vsel vm1, v4, v5;
	v5 =	vbroadcast v41, $0xF  }
0x1d8: {  	v4 =	vsel vm2, v4, v6  }
0x1d9: {  	v4 =	vsel vm3, v4, v5  }
0x1da: {  	v4 =	vmul.f32 $2.500000000e-01, v4;
	_ =	sdelay $0x1  }
0x1db: {  	v4 =	vadd.f32 v4, v42;
	_ =	sdelay $0x1  }
0x1dc: {  	v5 =	vmul.f32 $2.000000030e-01, v4  }
0x1dd: {  	vm4 =	vge.f32 v4, $0.0e+00  }
0x1de: {  	v4 =	vsel vm4, v4, v5  }
0x1df: {  	v4 =	vmul.f32 $1.442695020e+00, v4;
	_ =	sdelay $0x1  }
0x1e0: {  	(erf) = vpow2.f32 v4;
	_ =	sdelay $0x8  }
0x1e1: {  	v4 =	vpop (erf)  }
0x1e2: {  	[tilespmem:s2+$0xFFFFFD00] =	vst v4  }
0x1e3: {  	v5 =	vld [tilespmem:s3+$0xFFFFFCD0];
	_ =	sdelay $0x2  }
0x1e4: {  	v43 =	vbroadcast v4, $0x0;
	_ =	sdelay $0x1  }
0x1e5: {  	v5 =	vmul.f32 v43, v5;
	_ =	sdelay $0x1  }
0x1e6: {  	[tilespmem:s2+$0xFFFFFCC0] =	vst v5  }
0x1e7: {  	v5 =	vld [tilespmem:s3+$0xFFFFFCE0];
	_ =	sdelay $0x2  }
0x1e8: {  	v44 =	vbroadcast v4, $0x1;
	_ =	sdelay $0x1  }
0x1e9: {  	v5 =	vmul.f32 v44, v5;
	_ =	sdelay $0x1  }
0x1ea: {  	[tilespmem:s2+$0xFFFFFCD0] =	vst v5  }
0x1eb: {  	v5 =	vld [tilespmem:s3+$0xFFFFFCF0];
	_ =	sdelay $0x2  }
0x1ec: {  	v45 =	vbroadcast v4, $0x2;
	_ =	sdelay $0x1  }
0x1ed: {  	v5 =	vmul.f32 v45, v5;
	_ =	sdelay $0x1  }
0x1ee: {  	[tilespmem:s2+$0xFFFFFCE0] =	vst v5  }
0x1ef: {  	v5 =	vld [tilespmem:s3+$0xFFFFFD00];
	_ =	sdelay $0x2  }
0x1f0: {  	v4 =	vbroadcast v4, $0x3;
	_ =	sdelay $0x1  }
0x1f1: {  	v4 =	vmul.f32 v4, v5;
	_ =	sdelay $0x1  }
0x1f2: {  	[tilespmem:s2+$0xFFFFFCF0] =	vst v4  }
0x1f3: {  	v4 =	vld [tilespmem:s3+$0xFFFFFD10]  }
0x1f4: {  	v5 =	vld [tilespmem:s18+$0xFFFFFD50]  }
0x1f5: {  	v46 =	vld [tilespmem:s3+$0xFFFFFD20]  }
0x1f6: {  	v47 =	vld [tilespmem:s18+$0xFFFFFD60]  }
0x1f7: {  	v48 =	vld [tilespmem:s3+$0xFFFFFD30]  }
0x1f8: {  	v49 =	vld [tilespmem:s18+$0xFFFFFD70]  }
0x1f9: {  	v50 =	vld [tilespmem:s3+$0xFFFFFD40]  }
0x1fa: {  	v51 =	vld [tilespmem:s18+$0xFFFFFD80];
	_ =	sdelay $0x1  }
0x1fb: {  	v4 =	vmul.f32 v5, v4  }
0x1fc: {  	v5 =	vmul.f32 v47, v46  }
0x1fd: {  	(xrf2) =	vadd.scan.msk.f32 $0xffff, v4;
	v4 =	vmul.f32 v49, v48  }
0x1fe: {  	(xrf2) =	vadd.scan.msk.f32 $0xffff, v5;
	v5 =	vmul.f32 v51, v50  }
0x1ff: {  	(xrf2) =	vadd.scan.msk.f32 $0xffff, v4  }
0x200: {  	(xrf2) =	vadd.scan.msk.f32 $0xffff, v5;
	_ =	sdelay $0x6  }
0x201: {  	v4, _, _ =	vpop (xrf2)  }
0x202: {  	v4 =	vbroadcast v4, $0xF;
	v5, _, _ =	vpop (xrf2)  }
0x203: {  	v5 =	vbroadcast v5, $0xF;
	v52, _, _ =	vpop (xrf2)  }
0x204: {  	v4 =	vnsel vm0, $0x0, v4;
	v6 =	vbroadcast v52, $0xF;
	v53, _, _ =	vpop (xrf2)  }
0x205: {  	v54 =	vld.idx.msk [tilespmem:v3+s26+$0x2A0 ss:$0x1], $0xffff;
	v4 =	vsel vm1, v4, v5;
	v5 =	vbroadcast v53, $0xF  }
0x206: {  	v4 =	vsel vm2, v4, v6  }
0x207: {  	v4 =	vsel vm3, v4, v5  }
0x208: {  	v4 =	vmul.f32 $2.500000000e-01, v4;
	_ =	sdelay $0x1  }
0x209: {  	v4 =	vadd.f32 v4, v54;
	_ =	sdelay $0x1  }
0x20a: {  	v5 =	vmul.f32 $2.000000030e-01, v4  }
0x20b: {  	vm4 =	vge.f32 v4, $0.0e+00  }
0x20c: {  	v4 =	vsel vm4, v4, v5  }
0x20d: {  	v4 =	vmul.f32 $1.442695020e+00, v4;
	_ =	sdelay $0x1  }
0x20e: {  	(erf) = vpow2.f32 v4;
	_ =	sdelay $0x8  }
0x20f: {  	v4 =	vpop (erf)  }
0x210: {  	[tilespmem:s2+$0xFFFFFD80] =	vst v4  }
0x211: {  	v5 =	vld [tilespmem:s3+$0xFFFFFD50];
	_ =	sdelay $0x2  }
0x212: {  	v55 =	vbroadcast v4, $0x0;
	_ =	sdelay $0x1  }
0x213: {  	v5 =	vmul.f32 v55, v5;
	_ =	sdelay $0x1  }
0x214: {  	[tilespmem:s2+$0xFFFFFD40] =	vst v5  }
0x215: {  	v5 =	vld [tilespmem:s3+$0xFFFFFD60];
	_ =	sdelay $0x2  }
0x216: {  	v56 =	vbroadcast v4, $0x1;
	_ =	sdelay $0x1  }
0x217: {  	v5 =	vmul.f32 v56, v5;
	_ =	sdelay $0x1  }
0x218: {  	[tilespmem:s2+$0xFFFFFD50] =	vst v5  }
0x219: {  	v5 =	vld [tilespmem:s3+$0xFFFFFD70];
	_ =	sdelay $0x2  }
0x21a: {  	v57 =	vbroadcast v4, $0x2;
	_ =	sdelay $0x1  }
0x21b: {  	v5 =	vmul.f32 v57, v5;
	_ =	sdelay $0x1  }
0x21c: {  	[tilespmem:s2+$0xFFFFFD60] =	vst v5  }
0x21d: {  	v5 =	vld [tilespmem:s3+$0xFFFFFD80];
	_ =	sdelay $0x2  }
0x21e: {  	v4 =	vbroadcast v4, $0x3;
	_ =	sdelay $0x1  }
0x21f: {  	v4 =	vmul.f32 v4, v5;
	_ =	sdelay $0x1  }
0x220: {  	[tilespmem:s2+$0xFFFFFD70] =	vst v4  }
0x221: {  	v4 =	vld [tilespmem:s3+$0xFFFFFD90]  }
0x222: {  	v5 =	vld [tilespmem:s18+$0xFFFFFDD0]  }
0x223: {  	v58 =	vld [tilespmem:s3+$0xFFFFFDA0]  }
0x224: {  	v59 =	vld [tilespmem:s18+$0xFFFFFDE0]  }
0x225: {  	v60 =	vld [tilespmem:s3+$0xFFFFFDB0]  }
0x226: {  	v61 =	vld [tilespmem:s18+$0xFFFFFDF0]  }
0x227: {  	v62 =	vld [tilespmem:s3+$0xFFFFFDC0]  }
0x228: {  	v63 =	vld [tilespmem:s18+$0xFFFFFE00];
	_ =	sdelay $0x1  }
0x229: {  	v4 =	vmul.f32 v5, v4  }
0x22a: {  	v5 =	vmul.f32 v59, v58  }
0x22b: {  	(xrf2) =	vadd.scan.msk.f32 $0xffff, v4;
	v4 =	vmul.f32 v61, v60  }
0x22c: {  	(xrf2) =	vadd.scan.msk.f32 $0xffff, v5;
	v5 =	vmul.f32 v63, v62  }
0x22d: {  	(xrf2) =	vadd.scan.msk.f32 $0xffff, v4  }
0x22e: {  	(xrf2) =	vadd.scan.msk.f32 $0xffff, v5;
	_ =	sdelay $0x6  }
0x22f: {  	v4, _, _ =	vpop (xrf2)  }
0x230: {  	v4 =	vbroadcast v4, $0xF;
	v5, _, _ =	vpop (xrf2)  }
0x231: {  	v5 =	vbroadcast v5, $0xF;
	v10, _, _ =	vpop (xrf2)  }
0x232: {  	v4 =	vnsel vm0, $0x0, v4;
	v6 =	vbroadcast v10, $0xF;
	v11, _, _ =	vpop (xrf2)  }
0x233: {  	v12 =	vld.idx.msk [tilespmem:v3+s26+$0x2B0 ss:$0x1], $0xffff;
	v4 =	vsel vm1, v4, v5;
	v5 =	vbroadcast v11, $0xF  }
0x234: {  	v4 =	vsel vm2, v4, v6  }
0x235: {  	v4 =	vsel vm3, v4, v5  }
0x236: {  	v4 =	vmul.f32 $2.500000000e-01, v4;
	_ =	sdelay $0x1  }
0x237: {  	v4 =	vadd.f32 v4, v12;
	_ =	sdelay $0x1  }
0x238: {  	v5 =	vmul.f32 $2.000000030e-01, v4  }
0x239: {  	vm4 =	vge.f32 v4, $0.0e+00  }
0x23a: {  	v4 =	vsel vm4, v4, v5  }
0x23b: {  	v4 =	vmul.f32 $1.442695020e+00, v4;
	_ =	sdelay $0x1  }
0x23c: {  	(erf) = vpow2.f32 v4;
	_ =	sdelay $0x8  }
0x23d: {  	v4 =	vpop (erf)  }
0x23e: {  	[tilespmem:s2+$0xFFFFFE00] =	vst v4  }
0x23f: {  	v5 =	vld [tilespmem:s3+$0xFFFFFDD0];
	_ =	sdelay $0x2  }
0x240: {  	v13 =	vbroadcast v4, $0x0;
	_ =	sdelay $0x1  }
0x241: {  	v5 =	vmul.f32 v13, v5;
	_ =	sdelay $0x1  }
0x242: {  	[tilespmem:s2+$0xFFFFFDC0] =	vst v5  }
0x243: {  	v5 =	vld [tilespmem:s3+$0xFFFFFDE0];
	_ =	sdelay $0x2  }
0x244: {  	v14 =	vbroadcast v4, $0x1;
	_ =	sdelay $0x1  }
0x245: {  	v5 =	vmul.f32 v14, v5;
	_ =	sdelay $0x1  }
0x246: {  	[tilespmem:s2+$0xFFFFFDD0] =	vst v5  }
0x247: {  	v5 =	vld [tilespmem:s3+$0xFFFFFDF0];
	_ =	sdelay $0x2  }
0x248: {  	v15 =	vbroadcast v4, $0x2;
	_ =	sdelay $0x1  }
0x249: {  	v5 =	vmul.f32 v15, v5;
	_ =	sdelay $0x1  }
0x24a: {  	[tilespmem:s2+$0xFFFFFDE0] =	vst v5  }
0x24b: {  	v5 =	vld [tilespmem:s3+$0xFFFFFE00];
	_ =	sdelay $0x2  }
0x24c: {  	v4 =	vbroadcast v4, $0x3;
	_ =	sdelay $0x1  }
0x24d: {  	v4 =	vmul.f32 v4, v5;
	_ =	sdelay $0x1  }
0x24e: {  	[tilespmem:s2+$0xFFFFFDF0] =	vst v4  }
0x24f: {  	v4 =	vld [tilespmem:s3+$0xFFFFFE10]  }
0x250: {  	v5 =	vld [tilespmem:s18+$0xFFFFFE50]  }
0x251: {  	v16 =	vld [tilespmem:s3+$0xFFFFFE20]  }
0x252: {  	v17 =	vld [tilespmem:s18+$0xFFFFFE60]  }
0x253: {  	v18 =	vld [tilespmem:s3+$0xFFFFFE30]  }
0x254: {  	v19 =	vld [tilespmem:s18+$0xFFFFFE70]  }
0x255: {  	v20 =	vld [tilespmem:s3+$0xFFFFFE40]  }
0x256: {  	v21 =	vld [tilespmem:s18+$0xFFFFFE80];
	_ =	sdelay $0x1  }
0x257: {  	v4 =	vmul.f32 v5, v4  }
0x258: {  	v5 =	vmul.f32 v17, v16  }
0x259: {  	(xrf2) =	vadd.scan.msk.f32 $0xffff, v4;
	v4 =	vmul.f32 v19, v18  }
0x25a: {  	(xrf2) =	vadd.scan.msk.f32 $0xffff, v5;
	v5 =	vmul.f32 v21, v20  }
0x25b: {  	(xrf2) =	vadd.scan.msk.f32 $0xffff, v4  }
0x25c: {  	(xrf2) =	vadd.scan.msk.f32 $0xffff, v5;
	_ =	sdelay $0x6  }
0x25d: {  	v4, _, _ =	vpop (xrf2)  }
0x25e: {  	v4 =	vbroadcast v4, $0xF;
	v5, _, _ =	vpop (xrf2)  }
0x25f: {  	v5 =	vbroadcast v5, $0xF;
	v22, _, _ =	vpop (xrf2)  }
0x260: {  	v4 =	vnsel vm0, $0x0, v4;
	v6 =	vbroadcast v22, $0xF;
	v23, _, _ =	vpop (xrf2)  }
0x261: {  	v24 =	vld.idx.msk [tilespmem:v3+s26+$0x2C0 ss:$0x1], $0xffff;
	v4 =	vsel vm1, v4, v5;
	v5 =	vbroadcast v23, $0xF  }
0x262: {  	v4 =	vsel vm2, v4, v6  }
0x263: {  	v4 =	vsel vm3, v4, v5  }
0x264: {  	v4 =	vmul.f32 $2.500000000e-01, v4;
	_ =	sdelay $0x1  }
0x265: {  	v4 =	vadd.f32 v4, v24;
	_ =	sdelay $0x1  }
0x266: {  	v5 =	vmul.f32 $2.000000030e-01, v4  }
0x267: {  	vm4 =	vge.f32 v4, $0.0e+00  }
0x268: {  	v4 =	vsel vm4, v4, v5  }
0x269: {  	v4 =	vmul.f32 $1.442695020e+00, v4;
	_ =	sdelay $0x1  }
0x26a: {  	(erf) = vpow2.f32 v4;
	_ =	sdelay $0x8  }
0x26b: {  	v4 =	vpop (erf)  }
0x26c: {  	[tilespmem:s2+$0xFFFFFE80] =	vst v4  }
0x26d: {  	v5 =	vld [tilespmem:s3+$0xFFFFFE50];
	_ =	sdelay $0x2  }
0x26e: {  	v25 =	vbroadcast v4, $0x0;
	_ =	sdelay $0x1  }
0x26f: {  	v5 =	vmul.f32 v25, v5;
	_ =	sdelay $0x1  }
0x270: {  	[tilespmem:s2+$0xFFFFFE40] =	vst v5  }
0x271: {  	v5 =	vld [tilespmem:s3+$0xFFFFFE60];
	_ =	sdelay $0x2  }
0x272: {  	v26 =	vbroadcast v4, $0x1;
	_ =	sdelay $0x1  }
0x273: {  	v5 =	vmul.f32 v26, v5;
	_ =	sdelay $0x1  }
0x274: {  	[tilespmem:s2+$0xFFFFFE50] =	vst v5  }
0x275: {  	v5 =	vld [tilespmem:s3+$0xFFFFFE70];
	_ =	sdelay $0x2  }
0x276: {  	v27 =	vbroadcast v4, $0x2;
	_ =	sdelay $0x1  }
0x277: {  	v5 =	vmul.f32 v27, v5;
	_ =	sdelay $0x1  }
0x278: {  	[tilespmem:s2+$0xFFFFFE60] =	vst v5  }
0x279: {  	v5 =	vld [tilespmem:s3+$0xFFFFFE80];
	_ =	sdelay $0x2  }
0x27a: {  	v4 =	vbroadcast v4, $0x3;
	_ =	sdelay $0x1  }
0x27b: {  	v4 =	vmul.f32 v4, v5;
	_ =	sdelay $0x1  }
0x27c: {  	[tilespmem:s2+$0xFFFFFE70] =	vst v4  }
0x27d: {  	v4 =	vld [tilespmem:s3+$0xFFFFFE90]  }
0x27e: {  	v5 =	vld [tilespmem:s18+$0xFFFFFED0]  }
0x27f: {  	v28 =	vld [tilespmem:s3+$0xFFFFFEA0]  }
0x280: {  	v29 =	vld [tilespmem:s18+$0xFFFFFEE0]  }
0x281: {  	v30 =	vld [tilespmem:s3+$0xFFFFFEB0]  }
0x282: {  	v31 =	vld [tilespmem:s18+$0xFFFFFEF0]  }
0x283: {  	v32 =	vld [tilespmem:s3+$0xFFFFFEC0]  }
0x284: {  	v33 =	vld [tilespmem:s18+$0xFFFFFF00];
	_ =	sdelay $0x1  }
0x285: {  	v4 =	vmul.f32 v5, v4  }
0x286: {  	v5 =	vmul.f32 v29, v28  }
0x287: {  	(xrf2) =	vadd.scan.msk.f32 $0xffff, v4;
	v4 =	vmul.f32 v31, v30  }
0x288: {  	(xrf2) =	vadd.scan.msk.f32 $0xffff, v5;
	v5 =	vmul.f32 v33, v32  }
0x289: {  	(xrf2) =	vadd.scan.msk.f32 $0xffff, v4  }
0x28a: {  	(xrf2) =	vadd.scan.msk.f32 $0xffff, v5;
	_ =	sdelay $0x6  }
0x28b: {  	v4, _, _ =	vpop (xrf2)  }
0x28c: {  	v4 =	vbroadcast v4, $0xF;
	v5, _, _ =	vpop (xrf2)  }
0x28d: {  	v5 =	vbroadcast v5, $0xF;
	v34, _, _ =	vpop (xrf2)  }
0x28e: {  	v4 =	vnsel vm0, $0x0, v4;
	v6 =	vbroadcast v34, $0xF;
	v35, _, _ =	vpop (xrf2)  }
0x28f: {  	v36 =	vld.idx.msk [tilespmem:v3+s26+$0x2D0 ss:$0x1], $0xffff;
	v4 =	vsel vm1, v4, v5;
	v5 =	vbroadcast v35, $0xF  }
0x290: {  	v4 =	vsel vm2, v4, v6  }
0x291: {  	v4 =	vsel vm3, v4, v5  }
0x292: {  	v4 =	vmul.f32 $2.500000000e-01, v4;
	_ =	sdelay $0x1  }
0x293: {  	v4 =	vadd.f32 v4, v36;
	_ =	sdelay $0x1  }
0x294: {  	v5 =	vmul.f32 $2.000000030e-01, v4  }
0x295: {  	vm4 =	vge.f32 v4, $0.0e+00  }
0x296: {  	v4 =	vsel vm4, v4, v5  }
0x297: {  	v4 =	vmul.f32 $1.442695020e+00, v4;
	_ =	sdelay $0x1  }
0x298: {  	(erf) = vpow2.f32 v4;
	_ =	sdelay $0x8  }
0x299: {  	v4 =	vpop (erf)  }
0x29a: {  	[tilespmem:s2+$0xFFFFFF00] =	vst v4  }
0x29b: {  	v5 =	vld [tilespmem:s3+$0xFFFFFED0];
	_ =	sdelay $0x2  }
0x29c: {  	v37 =	vbroadcast v4, $0x0;
	_ =	sdelay $0x1  }
0x29d: {  	v5 =	vmul.f32 v37, v5;
	_ =	sdelay $0x1  }
0x29e: {  	[tilespmem:s2+$0xFFFFFEC0] =	vst v5  }
0x29f: {  	v5 =	vld [tilespmem:s3+$0xFFFFFEE0];
	_ =	sdelay $0x2  }
0x2a0: {  	v38 =	vbroadcast v4, $0x1;
	_ =	sdelay $0x1  }
0x2a1: {  	v5 =	vmul.f32 v38, v5;
	_ =	sdelay $0x1  }
0x2a2: {  	[tilespmem:s2+$0xFFFFFED0] =	vst v5  }
0x2a3: {  	v5 =	vld [tilespmem:s3+$0xFFFFFEF0];
	_ =	sdelay $0x2  }
0x2a4: {  	v39 =	vbroadcast v4, $0x2;
	_ =	sdelay $0x1  }
0x2a5: {  	v5 =	vmul.f32 v39, v5;
	_ =	sdelay $0x1  }
0x2a6: {  	[tilespmem:s2+$0xFFFFFEE0] =	vst v5  }
0x2a7: {  	v5 =	vld [tilespmem:s3+$0xFFFFFF00];
	_ =	sdelay $0x2  }
0x2a8: {  	v4 =	vbroadcast v4, $0x3;
	_ =	sdelay $0x1  }
0x2a9: {  	v4 =	vmul.f32 v4, v5;
	_ =	sdelay $0x1  }
0x2aa: {  	[tilespmem:s2+$0xFFFFFEF0] =	vst v4  }
0x2ab: {  	v4 =	vld [tilespmem:s3+$0xFFFFFF10]  }
0x2ac: {  	v5 =	vld [tilespmem:s18+$0xFFFFFF50]  }
0x2ad: {  	v40 =	vld [tilespmem:s3+$0xFFFFFF20]  }
0x2ae: {  	v41 =	vld [tilespmem:s18+$0xFFFFFF60]  }
0x2af: {  	v42 =	vld [tilespmem:s3+$0xFFFFFF30]  }
0x2b0: {  	v43 =	vld [tilespmem:s18+$0xFFFFFF70]  }
0x2b1: {  	v44 =	vld [tilespmem:s3+$0xFFFFFF40]  }
0x2b2: {  	v45 =	vld [tilespmem:s18+$0xFFFFFF80];
	_ =	sdelay $0x1  }
0x2b3: {  	v4 =	vmul.f32 v5, v4  }
0x2b4: {  	v5 =	vmul.f32 v41, v40  }
0x2b5: {  	(xrf2) =	vadd.scan.msk.f32 $0xffff, v4;
	v4 =	vmul.f32 v43, v42  }
0x2b6: {  	(xrf2) =	vadd.scan.msk.f32 $0xffff, v5;
	v5 =	vmul.f32 v45, v44  }
0x2b7: {  	(xrf2) =	vadd.scan.msk.f32 $0xffff, v4  }
0x2b8: {  	(xrf2) =	vadd.scan.msk.f32 $0xffff, v5;
	_ =	sdelay $0x6  }
0x2b9: {  	v4, _, _ =	vpop (xrf2)  }
0x2ba: {  	v4 =	vbroadcast v4, $0xF;
	v5, _, _ =	vpop (xrf2)  }
0x2bb: {  	v5 =	vbroadcast v5, $0xF;
	v46, _, _ =	vpop (xrf2)  }
0x2bc: {  	v4 =	vnsel vm0, $0x0, v4;
	v6 =	vbroadcast v46, $0xF;
	v47, _, _ =	vpop (xrf2)  }
0x2bd: {  	v48 =	vld.idx.msk [tilespmem:v3+s26+$0x2E0 ss:$0x1], $0xffff;
	v4 =	vsel vm1, v4, v5;
	v5 =	vbroadcast v47, $0xF  }
0x2be: {  	v4 =	vsel vm2, v4, v6  }
0x2bf: {  	v4 =	vsel vm3, v4, v5  }
0x2c0: {  	v4 =	vmul.f32 $2.500000000e-01, v4;
	_ =	sdelay $0x1  }
0x2c1: {  	v4 =	vadd.f32 v4, v48;
	_ =	sdelay $0x1  }
0x2c2: {  	v5 =	vmul.f32 $2.000000030e-01, v4  }
0x2c3: {  	vm4 =	vge.f32 v4, $0.0e+00  }
0x2c4: {  	v4 =	vsel vm4, v4, v5  }
0x2c5: {  	v4 =	vmul.f32 $1.442695020e+00, v4;
	_ =	sdelay $0x1  }
0x2c6: {  	(erf) = vpow2.f32 v4;
	_ =	sdelay $0x8  }
0x2c7: {  	v4 =	vpop (erf)  }
0x2c8: {  	[tilespmem:s2+$0xFFFFFF80] =	vst v4  }
0x2c9: {  	v5 =	vld [tilespmem:s3+$0xFFFFFF50];
	_ =	sdelay $0x2  }
0x2ca: {  	v49 =	vbroadcast v4, $0x0;
	_ =	sdelay $0x1  }
0x2cb: {  	v5 =	vmul.f32 v49, v5;
	_ =	sdelay $0x1  }
0x2cc: {  	[tilespmem:s2+$0xFFFFFF40] =	vst v5  }
0x2cd: {  	v5 =	vld [tilespmem:s3+$0xFFFFFF60];
	_ =	sdelay $0x2  }
0x2ce: {  	v50 =	vbroadcast v4, $0x1;
	_ =	sdelay $0x1  }
0x2cf: {  	v5 =	vmul.f32 v50, v5;
	_ =	sdelay $0x1  }
0x2d0: {  	[tilespmem:s2+$0xFFFFFF50] =	vst v5  }
0x2d1: {  	v5 =	vld [tilespmem:s3+$0xFFFFFF70];
	_ =	sdelay $0x2  }
0x2d2: {  	v51 =	vbroadcast v4, $0x2;
	_ =	sdelay $0x1  }
0x2d3: {  	v5 =	vmul.f32 v51, v5;
	_ =	sdelay $0x1  }
0x2d4: {  	[tilespmem:s2+$0xFFFFFF60] =	vst v5  }
0x2d5: {  	v5 =	vld [tilespmem:s3+$0xFFFFFF80];
	_ =	sdelay $0x2  }
0x2d6: {  	v4 =	vbroadcast v4, $0x3;
	_ =	sdelay $0x1  }
0x2d7: {  	v4 =	vmul.f32 v4, v5;
	_ =	sdelay $0x1  }
0x2d8: {  	[tilespmem:s2+$0xFFFFFF70] =	vst v4  }
0x2d9: {  	v4 =	vld [tilespmem:s3+$0xFFFFFF90]  }
0x2da: {  	v5 =	vld [tilespmem:s18+$0xFFFFFFD0]  }
0x2db: {  	v52 =	vld [tilespmem:s3+$0xFFFFFFA0]  }
0x2dc: {  	v53 =	vld [tilespmem:s18+$0xFFFFFFE0]  }
0x2dd: {  	v54 =	vld [tilespmem:s3+$0xFFFFFFB0]  }
0x2de: {  	v55 =	vld [tilespmem:s18+$0xFFFFFFF0]  }
0x2df: {  	v56 =	vld [tilespmem:s3+$0xFFFFFFC0]  }
0x2e0: {  	v57 =	vld [tilespmem:s18+$0x0];
	_ =	sdelay $0x1  }
0x2e1: {  	v4 =	vmul.f32 v5, v4  }
0x2e2: {  	v5 =	vmul.f32 v53, v52  }
0x2e3: {  	(xrf2) =	vadd.scan.msk.f32 $0xffff, v4;
	v4 =	vmul.f32 v55, v54  }
0x2e4: {  	(xrf2) =	vadd.scan.msk.f32 $0xffff, v5;
	v5 =	vmul.f32 v57, v56  }
0x2e5: {  	(xrf2) =	vadd.scan.msk.f32 $0xffff, v4  }
0x2e6: {  	(xrf2) =	vadd.scan.msk.f32 $0xffff, v5;
	_ =	sdelay $0x6  }
0x2e7: {  	v4, _, _ =	vpop (xrf2)  }
0x2e8: {  	v5, _, _ =	vpop (xrf2);
	v4 =	vbroadcast v4, $0xF  }
0x2e9: {  	v58, _, _ =	vpop (xrf2);
	v5 =	vbroadcast v5, $0xF  }
0x2ea: {  	v4 =	vnsel vm0, $0x0, v4;
	v6 =	vbroadcast v58, $0xF;
	v59, _, _ =	vpop (xrf2)  }
0x2eb: {  	v60 =	vld.idx.msk [tilespmem:v3+s26+$0x2F0 ss:$0x1], $0xffff;
	v4 =	vsel vm1, v4, v5;
	v5 =	vbroadcast v59, $0xF  }
0x2ec: {  	v4 =	vsel vm2, v4, v6  }
0x2ed: {  	v4 =	vsel vm3, v4, v5  }
0x2ee: {  	v4 =	vmul.f32 $2.500000000e-01, v4;
	_ =	sdelay $0x1  }
0x2ef: {  	v4 =	vadd.f32 v4, v60;
	_ =	sdelay $0x1  }
0x2f0: {  	v5 =	vmul.f32 $2.000000030e-01, v4  }
0x2f1: {  	vm4 =	vge.f32 v4, $0.0e+00  }
0x2f2: {  	v4 =	vsel vm4, v4, v5  }
0x2f3: {  	v4 =	vmul.f32 $1.442695020e+00, v4;
	_ =	sdelay $0x1  }
0x2f4: {  	(erf) = vpow2.f32 v4;
	_ =	sdelay $0x8  }
0x2f5: {  	v4 =	vpop (erf)  }
0x2f6: {  	[tilespmem:s2+$0x0] =	vst v4  }
0x2f7: {  	v5 =	vld [tilespmem:s3+$0xFFFFFFD0];
	_ =	sdelay $0x2  }
0x2f8: {  	v61 =	vbroadcast v4, $0x0;
	_ =	sdelay $0x1  }
0x2f9: {  	v5 =	vmul.f32 v61, v5;
	_ =	sdelay $0x1  }
0x2fa: {  	[tilespmem:s2+$0xFFFFFFC0] =	vst v5  }
0x2fb: {  	v5 =	vld [tilespmem:s3+$0xFFFFFFE0];
	_ =	sdelay $0x2  }
0x2fc: {  	v62 =	vbroadcast v4, $0x1;
	_ =	sdelay $0x1  }
0x2fd: {  	v5 =	vmul.f32 v62, v5;
	_ =	sdelay $0x1  }
0x2fe: {  	[tilespmem:s2+$0xFFFFFFD0] =	vst v5  }
0x2ff: {  	v5 =	vld [tilespmem:s3+$0xFFFFFFF0];
	_ =	sdelay $0x2  }
0x300: {  	v63 =	vbroadcast v4, $0x2;
	_ =	sdelay $0x1  }
0x301: {  	v5 =	vmul.f32 v63, v5;
	_ =	sdelay $0x1  }
0x302: {  	[tilespmem:s2+$0xFFFFFFE0] =	vst v5  }
0x303: {  	v5 =	vld [tilespmem:s3+$0x0];
	_ =	sdelay $0x1  }
0x304: {  	p1 =	sne.s32 s8, $0x800  }
.Ltmp2:
0x305: {  	v4 =	vbroadcast v4, $0x3;
	(pc) =	sbr.rel @p1 .LBB2_7-.Ltmp2, $4  }
0x306: {  	_ = 	snop  }
0x307: {  	v4 =	vmul.f32 v4, v5  }
0x308: {  	s8 =	sadd.s32 $0x200, s8  }
0x309: {  	s18 =	sadd.s32 $0x400, s18;
	s3 =	sadd.s32 $0x400, s3;
	[tilespmem:s2+$0xFFFFFFF0] =	vst v4;
	s2 =	sadd.s32 $0x400, s2  }
0x30a: {  	s19 =	sadd.s32 $0x1, s19  }
0x30b: {  	p1 =	sne.s32 s19, $0xFA  }
.Ltmp3:
0x30c: {  	_ = 	snop;
	(pc) =	sbr.rel @p1 .LBB2_4-.Ltmp3, $4  }
0x30d: {  	[spmem:s28] =	stream.indirect.scatter.add.f32 [tilespmem:s22], [sflag:$0x3], $0x80, s24, s14, $0xb8;
	[tilespmem:$0x1BE00] =	vst v63  }
0x30e: {  	_ =	swait.ge [sflag:s23], $0x2800  }
0x30f: {  	[sflag:s23] =	ssyncset.done $0x0  }
0x310: {  	s20 =	sadd.s32 $0x500, s20;
	s12 =	sadd.s32 $0x50, s12;
	[sflag:s23] =	ssyncadd.s32 $0xFFFFD800  }
0x311: {  	[bflag:$0x0] =	sbarrier.arrive $0xFFFF  }
0x312: {  	s2 =	sshrl.u32 @!p0 s28, $0x3;
	s3 =	simm.s32 @!p0 $0x1C03;
	s8 =	rddreg [dreg:$0xd]  }
0x313: {  	[hbm:s8], [sflag:s3] =	dma.local @!p0 [spmem:s2], $0x27100  }
0x314: {  	s2 =	simm.s32 @!p0 $0x3  }
0x315: {  	_ =	swait.ge @!p0 [sflag:s2], $0x27100  }
0x316: {  	s15 =	rddreg [dreg:$0x4]  }
0x317: {  	s26 =	rddreg [dreg:$0xe];
	s15 =	sadd.s32 $0x1, s15  }
0x318: {  	p1 =	sne.s32 s15, s26  }
.Ltmp4:
0x319: {  	_ = 	snop;
	(pc) =	sbr.rel @p1 .LBB2_1-.Ltmp4, $3  }
0x31a: {  	_ =	sdelay $0x1  }
0x31b: {  	[sflag:s2] =	ssyncset.done @!p0 $0x0  }
0x31c: {  	[sflag:s2] =	ssyncadd.s32 @!p0 $0xFFFD8F00  }
0x31d: {  	_ =	sfence.sel $0x180000  }
0x31e: {  	[bflag:$0x0] =	sbarrier.arrive $0xFFFF  }
0x31f: {  	_ =	strace $0x9000004D  }
0x320: {  	[bflag:$0x2] =	sbarrier.arrive $0xFFFF  }
0x321: {  	s0 =	rddreg [dreg:$0x3]  }
0x322: {  	s0 =	sadd.s32 @!p0 $0x100000, s0  }
0x323: {  	[sflag:s0] =	ssyncadd.tile.s32 @!p0 $0x1;
	_ =	shalt  }
.Lfunc_end2:
_tile_overlayer_lowered:
.L_overlay_start_2:
0x324: {  	(tag) =	ssettag $0x2  }
0x325: {  	s0 =	rddreg [dreg:$0x0];
	s2 =	stileid.u32  }
0x326: {  	s1 =	rddreg [dreg:$0x1];
	p0 =	sne.s32 s2, $0x0  }
0x327: {  	s3 =	rddreg [dreg:$0x2];
	[bflag:$0x3] =	sbarrier.arrive $0xFFFF;
	s2 =	simm.s32 @!p0 $0x1C03  }
0x328: {  	[timem:s3], [sflag:s2] =	dma.local @!p0 [hbm:s0], s1  }
0x329: {  	s0 =	simm.s32 @!p0 $0x3  }
0x32a: {  	_ =	swait.ge @!p0 [sflag:s0], s1  }
0x32b: {  	s1 =	ssub.s32 @!p0 $0x0, s1;
	[sflag:s0] =	ssyncset.done @!p0 $0x0  }
0x32c: {  	[sflag:s0] =	ssyncadd.s32 @!p0 s1  }
0x32d: {  	[bflag:$0x3] =	sbarrier.arrive $0xFFFF  }
0x32e: {  	_ =	shalt  }

// kernel: sparse-core-data-format-call.1.cloned.1.call-start
scs
called_computation.1_lowered:
.L_overlay_start_0:
0x0: {  	s1 =	sld [smem:$0x3FD9]  }
0x1: {  	s2 =	sld [smem:$0x3FFE];
	_ =	sdelay $0x1  }
0x2: {  	s3 =	srdreg.scid  }
0x3: {  	s0 =	sand.u32 $0x1, s3  }
0x4: {  	s17 =	sshll.u32 s0, $0xA;
	s1 =	sadd.s32 s2, s1  }
0x5: {  	s1 =	sadd.s32 s1, s17  }
0x6: {  	[smem:$0x3FBD] =	sst s1  }
0x7: {  	_ = 	snop  }
0x8: {  	(tm) =	ssettm $0x1  }
0x9: {  	s18 =	sld [smem:$0x3FFB];
	_ =	sdelay $0x3  }
0xa: {  	_ =	strace s18  }
0xb: {  	s1 =	sld [smem:$0x3FFC];
	_ =	sdelay $0x3  }
0xc: {  	_ =	strace s1  }
0xd: {  	s1 =	sld [smem:$0x3FFD];
	_ =	sdelay $0x3  }
0xe: {  	_ =	strace s1  }
0xf: {  	_ =	strace $0x8FFFFFFF  }
0x10: {  	s19 =	sld [smem:$0x3FDB];
	_ =	sdelay $0x1  }
0x11: {  	s20 =	simm.s32 $_scs_section_size  }
0x12: {  	s4 =	simm.s32 $_size__tile_overlayer_lowered;
	s5 =	simm.s32 $_tile_overlayer_lowered  }
0x13: {  	s23 =	simm.s32 $0x1BFF;
	s22 =	sshll.u32 s5, $0x1;
	s1 =	sadd.s32 s20, s19  }
0x14: {  	s6 =	simm.s32 $0x0;
	s21 =	sshll.u32 s4, $0x1;
	s4 =	sadd.s32 s22, s1  }
0x15: {  	[timem:s6], [sflag:s23] =	dma.local [hbm:s4], s21  }
0x16: {  	_ =	swait.ge [sflag:s23], s21  }
0x17: {  	s2 =	ssub.s32 $0x0, s21;
	[sflag:s23] =	ssyncset.done $0x0  }
0x18: {  	[sflag:s23] =	ssyncadd.s32 s2;
	_ =	sdelay $0x1  }
0x19: {  	s24 =	simm.s32 $0x1B8B  }
0x1a: {  	_ =	swait.ge [sflag:s24], $0x1  }
0x1b: {  	[sflag:s24] =	ssyncset.done $0x0  }
0x1c: {  	s26 =	simm.s32 $0x1B8E;
	s25 =	sld [smem:$0x3FFE];
	[sflag:s24] =	ssyncadd.s32 $0xFFFFFFFF  }
0x1d: {  	s27 =	simm.s32 $execute0_lowered;
	[smem:$0x3FD2] =	sst s26  }
0x1e: {  	s4 =	sshll.u32 s27, $0x1;
	_ =	strace $0x80000046;
	[dreg:$0x1] =	wrdreg $0xFFFFFFFF  }
0x1f: {  	s28 =	simm.s32 $_size_execute0_lowered;
	s1 =	sadd.s32 s1, s4;
	[dreg:$0x0] =	wrdreg $0x0  }
0x20: {  	s4 =	sshll.u32 s28, $0x1;
	[dreg:$0x2] =	wrdreg s1  }
0x21: {  	[dreg:$0x3] =	wrdreg s4  }
0x22: {  	[dreg:$0x4] =	wrdreg $0xC0  }
0x23: {  	_ =	task [dreg:s6], $0x5FFFF  }
0x24: {  	[dreg:$0x1] =	wrdreg $0xFFFFFFFF  }
0x25: {  	[dreg:$0x0] =	wrdreg $0x60  }
0x26: {  	[dreg:$0x2] =	wrdreg s25  }
0x27: {  	[dreg:$0x3] =	wrdreg $0x9  }
0x28: {  	_ =	task.clear_ibuf [dreg:s6], $0x4FFFF;
	_ =	strace $0x90000046  }
0x29: {  	s29 =	simm.s32 $0x9;
	_ =	strace $0x80000048  }
0x2a: {  	_ =	swait.ge [sflag:s29], $0x1  }
0x2b: {  	[sflag:s29] =	ssyncadd.s32 $0xFFFFFFFF  }
0x2c: {  	_ =	strace $0x90000048  }
0x2d: {  	_ =	sfence  }
0x2e: {  	s30 =	sld [smem:$0x0];
	_ =	sdelay $0x2  }
0x2f: {  	s31 =	sshll.u32 s3, $0xD;
	s3 =	sshrl.u32 s3, $0x2  }
0x30: {  	s2 =	sand.u32 $0x4000, s31;
	s1 =	sadd.s32 s3, s30  }
0x31: {  	s0 =	sor.u32 s2, s0;
	s1 =	sshll.u32 s1, $0x11  }
0x32: {  	s0 =	sor.u32 s1, s0  }
0x33: {  	s0 =	sadd.s32 $0x8F2B, s0  }
0x34: {  	[sflag:s0] =	ssyncadd.remote.s32 $0x1  }
0x35: {  	_ =	sfence.sel $0xFFFF  }
0x36: {  	[dreg:$0x0] =	wrdreg $0xFFFFFFFF;
	(pc) =	sbr.abs _section_cstart, $3  }
0x37: {  	[dreg:$0x1] =	wrdreg $0xFFFFFFFF  }
0x38: {  	_ =	task.clear_ibuf [dreg:s6], $0x2FFFF;
	_ =	strace $0x9FFFFFFF  }
0x39: {  	(tm) =	ssettm $0x7FFFFFFF  }
tec
execute0_lowered:
.L_overlay_start_1:
0x0: {  	(tag) =	ssettag $0x1  }
0x1: {  	s0 =	stileid.u32  }
0x2: {  	s1 =	srdreg.scid;
	s7 =	rddreg [dreg:$0x0];
	s8 =	simm.s32 $0x2  }
0x3: {  	s16 =	simm.s32 $0x0;
	s9 =	simm.s32 $0x4E400;
	s10 =	simm.s32 $0x0  }
0x4: {  	s17 =	simm.s32 $0x0;
	s19 =	simm.s32 $0x0;
	s18 =	simm.s32 $0x0  }
0x5: {  	s12 =	simm.s32 $0x0;
	s2 =	sshll.u32 s0, $0x6;
	s1 =	sshll.u32 s1, $0xA  }
0x6: {  	s13 =	simm.s32 $0x0;
	s1 =	sor.u32 s2, s1;
	s2 =	sand.u32 $0x1, s0  }
0x7: {  	s15 =	simm.s32 $0x0;
	s3 =	sand.u32 $0x780, s1;
	s30 =	ssub.s32 $0x2, s2  }
0x8: {  	s1 =	rddreg [dreg:$0x1];
	s4 =	ssub.s32 $0x9C00, s3;
	s5 =	sshrl.u32 s30, $0x1  }
.Ltmp0:
0x9: {  	s6 =	sand.u32 $0x1, s30;
	s4 =	sshrl.u32 s4, $0xB;
	(pc) =	sbr.rel .LBB1_1-.Ltmp0, $4  }
0xa: {  	_ =	strace $0x80000047;
	s5 =	sadd.s32 s6, s5;
	s31 =	sadd.s32 $0x1, s4  }
0xb: {  	s14 =	smov.u32 s2;
	s4 =	simm.s32 $0x1;
	s5 =	smul.u32 s5, s31  }
0xc: {  	s11 =	smov.u32 s3;
	s6 =	sadd.s32 $0x13C600, s7;
	[sflag:s4] =	ssyncpa.u1 $0x0  }
0xd: {  	s7 =	sadd.s32 $0x3600, s7;
	[sflag:s8] =	ssyncpa.u1 $0x0;
	s8 =	sadd.s32 $0x1, s5  }
.LBB1_7:
0xe: {  	s20 =	sadd.s32 $0x800, s11  }
0xf: {  	s16 =	sadd.s32 $0x8, s12;
	s21 =	smov.u32 s12;
	p1 =	sgt.s32 s20, $0x9C3F  }
0x10: {  	s21 =	smov.u32 @p1 s16  }
0x11: {  	s22 =	smov.u32 s13;
	s16 =	sadd.s32 $0x10, s13;
	p2 =	sgt.s32 s21, $0x7  }
0x12: {  	s22 =	smov.u32 @p2 s16  }
0x13: {  	s23 =	smov.u32 s14;
	s16 =	sadd.s32 $0x2, s14;
	p3 =	sgt.s32 s22, $0xF  }
0x14: {  	p0 =	slt.u32 s15, $0x2;
	s23 =	smov.u32 @p3 s16  }
0x15: {  	s17 =	smov.u32 s12;
	s20 =	smov.u32 @p1 s3;
	p1 =	sgt.s32 s23, $0x1  }
0x16: {  	s24 =	simm.s32 @!p0 $0x2;
	s23 =	smov.u32 @p1 s2;
	p1 =	sne.s32 s15, s8  }
.Ltmp1:
0x17: {  	s19 =	smov.u32 s13;
	_ =	swait.ge @!p0 [sflag:s24], $0x4000;
	(pc) =	sbr.rel @!p1 .LBB1_8-.Ltmp1, $4  }
0x18: {  	s18 =	smov.u32 s14;
	[sflag:s24] =	ssyncset.done @!p0 $0x0;
	s21 =	simm.s32 @p2 $0x0  }
0x19: {  	s10 =	sadd.s32 $0x4000, s10;
	[sflag:s24] =	ssyncadd.s32 @!p0 $0xFFFFC000;
	s12 =	smov.u32 s21  }
0x1a: {  	s22 =	simm.s32 @p3 $0x0;
	s16 =	smov.u32 s11;
	s11 =	smov.u32 s20  }
0x1b: {  	s13 =	smov.u32 s22;
	s15 =	sadd.s32 $0x1, s15;
	s14 =	smov.u32 s23  }
.LBB1_1:
0x1c: {  	p0 =	sge.u32 s15, s5  }
0x1d: {  	s20 =	sshrl.u32 @!p0 s12, $0x3  }
0x1e: {  	s21 =	sshll.u32 @!p0 s11, $0x3;
	s20 =	smul.u32 @!p0 $0x4E400, s20  }
0x1f: {  	s22 =	sshll.u32 @!p0 s12, $0x7;
	s21 =	sand.u32 @!p0 $0xFFFFFC00, s21  }
0x20: {  	s20 =	sadd.s32 @!p0 s20, s21;
	s21 =	sand.u32 @!p0 $0x380, s22  }
0x21: {  	s20 =	sor.u32 @!p0 s21, s20  }
0x22: {  	s21 =	sshrl.u32 @!p0 s20, $0x7  }
0x23: {  	s21 =	smulhi.u32 @!p0 $0x1A2C2A9, s21  }
0x24: {  	s31 =	sadd.s32 $0xFFFFFFFF, s15  }
0x25: {  	s25 =	smul.u32 @!p0 $0x9C800, s14;
	s22 =	sxor.u32 @!p0 $0xFFFFFFFF, s15;
	s21 =	sshrl.u32 @!p0 s21, $0x1  }
0x26: {  	s24 =	sand.u32 @!p0 $0x7F, s11;
	s22 =	sshll.u32 @!p0 s22, $0xE;
	s23 =	smul.u32 @!p0 $0x9C80, s21  }
0x27: {  	s20 =	sor.u32 @!p0 s24, s20;
	s24 =	smul.u32 @!p0 $0x9C80, s13;
	s21 =	sand.u32 @!p0 $0x7, s21  }
0x28: {  	s21 =	smul.u32 @!p0 $0x1390, s21;
	s20 =	ssub.s32 @!p0 s20, s23;
	s23 =	sadd.s32 @!p0 s6, s25  }
0x29: {  	s22 =	sand.u32 @!p0 $0x4000, s22;
	s23 =	sadd.s32 @!p0 s24, s23;
	s24 =	sand.u32 @!p0 $0x7, s20  }
0x2a: {  	s20 =	sshrl.u32 @!p0 s20, $0x3;
	s21 =	sadd.s32 @!p0 s21, s23;
	s23 =	sshll.u32 @!p0 s24, $0x12  }
0x2b: {  	s20 =	sadd.s32 @!p0 s20, s21;
	s21 =	sor.u32 @!p0 $0x400, s23;
	s23 =	simm.s32 @!p0 $0x4E400  }
0x2c: {  	[tilespmem:s22], [sflag:$0x1] =	stream.strided.gather @!p0 [hbm4b:s20+s21], $0x4000, s23, s21, $0x38;
	[tilespmem:$0x10000] =	vst v63  }
0x2d: {  	p0 =	sge.u32 s31, s5  }
.Ltmp2:
0x2e: {  	_ = 	snop;
	(pc) =	sbr.rel @p0 .LBB1_7-.Ltmp2, $1  }
0x2f: {  	_ =	sdelay $0x3  }
0x30: {  	s20 =	sand.u32 $0x4000, s10  }
0x31: {  	_ =	swait.ge [sflag:s4], $0x4000;
	s23 =	sshll.u32 s15, $0xE;
	s21 =	sor.u32 $0x8040, s20  }
0x32: {  	s22 =	sor.u32 $0x40, s20;
	[sflag:s4] =	ssyncset.done $0x0;
	s31 =	sand.u32 $0x4000, s23  }
0x33: {  	s23 =	simm.s32 $0x0;
	[sflag:s4] =	ssyncadd.s32 $0xFFFFC000;
	s20 =	sor.u32 $0x8000, s31  }
.LBB1_3:
0x34: {  	v0 =	vmov s22;
	_ =	sdelay $0x3  }
0x35: {  	s25 =	simm.s32 $0x0  }
0x36: {  	v6 =	vld.idx.msk [tilespmem:v0+s25+$0x30 ss:$0x1], $0xffff  }
0x37: {  	v7 =	vld.idx.msk [tilespmem:v0+s25+$0xFFFFFFC0 ss:$0x1], $0xffff  }
0x38: {  	v5 =	vld.idx.msk [tilespmem:v0+s25+$0xFFFFFFD0 ss:$0x1], $0xffff  }
0x39: {  	v4 =	vld.idx.msk [tilespmem:v0+s25+$0xFFFFFFE0 ss:$0x1], $0xffff  }
0x3a: {  	v3 =	vld.idx.msk [tilespmem:v0+s25+$0xFFFFFFF0 ss:$0x1], $0xffff  }
0x3b: {  	v1 =	vld.idx.msk [tilespmem:v0+s25+$0x0 ss:$0x1], $0xffff  }
0x3c: {  	v2 =	vld.idx.msk [tilespmem:v0+s25+$0x10 ss:$0x1], $0xffff;
	[tilespmem:s21+$0x30] =	vst v6  }
0x3d: {  	s24 =	simm.s32 $0x80;
	s26 =	simm.s32 $0x400;
	[tilespmem:s21+$0xFFFFFFC0] =	vst v7;
	v6 =	vld.idx.msk [tilespmem:v0+s25+$0x20 ss:$0x1], $0xffff;
	s25 =	smov.u32 s21  }
.LBB1_4:
0x3e: {  	p0 =	sne.s32 s26, $0xE00;
	v7 =	vld.idx.msk [tilespmem:v0+s24+$0x30 ss:$0x1], $0xffff;
	[tilespmem:s25+$0xFFFFFFD0] =	vst v5  }
0x3f: {  	v8 =	vld.idx.msk [tilespmem:v0+s24+$0xFFFFFFC0 ss:$0x1], $0xffff;
	[tilespmem:s25+$0xFFFFFFE0] =	vst v4  }
0x40: {  	v5 =	vld.idx.msk [tilespmem:v0+s24+$0xFFFFFFD0 ss:$0x1], $0xffff;
	[tilespmem:s25+$0xFFFFFFF0] =	vst v3  }
.Ltmp3:
0x41: {  	v4 =	vld.idx.msk [tilespmem:v0+s24+$0xFFFFFFE0 ss:$0x1], $0xffff;
	[tilespmem:s25+$0x0] =	vst v1;
	(pc) =	sbr.rel @p0 .LBB1_4-.Ltmp3, $4  }
0x42: {  	v3 =	vld.idx.msk [tilespmem:v0+s24+$0xFFFFFFF0 ss:$0x1], $0xffff;
	[tilespmem:s25+$0x10] =	vst v2  }
0x43: {  	v1 =	vld.idx.msk [tilespmem:v0+s24+$0x0 ss:$0x1], $0xffff;
	[tilespmem:s25+$0x20] =	vst v6;
	s25 =	sadd.s32 $0x800, s25  }
0x44: {  	v2 =	vld.idx.msk [tilespmem:v0+s24+$0x10 ss:$0x1], $0xffff;
	[tilespmem:s25+$0x30] =	vst v7  }
0x45: {  	[tilespmem:s25+$0xFFFFFFC0] =	vst v8;
	v6 =	vld.idx.msk [tilespmem:v0+s24+$0x20 ss:$0x1], $0xffff;
	s24 =	sshra.s32 s26, $0x2;
	s26 =	sadd.s32 $0x200, s26  }
0x46: {  	_ =	sdelay $0x2  }
0x47: {  	[tilespmem:s25+$0xFFFFFFD0] =	vst v5  }
0x48: {  	v56 =	vld.idx.msk [tilespmem:v0+s24+$0x30 ss:$0x1], $0xffff;
	[tilespmem:s25+$0xFFFFFFE0] =	vst v4  }
0x49: {  	v57 =	vld.idx.msk [tilespmem:v0+s24+$0xFFFFFFC0 ss:$0x1], $0xffff;
	[tilespmem:s25+$0xFFFFFFF0] =	vst v3  }
0x4a: {  	v58 =	vld.idx.msk [tilespmem:v0+s24+$0xFFFFFFD0 ss:$0x1], $0xffff;
	[tilespmem:s25+$0x0] =	vst v1  }
0x4b: {  	v59 =	vld.idx.msk [tilespmem:v0+s24+$0xFFFFFFE0 ss:$0x1], $0xffff;
	[tilespmem:s25+$0x10] =	vst v2  }
0x4c: {  	v60 =	vld.idx.msk [tilespmem:v0+s24+$0xFFFFFFF0 ss:$0x1], $0xffff;
	s31 =	sadd.s32 $0x800, s25;
	[tilespmem:s25+$0x20] =	vst v6  }
0x4d: {  	v61 =	vld.idx.msk [tilespmem:v0+s24+$0x0 ss:$0x1], $0xffff;
	[tilespmem:s31+$0x30] =	vst v56  }
0x4e: {  	v62 =	vld.idx.msk [tilespmem:v0+s24+$0x10 ss:$0x1], $0xffff;
	s23 =	sadd.s32 $0x1, s23;
	[tilespmem:s31+$0xFFFFFFC0] =	vst v57  }
0x4f: {  	v63 =	vld.idx.msk [tilespmem:v0+s24+$0x20 ss:$0x1], $0xffff;
	p0 =	sne.s32 s23, $0x10;
	[tilespmem:s31+$0xFFFFFFD0] =	vst v58  }
.Ltmp4:
0x50: {  	[tilespmem:s31+$0xFFFFFFE0] =	vst v59;
	(pc) =	sbr.rel @p0 .LBB1_3-.Ltmp4, $4  }
0x51: {  	[tilespmem:s31+$0xFFFFFFF0] =	vst v60  }
0x52: {  	[tilespmem:s31+$0x0] =	vst v61  }
0x53: {  	[tilespmem:s31+$0x10] =	vst v62  }
0x54: {  	s21 =	sadd.s32 $0x80, s21;
	s22 =	sadd.s32 $0x400, s22;
	[tilespmem:s31+$0x20] =	vst v63  }
0x55: {  	s21 =	sshrl.u32 s19, $0x3  }
0x56: {  	s22 =	sshll.u32 s16, $0x3;
	s21 =	smul.u32 $0x4E400, s21  }
0x57: {  	s26 =	sshll.u32 s19, $0x7;
	s22 =	sand.u32 $0xFFFFFC00, s22  }
0x58: {  	s19 =	sand.u32 $0x380, s26;
	s21 =	sadd.s32 s21, s22  }
0x59: {  	s19 =	sor.u32 s19, s21  }
0x5a: {  	s21 =	sshrl.u32 s19, $0x7  }
0x5b: {  	s21 =	smulhi.u32 $0x1A2C2A9, s21  }
0x5c: {  	s18 =	smul.u32 $0x9C800, s18  }
0x5d: {  	s17 =	smul.u32 $0x13900, s17;
	s21 =	sshrl.u32 s21, $0x1  }
0x5e: {  	s28 =	sand.u32 $0x7F, s16;
	s27 =	smul.u32 $0x9C80, s21;
	s29 =	sand.u32 $0xF, s21  }
0x5f: {  	s16 =	sor.u32 s28, s19;
	s19 =	smul.u32 $0x1390, s29  }
.Ltmp5:
0x60: {  	s18 =	sadd.s32 s7, s18;
	s16 =	ssub.s32 s16, s27;
	(pc) =	sbr.rel .LBB1_7-.Ltmp5, $4  }
0x61: {  	s17 =	sadd.s32 s17, s18;
	s30 =	sand.u32 $0x7, s16  }
0x62: {  	s16 =	sshrl.u32 s16, $0x3;
	s17 =	sadd.s32 s19, s17;
	s18 =	sshll.u32 s30, $0x12  }
0x63: {  	s16 =	sadd.s32 s16, s17;
	s31 =	sor.u32 $0x400, s18  }
0x64: {  	[hbm4b:s16+s31] =	stream.strided.scatter [tilespmem:s20], [sflag:$0x2], $0x4000, s9, s31, $0x38;
	[tilespmem:$0x10000] =	vst v63  }
.LBB1_8:
0x65: {  	_ =	sfence.sel $0x180000  }
0x66: {  	s2 =	simm.s32 $0x1;
	[bflag:$0x0] =	sbarrier.arrive $0xFFFF  }
0x67: {  	s31 =	simm.s32 $0x2;
	[sflag:s2] =	ssyncpa.u1 $0x1  }
0x68: {  	[sflag:s31] =	ssyncpa.u1 $0x1  }
0x69: {  	p0 =	sne.s32 s0, $0x0;
	_ =	strace $0x90000047  }
0x6a: {  	s0 =	sadd.s32 @!p0 $0x100000, s1;
	[bflag:$0x2] =	sbarrier.arrive $0xFFFF  }
0x6b: {  	[sflag:s0] =	ssyncadd.tile.s32 @!p0 $0x1;
	_ =	shalt  }
.Lfunc_end1:
_tile_overlayer_lowered:
.L_overlay_start_2:
0x6c: {  	(tag) =	ssettag $0x2  }
0x6d: {  	s0 =	rddreg [dreg:$0x0];
	s2 =	stileid.u32  }
0x6e: {  	s1 =	rddreg [dreg:$0x1];
	p0 =	sne.s32 s2, $0x0  }
0x6f: {  	s3 =	rddreg [dreg:$0x2];
	[bflag:$0x3] =	sbarrier.arrive $0xFFFF;
	s2 =	simm.s32 @!p0 $0x1C01  }
0x70: {  	[timem:s3], [sflag:s2] =	dma.local @!p0 [hbm:s0], s1  }
0x71: {  	s0 =	simm.s32 @!p0 $0x1  }
0x72: {  	_ =	swait.ge @!p0 [sflag:s0], s1  }
0x73: {  	s1 =	ssub.s32 @!p0 $0x0, s1;
	[sflag:s0] =	ssyncset.done @!p0 $0x0  }
0x74: {  	[sflag:s0] =	ssyncadd.s32 @!p0 s1  }
0x75: {  	[bflag:$0x3] =	sbarrier.arrive $0xFFFF  }
0x76: {  	_ =	shalt  }

// kernel: sparse-core-data-format-call.cloned.1.call-start
scs
called_computation_lowered:
.L_overlay_start_0:
0x0: {  	s1 =	sld [smem:$0x3FD9]  }
0x1: {  	s2 =	sld [smem:$0x3FFE];
	_ =	sdelay $0x1  }
0x2: {  	s3 =	srdreg.scid  }
0x3: {  	s0 =	sand.u32 $0x1, s3  }
0x4: {  	s17 =	sshll.u32 s0, $0xA;
	s1 =	sadd.s32 s2, s1  }
0x5: {  	s1 =	sadd.s32 s1, s17  }
0x6: {  	[smem:$0x3FBD] =	sst s1  }
0x7: {  	_ = 	snop  }
0x8: {  	(tm) =	ssettm $0x1  }
0x9: {  	s18 =	sld [smem:$0x3FFB];
	_ =	sdelay $0x3  }
0xa: {  	_ =	strace s18  }
0xb: {  	s1 =	sld [smem:$0x3FFC];
	_ =	sdelay $0x3  }
0xc: {  	_ =	strace s1  }
0xd: {  	s1 =	sld [smem:$0x3FFD];
	_ =	sdelay $0x3  }
0xe: {  	_ =	strace s1  }
0xf: {  	_ =	strace $0x8FFFFFFF  }
0x10: {  	s19 =	sld [smem:$0x3FDB];
	_ =	sdelay $0x1  }
0x11: {  	s20 =	simm.s32 $_scs_section_size  }
0x12: {  	s4 =	simm.s32 $_size__tile_overlayer_lowered;
	s5 =	simm.s32 $_tile_overlayer_lowered  }
0x13: {  	s23 =	simm.s32 $0x1BFF;
	s22 =	sshll.u32 s5, $0x1;
	s1 =	sadd.s32 s20, s19  }
0x14: {  	s6 =	simm.s32 $0x0;
	s21 =	sshll.u32 s4, $0x1;
	s4 =	sadd.s32 s22, s1  }
0x15: {  	[timem:s6], [sflag:s23] =	dma.local [hbm:s4], s21  }
0x16: {  	_ =	swait.ge [sflag:s23], s21  }
0x17: {  	s2 =	ssub.s32 $0x0, s21;
	[sflag:s23] =	ssyncset.done $0x0  }
0x18: {  	[sflag:s23] =	ssyncadd.s32 s2;
	_ =	sdelay $0x1  }
0x19: {  	s24 =	simm.s32 $0x1B8B  }
0x1a: {  	_ =	swait.ge [sflag:s24], $0x1  }
0x1b: {  	[sflag:s24] =	ssyncset.done $0x0  }
0x1c: {  	s26 =	simm.s32 $0x1B8E;
	s25 =	sld [smem:$0x3FFE];
	[sflag:s24] =	ssyncadd.s32 $0xFFFFFFFF  }
0x1d: {  	s27 =	simm.s32 $execute0_lowered;
	[smem:$0x3FD2] =	sst s26  }
0x1e: {  	s4 =	sshll.u32 s27, $0x1;
	_ =	strace $0x80000049;
	[dreg:$0x1] =	wrdreg $0xFFFFFFFF  }
0x1f: {  	s28 =	simm.s32 $_size_execute0_lowered;
	s1 =	sadd.s32 s1, s4;
	[dreg:$0x0] =	wrdreg $0x0  }
0x20: {  	s4 =	sshll.u32 s28, $0x1;
	[dreg:$0x2] =	wrdreg s1  }
0x21: {  	[dreg:$0x3] =	wrdreg s4  }
0x22: {  	[dreg:$0x4] =	wrdreg $0xC0  }
0x23: {  	_ =	task [dreg:s6], $0x5FFFF  }
0x24: {  	[dreg:$0x1] =	wrdreg $0xFFFFFFFF  }
0x25: {  	[dreg:$0x0] =	wrdreg $0x60  }
0x26: {  	[dreg:$0x2] =	wrdreg s25  }
0x27: {  	[dreg:$0x3] =	wrdreg $0x9  }
0x28: {  	_ =	task.clear_ibuf [dreg:s6], $0x4FFFF;
	_ =	strace $0x90000049  }
0x29: {  	s29 =	simm.s32 $0x9;
	_ =	strace $0x8000004B  }
0x2a: {  	_ =	swait.ge [sflag:s29], $0x1  }
0x2b: {  	[sflag:s29] =	ssyncadd.s32 $0xFFFFFFFF  }
0x2c: {  	_ =	strace $0x9000004B  }
0x2d: {  	_ =	sfence  }
0x2e: {  	s30 =	sld [smem:$0x0];
	_ =	sdelay $0x2  }
0x2f: {  	s31 =	sshll.u32 s3, $0xD;
	s3 =	sshrl.u32 s3, $0x2  }
0x30: {  	s2 =	sand.u32 $0x4000, s31;
	s1 =	sadd.s32 s3, s30  }
0x31: {  	s0 =	sor.u32 s2, s0;
	s1 =	sshll.u32 s1, $0x11  }
0x32: {  	s0 =	sor.u32 s1, s0  }
0x33: {  	s0 =	sadd.s32 $0x8F2B, s0  }
0x34: {  	[sflag:s0] =	ssyncadd.remote.s32 $0x1  }
0x35: {  	_ =	sfence.sel $0xFFFF  }
0x36: {  	[dreg:$0x0] =	wrdreg $0xFFFFFFFF;
	(pc) =	sbr.abs _section_cstart, $3  }
0x37: {  	[dreg:$0x1] =	wrdreg $0xFFFFFFFF  }
0x38: {  	_ =	task.clear_ibuf [dreg:s6], $0x2FFFF;
	_ =	strace $0x9FFFFFFF  }
0x39: {  	(tm) =	ssettm $0x7FFFFFFF  }
tec
execute0_lowered:
.L_overlay_start_1:
0x0: {  	(tag) =	ssettag $0x1  }
0x1: {  	s0 =	stileid.u32  }
0x2: {  	s1 =	srdreg.scid;
	s7 =	rddreg [dreg:$0x0];
	s8 =	simm.s32 $0x2  }
0x3: {  	s17 =	simm.s32 $0x0;
	p0 =	por $0x0, $0x0;
	s16 =	simm.s32 $0x0  }
0x4: {  	s18 =	simm.s32 $0x0;
	s9 =	simm.s32 $0x0;
	s10 =	simm.s32 $0x0  }
0x5: {  	s11 =	simm.s32 $0x0;
	s2 =	sshll.u32 s0, $0x6;
	s1 =	sshll.u32 s1, $0xA  }
0x6: {  	s13 =	simm.s32 $0x0;
	s1 =	sor.u32 s2, s1;
	s2 =	sand.u32 $0x1, s0  }
0x7: {  	s15 =	simm.s32 $0x0;
	s3 =	sand.u32 $0x780, s1;
	s30 =	ssub.s32 $0x2, s2  }
0x8: {  	s1 =	rddreg [dreg:$0x1];
	s4 =	ssub.s32 $0x9C00, s3;
	s5 =	sshrl.u32 s30, $0x1  }
.Ltmp0:
0x9: {  	s6 =	sand.u32 $0x1, s30;
	s4 =	sshrl.u32 s4, $0xB;
	(pc) =	sbr.rel .LBB1_1-.Ltmp0, $4  }
0xa: {  	_ =	strace $0x8000004A;
	s5 =	sadd.s32 s6, s5;
	s31 =	sadd.s32 $0x1, s4  }
0xb: {  	s14 =	smov.u32 s2;
	s4 =	simm.s32 $0x1;
	s5 =	smul.u32 s5, s31  }
0xc: {  	s12 =	smov.u32 s3;
	s6 =	sadd.s32 $0x3600, s7;
	[sflag:s4] =	ssyncpa.u1 $0x0  }
0xd: {  	s7 =	sadd.s32 $0x13C600, s7;
	[sflag:s8] =	ssyncpa.u1 $0x0;
	s8 =	sadd.s32 $0x1, s5  }
.LBB1_4:
0xe: {  	s24 =	sshll.u32 s9, $0x7  }
0xf: {  	s25 =	sshll.u32 s10, $0x3;
	s23 =	sshra.s32 s23, $0x2;
	s31 =	sshra.s32 s11, $0x1F  }
0x10: {  	p1 =	sgt.s32 s11, $0x1;
	s26 =	sand.u32 $0xFFFFFC00, s24;
	s25 =	sand.u32 $0xFFFFFC00, s25  }
0x11: {  	s29 =	ssub.s32 $0x0, s10;
	s24 =	sand.u32 $0x380, s24;
	s25 =	sadd.s32 s25, s26  }
0x12: {  	[tilespmem:s21+$0x2040 ss:$0x81] =	vst.msk $0xffff, v4;
	s26 =	smov.u32 s11;
	s24 =	sor.u32 s24, s25;
	s25 =	sand.u32 s31, s11  }
0x13: {  	[tilespmem:s21+$0x2850 ss:$0x81] =	vst.msk $0xffff, v3;
	s26 =	simm.s32 @!p1 $0x1;
	s24 =	sshrl.u32 s24, $0x7;
	s25 =	sxor.u32 $0xFFFFFFFF, s25  }
0x14: {  	v5 =	vld [tilespmem:s20+$0xFFFFFFD0];
	[tilespmem:s21+$0x3060 ss:$0x81] =	vst.msk $0xffff, v2;
	s30 =	sshra.s32 s9, $0x1F;
	s27 =	smulhi.u32 $0x1A36E2F, s24;
	s26 =	sadd.s32 s25, s26  }
0x15: {  	v58 =	vld [tilespmem:s20+$0xFFFFFFE0];
	[tilespmem:s21+$0x0 ss:$0x81] =	vst.msk $0xffff, v0;
	s22 =	sadd.s32 s23, s22;
	s21 =	sand.u32 s30, s9;
	p1 =	sgt.s32 s26, $0x0  }
0x16: {  	v59 =	vld [tilespmem:s20+$0xFFFFFFF0];
	s23 =	ssub.s32 $0x1, s26;
	s26 =	smov.u32 s9;
	s28 =	sshrl.u32 s27, $0x8  }
0x17: {  	v60 =	vld [tilespmem:s20+$0x0];
	s23 =	simm.s32 @p1 $0x0;
	p1 =	sgt.s32 s9, $0x9BC0;
	s27 =	smin.u32 s10, s29  }
0x18: {  	v61 =	vld [tilespmem:s20+$0x10];
	[tilespmem:s22+$0x3870 ss:$0x81] =	vst.msk $0xffff, v1;
	s26 =	simm.s32 @!p1 $0x9BC0;
	p1 =	sgt.s32 s27, $0x7F;
	s27 =	ssub.s32 $0x80, s27  }
0x19: {  	v62 =	vld [tilespmem:s20+$0x20];
	[tilespmem:s22+$0x810 ss:$0x81] =	vst.msk $0xffff, v5;
	s25 =	smul.u32 $0x9C40, s28;
	s21 =	ssub.s32 s26, s21;
	s27 =	simm.s32 @p1 $0x0  }
0x1a: {  	v63 =	vld [tilespmem:s20+$0xFFFFFFC0];
	[tilespmem:s22+$0x1020 ss:$0x81] =	vst.msk $0xffff, v58;
	s28 =	sshrl.u32 s10, $0x3;
	s31 =	smul.u32 s23, s27;
	s26 =	sadd.s32 $0xFFFF6440, s21  }
0x1b: {  	[tilespmem:s22+$0x1830 ss:$0x81] =	vst.msk $0xffff, v59;
	s21 =	ssub.s32 $0x9C40, s21;
	s27 =	smul.u32 $0x9C400, s11;
	p1 =	sgt.s32 s26, $0x7F  }
0x1c: {  	[tilespmem:s22+$0x2040 ss:$0x81] =	vst.msk $0xffff, v60;
	s29 =	sand.u32 $0xF, s28;
	s21 =	simm.s32 @p1 $0x0  }
0x1d: {  	[tilespmem:s22+$0x2850 ss:$0x81] =	vst.msk $0xffff, v61;
	s24 =	ssub.s32 s24, s25;
	s23 =	sadd.s32 s7, s27;
	s20 =	smul.u32 s21, s31  }
0x1e: {  	[tilespmem:s22+$0x3060 ss:$0x81] =	vst.msk $0xffff, v62;
	s30 =	sshll.u32 s24, $0x4;
	s21 =	sadd.s32 s29, s23  }
0x1f: {  	[tilespmem:s22+$0x0 ss:$0x81] =	vst.msk $0xffff, v63;
	s31 =	sand.u32 $0x7, s10;
	s21 =	sadd.s32 s30, s21;
	s20 =	sand.u32 $0x3FFFFFFF, s20  }
0x20: {  	[hbm4b:s21+s31] =	stream.linear.scatter [tilespmem:s19], [sflag:$0x2], s20, $0x20;
	[tilespmem:$0x10100] =	vst v63  }
.LBB1_5:
0x21: {  	p1 =	slt.u32 s15, $0x2  }
0x22: {  	p2 =	sgt.s32 @!p1 s18, $0x1;
	s19 =	sshra.s32 @!p1 s18, $0x1F  }
0x23: {  	s20 =	smov.u32 s18;
	p2 =	por !p2, p1;
	s18 =	sand.u32 @!p1 s19, s18  }
0x24: {  	p3 =	sgt.s32 @!p1 s17, $0x9BC0;
	s20 =	simm.s32 @p2 $0x1;
	s18 =	sxor.u32 @!p1 $0xFFFFFFFF, s18  }
0x25: {  	s19 =	sshra.s32 @!p1 s17, $0x1F;
	p3 =	por !p3, p1;
	s18 =	sadd.s32 @!p1 s18, s20  }
0x26: {  	s20 =	smov.u32 s17;
	s17 =	sand.u32 @!p1 s19, s17;
	s19 =	ssub.s32 @!p1 $0x0, s16  }
0x27: {  	p2 =	sgt.s32 @!p1 s18, $0x0;
	s18 =	ssub.s32 @!p1 $0x1, s18;
	s20 =	simm.s32 @p3 $0x9BC0  }
0x28: {  	s16 =	smin.u32 @!p1 s16, s19;
	p2 =	por !p2, p1;
	s17 =	ssub.s32 @!p1 s20, s17  }
0x29: {  	s20 =	smov.u32 s13;
	s18 =	simm.s32 @!p2 $0x0;
	p2 =	sgt.s32 @!p1 s16, $0x7F  }
0x2a: {  	s19 =	sadd.s32 @!p1 $0xFFFF6440, s17;
	s16 =	ssub.s32 @!p1 $0x80, s16;
	p2 =	por !p2, p1  }
0x2b: {  	s17 =	ssub.s32 @!p1 $0x9C40, s17;
	p3 =	sgt.s32 @!p1 s19, $0x7F;
	s16 =	simm.s32 @!p2 $0x0  }
0x2c: {  	s19 =	sadd.s32 $0x800, s12;
	p2 =	por !p3, p1;
	s16 =	smul.u32 @!p1 s18, s16  }
0x2d: {  	s17 =	simm.s32 @!p2 $0x0;
	p2 =	sgt.s32 s19, $0x9C3F;
	s18 =	sadd.s32 $0x80, s13  }
0x2e: {  	s21 =	smov.u32 s14;
	s20 =	smov.u32 @p2 s18  }
0x2f: {  	s16 =	smul.u32 @!p1 s17, s16;
	p3 =	sgt.s32 s20, $0x7F;
	s17 =	sadd.s32 $0x2, s14  }
0x30: {  	p0 =	por !p0, !p0;
	s22 =	simm.s32 @!p1 $0x2;
	s21 =	smov.u32 @p3 s17  }
0x31: {  	s19 =	smov.u32 @p2 s3;
	s18 =	smov.u32 s11;
	p2 =	sgt.s32 s21, $0x1  }
0x32: {  	s11 =	smov.u32 s14;
	s21 =	smov.u32 @p2 s2;
	p2 =	sne.s32 s15, s8  }
.Ltmp1:
0x33: {  	s20 =	simm.s32 @p3 $0x0;
	s17 =	smov.u32 s9;
	(pc) =	sbr.rel @!p2 .LBB1_6-.Ltmp1, $4  }
0x34: {  	s9 =	smov.u32 s12;
	s12 =	smov.u32 s19;
	s16 =	sand.u32 @!p1 $0x3FFFFFFF, s16  }
0x35: {  	_ =	swait.ge @!p1 [sflag:s22], s16;
	s23 =	ssub.s32 @!p1 $0x0, s16;
	s16 =	smov.u32 s10  }
0x36: {  	s15 =	sadd.s32 $0x1, s15;
	s10 =	smov.u32 s13;
	[sflag:s22] =	ssyncset.done @!p1 $0x0  }
0x37: {  	s13 =	smov.u32 s20;
	s14 =	smov.u32 s21;
	[sflag:s22] =	ssyncadd.s32 @!p1 s23  }
.LBB1_1:
0x38: {  	p1 =	sge.u32 s15, s5  }
0x39: {  	s19 =	sshrl.u32 @!p1 s13, $0x3  }
0x3a: {  	s20 =	sshll.u32 @!p1 s12, $0x3;
	s19 =	smul.u32 @!p1 $0x4E400, s19  }
0x3b: {  	s21 =	sshll.u32 @!p1 s13, $0x7;
	s20 =	sand.u32 @!p1 $0xFFFFFC00, s20  }
0x3c: {  	s19 =	sadd.s32 @!p1 s19, s20;
	s20 =	sand.u32 @!p1 $0x380, s21  }
0x3d: {  	s19 =	sor.u32 @!p1 s20, s19  }
0x3e: {  	s20 =	sshrl.u32 @!p1 s19, $0x7  }
0x3f: {  	s20 =	smulhi.u32 @!p1 $0x1A2C2A9, s20;
	_ =	sdelay $0x1  }
0x40: {  	s31 =	sadd.s32 $0xFFFFFFFF, s15;
	s20 =	sshrl.u32 @!p1 s20, $0x1  }
0x41: {  	s22 =	sand.u32 @!p1 $0x7F, s12;
	s21 =	sxor.u32 @!p1 $0xFFFFFFFF, s15;
	s23 =	smul.u32 @!p1 $0x9C80, s20  }
0x42: {  	s19 =	sor.u32 @!p1 s22, s19;
	s22 =	smul.u32 @!p1 $0x9C800, s14;
	s20 =	sand.u32 @!p1 $0x7F, s20  }
0x43: {  	s21 =	sshll.u32 @!p1 s21, $0xE;
	s20 =	smul.u32 @!p1 $0x1390, s20;
	s19 =	ssub.s32 @!p1 s19, s23  }
0x44: {  	s21 =	sand.u32 @!p1 $0x4000, s21;
	s22 =	sadd.s32 @!p1 s6, s22;
	s23 =	sand.u32 @!p1 $0x7, s19  }
0x45: {  	s19 =	sshrl.u32 @!p1 s19, $0x3;
	s20 =	sadd.s32 @!p1 s20, s22;
	s22 =	sshll.u32 @!p1 s23, $0x12  }
0x46: {  	s19 =	sadd.s32 @!p1 s19, s20;
	s20 =	sor.u32 @!p1 $0x400, s22;
	s22 =	simm.s32 @!p1 $0x4E400  }
0x47: {  	[tilespmem:s21], [sflag:$0x1] =	stream.strided.gather @!p1 [hbm4b:s19+s20], $0x4000, s22, s20, $0x38;
	[tilespmem:$0x10100] =	vst v63  }
0x48: {  	p1 =	sge.u32 s31, s5  }
.Ltmp2:
0x49: {  	_ = 	snop;
	(pc) =	sbr.rel @p1 .LBB1_5-.Ltmp2, $1  }
0x4a: {  	_ =	sdelay $0x3  }
0x4b: {  	s19 =	simm.s32 $0x1  }
0x4c: {  	_ =	swait.ge [sflag:s4], $0x4000;
	s19 =	simm.s32 @!p0 $0x0  }
0x4d: {  	[sflag:s4] =	ssyncset.done $0x0;
	s20 =	sshll.u32 s19, $0xE  }
0x4e: {  	[sflag:s4] =	ssyncadd.s32 $0xFFFFC000;
	s20 =	sor.u32 $0x40, s20  }
0x4f: {  	s19 =	smul.u32 $0x10200, s19;
	v0 =	vld [tilespmem:s20+$0x30]  }
0x50: {  	v1 =	vld [tilespmem:s20+$0xFFFFFFD0]  }
0x51: {  	s19 =	sshrl.u32 s19, $0x2;
	v5 =	vld [tilespmem:s20+$0xFFFFFFE0]  }
0x52: {  	v6 =	vld [tilespmem:s20+$0xFFFFFFF0];
	s22 =	sor.u32 $0x8000, s19  }
0x53: {  	s31 =	sand.u32 $0x1, s15;
	v4 =	vld [tilespmem:s20+$0x0];
	s21 =	sadd.s32 $0x0, s22  }
0x54: {  	v3 =	vld [tilespmem:s20+$0x10];
	s19 =	smul.u32 $0x10200, s31;
	[tilespmem:s21+$0x3870 ss:$0x81] =	vst.msk $0xffff, v0  }
0x55: {  	v2 =	vld [tilespmem:s20+$0x20];
	[tilespmem:s21+$0x810 ss:$0x81] =	vst.msk $0xffff, v1  }
0x56: {  	s19 =	sshrl.u32 s19, $0x2;
	v0 =	vld [tilespmem:s20+$0xFFFFFFC0];
	[tilespmem:s21+$0x1020 ss:$0x81] =	vst.msk $0xffff, v5;
	s20 =	sadd.s32 $0x80, s20  }
0x57: {  	s23 =	simm.s32 $0x4;
	s24 =	simm.s32 $0x8;
	s19 =	sor.u32 $0x8000, s19;
	[tilespmem:s21+$0x1830 ss:$0x81] =	vst.msk $0xffff, v6;
	v1 =	vld [tilespmem:s20+$0x30]  }
.LBB1_3:
0x58: {  	p1 =	sne.s32 s24, $0x1FC;
	v5 =	vld [tilespmem:s20+$0xFFFFFFD0];
	[tilespmem:s21+$0x2040 ss:$0x81] =	vst.msk $0xffff, v4  }
0x59: {  	v6 =	vld [tilespmem:s20+$0xFFFFFFE0];
	[tilespmem:s21+$0x2850 ss:$0x81] =	vst.msk $0xffff, v3  }
0x5a: {  	s25 =	sshra.s32 s23, $0x2;
	s23 =	smov.u32 s24;
	v7 =	vld [tilespmem:s20+$0xFFFFFFF0];
	[tilespmem:s21+$0x3060 ss:$0x81] =	vst.msk $0xffff, v2  }
.Ltmp3:
0x5b: {  	v4 =	vld [tilespmem:s20+$0x0];
	[tilespmem:s21+$0x0 ss:$0x81] =	vst.msk $0xffff, v0;
	s21 =	sadd.s32 s25, s22;
	(pc) =	sbr.rel @p1 .LBB1_3-.Ltmp3, $4  }
0x5c: {  	v3 =	vld [tilespmem:s20+$0x10];
	[tilespmem:s21+$0x3870 ss:$0x81] =	vst.msk $0xffff, v1  }
0x5d: {  	[tilespmem:s21+$0x810 ss:$0x81] =	vst.msk $0xffff, v5;
	v2 =	vld [tilespmem:s20+$0x20]  }
0x5e: {  	v0 =	vld [tilespmem:s20+$0xFFFFFFC0];
	[tilespmem:s21+$0x1020 ss:$0x81] =	vst.msk $0xffff, v6;
	s20 =	sadd.s32 $0x80, s20  }
0x5f: {  	s24 =	sadd.s32 $0x4, s24;
	v1 =	vld [tilespmem:s20+$0x30];
	[tilespmem:s21+$0x1830 ss:$0x81] =	vst.msk $0xffff, v7  }
.Ltmp4:
0x60: {  	_ = 	snop;
	(pc) =	sbr.rel .LBB1_4-.Ltmp4, $1  }
0x61: {  	_ =	sdelay $0x3  }
.LBB1_6:
0x62: {  	_ =	sfence.sel $0x180000  }
0x63: {  	s2 =	simm.s32 $0x1;
	[bflag:$0x0] =	sbarrier.arrive $0xFFFF  }
0x64: {  	s31 =	simm.s32 $0x2;
	[sflag:s2] =	ssyncpa.u1 $0x1  }
0x65: {  	[sflag:s31] =	ssyncpa.u1 $0x1  }
0x66: {  	p0 =	sne.s32 s0, $0x0;
	_ =	strace $0x9000004A  }
0x67: {  	s0 =	sadd.s32 @!p0 $0x100000, s1;
	[bflag:$0x2] =	sbarrier.arrive $0xFFFF  }
0x68: {  	[sflag:s0] =	ssyncadd.tile.s32 @!p0 $0x1;
	_ =	shalt  }
.Lfunc_end1:
_tile_overlayer_lowered:
.L_overlay_start_2:
0x69: {  	(tag) =	ssettag $0x2  }
0x6a: {  	s0 =	rddreg [dreg:$0x0];
	s2 =	stileid.u32  }
0x6b: {  	s1 =	rddreg [dreg:$0x1];
	p0 =	sne.s32 s2, $0x0  }
0x6c: {  	s3 =	rddreg [dreg:$0x2];
	[bflag:$0x3] =	sbarrier.arrive $0xFFFF;
	s2 =	simm.s32 @!p0 $0x1C01  }
0x6d: {  	[timem:s3], [sflag:s2] =	dma.local @!p0 [hbm:s0], s1  }
0x6e: {  	s0 =	simm.s32 @!p0 $0x1  }
0x6f: {  	_ =	swait.ge @!p0 [sflag:s0], s1  }
0x70: {  	s1 =	ssub.s32 @!p0 $0x0, s1;
	[sflag:s0] =	ssyncset.done @!p0 $0x0  }
0x71: {  	[sflag:s0] =	ssyncadd.s32 @!p0 s1  }
0x72: {  	[bflag:$0x3] =	sbarrier.arrive $0xFFFF  }
0x73: {  	_ =	shalt  }

</sc_bundles>
